<compile_context>
chip_gen: v7x
topology: tpu7x:2x2x1
jax: 0.10.2.dev20260603
libtpu: 0.0.44.dev20260713+nightly
codegen_flags: <defaults>
</compile_context>

<pallas_src>
import dataclasses

import jax
import jax.numpy as jnp
from jax import lax
from jax.experimental import pallas as pl
from jax.experimental.pallas import tpu as pltpu
from jax.experimental.pallas import tpu_sc as plsc

NN = 10000
EE = 320000
HH = 128
KK = 8
NP = 10240
EP = 327680
NWORK = 32
PER_TILE = EP // NWORK
CH = 80
NCHUNK = PER_TILE // CH
ROWS_PER_TILE = NP // 16
_HI = jax.lax.Precision.HIGHEST

def _sc_mesh():
    return plsc.VectorSubcoreMesh(
        core_axis_name="c", subcore_axis_name="s", num_cores=2, num_subcores=16
    )


def _sc_params():
    cp = pltpu.CompilerParams()
    if "needs_layout_passes" in pltpu.CompilerParams.__dataclass_fields__:
        cp = dataclasses.replace(cp, needs_layout_passes=False)
    return cp


def _node_body(h_ref, W1_ref, b1_ref, W2_ref, b2_ref, A_ref, bc1_ref,
               B_ref, pi_ref, sig_ref, a_ref, c_ref, trow_ref, tcol_ref):
    hb = h_ref[...]
    t = jnp.dot(hb, W1_ref[...], precision=_HI) + b1_ref[...]
    t = t / (1.0 + jnp.exp(-t))
    sp = jnp.dot(t, W2_ref[...], precision=_HI) + b2_ref[...]

    p = sp[:, 0:8]
    m = jnp.max(p, axis=1, keepdims=True)
    e = jnp.exp(p - m)
    pi_ref[...] = e / jnp.sum(e, axis=1, keepdims=True)

    sg = sp[:, 8:16]
    sig_ref[...] = jnp.maximum(sg, 0.0) + jnp.log1p(jnp.exp(-jnp.abs(sg))) + 1e-5

    q = sp[:, 16:144]
    m = jnp.max(q, axis=1, keepdims=True)
    e = jnp.exp(q - m)
    r = lax.broadcasted_iota(jnp.int32, (128, 8), 0)
    k = lax.broadcasted_iota(jnp.int32, (128, 8), 1)
    G = ((r // 16) == k).astype(jnp.float32)
    rT = lax.broadcasted_iota(jnp.int32, (8, 128), 0)
    kT = lax.broadcasted_iota(jnp.int32, (8, 128), 1)
    GT = (rT == (kT // 16)).astype(jnp.float32)
    den = jnp.dot(jnp.dot(e, G, precision=_HI), GT, precision=_HI)
    a_ref[...] = e / den

    q = sp[:, 144:192]
    m = jnp.max(q, axis=1, keepdims=True)
    e = jnp.exp(q - m)
    r = lax.broadcasted_iota(jnp.int32, (48, 8), 0)
    k = lax.broadcasted_iota(jnp.int32, (48, 8), 1)
    G6 = ((r // 6) == k).astype(jnp.float32)
    rT = lax.broadcasted_iota(jnp.int32, (8, 48), 0)
    kT = lax.broadcasted_iota(jnp.int32, (8, 48), 1)
    G6T = (rT == (kT // 6)).astype(jnp.float32)
    den = jnp.dot(jnp.dot(e, G6, precision=_HI), G6T, precision=_HI)
    c_ref[...] = e / den

    trow_ref[...] = jnp.dot(hb, A_ref[...], precision=_HI) + bc1_ref[...]
    tcol_ref[...] = jnp.dot(hb, B_ref[...], precision=_HI)


def _node_call(hp, W1, b1r, W2, b2r, A, bc1r, B):
    nb = NP // 1024
    full = lambda s: pl.BlockSpec(s, lambda i: (0,) * len(s))
    blk = lambda w: pl.BlockSpec((1024, w), lambda i: (i, 0))
    return pl.pallas_call(
        _node_body,
        grid=(nb,),
        in_specs=[blk(128), full((128, 128)), full((1, 128)),
                  full((128, 192)), full((1, 192)), full((128, 128)),
                  full((1, 128)), full((128, 128))],
        out_specs=[blk(8), blk(8), blk(128), blk(48), blk(128), blk(128)],
        out_shape=[
            jax.ShapeDtypeStruct((NP, 8), jnp.float32),
            jax.ShapeDtypeStruct((NP, 8), jnp.float32),
            jax.ShapeDtypeStruct((NP, 128), jnp.float32),
            jax.ShapeDtypeStruct((NP, 48), jnp.float32),
            jax.ShapeDtypeStruct((NP, 128), jnp.float32),
            jax.ShapeDtypeStruct((NP, 128), jnp.float32),
        ],
    )(hp, W1, b1r, W2, b2r, A, bc1r, B)


SUP = 16


def _sc_gather_body(trow, tcol, rowg, colg, wd, x0, x1, x2, z_out, d_out,
                    idr, idc, rbuf0, cbuf0, rbuf1, cbuf1, zbuf, dbuf, wdbuf,
                    xb0, xb1, xb2, sg0, sg1, so):
    cid = lax.axis_index("c")
    sid = lax.axis_index("s")
    wid = sid * 2 + cid
    pltpu.sync_copy(wd, wdbuf)
    pltpu.sync_copy(x0, xb0)
    pltpu.sync_copy(x1, xb1)
    pltpu.sync_copy(x2, xb2)
    wdv = [wdbuf[pl.ds(16 * j, 16)] for j in range(8)]

    @pl.loop(0, CH)
    def _zero(i):
        dbuf[i, :] = jnp.zeros((16,), jnp.float32)

    def _compute(rbuf, cbuf, base):
        for g in range(CH // 16):
            rowi = idr[pl.ds(base + 16 * g, 16)]
            coli = idc[pl.ds(base + 16 * g, 16)]
            dx = plsc.load_gather(xb0, [rowi]) - plsc.load_gather(xb0, [coli])
            dy = plsc.load_gather(xb1, [rowi]) - plsc.load_gather(xb1, [coli])
            dz = plsc.load_gather(xb2, [rowi]) - plsc.load_gather(xb2, [coli])
            ii = lax.broadcasted_iota(jnp.int32, (16,), 0) + 16 * g
            plsc.store_scatter(dbuf, [ii, jnp.full((16,), 0, jnp.int32)], dx)
            plsc.store_scatter(dbuf, [ii, jnp.full((16,), 1, jnp.int32)], dy)
            plsc.store_scatter(dbuf, [ii, jnp.full((16,), 2, jnp.int32)], dz)

        @pl.loop(0, CH)
        def _edge(e):
            dvec = dbuf[e, :]
            dist = jnp.sum(dvec * dvec)
            for j in range(8):
                zbuf[e, pl.ds(16 * j, 16)] = (
                    rbuf[e, pl.ds(16 * j, 16)]
                    + cbuf[e, pl.ds(16 * j, 16)]
                    + dist * wdv[j]
                )

    pltpu.sync_copy(rowg.at[pl.ds(wid * PER_TILE, PER_TILE)], idr)
    pltpu.sync_copy(colg.at[pl.ds(wid * PER_TILE, PER_TILE)], idc)

    def _issue(ci, rbuf, cbuf, sem):
        pltpu.async_copy(trow.at[idr.at[pl.ds(ci * CH, CH)]], rbuf, sem)
        pltpu.async_copy(tcol.at[idc.at[pl.ds(ci * CH, CH)]], cbuf, sem)

    def _drain(rbuf, cbuf, sem):
        pltpu.make_async_copy(trow.at[idr.at[pl.ds(0, CH)]], rbuf, sem).wait()
        pltpu.make_async_copy(tcol.at[idc.at[pl.ds(0, CH)]], cbuf, sem).wait()

    _issue(0, rbuf0, cbuf0, sg0)
    _issue(1, rbuf1, cbuf1, sg1)

    @pl.loop(0, NCHUNK, step=2)
    def _chunk(ci):
        base = wid * PER_TILE + ci * CH
        _drain(rbuf0, cbuf0, sg0)
        _compute(rbuf0, cbuf0, ci * CH)

        @pl.when(ci < NCHUNK - 2)
        def _():
            _issue(ci + 2, rbuf0, cbuf0, sg0)

        oa = pltpu.async_copy(zbuf, z_out.at[pl.ds(base, CH)], so)
        ob = pltpu.async_copy(dbuf, d_out.at[pl.ds(base, CH)], so)
        _drain(rbuf1, cbuf1, sg1)
        oa.wait()
        ob.wait()
        _compute(rbuf1, cbuf1, (ci + 1) * CH)

        @pl.when(ci < NCHUNK - 2)
        def _():
            _issue(ci + 3, rbuf1, cbuf1, sg1)

        oc = pltpu.async_copy(zbuf, z_out.at[pl.ds(base + CH, CH)], so)
        od = pltpu.async_copy(dbuf, d_out.at[pl.ds(base + CH, CH)], so)
        oc.wait()
        od.wait()


def _sc_gather_call(trow, tcol, rowg, colg, wd, x0, x1, x2):
    f = pl.kernel(
        _sc_gather_body,
        out_type=(jax.ShapeDtypeStruct((EP, 128), jnp.float32),
                  jax.ShapeDtypeStruct((EP, 16), jnp.float32)),
        mesh=_sc_mesh(),
        scratch_types=[
            pltpu.VMEM((PER_TILE,), jnp.int32),
            pltpu.VMEM((PER_TILE,), jnp.int32),
            pltpu.VMEM((CH, 128), jnp.float32),
            pltpu.VMEM((CH, 128), jnp.float32),
            pltpu.VMEM((CH, 128), jnp.float32),
            pltpu.VMEM((CH, 128), jnp.float32),
            pltpu.VMEM((CH, 128), jnp.float32),
            pltpu.VMEM((CH, 16), jnp.float32),
            pltpu.VMEM((128,), jnp.float32),
            pltpu.VMEM((NP,), jnp.float32),
            pltpu.VMEM((NP,), jnp.float32),
            pltpu.VMEM((NP,), jnp.float32),
            pltpu.SemaphoreType.DMA,
            pltpu.SemaphoreType.DMA,
            pltpu.SemaphoreType.DMA,
        ],
        compiler_params=_sc_params(),
    )
    return f(trow, tcol, rowg, colg, wd, x0, x1, x2)


def _emlp_body(z_ref, d_ref, Wc2_ref, bc2_ref, v_ref):
    z = z_ref[...]
    s = z / (1.0 + jnp.exp(-z))
    w = jnp.dot(s, Wc2_ref[...], precision=_HI) + bc2_ref[...]
    r8 = lax.broadcasted_iota(jnp.int32, (8, 32), 0)
    j8 = lax.broadcasted_iota(jnp.int32, (8, 32), 1)
    R8 = ((j8 // 4) == r8).astype(jnp.float32)
    r16 = lax.broadcasted_iota(jnp.int32, (16, 32), 0)
    j16 = lax.broadcasted_iota(jnp.int32, (16, 32), 1)
    R16 = ((j16 % 4) == r16).astype(jnp.float32)
    v_ref[...] = (jnp.dot(w, R8, precision=_HI)
                  * jnp.dot(d_ref[...], R16, precision=_HI))


def _emlp_call(z, d, Wc2, bc2r):
    be = 2048
    nb = EP // be
    full = lambda s: pl.BlockSpec(s, lambda i: (0,) * len(s))
    blk = lambda w: pl.BlockSpec((be, w), lambda i: (i, 0))
    return pl.pallas_call(
        _emlp_body,
        grid=(nb,),
        in_specs=[blk(128), blk(16), full((128, 8)), full((1, 8))],
        out_specs=blk(32),
        out_shape=jax.ShapeDtypeStruct((EP, 32), jnp.float32),
    )(z, d, Wc2, bc2r)


CHS = 320
NCHS = PER_TILE // CHS


def _sc_scatter_body(rows, vals4, out, idxa, vb0, vb1, acc, sv0, sv1):
    cid = lax.axis_index("c")
    sid = lax.axis_index("s")
    wid = sid * 2 + cid
    iota = lax.broadcasted_iota(jnp.int32, (16,), 0)
    pltpu.sync_copy(rows.at[pl.ds(wid * PER_TILE, PER_TILE)], idxa)

    def _scatter(vbuf, ci, col16, msk, half):
        @pl.loop(0, CHS // 16)
        def _grp(g):
            rowv = idxa[pl.ds(ci * CHS + 16 * g, 16)]
            for el in range(16):
                tgt = rowv[el] * 8 + col16
                v = vbuf[4 * g + el // 4,
                         pl.ds(32 * (el % 4) + 16 * half, 16)]
                plsc.addupdate_scatter(acc, [tgt], v, mask=msk)

    for q in range(4):
        @pl.loop(0, (NP * 8) // 64)
        def _z(i):
            for u in range(4):
                acc[pl.ds(64 * i + 16 * u, 16)] = jnp.zeros((16,), jnp.float32)

        half = q // 2
        lo = 8 * (q % 2)
        col16 = iota - lo
        msk = (iota >= lo) & (iota < lo + 8)

        @pl.loop(0, NCHS, step=2)
        def _chunk(ci):
            vbase = wid * (PER_TILE // 4) + ci * (CHS // 4)
            d0 = pltpu.async_copy(vals4.at[pl.ds(vbase, CHS // 4)], vb0, sv0)
            d1 = pltpu.async_copy(vals4.at[pl.ds(vbase + CHS // 4, CHS // 4)],
                                  vb1, sv1)
            d0.wait()
            _scatter(vb0, ci, col16, msk, half)
            d1.wait()
            _scatter(vb1, ci + 1, col16, msk, half)

        pltpu.sync_copy(acc, out.at[q, wid])


def _sc_scatter_call(rows, vals4):
    f = pl.kernel(
        _sc_scatter_body,
        out_type=jax.ShapeDtypeStruct((4, NWORK, NP * 8), jnp.float32),
        mesh=_sc_mesh(),
        scratch_types=[
            pltpu.VMEM((PER_TILE,), jnp.int32),
            pltpu.VMEM((CHS // 4, 128), jnp.float32),
            pltpu.VMEM((CHS // 4, 128), jnp.float32),
            pltpu.VMEM((NP * 8,), jnp.float32),
            pltpu.SemaphoreType.DMA,
            pltpu.SemaphoreType.DMA,
        ],
        compiler_params=_sc_params(),
    )
    return f(rows, vals4)


def _musum_body(acc_ref, o_ref):
    o_ref[...] = jnp.sum(acc_ref[...], axis=1)


def _musum_call(a4):
    nb = (NP // 16) // 64
    return pl.pallas_call(
        _musum_body,
        grid=(nb,),
        in_specs=[pl.BlockSpec((4, NWORK, 64, 128), lambda i: (0, 0, i, 0))],
        out_specs=pl.BlockSpec((4, 64, 128), lambda i: (0, i, 0)),
        out_shape=jax.ShapeDtypeStruct((4, NP // 16, 128), jnp.float32),
    )(a4)


def _mu_body(s32_ref, x16_ref, mu_ref):
    s32 = s32_ref[...]
    rP = lax.broadcasted_iota(jnp.int32, (32, 24), 0)
    cP = lax.broadcasted_iota(jnp.int32, (32, 24), 1)
    P = ((cP == 3 * (rP // 4) + (rP % 4)) & ((rP % 4) < 3)).astype(jnp.float32)
    rQ = lax.broadcasted_iota(jnp.int32, (16, 24), 0)
    cQ = lax.broadcasted_iota(jnp.int32, (16, 24), 1)
    Q = ((cQ % 3) == rQ).astype(jnp.float32)
    mu_ref[...] = (jnp.dot(s32, P, precision=_HI)
                   + jnp.dot(x16_ref[...], Q, precision=_HI))


def _mu_call(accs, x16):
    a4 = accs.reshape(4, NWORK, NP // 16, 128)
    ssum = _musum_call(a4)
    s32 = jnp.moveaxis(ssum.reshape(4, NP, 8), 0, 1).reshape(NP, 32)
    bn = 1024
    nb = NP // bn
    return pl.pallas_call(
        _mu_body,
        grid=(nb,),
        in_specs=[pl.BlockSpec((bn, 32), lambda i: (i, 0)),
                  pl.BlockSpec((bn, 16), lambda i: (i, 0))],
        out_specs=pl.BlockSpec((bn, 24), lambda i: (i, 0)),
        out_shape=jax.ShapeDtypeStruct((NP, 24), jnp.float32),
    )(s32, x16)


def kernel(h, x, edge_index, W1, b1, W2, b2, Wc1, bc1, Wc2, bc2):
    hp = jnp.pad(h, ((0, NP - NN), (0, 0)))
    x16 = jnp.zeros((NP, 16), jnp.float32).at[:NN, :3].set(x)
    row = edge_index[0]
    col = edge_index[1]
    rowg = jnp.pad(row, (0, EP - EE))
    colg = jnp.pad(col, (0, EP - EE))
    rows = jnp.pad(row, (0, EP - EE), constant_values=NN)
    A = Wc1[:HH]
    B = Wc1[HH:2 * HH]
    wd = Wc1[2 * HH]

    pi, sigma, aa, cc, trow, tcol = _node_call(
        hp, W1, b1[None], W2, b2[None], A, bc1[None], B)
    z, dv = _sc_gather_call(trow, tcol, rowg, colg, wd,
                            x16[:, 0], x16[:, 1], x16[:, 2])
    vals = _emlp_call(z, dv, Wc2, bc2[None])
    accs = _sc_scatter_call(rows, vals.reshape(EP // 4, 128))
    mu24 = _mu_call(accs, x16)

    return (pi[:NN],
            mu24[:NN].reshape(NN, KK, 3),
            sigma[:NN],
            aa[:NN].reshape(NN, KK, 16),
            cc[:NN].reshape(NN, KK, 6))

# --- scband reference (transcript-rebuilt; emitter-appended) ---
"""Pipeline reference for scband-equivariant-gmmhead-48352741818842 (READ-ONLY COPY).

The authoritative reference and input builder live on the scoring server;
editing this copy changes nothing except your own understanding.
"""

import jax, jax.numpy as jnp
import numpy as np

N, E, H = 10000, 320000, 128
K, NA, NC = 8, 16, 6
SDIM = K + K + K * NA + K * NC


def setup_inputs(seed: int = 0) -> dict:
    key = jax.random.key(seed)
    ks = jax.random.split(key, 12)
    h = jax.random.normal(ks[0], (N, H), dtype=jnp.float32)
    x = jax.random.normal(ks[1], (N, 3), dtype=jnp.float32)
    edge_index = jax.random.randint(ks[2], (2, E), 0, N, dtype=jnp.int32)
    s1 = 1.0 / np.sqrt(H)
    s2 = 1.0 / np.sqrt(2 * H + 1)
    W1 = jax.random.uniform(ks[3], (H, H), jnp.float32, -s1, s1)
    b1 = jax.random.uniform(ks[4], (H,), jnp.float32, -s1, s1)
    W2 = jax.random.uniform(ks[5], (H, SDIM), jnp.float32, -s1, s1)
    b2 = jax.random.uniform(ks[6], (SDIM,), jnp.float32, -s1, s1)
    Wc1 = jax.random.uniform(ks[7], (2 * H + 1, H), jnp.float32, -s2, s2)
    bc1 = jax.random.uniform(ks[8], (H,), jnp.float32, -s2, s2)
    Wc2 = jax.random.uniform(ks[9], (H, K), jnp.float32, -s1, s1)
    bc2 = jax.random.uniform(ks[10], (K,), jnp.float32, -s1, s1)
    return {"h": h, "x": x, "edge_index": edge_index, "W1": W1, "b1": b1, "W2": W2, "b2": b2, "Wc1": Wc1, "bc1": bc1, "Wc2": Wc2, "bc2": bc2}


def reference(h, x, edge_index, W1, b1, W2, b2, Wc1, bc1, Wc2, bc2):
    row = edge_index[0]
    col = edge_index[1]
    n = h.shape[0]
    scalar_pred = jax.nn.silu(h @ W1 + b1) @ W2 + b2
    pi = jax.nn.softmax(scalar_pred[:, :K], axis=-1)
    sigma = jax.nn.softplus(scalar_pred[:, K:2 * K]) + 1e-05
    start_a = 2 * K
    end_a = start_a + K * NA
    a_probs = jax.nn.softmax(scalar_pred[:, start_a:end_a].reshape(n, K, NA), axis=-1)
    start_c = end_a
    end_c = start_c + K * NC
    c_probs = jax.nn.softmax(scalar_pred[:, start_c:end_c].reshape(n, K, NC), axis=-1)
    diff = x[row] - x[col]
    dist_sq = jnp.sum(diff ** 2, axis=1, keepdims=True)
    edge_feat = jnp.concatenate([h[row], h[col], dist_sq], axis=1)
    weights = jax.nn.silu(edge_feat @ Wc1 + bc1) @ Wc2 + bc2
    weighted_diff = diff[:, None, :] * weights[:, :, None]
    shift = jnp.zeros((n, K, 3), dtype=x.dtype).at[row].add(weighted_diff)
    mu = x[:, None, :] + shift
    return (pi, mu, sigma, a_probs, c_probs)

if __name__ == "__main__":
    import jax
    _d = setup_inputs()
    print(jax.jit(kernel)(*tuple(_d.values())))

</pallas_src>

<mosaic_0001>
#map = affine_map<(d0, d1) -> (0, 0)>
#map1 = affine_map<(d0, d1) -> (0)>
module attributes {stable_mosaic.version = 14 : i64} {
  func.func @_sc_gather_body(%arg0: i32, %arg1: i32, %arg2: memref<10240x128xf32, #tpu.memory_space<hbm>>, %arg3: memref<10240x128xf32, #tpu.memory_space<hbm>>, %arg4: memref<327680xi32, #tpu.memory_space<hbm>>, %arg5: memref<327680xi32, #tpu.memory_space<hbm>>, %arg6: memref<128xf32, #tpu.memory_space<hbm>>, %arg7: memref<10240xf32, #tpu.memory_space<hbm>>, %arg8: memref<10240xf32, #tpu.memory_space<hbm>>, %arg9: memref<10240xf32, #tpu.memory_space<hbm>>, %arg10: memref<327680x128xf32, #tpu.memory_space<hbm>>, %arg11: memref<327680x16xf32, #tpu.memory_space<hbm>>, %arg12: memref<10240xi32, #tpu.memory_space<vmem>>, %arg13: memref<10240xi32, #tpu.memory_space<vmem>>, %arg14: memref<80x128xf32, #tpu.memory_space<vmem>>, %arg15: memref<80x128xf32, #tpu.memory_space<vmem>>, %arg16: memref<80x128xf32, #tpu.memory_space<vmem>>, %arg17: memref<80x128xf32, #tpu.memory_space<vmem>>, %arg18: memref<80x128xf32, #tpu.memory_space<vmem>>, %arg19: memref<80x16xf32, #tpu.memory_space<vmem>>, %arg20: memref<128xf32, #tpu.memory_space<vmem>>, %arg21: memref<10240xf32, #tpu.memory_space<vmem>>, %arg22: memref<10240xf32, #tpu.memory_space<vmem>>, %arg23: memref<10240xf32, #tpu.memory_space<vmem>>, %arg24: memref<!tpu.dma_semaphore, #tpu.memory_space<semaphore_mem>>, %arg25: memref<!tpu.dma_semaphore, #tpu.memory_space<semaphore_mem>>, %arg26: memref<!tpu.dma_semaphore, #tpu.memory_space<semaphore_mem>>) attributes {dimension_semantics = [#tpu.dimension_semantics<core_parallel>, #tpu.dimension_semantics<subcore_parallel>], iteration_bounds = array<i64: 2, 16>, scalar_prefetch = 0 : i64, scratch_operands = 15 : i64, tpu.core_type = #tpu.core_type<sc_vector_subcore>, window_params = [{transform_indices = #map}, {transform_indices = #map}, {transform_indices = #map1}, {transform_indices = #map1}, {transform_indices = #map1}, {transform_indices = #map1}, {transform_indices = #map1}, {transform_indices = #map1}, {transform_indices = #map}, {transform_indices = #map}]} {
    %mul3A = arith.constant 2 : i32
    %mul3A_0 = arith.muli %arg1, %mul3A : i32
    %add3A = arith.addi %mul3A_0, %arg0 : i32
    "tpu.region"() ({
      %run_scoped3A = tpu.sem_alloc : memref<!tpu.dma_semaphore, #tpu.memory_space<semaphore_mem>>
      tpu.enqueue_dma source(%arg6 : memref<128xf32, #tpu.memory_space<hbm>>) target(%arg20 : memref<128xf32, #tpu.memory_space<vmem>>) target_semaphore(%run_scoped3A : memref<!tpu.dma_semaphore, #tpu.memory_space<semaphore_mem>>)
      tpu.wait_dma2 semaphore(%run_scoped3A : memref<!tpu.dma_semaphore, #tpu.memory_space<semaphore_mem>>) src(%arg6 : memref<128xf32, #tpu.memory_space<hbm>>) dst(%arg20 : memref<128xf32, #tpu.memory_space<vmem>>)
      tpu.yield
    }) : () -> ()
    "tpu.region"() ({
      %run_scoped3A = tpu.sem_alloc : memref<!tpu.dma_semaphore, #tpu.memory_space<semaphore_mem>>
      tpu.enqueue_dma source(%arg7 : memref<10240xf32, #tpu.memory_space<hbm>>) target(%arg21 : memref<10240xf32, #tpu.memory_space<vmem>>) target_semaphore(%run_scoped3A : memref<!tpu.dma_semaphore, #tpu.memory_space<semaphore_mem>>)
      tpu.wait_dma2 semaphore(%run_scoped3A : memref<!tpu.dma_semaphore, #tpu.memory_space<semaphore_mem>>) src(%arg7 : memref<10240xf32, #tpu.memory_space<hbm>>) dst(%arg21 : memref<10240xf32, #tpu.memory_space<vmem>>)
      tpu.yield
    }) : () -> ()
    "tpu.region"() ({
      %run_scoped3A = tpu.sem_alloc : memref<!tpu.dma_semaphore, #tpu.memory_space<semaphore_mem>>
      tpu.enqueue_dma source(%arg8 : memref<10240xf32, #tpu.memory_space<hbm>>) target(%arg22 : memref<10240xf32, #tpu.memory_space<vmem>>) target_semaphore(%run_scoped3A : memref<!tpu.dma_semaphore, #tpu.memory_space<semaphore_mem>>)
      tpu.wait_dma2 semaphore(%run_scoped3A : memref<!tpu.dma_semaphore, #tpu.memory_space<semaphore_mem>>) src(%arg8 : memref<10240xf32, #tpu.memory_space<hbm>>) dst(%arg22 : memref<10240xf32, #tpu.memory_space<vmem>>)
      tpu.yield
    }) : () -> ()
    "tpu.region"() ({
      %run_scoped3A = tpu.sem_alloc : memref<!tpu.dma_semaphore, #tpu.memory_space<semaphore_mem>>
      tpu.enqueue_dma source(%arg9 : memref<10240xf32, #tpu.memory_space<hbm>>) target(%arg23 : memref<10240xf32, #tpu.memory_space<vmem>>) target_semaphore(%run_scoped3A : memref<!tpu.dma_semaphore, #tpu.memory_space<semaphore_mem>>)
      tpu.wait_dma2 semaphore(%run_scoped3A : memref<!tpu.dma_semaphore, #tpu.memory_space<semaphore_mem>>) src(%arg9 : memref<10240xf32, #tpu.memory_space<hbm>>) dst(%arg23 : memref<10240xf32, #tpu.memory_space<vmem>>)
      tpu.yield
    }) : () -> ()
    %get3A = arith.constant 0 : index
    %get3A_1 = tpu.vector_load %arg20[%get3A] {strides = array<i32>} : memref<128xf32, #tpu.memory_space<vmem>>, vector<16xf32>,
    %get3A_2 = arith.constant 16 : index
    %get3A_3 = tpu.vector_load %arg20[%get3A_2] {strides = array<i32>} : memref<128xf32, #tpu.memory_space<vmem>>, vector<16xf32>,
    %get3A_4 = arith.constant 32 : index
    %get3A_5 = tpu.vector_load %arg20[%get3A_4] {strides = array<i32>} : memref<128xf32, #tpu.memory_space<vmem>>, vector<16xf32>,
    %get3A_6 = arith.constant 48 : index
    %get3A_7 = tpu.vector_load %arg20[%get3A_6] {strides = array<i32>} : memref<128xf32, #tpu.memory_space<vmem>>, vector<16xf32>,
    %get3A_8 = arith.constant 64 : index
    %get3A_9 = tpu.vector_load %arg20[%get3A_8] {strides = array<i32>} : memref<128xf32, #tpu.memory_space<vmem>>, vector<16xf32>,
    %get3A_10 = arith.constant 80 : index
    %get3A_11 = tpu.vector_load %arg20[%get3A_10] {strides = array<i32>} : memref<128xf32, #tpu.memory_space<vmem>>, vector<16xf32>,
    %get3A_12 = arith.constant 96 : index
    %get3A_13 = tpu.vector_load %arg20[%get3A_12] {strides = array<i32>} : memref<128xf32, #tpu.memory_space<vmem>>, vector<16xf32>,
    %get3A_14 = arith.constant 112 : index
    %get3A_15 = tpu.vector_load %arg20[%get3A_14] {strides = array<i32>} : memref<128xf32, #tpu.memory_space<vmem>>, vector<16xf32>,
    %scan3A = arith.constant 0 : i32
    %scan3A_16 = arith.constant 80 : i32
    %scan3A_17 = arith.addi %scan3A, %scan3A_16 : i32
    %scan3A_18 = arith.constant 1 : i32
    scf.for %scan3A_48 = %scan3A to %scan3A_17 step %scan3A_18  : i32 {
      %mul3A_49 = arith.constant 1 : i32
      %mul3A_50 = arith.muli %scan3A_48, %mul3A_49 : i32
      %add3A_51 = arith.constant 0 : i32
      %add3A_52 = arith.addi %add3A_51, %mul3A_50 : i32
      %broadcast_in_dim3A = arith.constant 0.000000e+00 : f32
      %broadcast_in_dim3A_53 = vector.broadcast %broadcast_in_dim3A : f32 to vector<16xf32>
      %swap3A = arith.index_cast %add3A_52 : i32 to index
      %swap3A_54 = arith.constant 0 : index
      %swap3A_55 = tpu.vector_load %arg19[%swap3A, %swap3A_54] {strides = array<i32>} : memref<80x16xf32, #tpu.memory_space<vmem>>, vector<16xf32>,
      tpu.vector_store %arg19[%swap3A, %swap3A_54], %broadcast_in_dim3A_53 {strides = array<i32>} : memref<80x16xf32, #tpu.memory_space<vmem>>, vector<16xf32>,
    }
    %scan3A_19 = arith.constant 80 : i32
    %mul3A_20 = arith.constant 10240 : i32
    %mul3A_21 = arith.muli %add3A, %mul3A_20 : i32
    "tpu.region"() ({
      %run_scoped3A = tpu.sem_alloc : memref<!tpu.dma_semaphore, #tpu.memory_space<semaphore_mem>>
      %dma_start3A_48 = tpu.memref_slice %arg4[%mul3A_21] : memref<327680xi32, #tpu.memory_space<hbm>> -> memref<10240xi32, #tpu.memory_space<hbm>>
      %dma_start3A_49 = tpu.memref_slice %arg4[%mul3A_21] : memref<327680xi32, #tpu.memory_space<hbm>> -> memref<10240xi32, #tpu.memory_space<hbm>>
      tpu.enqueue_dma source(%dma_start3A_49 : memref<10240xi32, #tpu.memory_space<hbm>>) target(%arg12 : memref<10240xi32, #tpu.memory_space<vmem>>) target_semaphore(%run_scoped3A : memref<!tpu.dma_semaphore, #tpu.memory_space<semaphore_mem>>)
      %dma_wait3A = tpu.memref_slice %arg4[%mul3A_21] : memref<327680xi32, #tpu.memory_space<hbm>> -> memref<10240xi32, #tpu.memory_space<hbm>>
      %dma_wait3A_50 = tpu.memref_slice %arg4[%mul3A_21] : memref<327680xi32, #tpu.memory_space<hbm>> -> memref<10240xi32, #tpu.memory_space<hbm>>
      tpu.wait_dma2 semaphore(%run_scoped3A : memref<!tpu.dma_semaphore, #tpu.memory_space<semaphore_mem>>) src(%dma_wait3A_50 : memref<10240xi32, #tpu.memory_space<hbm>>) dst(%arg12 : memref<10240xi32, #tpu.memory_space<vmem>>)
      tpu.yield
    }) : () -> ()
    %mul3A_22 = arith.constant 10240 : i32
    %mul3A_23 = arith.muli %add3A, %mul3A_22 : i32
    "tpu.region"() ({
      %run_scoped3A = tpu.sem_alloc : memref<!tpu.dma_semaphore, #tpu.memory_space<semaphore_mem>>
      %dma_start3A_48 = tpu.memref_slice %arg5[%mul3A_23] : memref<327680xi32, #tpu.memory_space<hbm>> -> memref<10240xi32, #tpu.memory_space<hbm>>
      %dma_start3A_49 = tpu.memref_slice %arg5[%mul3A_23] : memref<327680xi32, #tpu.memory_space<hbm>> -> memref<10240xi32, #tpu.memory_space<hbm>>
      tpu.enqueue_dma source(%dma_start3A_49 : memref<10240xi32, #tpu.memory_space<hbm>>) target(%arg13 : memref<10240xi32, #tpu.memory_space<vmem>>) target_semaphore(%run_scoped3A : memref<!tpu.dma_semaphore, #tpu.memory_space<semaphore_mem>>)
      %dma_wait3A = tpu.memref_slice %arg5[%mul3A_23] : memref<327680xi32, #tpu.memory_space<hbm>> -> memref<10240xi32, #tpu.memory_space<hbm>>
      %dma_wait3A_50 = tpu.memref_slice %arg5[%mul3A_23] : memref<327680xi32, #tpu.memory_space<hbm>> -> memref<10240xi32, #tpu.memory_space<hbm>>
      tpu.wait_dma2 semaphore(%run_scoped3A : memref<!tpu.dma_semaphore, #tpu.memory_space<semaphore_mem>>) src(%dma_wait3A_50 : memref<10240xi32, #tpu.memory_space<hbm>>) dst(%arg13 : memref<10240xi32, #tpu.memory_space<vmem>>)
      tpu.yield
    }) : () -> ()
    %dma_start3A = arith.constant 0 : i32
    %dma_start3A_24 = tpu.memref_slice %arg12[%dma_start3A] : memref<10240xi32, #tpu.memory_space<vmem>> -> memref<80xi32, #tpu.memory_space<vmem>>
    %dma_start3A_25 = arith.constant 0 : i32
    %dma_start3A_26 = arith.constant 0 : i32
    %dma_start3A_27 = tpu.memref_slice %arg2[%dma_start3A_25, %dma_start3A_26] : memref<10240x128xf32, #tpu.memory_space<hbm>> -> memref<10240x128xf32, #tpu.memory_space<hbm>>
    tpu.enqueue_indirect_dma source(%dma_start3A_27 : memref<10240x128xf32, #tpu.memory_space<hbm>>) target(%arg14 : memref<80x128xf32, #tpu.memory_space<vmem>>) offsets(%dma_start3A_24 : memref<80xi32, #tpu.memory_space<vmem>>) semaphore(%arg24 : memref<!tpu.dma_semaphore, #tpu.memory_space<semaphore_mem>>)
    %dma_start3A_28 = arith.constant 0 : i32
    %dma_start3A_29 = tpu.memref_slice %arg13[%dma_start3A_28] : memref<10240xi32, #tpu.memory_space<vmem>> -> memref<80xi32, #tpu.memory_space<vmem>>
    %dma_start3A_30 = arith.constant 0 : i32
    %dma_start3A_31 = arith.constant 0 : i32
    %dma_start3A_32 = tpu.memref_slice %arg3[%dma_start3A_30, %dma_start3A_31] : memref<10240x128xf32, #tpu.memory_space<hbm>> -> memref<10240x128xf32, #tpu.memory_space<hbm>>
    tpu.enqueue_indirect_dma source(%dma_start3A_32 : memref<10240x128xf32, #tpu.memory_space<hbm>>) target(%arg15 : memref<80x128xf32, #tpu.memory_space<vmem>>) offsets(%dma_start3A_29 : memref<80xi32, #tpu.memory_space<vmem>>) semaphore(%arg24 : memref<!tpu.dma_semaphore, #tpu.memory_space<semaphore_mem>>)
    %dma_start3A_33 = arith.constant 80 : i32
    %dma_start3A_34 = tpu.memref_slice %arg12[%dma_start3A_33] : memref<10240xi32, #tpu.memory_space<vmem>> -> memref<80xi32, #tpu.memory_space<vmem>>
    %dma_start3A_35 = arith.constant 0 : i32
    %dma_start3A_36 = arith.constant 0 : i32
    %dma_start3A_37 = tpu.memref_slice %arg2[%dma_start3A_35, %dma_start3A_36] : memref<10240x128xf32, #tpu.memory_space<hbm>> -> memref<10240x128xf32, #tpu.memory_space<hbm>>
    tpu.enqueue_indirect_dma source(%dma_start3A_37 : memref<10240x128xf32, #tpu.memory_space<hbm>>) target(%arg16 : memref<80x128xf32, #tpu.memory_space<vmem>>) offsets(%dma_start3A_34 : memref<80xi32, #tpu.memory_space<vmem>>) semaphore(%arg25 : memref<!tpu.dma_semaphore, #tpu.memory_space<semaphore_mem>>)
    %dma_start3A_38 = arith.constant 80 : i32
    %dma_start3A_39 = tpu.memref_slice %arg13[%dma_start3A_38] : memref<10240xi32, #tpu.memory_space<vmem>> -> memref<80xi32, #tpu.memory_space<vmem>>
    %dma_start3A_40 = arith.constant 0 : i32
    %dma_start3A_41 = arith.constant 0 : i32
    %dma_start3A_42 = tpu.memref_slice %arg3[%dma_start3A_40, %dma_start3A_41] : memref<10240x128xf32, #tpu.memory_space<hbm>> -> memref<10240x128xf32, #tpu.memory_space<hbm>>
    tpu.enqueue_indirect_dma source(%dma_start3A_42 : memref<10240x128xf32, #tpu.memory_space<hbm>>) target(%arg17 : memref<80x128xf32, #tpu.memory_space<vmem>>) offsets(%dma_start3A_39 : memref<80xi32, #tpu.memory_space<vmem>>) semaphore(%arg25 : memref<!tpu.dma_semaphore, #tpu.memory_space<semaphore_mem>>)
    %scan3A_43 = arith.constant 0 : i32
    %scan3A_44 = arith.constant 64 : i32
    %scan3A_45 = arith.addi %scan3A_43, %scan3A_44 : i32
    %scan3A_46 = arith.constant 1 : i32
    scf.for %scan3A_48 = %scan3A_43 to %scan3A_45 step %scan3A_46  : i32 {
      %mul3A_49 = arith.constant 2 : i32
      %mul3A_50 = arith.muli %scan3A_48, %mul3A_49 : i32
      %add3A_51 = arith.constant 0 : i32
      %add3A_52 = arith.addi %add3A_51, %mul3A_50 : i32
      %mul3A_53 = arith.constant 10240 : i32
      %mul3A_54 = arith.muli %add3A, %mul3A_53 : i32
      %mul3A_55 = arith.constant 80 : i32
      %mul3A_56 = arith.muli %add3A_52, %mul3A_55 : i32
      %add3A_57 = arith.addi %mul3A_54, %mul3A_56 : i32
      %dma_wait3A = arith.constant 0 : i32
      %dma_wait3A_58 = tpu.memref_slice %arg12[%dma_wait3A] : memref<10240xi32, #tpu.memory_space<vmem>> -> memref<80xi32, #tpu.memory_space<vmem>>
      %dma_wait3A_59 = arith.constant 0 : i32
      %dma_wait3A_60 = arith.constant 0 : i32
      %dma_wait3A_61 = tpu.memref_slice %arg2[%dma_wait3A_59, %dma_wait3A_60] : memref<10240x128xf32, #tpu.memory_space<hbm>> -> memref<10240x128xf32, #tpu.memory_space<hbm>>
      tpu.wait_indirect_dma semaphore(%arg24 : memref<!tpu.dma_semaphore, #tpu.memory_space<semaphore_mem>>) src(%dma_wait3A_61 : memref<10240x128xf32, #tpu.memory_space<hbm>>) dst(%arg14 : memref<80x128xf32, #tpu.memory_space<vmem>>)
      %dma_wait3A_62 = arith.constant 0 : i32
      %dma_wait3A_63 = tpu.memref_slice %arg13[%dma_wait3A_62] : memref<10240xi32, #tpu.memory_space<vmem>> -> memref<80xi32, #tpu.memory_space<vmem>>
      %dma_wait3A_64 = arith.constant 0 : i32
      %dma_wait3A_65 = arith.constant 0 : i32
      %dma_wait3A_66 = tpu.memref_slice %arg3[%dma_wait3A_64, %dma_wait3A_65] : memref<10240x128xf32, #tpu.memory_space<hbm>> -> memref<10240x128xf32, #tpu.memory_space<hbm>>
      tpu.wait_indirect_dma semaphore(%arg24 : memref<!tpu.dma_semaphore, #tpu.memory_space<semaphore_mem>>) src(%dma_wait3A_66 : memref<10240x128xf32, #tpu.memory_space<hbm>>) dst(%arg15 : memref<80x128xf32, #tpu.memory_space<vmem>>)
      %mul3A_67 = arith.constant 80 : i32
      %mul3A_68 = arith.muli %add3A_52, %mul3A_67 : i32
      %add3A_69 = arith.constant 0 : i32
      %add3A_70 = arith.addi %mul3A_68, %add3A_69 : i32
      %get3A_71 = arith.index_cast %add3A_70 : i32 to index
      %get3A_72 = tpu.vector_load %arg12[%get3A_71] {strides = array<i32>} : memref<10240xi32, #tpu.memory_space<vmem>>, vector<16xi32>,
      %add3A_73 = arith.constant 0 : i32
      %add3A_74 = arith.addi %mul3A_68, %add3A_73 : i32
      %get3A_75 = arith.index_cast %add3A_74 : i32 to index
      %get3A_76 = tpu.vector_load %arg13[%get3A_75] {strides = array<i32>} : memref<10240xi32, #tpu.memory_space<vmem>>, vector<16xi32>,
      %gather3A = tpu.vector_load_idx %arg21[%get3A_72] : memref<10240xf32, #tpu.memory_space<vmem>>[vector<16xi32>], vector<16xf32>,
      %gather3A_77 = tpu.vector_load_idx %arg21[%get3A_76] : memref<10240xf32, #tpu.memory_space<vmem>>[vector<16xi32>], vector<16xf32>,
      %sub3A = arith.subf %gather3A, %gather3A_77 : vector<16xf32>
      %gather3A_78 = tpu.vector_load_idx %arg22[%get3A_72] : memref<10240xf32, #tpu.memory_space<vmem>>[vector<16xi32>], vector<16xf32>,
      %gather3A_79 = tpu.vector_load_idx %arg22[%get3A_76] : memref<10240xf32, #tpu.memory_space<vmem>>[vector<16xi32>], vector<16xf32>,
      %sub3A_80 = arith.subf %gather3A_78, %gather3A_79 : vector<16xf32>
      %gather3A_81 = tpu.vector_load_idx %arg23[%get3A_72] : memref<10240xf32, #tpu.memory_space<vmem>>[vector<16xi32>], vector<16xf32>,
      %gather3A_82 = tpu.vector_load_idx %arg23[%get3A_76] : memref<10240xf32, #tpu.memory_space<vmem>>[vector<16xi32>], vector<16xf32>,
      %sub3A_83 = arith.subf %gather3A_81, %gather3A_82 : vector<16xf32>
      %iota3A = tpu.iota {dimensions = array<i32: 0>} : vector<16xi32>
      %add3A_84 = arith.constant 0 : i32
      %add3A_85 = vector.broadcast %add3A_84 : i32 to vector<16xi32>
      %add3A_86 = arith.addi %iota3A, %add3A_85 : vector<16xi32>
      %broadcast_in_dim3A = arith.constant 0 : i32
      %broadcast_in_dim3A_87 = vector.broadcast %broadcast_in_dim3A : i32 to vector<16xi32>
      tpu.vector_store_idx %arg19[%add3A_86, %broadcast_in_dim3A_87], %sub3A : memref<80x16xf32, #tpu.memory_space<vmem>>[vector<16xi32>, vector<16xi32>], vector<16xf32>,
      %broadcast_in_dim3A_88 = arith.constant 1 : i32
      %broadcast_in_dim3A_89 = vector.broadcast %broadcast_in_dim3A_88 : i32 to vector<16xi32>
      tpu.vector_store_idx %arg19[%add3A_86, %broadcast_in_dim3A_89], %sub3A_80 : memref<80x16xf32, #tpu.memory_space<vmem>>[vector<16xi32>, vector<16xi32>], vector<16xf32>,
      %broadcast_in_dim3A_90 = arith.constant 2 : i32
      %broadcast_in_dim3A_91 = vector.broadcast %broadcast_in_dim3A_90 : i32 to vector<16xi32>
      tpu.vector_store_idx %arg19[%add3A_86, %broadcast_in_dim3A_91], %sub3A_83 : memref<80x16xf32, #tpu.memory_space<vmem>>[vector<16xi32>, vector<16xi32>], vector<16xf32>,
      %add3A_92 = arith.constant 16 : i32
      %add3A_93 = arith.addi %mul3A_68, %add3A_92 : i32
      %get3A_94 = arith.index_cast %add3A_93 : i32 to index
      %get3A_95 = tpu.vector_load %arg12[%get3A_94] {strides = array<i32>} : memref<10240xi32, #tpu.memory_space<vmem>>, vector<16xi32>,
      %add3A_96 = arith.constant 16 : i32
      %add3A_97 = arith.addi %mul3A_68, %add3A_96 : i32
      %get3A_98 = arith.index_cast %add3A_97 : i32 to index
      %get3A_99 = tpu.vector_load %arg13[%get3A_98] {strides = array<i32>} : memref<10240xi32, #tpu.memory_space<vmem>>, vector<16xi32>,
      %gather3A_100 = tpu.vector_load_idx %arg21[%get3A_95] : memref<10240xf32, #tpu.memory_space<vmem>>[vector<16xi32>], vector<16xf32>,
      %gather3A_101 = tpu.vector_load_idx %arg21[%get3A_99] : memref<10240xf32, #tpu.memory_space<vmem>>[vector<16xi32>], vector<16xf32>,
      %sub3A_102 = arith.subf %gather3A_100, %gather3A_101 : vector<16xf32>
      %gather3A_103 = tpu.vector_load_idx %arg22[%get3A_95] : memref<10240xf32, #tpu.memory_space<vmem>>[vector<16xi32>], vector<16xf32>,
      %gather3A_104 = tpu.vector_load_idx %arg22[%get3A_99] : memref<10240xf32, #tpu.memory_space<vmem>>[vector<16xi32>], vector<16xf32>,
      %sub3A_105 = arith.subf %gather3A_103, %gather3A_104 : vector<16xf32>
      %gather3A_106 = tpu.vector_load_idx %arg23[%get3A_95] : memref<10240xf32, #tpu.memory_space<vmem>>[vector<16xi32>], vector<16xf32>,
      %gather3A_107 = tpu.vector_load_idx %arg23[%get3A_99] : memref<10240xf32, #tpu.memory_space<vmem>>[vector<16xi32>], vector<16xf32>,
      %sub3A_108 = arith.subf %gather3A_106, %gather3A_107 : vector<16xf32>
      %iota3A_109 = tpu.iota {dimensions = array<i32: 0>} : vector<16xi32>
      %add3A_110 = arith.constant 16 : i32
      %add3A_111 = vector.broadcast %add3A_110 : i32 to vector<16xi32>
      %add3A_112 = arith.addi %iota3A_109, %add3A_111 : vector<16xi32>
      %broadcast_in_dim3A_113 = arith.constant 0 : i32
      %broadcast_in_dim3A_114 = vector.broadcast %broadcast_in_dim3A_113 : i32 to vector<16xi32>
      tpu.vector_store_idx %arg19[%add3A_112, %broadcast_in_dim3A_114], %sub3A_102 : memref<80x16xf32, #tpu.memory_space<vmem>>[vector<16xi32>, vector<16xi32>], vector<16xf32>,
      %broadcast_in_dim3A_115 = arith.constant 1 : i32
      %broadcast_in_dim3A_116 = vector.broadcast %broadcast_in_dim3A_115 : i32 to vector<16xi32>
      tpu.vector_store_idx %arg19[%add3A_112, %broadcast_in_dim3A_116], %sub3A_105 : memref<80x16xf32, #tpu.memory_space<vmem>>[vector<16xi32>, vector<16xi32>], vector<16xf32>,
      %broadcast_in_dim3A_117 = arith.constant 2 : i32
      %broadcast_in_dim3A_118 = vector.broadcast %broadcast_in_dim3A_117 : i32 to vector<16xi32>
      tpu.vector_store_idx %arg19[%add3A_112, %broadcast_in_dim3A_118], %sub3A_108 : memref<80x16xf32, #tpu.memory_space<vmem>>[vector<16xi32>, vector<16xi32>], vector<16xf32>,
      %add3A_119 = arith.constant 32 : i32
      %add3A_120 = arith.addi %mul3A_68, %add3A_119 : i32
      %get3A_121 = arith.index_cast %add3A_120 : i32 to index
      %get3A_122 = tpu.vector_load %arg12[%get3A_121] {strides = array<i32>} : memref<10240xi32, #tpu.memory_space<vmem>>, vector<16xi32>,
      %add3A_123 = arith.constant 32 : i32
      %add3A_124 = arith.addi %mul3A_68, %add3A_123 : i32
      %get3A_125 = arith.index_cast %add3A_124 : i32 to index
      %get3A_126 = tpu.vector_load %arg13[%get3A_125] {strides = array<i32>} : memref<10240xi32, #tpu.memory_space<vmem>>, vector<16xi32>,
      %gather3A_127 = tpu.vector_load_idx %arg21[%get3A_122] : memref<10240xf32, #tpu.memory_space<vmem>>[vector<16xi32>], vector<16xf32>,
      %gather3A_128 = tpu.vector_load_idx %arg21[%get3A_126] : memref<10240xf32, #tpu.memory_space<vmem>>[vector<16xi32>], vector<16xf32>,
      %sub3A_129 = arith.subf %gather3A_127, %gather3A_128 : vector<16xf32>
      %gather3A_130 = tpu.vector_load_idx %arg22[%get3A_122] : memref<10240xf32, #tpu.memory_space<vmem>>[vector<16xi32>], vector<16xf32>,
      %gather3A_131 = tpu.vector_load_idx %arg22[%get3A_126] : memref<10240xf32, #tpu.memory_space<vmem>>[vector<16xi32>], vector<16xf32>,
      %sub3A_132 = arith.subf %gather3A_130, %gather3A_131 : vector<16xf32>
      %gather3A_133 = tpu.vector_load_idx %arg23[%get3A_122] : memref<10240xf32, #tpu.memory_space<vmem>>[vector<16xi32>], vector<16xf32>,
      %gather3A_134 = tpu.vector_load_idx %arg23[%get3A_126] : memref<10240xf32, #tpu.memory_space<vmem>>[vector<16xi32>], vector<16xf32>,
      %sub3A_135 = arith.subf %gather3A_133, %gather3A_134 : vector<16xf32>
      %iota3A_136 = tpu.iota {dimensions = array<i32: 0>} : vector<16xi32>
      %add3A_137 = arith.constant 32 : i32
      %add3A_138 = vector.broadcast %add3A_137 : i32 to vector<16xi32>
      %add3A_139 = arith.addi %iota3A_136, %add3A_138 : vector<16xi32>
      %broadcast_in_dim3A_140 = arith.constant 0 : i32
      %broadcast_in_dim3A_141 = vector.broadcast %broadcast_in_dim3A_140 : i32 to vector<16xi32>
      tpu.vector_store_idx %arg19[%add3A_139, %broadcast_in_dim3A_141], %sub3A_129 : memref<80x16xf32, #tpu.memory_space<vmem>>[vector<16xi32>, vector<16xi32>], vector<16xf32>,
      %broadcast_in_dim3A_142 = arith.constant 1 : i32
      %broadcast_in_dim3A_143 = vector.broadcast %broadcast_in_dim3A_142 : i32 to vector<16xi32>
      tpu.vector_store_idx %arg19[%add3A_139, %broadcast_in_dim3A_143], %sub3A_132 : memref<80x16xf32, #tpu.memory_space<vmem>>[vector<16xi32>, vector<16xi32>], vector<16xf32>,
      %broadcast_in_dim3A_144 = arith.constant 2 : i32
      %broadcast_in_dim3A_145 = vector.broadcast %broadcast_in_dim3A_144 : i32 to vector<16xi32>
      tpu.vector_store_idx %arg19[%add3A_139, %broadcast_in_dim3A_145], %sub3A_135 : memref<80x16xf32, #tpu.memory_space<vmem>>[vector<16xi32>, vector<16xi32>], vector<16xf32>,
      %add3A_146 = arith.constant 48 : i32
      %add3A_147 = arith.addi %mul3A_68, %add3A_146 : i32
      %get3A_148 = arith.index_cast %add3A_147 : i32 to index
      %get3A_149 = tpu.vector_load %arg12[%get3A_148] {strides = array<i32>} : memref<10240xi32, #tpu.memory_space<vmem>>, vector<16xi32>,
      %add3A_150 = arith.constant 48 : i32
      %add3A_151 = arith.addi %mul3A_68, %add3A_150 : i32
      %get3A_152 = arith.index_cast %add3A_151 : i32 to index
      %get3A_153 = tpu.vector_load %arg13[%get3A_152] {strides = array<i32>} : memref<10240xi32, #tpu.memory_space<vmem>>, vector<16xi32>,
      %gather3A_154 = tpu.vector_load_idx %arg21[%get3A_149] : memref<10240xf32, #tpu.memory_space<vmem>>[vector<16xi32>], vector<16xf32>,
      %gather3A_155 = tpu.vector_load_idx %arg21[%get3A_153] : memref<10240xf32, #tpu.memory_space<vmem>>[vector<16xi32>], vector<16xf32>,
      %sub3A_156 = arith.subf %gather3A_154, %gather3A_155 : vector<16xf32>
      %gather3A_157 = tpu.vector_load_idx %arg22[%get3A_149] : memref<10240xf32, #tpu.memory_space<vmem>>[vector<16xi32>], vector<16xf32>,
      %gather3A_158 = tpu.vector_load_idx %arg22[%get3A_153] : memref<10240xf32, #tpu.memory_space<vmem>>[vector<16xi32>], vector<16xf32>,
      %sub3A_159 = arith.subf %gather3A_157, %gather3A_158 : vector<16xf32>
      %gather3A_160 = tpu.vector_load_idx %arg23[%get3A_149] : memref<10240xf32, #tpu.memory_space<vmem>>[vector<16xi32>], vector<16xf32>,
      %gather3A_161 = tpu.vector_load_idx %arg23[%get3A_153] : memref<10240xf32, #tpu.memory_space<vmem>>[vector<16xi32>], vector<16xf32>,
      %sub3A_162 = arith.subf %gather3A_160, %gather3A_161 : vector<16xf32>
      %iota3A_163 = tpu.iota {dimensions = array<i32: 0>} : vector<16xi32>
      %add3A_164 = arith.constant 48 : i32
      %add3A_165 = vector.broadcast %add3A_164 : i32 to vector<16xi32>
      %add3A_166 = arith.addi %iota3A_163, %add3A_165 : vector<16xi32>
      %broadcast_in_dim3A_167 = arith.constant 0 : i32
      %broadcast_in_dim3A_168 = vector.broadcast %broadcast_in_dim3A_167 : i32 to vector<16xi32>
      tpu.vector_store_idx %arg19[%add3A_166, %broadcast_in_dim3A_168], %sub3A_156 : memref<80x16xf32, #tpu.memory_space<vmem>>[vector<16xi32>, vector<16xi32>], vector<16xf32>,
      %broadcast_in_dim3A_169 = arith.constant 1 : i32
      %broadcast_in_dim3A_170 = vector.broadcast %broadcast_in_dim3A_169 : i32 to vector<16xi32>
      tpu.vector_store_idx %arg19[%add3A_166, %broadcast_in_dim3A_170], %sub3A_159 : memref<80x16xf32, #tpu.memory_space<vmem>>[vector<16xi32>, vector<16xi32>], vector<16xf32>,
      %broadcast_in_dim3A_171 = arith.constant 2 : i32
      %broadcast_in_dim3A_172 = vector.broadcast %broadcast_in_dim3A_171 : i32 to vector<16xi32>
      tpu.vector_store_idx %arg19[%add3A_166, %broadcast_in_dim3A_172], %sub3A_162 : memref<80x16xf32, #tpu.memory_space<vmem>>[vector<16xi32>, vector<16xi32>], vector<16xf32>,
      %add3A_173 = arith.constant 64 : i32
      %add3A_174 = arith.addi %mul3A_68, %add3A_173 : i32
      %get3A_175 = arith.index_cast %add3A_174 : i32 to index
      %get3A_176 = tpu.vector_load %arg12[%get3A_175] {strides = array<i32>} : memref<10240xi32, #tpu.memory_space<vmem>>, vector<16xi32>,
      %add3A_177 = arith.constant 64 : i32
      %add3A_178 = arith.addi %mul3A_68, %add3A_177 : i32
      %get3A_179 = arith.index_cast %add3A_178 : i32 to index
      %get3A_180 = tpu.vector_load %arg13[%get3A_179] {strides = array<i32>} : memref<10240xi32, #tpu.memory_space<vmem>>, vector<16xi32>,
      %gather3A_181 = tpu.vector_load_idx %arg21[%get3A_176] : memref<10240xf32, #tpu.memory_space<vmem>>[vector<16xi32>], vector<16xf32>,
      %gather3A_182 = tpu.vector_load_idx %arg21[%get3A_180] : memref<10240xf32, #tpu.memory_space<vmem>>[vector<16xi32>], vector<16xf32>,
      %sub3A_183 = arith.subf %gather3A_181, %gather3A_182 : vector<16xf32>
      %gather3A_184 = tpu.vector_load_idx %arg22[%get3A_176] : memref<10240xf32, #tpu.memory_space<vmem>>[vector<16xi32>], vector<16xf32>,
      %gather3A_185 = tpu.vector_load_idx %arg22[%get3A_180] : memref<10240xf32, #tpu.memory_space<vmem>>[vector<16xi32>], vector<16xf32>,
      %sub3A_186 = arith.subf %gather3A_184, %gather3A_185 : vector<16xf32>
      %gather3A_187 = tpu.vector_load_idx %arg23[%get3A_176] : memref<10240xf32, #tpu.memory_space<vmem>>[vector<16xi32>], vector<16xf32>,
      %gather3A_188 = tpu.vector_load_idx %arg23[%get3A_180] : memref<10240xf32, #tpu.memory_space<vmem>>[vector<16xi32>], vector<16xf32>,
      %sub3A_189 = arith.subf %gather3A_187, %gather3A_188 : vector<16xf32>
      %iota3A_190 = tpu.iota {dimensions = array<i32: 0>} : vector<16xi32>
      %add3A_191 = arith.constant 64 : i32
      %add3A_192 = vector.broadcast %add3A_191 : i32 to vector<16xi32>
      %add3A_193 = arith.addi %iota3A_190, %add3A_192 : vector<16xi32>
      %broadcast_in_dim3A_194 = arith.constant 0 : i32
      %broadcast_in_dim3A_195 = vector.broadcast %broadcast_in_dim3A_194 : i32 to vector<16xi32>
      tpu.vector_store_idx %arg19[%add3A_193, %broadcast_in_dim3A_195], %sub3A_183 : memref<80x16xf32, #tpu.memory_space<vmem>>[vector<16xi32>, vector<16xi32>], vector<16xf32>,
      %broadcast_in_dim3A_196 = arith.constant 1 : i32
      %broadcast_in_dim3A_197 = vector.broadcast %broadcast_in_dim3A_196 : i32 to vector<16xi32>
      tpu.vector_store_idx %arg19[%add3A_193, %broadcast_in_dim3A_197], %sub3A_186 : memref<80x16xf32, #tpu.memory_space<vmem>>[vector<16xi32>, vector<16xi32>], vector<16xf32>,
      %broadcast_in_dim3A_198 = arith.constant 2 : i32
      %broadcast_in_dim3A_199 = vector.broadcast %broadcast_in_dim3A_198 : i32 to vector<16xi32>
      tpu.vector_store_idx %arg19[%add3A_193, %broadcast_in_dim3A_199], %sub3A_189 : memref<80x16xf32, #tpu.memory_space<vmem>>[vector<16xi32>, vector<16xi32>], vector<16xf32>,
      %scan3A_200 = arith.constant 0 : i32
      %scan3A_201 = arith.constant 80 : i32
      %scan3A_202 = arith.addi %scan3A_200, %scan3A_201 : i32
      %scan3A_203 = arith.constant 1 : i32
      scf.for %scan3A_402 = %scan3A_200 to %scan3A_202 step %scan3A_203  : i32 {
        %mul3A_403 = arith.constant 1 : i32
        %mul3A_404 = arith.muli %scan3A_402, %mul3A_403 : i32
        %add3A_405 = arith.constant 0 : i32
        %add3A_406 = arith.addi %add3A_405, %mul3A_404 : i32
        %get3A_407 = arith.index_cast %add3A_406 : i32 to index
        %get3A_408 = arith.constant 0 : index
        %get3A_409 = tpu.vector_load %arg19[%get3A_407, %get3A_408] {strides = array<i32>} : memref<80x16xf32, #tpu.memory_space<vmem>>, vector<16xf32>,
        %mul3A_410 = arith.mulf %get3A_409, %get3A_409 : vector<16xf32>
        %reduce_sum3A = arith.constant true
        %reduce_sum3A_411 = vector.broadcast %reduce_sum3A : i1 to vector<16xi1>
        %reduce_sum3A_412 = tpu.scan <sum>, %mul3A_410 masked %reduce_sum3A_411 : vector<16xf32>, vector<16xi1> -> vector<16xf32>
        %reduce_sum3A_413 = vector.extract %reduce_sum3A_412[15] : f32 from vector<16xf32>
        %get3A_414 = arith.index_cast %add3A_406 : i32 to index
        %get3A_415 = arith.constant 0 : index
        %get3A_416 = tpu.vector_load %arg14[%get3A_414, %get3A_415] {strides = array<i32>} : memref<80x128xf32, #tpu.memory_space<vmem>>, vector<16xf32>,
        %get3A_417 = arith.index_cast %add3A_406 : i32 to index
        %get3A_418 = arith.constant 0 : index
        %get3A_419 = tpu.vector_load %arg15[%get3A_417, %get3A_418] {strides = array<i32>} : memref<80x128xf32, #tpu.memory_space<vmem>>, vector<16xf32>,
        %add3A_420 = arith.addf %get3A_416, %get3A_419 : vector<16xf32>
        %mul3A_421 = vector.broadcast %reduce_sum3A_413 : f32 to vector<16xf32>
        %mul3A_422 = arith.mulf %mul3A_421, %get3A_1 : vector<16xf32>
        %add3A_423 = arith.addf %add3A_420, %mul3A_422 : vector<16xf32>
        %swap3A = arith.index_cast %add3A_406 : i32 to index
        %swap3A_424 = arith.constant 0 : index
        %swap3A_425 = tpu.vector_load %arg18[%swap3A, %swap3A_424] {strides = array<i32>} : memref<80x128xf32, #tpu.memory_space<vmem>>, vector<16xf32>,
        tpu.vector_store %arg18[%swap3A, %swap3A_424], %add3A_423 {strides = array<i32>} : memref<80x128xf32, #tpu.memory_space<vmem>>, vector<16xf32>,
        %get3A_426 = arith.index_cast %add3A_406 : i32 to index
        %get3A_427 = arith.constant 16 : index
        %get3A_428 = tpu.vector_load %arg14[%get3A_426, %get3A_427] {strides = array<i32>} : memref<80x128xf32, #tpu.memory_space<vmem>>, vector<16xf32>,
        %get3A_429 = arith.index_cast %add3A_406 : i32 to index
        %get3A_430 = arith.constant 16 : index
        %get3A_431 = tpu.vector_load %arg15[%get3A_429, %get3A_430] {strides = array<i32>} : memref<80x128xf32, #tpu.memory_space<vmem>>, vector<16xf32>,
        %add3A_432 = arith.addf %get3A_428, %get3A_431 : vector<16xf32>
        %mul3A_433 = vector.broadcast %reduce_sum3A_413 : f32 to vector<16xf32>
        %mul3A_434 = arith.mulf %mul3A_433, %get3A_3 : vector<16xf32>
        %add3A_435 = arith.addf %add3A_432, %mul3A_434 : vector<16xf32>
        %swap3A_436 = arith.index_cast %add3A_406 : i32 to index
        %swap3A_437 = arith.constant 16 : index
        %swap3A_438 = tpu.vector_load %arg18[%swap3A_436, %swap3A_437] {strides = array<i32>} : memref<80x128xf32, #tpu.memory_space<vmem>>, vector<16xf32>,
        tpu.vector_store %arg18[%swap3A_436, %swap3A_437], %add3A_435 {strides = array<i32>} : memref<80x128xf32, #tpu.memory_space<vmem>>, vector<16xf32>,
        %get3A_439 = arith.index_cast %add3A_406 : i32 to index
        %get3A_440 = arith.constant 32 : index
        %get3A_441 = tpu.vector_load %arg14[%get3A_439, %get3A_440] {strides = array<i32>} : memref<80x128xf32, #tpu.memory_space<vmem>>, vector<16xf32>,
        %get3A_442 = arith.index_cast %add3A_406 : i32 to index
        %get3A_443 = arith.constant 32 : index
        %get3A_444 = tpu.vector_load %arg15[%get3A_442, %get3A_443] {strides = array<i32>} : memref<80x128xf32, #tpu.memory_space<vmem>>, vector<16xf32>,
        %add3A_445 = arith.addf %get3A_441, %get3A_444 : vector<16xf32>
        %mul3A_446 = vector.broadcast %reduce_sum3A_413 : f32 to vector<16xf32>
        %mul3A_447 = arith.mulf %mul3A_446, %get3A_5 : vector<16xf32>
        %add3A_448 = arith.addf %add3A_445, %mul3A_447 : vector<16xf32>
        %swap3A_449 = arith.index_cast %add3A_406 : i32 to index
        %swap3A_450 = arith.constant 32 : index
        %swap3A_451 = tpu.vector_load %arg18[%swap3A_449, %swap3A_450] {strides = array<i32>} : memref<80x128xf32, #tpu.memory_space<vmem>>, vector<16xf32>,
        tpu.vector_store %arg18[%swap3A_449, %swap3A_450], %add3A_448 {strides = array<i32>} : memref<80x128xf32, #tpu.memory_space<vmem>>, vector<16xf32>,
        %get3A_452 = arith.index_cast %add3A_406 : i32 to index
        %get3A_453 = arith.constant 48 : index
        %get3A_454 = tpu.vector_load %arg14[%get3A_452, %get3A_453] {strides = array<i32>} : memref<80x128xf32, #tpu.memory_space<vmem>>, vector<16xf32>,
        %get3A_455 = arith.index_cast %add3A_406 : i32 to index
        %get3A_456 = arith.constant 48 : index
        %get3A_457 = tpu.vector_load %arg15[%get3A_455, %get3A_456] {strides = array<i32>} : memref<80x128xf32, #tpu.memory_space<vmem>>, vector<16xf32>,
        %add3A_458 = arith.addf %get3A_454, %get3A_457 : vector<16xf32>
        %mul3A_459 = vector.broadcast %reduce_sum3A_413 : f32 to vector<16xf32>
        %mul3A_460 = arith.mulf %mul3A_459, %get3A_7 : vector<16xf32>
        %add3A_461 = arith.addf %add3A_458, %mul3A_460 : vector<16xf32>
        %swap3A_462 = arith.index_cast %add3A_406 : i32 to index
        %swap3A_463 = arith.constant 48 : index
        %swap3A_464 = tpu.vector_load %arg18[%swap3A_462, %swap3A_463] {strides = array<i32>} : memref<80x128xf32, #tpu.memory_space<vmem>>, vector<16xf32>,
        tpu.vector_store %arg18[%swap3A_462, %swap3A_463], %add3A_461 {strides = array<i32>} : memref<80x128xf32, #tpu.memory_space<vmem>>, vector<16xf32>,
        %get3A_465 = arith.index_cast %add3A_406 : i32 to index
        %get3A_466 = arith.constant 64 : index
        %get3A_467 = tpu.vector_load %arg14[%get3A_465, %get3A_466] {strides = array<i32>} : memref<80x128xf32, #tpu.memory_space<vmem>>, vector<16xf32>,
        %get3A_468 = arith.index_cast %add3A_406 : i32 to index
        %get3A_469 = arith.constant 64 : index
        %get3A_470 = tpu.vector_load %arg15[%get3A_468, %get3A_469] {strides = array<i32>} : memref<80x128xf32, #tpu.memory_space<vmem>>, vector<16xf32>,
        %add3A_471 = arith.addf %get3A_467, %get3A_470 : vector<16xf32>
        %mul3A_472 = vector.broadcast %reduce_sum3A_413 : f32 to vector<16xf32>
        %mul3A_473 = arith.mulf %mul3A_472, %get3A_9 : vector<16xf32>
        %add3A_474 = arith.addf %add3A_471, %mul3A_473 : vector<16xf32>
        %swap3A_475 = arith.index_cast %add3A_406 : i32 to index
        %swap3A_476 = arith.constant 64 : index
        %swap3A_477 = tpu.vector_load %arg18[%swap3A_475, %swap3A_476] {strides = array<i32>} : memref<80x128xf32, #tpu.memory_space<vmem>>, vector<16xf32>,
        tpu.vector_store %arg18[%swap3A_475, %swap3A_476], %add3A_474 {strides = array<i32>} : memref<80x128xf32, #tpu.memory_space<vmem>>, vector<16xf32>,
        %get3A_478 = arith.index_cast %add3A_406 : i32 to index
        %get3A_479 = arith.constant 80 : index
        %get3A_480 = tpu.vector_load %arg14[%get3A_478, %get3A_479] {strides = array<i32>} : memref<80x128xf32, #tpu.memory_space<vmem>>, vector<16xf32>,
        %get3A_481 = arith.index_cast %add3A_406 : i32 to index
        %get3A_482 = arith.constant 80 : index
        %get3A_483 = tpu.vector_load %arg15[%get3A_481, %get3A_482] {strides = array<i32>} : memref<80x128xf32, #tpu.memory_space<vmem>>, vector<16xf32>,
        %add3A_484 = arith.addf %get3A_480, %get3A_483 : vector<16xf32>
        %mul3A_485 = vector.broadcast %reduce_sum3A_413 : f32 to vector<16xf32>
        %mul3A_486 = arith.mulf %mul3A_485, %get3A_11 : vector<16xf32>
        %add3A_487 = arith.addf %add3A_484, %mul3A_486 : vector<16xf32>
        %swap3A_488 = arith.index_cast %add3A_406 : i32 to index
        %swap3A_489 = arith.constant 80 : index
        %swap3A_490 = tpu.vector_load %arg18[%swap3A_488, %swap3A_489] {strides = array<i32>} : memref<80x128xf32, #tpu.memory_space<vmem>>, vector<16xf32>,
        tpu.vector_store %arg18[%swap3A_488, %swap3A_489], %add3A_487 {strides = array<i32>} : memref<80x128xf32, #tpu.memory_space<vmem>>, vector<16xf32>,
        %get3A_491 = arith.index_cast %add3A_406 : i32 to index
        %get3A_492 = arith.constant 96 : index
        %get3A_493 = tpu.vector_load %arg14[%get3A_491, %get3A_492] {strides = array<i32>} : memref<80x128xf32, #tpu.memory_space<vmem>>, vector<16xf32>,
        %get3A_494 = arith.index_cast %add3A_406 : i32 to index
        %get3A_495 = arith.constant 96 : index
        %get3A_496 = tpu.vector_load %arg15[%get3A_494, %get3A_495] {strides = array<i32>} : memref<80x128xf32, #tpu.memory_space<vmem>>, vector<16xf32>,
        %add3A_497 = arith.addf %get3A_493, %get3A_496 : vector<16xf32>
        %mul3A_498 = vector.broadcast %reduce_sum3A_413 : f32 to vector<16xf32>
        %mul3A_499 = arith.mulf %mul3A_498, %get3A_13 : vector<16xf32>
        %add3A_500 = arith.addf %add3A_497, %mul3A_499 : vector<16xf32>
        %swap3A_501 = arith.index_cast %add3A_406 : i32 to index
        %swap3A_502 = arith.constant 96 : index
        %swap3A_503 = tpu.vector_load %arg18[%swap3A_501, %swap3A_502] {strides = array<i32>} : memref<80x128xf32, #tpu.memory_space<vmem>>, vector<16xf32>,
        tpu.vector_store %arg18[%swap3A_501, %swap3A_502], %add3A_500 {strides = array<i32>} : memref<80x128xf32, #tpu.memory_space<vmem>>, vector<16xf32>,
        %get3A_504 = arith.index_cast %add3A_406 : i32 to index
        %get3A_505 = arith.constant 112 : index
        %get3A_506 = tpu.vector_load %arg14[%get3A_504, %get3A_505] {strides = array<i32>} : memref<80x128xf32, #tpu.memory_space<vmem>>, vector<16xf32>,
        %get3A_507 = arith.index_cast %add3A_406 : i32 to index
        %get3A_508 = arith.constant 112 : index
        %get3A_509 = tpu.vector_load %arg15[%get3A_507, %get3A_508] {strides = array<i32>} : memref<80x128xf32, #tpu.memory_space<vmem>>, vector<16xf32>,
        %add3A_510 = arith.addf %get3A_506, %get3A_509 : vector<16xf32>
        %mul3A_511 = vector.broadcast %reduce_sum3A_413 : f32 to vector<16xf32>
        %mul3A_512 = arith.mulf %mul3A_511, %get3A_15 : vector<16xf32>
        %add3A_513 = arith.addf %add3A_510, %mul3A_512 : vector<16xf32>
        %swap3A_514 = arith.index_cast %add3A_406 : i32 to index
        %swap3A_515 = arith.constant 112 : index
        %swap3A_516 = tpu.vector_load %arg18[%swap3A_514, %swap3A_515] {strides = array<i32>} : memref<80x128xf32, #tpu.memory_space<vmem>>, vector<16xf32>,
        tpu.vector_store %arg18[%swap3A_514, %swap3A_515], %add3A_513 {strides = array<i32>} : memref<80x128xf32, #tpu.memory_space<vmem>>, vector<16xf32>,
      }
      %scan3A_204 = arith.constant 80 : i32
      %lt3A = arith.constant 126 : i32
      %lt3A_205 = arith.cmpi slt, %add3A_52, %lt3A : i32
      %convert_element_type3A = arith.extui %lt3A_205 : i1 to i32
      %cond3A = arith.constant 0 : i32
      %cond3A_206 = arith.cmpi ne, %convert_element_type3A, %cond3A : i32
      scf.if %cond3A_206 {
        %add3A_402 = arith.constant 2 : i32
        %add3A_403 = arith.addi %add3A_52, %add3A_402 : i32
        %mul3A_404 = arith.constant 80 : i32
        %mul3A_405 = arith.muli %add3A_403, %mul3A_404 : i32
        %dma_start3A_406 = tpu.memref_slice %arg12[%mul3A_405] : memref<10240xi32, #tpu.memory_space<vmem>> -> memref<80xi32, #tpu.memory_space<vmem>>
        %dma_start3A_407 = arith.constant 0 : i32
        %dma_start3A_408 = arith.constant 0 : i32
        %dma_start3A_409 = tpu.memref_slice %arg2[%dma_start3A_407, %dma_start3A_408] : memref<10240x128xf32, #tpu.memory_space<hbm>> -> memref<10240x128xf32, #tpu.memory_space<hbm>>
        tpu.enqueue_indirect_dma source(%dma_start3A_409 : memref<10240x128xf32, #tpu.memory_space<hbm>>) target(%arg14 : memref<80x128xf32, #tpu.memory_space<vmem>>) offsets(%dma_start3A_406 : memref<80xi32, #tpu.memory_space<vmem>>) semaphore(%arg24 : memref<!tpu.dma_semaphore, #tpu.memory_space<semaphore_mem>>)
        %mul3A_410 = arith.constant 80 : i32
        %mul3A_411 = arith.muli %add3A_403, %mul3A_410 : i32
        %dma_start3A_412 = tpu.memref_slice %arg13[%mul3A_411] : memref<10240xi32, #tpu.memory_space<vmem>> -> memref<80xi32, #tpu.memory_space<vmem>>
        %dma_start3A_413 = arith.constant 0 : i32
        %dma_start3A_414 = arith.constant 0 : i32
        %dma_start3A_415 = tpu.memref_slice %arg3[%dma_start3A_413, %dma_start3A_414] : memref<10240x128xf32, #tpu.memory_space<hbm>> -> memref<10240x128xf32, #tpu.memory_space<hbm>>
        tpu.enqueue_indirect_dma source(%dma_start3A_415 : memref<10240x128xf32, #tpu.memory_space<hbm>>) target(%arg15 : memref<80x128xf32, #tpu.memory_space<vmem>>) offsets(%dma_start3A_412 : memref<80xi32, #tpu.memory_space<vmem>>) semaphore(%arg24 : memref<!tpu.dma_semaphore, #tpu.memory_space<semaphore_mem>>)
      } else {
      }
      %dma_start3A_207 = arith.constant 0 : i32
      %dma_start3A_208 = tpu.memref_slice %arg10[%add3A_57, %dma_start3A_207] : memref<327680x128xf32, #tpu.memory_space<hbm>> -> memref<80x128xf32, #tpu.memory_space<hbm>>
      %dma_start3A_209 = arith.constant 0 : i32
      %dma_start3A_210 = tpu.memref_slice %arg10[%add3A_57, %dma_start3A_209] : memref<327680x128xf32, #tpu.memory_space<hbm>> -> memref<80x128xf32, #tpu.memory_space<hbm>>
      tpu.enqueue_dma source(%arg18 : memref<80x128xf32, #tpu.memory_space<vmem>>) target(%dma_start3A_210 : memref<80x128xf32, #tpu.memory_space<hbm>>) target_semaphore(%arg26 : memref<!tpu.dma_semaphore, #tpu.memory_space<semaphore_mem>>)
      %dma_start3A_211 = arith.constant 0 : i32
      %dma_start3A_212 = tpu.memref_slice %arg11[%add3A_57, %dma_start3A_211] : memref<327680x16xf32, #tpu.memory_space<hbm>> -> memref<80x16xf32, #tpu.memory_space<hbm>>
      %dma_start3A_213 = arith.constant 0 : i32
      %dma_start3A_214 = tpu.memref_slice %arg11[%add3A_57, %dma_start3A_213] : memref<327680x16xf32, #tpu.memory_space<hbm>> -> memref<80x16xf32, #tpu.memory_space<hbm>>
      tpu.enqueue_dma source(%arg19 : memref<80x16xf32, #tpu.memory_space<vmem>>) target(%dma_start3A_214 : memref<80x16xf32, #tpu.memory_space<hbm>>) target_semaphore(%arg26 : memref<!tpu.dma_semaphore, #tpu.memory_space<semaphore_mem>>)
      %dma_wait3A_215 = arith.constant 0 : i32
      %dma_wait3A_216 = tpu.memref_slice %arg12[%dma_wait3A_215] : memref<10240xi32, #tpu.memory_space<vmem>> -> memref<80xi32, #tpu.memory_space<vmem>>
      %dma_wait3A_217 = arith.constant 0 : i32
      %dma_wait3A_218 = arith.constant 0 : i32
      %dma_wait3A_219 = tpu.memref_slice %arg2[%dma_wait3A_217, %dma_wait3A_218] : memref<10240x128xf32, #tpu.memory_space<hbm>> -> memref<10240x128xf32, #tpu.memory_space<hbm>>
      tpu.wait_indirect_dma semaphore(%arg25 : memref<!tpu.dma_semaphore, #tpu.memory_space<semaphore_mem>>) src(%dma_wait3A_219 : memref<10240x128xf32, #tpu.memory_space<hbm>>) dst(%arg16 : memref<80x128xf32, #tpu.memory_space<vmem>>)
      %dma_wait3A_220 = arith.constant 0 : i32
      %dma_wait3A_221 = tpu.memref_slice %arg13[%dma_wait3A_220] : memref<10240xi32, #tpu.memory_space<vmem>> -> memref<80xi32, #tpu.memory_space<vmem>>
      %dma_wait3A_222 = arith.constant 0 : i32
      %dma_wait3A_223 = arith.constant 0 : i32
      %dma_wait3A_224 = tpu.memref_slice %arg3[%dma_wait3A_222, %dma_wait3A_223] : memref<10240x128xf32, #tpu.memory_space<hbm>> -> memref<10240x128xf32, #tpu.memory_space<hbm>>
      tpu.wait_indirect_dma semaphore(%arg25 : memref<!tpu.dma_semaphore, #tpu.memory_space<semaphore_mem>>) src(%dma_wait3A_224 : memref<10240x128xf32, #tpu.memory_space<hbm>>) dst(%arg17 : memref<80x128xf32, #tpu.memory_space<vmem>>)
      %dma_wait3A_225 = arith.constant 0 : i32
      %dma_wait3A_226 = tpu.memref_slice %arg10[%add3A_57, %dma_wait3A_225] : memref<327680x128xf32, #tpu.memory_space<hbm>> -> memref<80x128xf32, #tpu.memory_space<hbm>>
      %dma_wait3A_227 = arith.constant 0 : i32
      %dma_wait3A_228 = tpu.memref_slice %arg10[%add3A_57, %dma_wait3A_227] : memref<327680x128xf32, #tpu.memory_space<hbm>> -> memref<80x128xf32, #tpu.memory_space<hbm>>
      tpu.wait_dma2 semaphore(%arg26 : memref<!tpu.dma_semaphore, #tpu.memory_space<semaphore_mem>>) src(%arg18 : memref<80x128xf32, #tpu.memory_space<vmem>>) dst(%dma_wait3A_228 : memref<80x128xf32, #tpu.memory_space<hbm>>)
      %dma_wait3A_229 = arith.constant 0 : i32
      %dma_wait3A_230 = tpu.memref_slice %arg11[%add3A_57, %dma_wait3A_229] : memref<327680x16xf32, #tpu.memory_space<hbm>> -> memref<80x16xf32, #tpu.memory_space<hbm>>
      %dma_wait3A_231 = arith.constant 0 : i32
      %dma_wait3A_232 = tpu.memref_slice %arg11[%add3A_57, %dma_wait3A_231] : memref<327680x16xf32, #tpu.memory_space<hbm>> -> memref<80x16xf32, #tpu.memory_space<hbm>>
      tpu.wait_dma2 semaphore(%arg26 : memref<!tpu.dma_semaphore, #tpu.memory_space<semaphore_mem>>) src(%arg19 : memref<80x16xf32, #tpu.memory_space<vmem>>) dst(%dma_wait3A_232 : memref<80x16xf32, #tpu.memory_space<hbm>>)
      %add3A_233 = arith.constant 1 : i32
      %add3A_234 = arith.addi %add3A_52, %add3A_233 : i32
      %mul3A_235 = arith.constant 80 : i32
      %mul3A_236 = arith.muli %add3A_234, %mul3A_235 : i32
      %add3A_237 = arith.constant 0 : i32
      %add3A_238 = arith.addi %mul3A_236, %add3A_237 : i32
      %get3A_239 = arith.index_cast %add3A_238 : i32 to index
      %get3A_240 = tpu.vector_load %arg12[%get3A_239] {strides = array<i32>} : memref<10240xi32, #tpu.memory_space<vmem>>, vector<16xi32>,
      %add3A_241 = arith.constant 0 : i32
      %add3A_242 = arith.addi %mul3A_236, %add3A_241 : i32
      %get3A_243 = arith.index_cast %add3A_242 : i32 to index
      %get3A_244 = tpu.vector_load %arg13[%get3A_243] {strides = array<i32>} : memref<10240xi32, #tpu.memory_space<vmem>>, vector<16xi32>,
      %gather3A_245 = tpu.vector_load_idx %arg21[%get3A_240] : memref<10240xf32, #tpu.memory_space<vmem>>[vector<16xi32>], vector<16xf32>,
      %gather3A_246 = tpu.vector_load_idx %arg21[%get3A_244] : memref<10240xf32, #tpu.memory_space<vmem>>[vector<16xi32>], vector<16xf32>,
      %sub3A_247 = arith.subf %gather3A_245, %gather3A_246 : vector<16xf32>
      %gather3A_248 = tpu.vector_load_idx %arg22[%get3A_240] : memref<10240xf32, #tpu.memory_space<vmem>>[vector<16xi32>], vector<16xf32>,
      %gather3A_249 = tpu.vector_load_idx %arg22[%get3A_244] : memref<10240xf32, #tpu.memory_space<vmem>>[vector<16xi32>], vector<16xf32>,
      %sub3A_250 = arith.subf %gather3A_248, %gather3A_249 : vector<16xf32>
      %gather3A_251 = tpu.vector_load_idx %arg23[%get3A_240] : memref<10240xf32, #tpu.memory_space<vmem>>[vector<16xi32>], vector<16xf32>,
      %gather3A_252 = tpu.vector_load_idx %arg23[%get3A_244] : memref<10240xf32, #tpu.memory_space<vmem>>[vector<16xi32>], vector<16xf32>,
      %sub3A_253 = arith.subf %gather3A_251, %gather3A_252 : vector<16xf32>
      %iota3A_254 = tpu.iota {dimensions = array<i32: 0>} : vector<16xi32>
      %add3A_255 = arith.constant 0 : i32
      %add3A_256 = vector.broadcast %add3A_255 : i32 to vector<16xi32>
      %add3A_257 = arith.addi %iota3A_254, %add3A_256 : vector<16xi32>
      %broadcast_in_dim3A_258 = arith.constant 0 : i32
      %broadcast_in_dim3A_259 = vector.broadcast %broadcast_in_dim3A_258 : i32 to vector<16xi32>
      tpu.vector_store_idx %arg19[%add3A_257, %broadcast_in_dim3A_259], %sub3A_247 : memref<80x16xf32, #tpu.memory_space<vmem>>[vector<16xi32>, vector<16xi32>], vector<16xf32>,
      %broadcast_in_dim3A_260 = arith.constant 1 : i32
      %broadcast_in_dim3A_261 = vector.broadcast %broadcast_in_dim3A_260 : i32 to vector<16xi32>
      tpu.vector_store_idx %arg19[%add3A_257, %broadcast_in_dim3A_261], %sub3A_250 : memref<80x16xf32, #tpu.memory_space<vmem>>[vector<16xi32>, vector<16xi32>], vector<16xf32>,
      %broadcast_in_dim3A_262 = arith.constant 2 : i32
      %broadcast_in_dim3A_263 = vector.broadcast %broadcast_in_dim3A_262 : i32 to vector<16xi32>
      tpu.vector_store_idx %arg19[%add3A_257, %broadcast_in_dim3A_263], %sub3A_253 : memref<80x16xf32, #tpu.memory_space<vmem>>[vector<16xi32>, vector<16xi32>], vector<16xf32>,
      %add3A_264 = arith.constant 16 : i32
      %add3A_265 = arith.addi %mul3A_236, %add3A_264 : i32
      %get3A_266 = arith.index_cast %add3A_265 : i32 to index
      %get3A_267 = tpu.vector_load %arg12[%get3A_266] {strides = array<i32>} : memref<10240xi32, #tpu.memory_space<vmem>>, vector<16xi32>,
      %add3A_268 = arith.constant 16 : i32
      %add3A_269 = arith.addi %mul3A_236, %add3A_268 : i32
      %get3A_270 = arith.index_cast %add3A_269 : i32 to index
      %get3A_271 = tpu.vector_load %arg13[%get3A_270] {strides = array<i32>} : memref<10240xi32, #tpu.memory_space<vmem>>, vector<16xi32>,
      %gather3A_272 = tpu.vector_load_idx %arg21[%get3A_267] : memref<10240xf32, #tpu.memory_space<vmem>>[vector<16xi32>], vector<16xf32>,
      %gather3A_273 = tpu.vector_load_idx %arg21[%get3A_271] : memref<10240xf32, #tpu.memory_space<vmem>>[vector<16xi32>], vector<16xf32>,
      %sub3A_274 = arith.subf %gather3A_272, %gather3A_273 : vector<16xf32>
      %gather3A_275 = tpu.vector_load_idx %arg22[%get3A_267] : memref<10240xf32, #tpu.memory_space<vmem>>[vector<16xi32>], vector<16xf32>,
      %gather3A_276 = tpu.vector_load_idx %arg22[%get3A_271] : memref<10240xf32, #tpu.memory_space<vmem>>[vector<16xi32>], vector<16xf32>,
      %sub3A_277 = arith.subf %gather3A_275, %gather3A_276 : vector<16xf32>
      %gather3A_278 = tpu.vector_load_idx %arg23[%get3A_267] : memref<10240xf32, #tpu.memory_space<vmem>>[vector<16xi32>], vector<16xf32>,
      %gather3A_279 = tpu.vector_load_idx %arg23[%get3A_271] : memref<10240xf32, #tpu.memory_space<vmem>>[vector<16xi32>], vector<16xf32>,
      %sub3A_280 = arith.subf %gather3A_278, %gather3A_279 : vector<16xf32>
      %iota3A_281 = tpu.iota {dimensions = array<i32: 0>} : vector<16xi32>
      %add3A_282 = arith.constant 16 : i32
      %add3A_283 = vector.broadcast %add3A_282 : i32 to vector<16xi32>
      %add3A_284 = arith.addi %iota3A_281, %add3A_283 : vector<16xi32>
      %broadcast_in_dim3A_285 = arith.constant 0 : i32
      %broadcast_in_dim3A_286 = vector.broadcast %broadcast_in_dim3A_285 : i32 to vector<16xi32>
      tpu.vector_store_idx %arg19[%add3A_284, %broadcast_in_dim3A_286], %sub3A_274 : memref<80x16xf32, #tpu.memory_space<vmem>>[vector<16xi32>, vector<16xi32>], vector<16xf32>,
      %broadcast_in_dim3A_287 = arith.constant 1 : i32
      %broadcast_in_dim3A_288 = vector.broadcast %broadcast_in_dim3A_287 : i32 to vector<16xi32>
      tpu.vector_store_idx %arg19[%add3A_284, %broadcast_in_dim3A_288], %sub3A_277 : memref<80x16xf32, #tpu.memory_space<vmem>>[vector<16xi32>, vector<16xi32>], vector<16xf32>,
      %broadcast_in_dim3A_289 = arith.constant 2 : i32
      %broadcast_in_dim3A_290 = vector.broadcast %broadcast_in_dim3A_289 : i32 to vector<16xi32>
      tpu.vector_store_idx %arg19[%add3A_284, %broadcast_in_dim3A_290], %sub3A_280 : memref<80x16xf32, #tpu.memory_space<vmem>>[vector<16xi32>, vector<16xi32>], vector<16xf32>,
      %add3A_291 = arith.constant 32 : i32
      %add3A_292 = arith.addi %mul3A_236, %add3A_291 : i32
      %get3A_293 = arith.index_cast %add3A_292 : i32 to index
      %get3A_294 = tpu.vector_load %arg12[%get3A_293] {strides = array<i32>} : memref<10240xi32, #tpu.memory_space<vmem>>, vector<16xi32>,
      %add3A_295 = arith.constant 32 : i32
      %add3A_296 = arith.addi %mul3A_236, %add3A_295 : i32
      %get3A_297 = arith.index_cast %add3A_296 : i32 to index
      %get3A_298 = tpu.vector_load %arg13[%get3A_297] {strides = array<i32>} : memref<10240xi32, #tpu.memory_space<vmem>>, vector<16xi32>,
      %gather3A_299 = tpu.vector_load_idx %arg21[%get3A_294] : memref<10240xf32, #tpu.memory_space<vmem>>[vector<16xi32>], vector<16xf32>,
      %gather3A_300 = tpu.vector_load_idx %arg21[%get3A_298] : memref<10240xf32, #tpu.memory_space<vmem>>[vector<16xi32>], vector<16xf32>,
      %sub3A_301 = arith.subf %gather3A_299, %gather3A_300 : vector<16xf32>
      %gather3A_302 = tpu.vector_load_idx %arg22[%get3A_294] : memref<10240xf32, #tpu.memory_space<vmem>>[vector<16xi32>], vector<16xf32>,
      %gather3A_303 = tpu.vector_load_idx %arg22[%get3A_298] : memref<10240xf32, #tpu.memory_space<vmem>>[vector<16xi32>], vector<16xf32>,
      %sub3A_304 = arith.subf %gather3A_302, %gather3A_303 : vector<16xf32>
      %gather3A_305 = tpu.vector_load_idx %arg23[%get3A_294] : memref<10240xf32, #tpu.memory_space<vmem>>[vector<16xi32>], vector<16xf32>,
      %gather3A_306 = tpu.vector_load_idx %arg23[%get3A_298] : memref<10240xf32, #tpu.memory_space<vmem>>[vector<16xi32>], vector<16xf32>,
      %sub3A_307 = arith.subf %gather3A_305, %gather3A_306 : vector<16xf32>
      %iota3A_308 = tpu.iota {dimensions = array<i32: 0>} : vector<16xi32>
      %add3A_309 = arith.constant 32 : i32
      %add3A_310 = vector.broadcast %add3A_309 : i32 to vector<16xi32>
      %add3A_311 = arith.addi %iota3A_308, %add3A_310 : vector<16xi32>
      %broadcast_in_dim3A_312 = arith.constant 0 : i32
      %broadcast_in_dim3A_313 = vector.broadcast %broadcast_in_dim3A_312 : i32 to vector<16xi32>
      tpu.vector_store_idx %arg19[%add3A_311, %broadcast_in_dim3A_313], %sub3A_301 : memref<80x16xf32, #tpu.memory_space<vmem>>[vector<16xi32>, vector<16xi32>], vector<16xf32>,
      %broadcast_in_dim3A_314 = arith.constant 1 : i32
      %broadcast_in_dim3A_315 = vector.broadcast %broadcast_in_dim3A_314 : i32 to vector<16xi32>
      tpu.vector_store_idx %arg19[%add3A_311, %broadcast_in_dim3A_315], %sub3A_304 : memref<80x16xf32, #tpu.memory_space<vmem>>[vector<16xi32>, vector<16xi32>], vector<16xf32>,
      %broadcast_in_dim3A_316 = arith.constant 2 : i32
      %broadcast_in_dim3A_317 = vector.broadcast %broadcast_in_dim3A_316 : i32 to vector<16xi32>
      tpu.vector_store_idx %arg19[%add3A_311, %broadcast_in_dim3A_317], %sub3A_307 : memref<80x16xf32, #tpu.memory_space<vmem>>[vector<16xi32>, vector<16xi32>], vector<16xf32>,
      %add3A_318 = arith.constant 48 : i32
      %add3A_319 = arith.addi %mul3A_236, %add3A_318 : i32
      %get3A_320 = arith.index_cast %add3A_319 : i32 to index
      %get3A_321 = tpu.vector_load %arg12[%get3A_320] {strides = array<i32>} : memref<10240xi32, #tpu.memory_space<vmem>>, vector<16xi32>,
      %add3A_322 = arith.constant 48 : i32
      %add3A_323 = arith.addi %mul3A_236, %add3A_322 : i32
      %get3A_324 = arith.index_cast %add3A_323 : i32 to index
      %get3A_325 = tpu.vector_load %arg13[%get3A_324] {strides = array<i32>} : memref<10240xi32, #tpu.memory_space<vmem>>, vector<16xi32>,
      %gather3A_326 = tpu.vector_load_idx %arg21[%get3A_321] : memref<10240xf32, #tpu.memory_space<vmem>>[vector<16xi32>], vector<16xf32>,
      %gather3A_327 = tpu.vector_load_idx %arg21[%get3A_325] : memref<10240xf32, #tpu.memory_space<vmem>>[vector<16xi32>], vector<16xf32>,
      %sub3A_328 = arith.subf %gather3A_326, %gather3A_327 : vector<16xf32>
      %gather3A_329 = tpu.vector_load_idx %arg22[%get3A_321] : memref<10240xf32, #tpu.memory_space<vmem>>[vector<16xi32>], vector<16xf32>,
      %gather3A_330 = tpu.vector_load_idx %arg22[%get3A_325] : memref<10240xf32, #tpu.memory_space<vmem>>[vector<16xi32>], vector<16xf32>,
      %sub3A_331 = arith.subf %gather3A_329, %gather3A_330 : vector<16xf32>
      %gather3A_332 = tpu.vector_load_idx %arg23[%get3A_321] : memref<10240xf32, #tpu.memory_space<vmem>>[vector<16xi32>], vector<16xf32>,
      %gather3A_333 = tpu.vector_load_idx %arg23[%get3A_325] : memref<10240xf32, #tpu.memory_space<vmem>>[vector<16xi32>], vector<16xf32>,
      %sub3A_334 = arith.subf %gather3A_332, %gather3A_333 : vector<16xf32>
      %iota3A_335 = tpu.iota {dimensions = array<i32: 0>} : vector<16xi32>
      %add3A_336 = arith.constant 48 : i32
      %add3A_337 = vector.broadcast %add3A_336 : i32 to vector<16xi32>
      %add3A_338 = arith.addi %iota3A_335, %add3A_337 : vector<16xi32>
      %broadcast_in_dim3A_339 = arith.constant 0 : i32
      %broadcast_in_dim3A_340 = vector.broadcast %broadcast_in_dim3A_339 : i32 to vector<16xi32>
      tpu.vector_store_idx %arg19[%add3A_338, %broadcast_in_dim3A_340], %sub3A_328 : memref<80x16xf32, #tpu.memory_space<vmem>>[vector<16xi32>, vector<16xi32>], vector<16xf32>,
      %broadcast_in_dim3A_341 = arith.constant 1 : i32
      %broadcast_in_dim3A_342 = vector.broadcast %broadcast_in_dim3A_341 : i32 to vector<16xi32>
      tpu.vector_store_idx %arg19[%add3A_338, %broadcast_in_dim3A_342], %sub3A_331 : memref<80x16xf32, #tpu.memory_space<vmem>>[vector<16xi32>, vector<16xi32>], vector<16xf32>,
      %broadcast_in_dim3A_343 = arith.constant 2 : i32
      %broadcast_in_dim3A_344 = vector.broadcast %broadcast_in_dim3A_343 : i32 to vector<16xi32>
      tpu.vector_store_idx %arg19[%add3A_338, %broadcast_in_dim3A_344], %sub3A_334 : memref<80x16xf32, #tpu.memory_space<vmem>>[vector<16xi32>, vector<16xi32>], vector<16xf32>,
      %add3A_345 = arith.constant 64 : i32
      %add3A_346 = arith.addi %mul3A_236, %add3A_345 : i32
      %get3A_347 = arith.index_cast %add3A_346 : i32 to index
      %get3A_348 = tpu.vector_load %arg12[%get3A_347] {strides = array<i32>} : memref<10240xi32, #tpu.memory_space<vmem>>, vector<16xi32>,
      %add3A_349 = arith.constant 64 : i32
      %add3A_350 = arith.addi %mul3A_236, %add3A_349 : i32
      %get3A_351 = arith.index_cast %add3A_350 : i32 to index
      %get3A_352 = tpu.vector_load %arg13[%get3A_351] {strides = array<i32>} : memref<10240xi32, #tpu.memory_space<vmem>>, vector<16xi32>,
      %gather3A_353 = tpu.vector_load_idx %arg21[%get3A_348] : memref<10240xf32, #tpu.memory_space<vmem>>[vector<16xi32>], vector<16xf32>,
      %gather3A_354 = tpu.vector_load_idx %arg21[%get3A_352] : memref<10240xf32, #tpu.memory_space<vmem>>[vector<16xi32>], vector<16xf32>,
      %sub3A_355 = arith.subf %gather3A_353, %gather3A_354 : vector<16xf32>
      %gather3A_356 = tpu.vector_load_idx %arg22[%get3A_348] : memref<10240xf32, #tpu.memory_space<vmem>>[vector<16xi32>], vector<16xf32>,
      %gather3A_357 = tpu.vector_load_idx %arg22[%get3A_352] : memref<10240xf32, #tpu.memory_space<vmem>>[vector<16xi32>], vector<16xf32>,
      %sub3A_358 = arith.subf %gather3A_356, %gather3A_357 : vector<16xf32>
      %gather3A_359 = tpu.vector_load_idx %arg23[%get3A_348] : memref<10240xf32, #tpu.memory_space<vmem>>[vector<16xi32>], vector<16xf32>,
      %gather3A_360 = tpu.vector_load_idx %arg23[%get3A_352] : memref<10240xf32, #tpu.memory_space<vmem>>[vector<16xi32>], vector<16xf32>,
      %sub3A_361 = arith.subf %gather3A_359, %gather3A_360 : vector<16xf32>
      %iota3A_362 = tpu.iota {dimensions = array<i32: 0>} : vector<16xi32>
      %add3A_363 = arith.constant 64 : i32
      %add3A_364 = vector.broadcast %add3A_363 : i32 to vector<16xi32>
      %add3A_365 = arith.addi %iota3A_362, %add3A_364 : vector<16xi32>
      %broadcast_in_dim3A_366 = arith.constant 0 : i32
      %broadcast_in_dim3A_367 = vector.broadcast %broadcast_in_dim3A_366 : i32 to vector<16xi32>
      tpu.vector_store_idx %arg19[%add3A_365, %broadcast_in_dim3A_367], %sub3A_355 : memref<80x16xf32, #tpu.memory_space<vmem>>[vector<16xi32>, vector<16xi32>], vector<16xf32>,
      %broadcast_in_dim3A_368 = arith.constant 1 : i32
      %broadcast_in_dim3A_369 = vector.broadcast %broadcast_in_dim3A_368 : i32 to vector<16xi32>
      tpu.vector_store_idx %arg19[%add3A_365, %broadcast_in_dim3A_369], %sub3A_358 : memref<80x16xf32, #tpu.memory_space<vmem>>[vector<16xi32>, vector<16xi32>], vector<16xf32>,
      %broadcast_in_dim3A_370 = arith.constant 2 : i32
      %broadcast_in_dim3A_371 = vector.broadcast %broadcast_in_dim3A_370 : i32 to vector<16xi32>
      tpu.vector_store_idx %arg19[%add3A_365, %broadcast_in_dim3A_371], %sub3A_361 : memref<80x16xf32, #tpu.memory_space<vmem>>[vector<16xi32>, vector<16xi32>], vector<16xf32>,
      %scan3A_372 = arith.constant 0 : i32
      %scan3A_373 = arith.constant 80 : i32
      %scan3A_374 = arith.addi %scan3A_372, %scan3A_373 : i32
      %scan3A_375 = arith.constant 1 : i32
      scf.for %scan3A_402 = %scan3A_372 to %scan3A_374 step %scan3A_375  : i32 {
        %mul3A_403 = arith.constant 1 : i32
        %mul3A_404 = arith.muli %scan3A_402, %mul3A_403 : i32
        %add3A_405 = arith.constant 0 : i32
        %add3A_406 = arith.addi %add3A_405, %mul3A_404 : i32
        %get3A_407 = arith.index_cast %add3A_406 : i32 to index
        %get3A_408 = arith.constant 0 : index
        %get3A_409 = tpu.vector_load %arg19[%get3A_407, %get3A_408] {strides = array<i32>} : memref<80x16xf32, #tpu.memory_space<vmem>>, vector<16xf32>,
        %mul3A_410 = arith.mulf %get3A_409, %get3A_409 : vector<16xf32>
        %reduce_sum3A = arith.constant true
        %reduce_sum3A_411 = vector.broadcast %reduce_sum3A : i1 to vector<16xi1>
        %reduce_sum3A_412 = tpu.scan <sum>, %mul3A_410 masked %reduce_sum3A_411 : vector<16xf32>, vector<16xi1> -> vector<16xf32>
        %reduce_sum3A_413 = vector.extract %reduce_sum3A_412[15] : f32 from vector<16xf32>
        %get3A_414 = arith.index_cast %add3A_406 : i32 to index
        %get3A_415 = arith.constant 0 : index
        %get3A_416 = tpu.vector_load %arg16[%get3A_414, %get3A_415] {strides = array<i32>} : memref<80x128xf32, #tpu.memory_space<vmem>>, vector<16xf32>,
        %get3A_417 = arith.index_cast %add3A_406 : i32 to index
        %get3A_418 = arith.constant 0 : index
        %get3A_419 = tpu.vector_load %arg17[%get3A_417, %get3A_418] {strides = array<i32>} : memref<80x128xf32, #tpu.memory_space<vmem>>, vector<16xf32>,
        %add3A_420 = arith.addf %get3A_416, %get3A_419 : vector<16xf32>
        %mul3A_421 = vector.broadcast %reduce_sum3A_413 : f32 to vector<16xf32>
        %mul3A_422 = arith.mulf %mul3A_421, %get3A_1 : vector<16xf32>
        %add3A_423 = arith.addf %add3A_420, %mul3A_422 : vector<16xf32>
        %swap3A = arith.index_cast %add3A_406 : i32 to index
        %swap3A_424 = arith.constant 0 : index
        %swap3A_425 = tpu.vector_load %arg18[%swap3A, %swap3A_424] {strides = array<i32>} : memref<80x128xf32, #tpu.memory_space<vmem>>, vector<16xf32>,
        tpu.vector_store %arg18[%swap3A, %swap3A_424], %add3A_423 {strides = array<i32>} : memref<80x128xf32, #tpu.memory_space<vmem>>, vector<16xf32>,
        %get3A_426 = arith.index_cast %add3A_406 : i32 to index
        %get3A_427 = arith.constant 16 : index
        %get3A_428 = tpu.vector_load %arg16[%get3A_426, %get3A_427] {strides = array<i32>} : memref<80x128xf32, #tpu.memory_space<vmem>>, vector<16xf32>,
        %get3A_429 = arith.index_cast %add3A_406 : i32 to index
        %get3A_430 = arith.constant 16 : index
        %get3A_431 = tpu.vector_load %arg17[%get3A_429, %get3A_430] {strides = array<i32>} : memref<80x128xf32, #tpu.memory_space<vmem>>, vector<16xf32>,
        %add3A_432 = arith.addf %get3A_428, %get3A_431 : vector<16xf32>
        %mul3A_433 = vector.broadcast %reduce_sum3A_413 : f32 to vector<16xf32>
        %mul3A_434 = arith.mulf %mul3A_433, %get3A_3 : vector<16xf32>
        %add3A_435 = arith.addf %add3A_432, %mul3A_434 : vector<16xf32>
        %swap3A_436 = arith.index_cast %add3A_406 : i32 to index
        %swap3A_437 = arith.constant 16 : index
        %swap3A_438 = tpu.vector_load %arg18[%swap3A_436, %swap3A_437] {strides = array<i32>} : memref<80x128xf32, #tpu.memory_space<vmem>>, vector<16xf32>,
        tpu.vector_store %arg18[%swap3A_436, %swap3A_437], %add3A_435 {strides = array<i32>} : memref<80x128xf32, #tpu.memory_space<vmem>>, vector<16xf32>,
        %get3A_439 = arith.index_cast %add3A_406 : i32 to index
        %get3A_440 = arith.constant 32 : index
        %get3A_441 = tpu.vector_load %arg16[%get3A_439, %get3A_440] {strides = array<i32>} : memref<80x128xf32, #tpu.memory_space<vmem>>, vector<16xf32>,
        %get3A_442 = arith.index_cast %add3A_406 : i32 to index
        %get3A_443 = arith.constant 32 : index
        %get3A_444 = tpu.vector_load %arg17[%get3A_442, %get3A_443] {strides = array<i32>} : memref<80x128xf32, #tpu.memory_space<vmem>>, vector<16xf32>,
        %add3A_445 = arith.addf %get3A_441, %get3A_444 : vector<16xf32>
        %mul3A_446 = vector.broadcast %reduce_sum3A_413 : f32 to vector<16xf32>
        %mul3A_447 = arith.mulf %mul3A_446, %get3A_5 : vector<16xf32>
        %add3A_448 = arith.addf %add3A_445, %mul3A_447 : vector<16xf32>
        %swap3A_449 = arith.index_cast %add3A_406 : i32 to index
        %swap3A_450 = arith.constant 32 : index
        %swap3A_451 = tpu.vector_load %arg18[%swap3A_449, %swap3A_450] {strides = array<i32>} : memref<80x128xf32, #tpu.memory_space<vmem>>, vector<16xf32>,
        tpu.vector_store %arg18[%swap3A_449, %swap3A_450], %add3A_448 {strides = array<i32>} : memref<80x128xf32, #tpu.memory_space<vmem>>, vector<16xf32>,
        %get3A_452 = arith.index_cast %add3A_406 : i32 to index
        %get3A_453 = arith.constant 48 : index
        %get3A_454 = tpu.vector_load %arg16[%get3A_452, %get3A_453] {strides = array<i32>} : memref<80x128xf32, #tpu.memory_space<vmem>>, vector<16xf32>,
        %get3A_455 = arith.index_cast %add3A_406 : i32 to index
        %get3A_456 = arith.constant 48 : index
        %get3A_457 = tpu.vector_load %arg17[%get3A_455, %get3A_456] {strides = array<i32>} : memref<80x128xf32, #tpu.memory_space<vmem>>, vector<16xf32>,
        %add3A_458 = arith.addf %get3A_454, %get3A_457 : vector<16xf32>
        %mul3A_459 = vector.broadcast %reduce_sum3A_413 : f32 to vector<16xf32>
        %mul3A_460 = arith.mulf %mul3A_459, %get3A_7 : vector<16xf32>
        %add3A_461 = arith.addf %add3A_458, %mul3A_460 : vector<16xf32>
        %swap3A_462 = arith.index_cast %add3A_406 : i32 to index
        %swap3A_463 = arith.constant 48 : index
        %swap3A_464 = tpu.vector_load %arg18[%swap3A_462, %swap3A_463] {strides = array<i32>} : memref<80x128xf32, #tpu.memory_space<vmem>>, vector<16xf32>,
        tpu.vector_store %arg18[%swap3A_462, %swap3A_463], %add3A_461 {strides = array<i32>} : memref<80x128xf32, #tpu.memory_space<vmem>>, vector<16xf32>,
        %get3A_465 = arith.index_cast %add3A_406 : i32 to index
        %get3A_466 = arith.constant 64 : index
        %get3A_467 = tpu.vector_load %arg16[%get3A_465, %get3A_466] {strides = array<i32>} : memref<80x128xf32, #tpu.memory_space<vmem>>, vector<16xf32>,
        %get3A_468 = arith.index_cast %add3A_406 : i32 to index
        %get3A_469 = arith.constant 64 : index
        %get3A_470 = tpu.vector_load %arg17[%get3A_468, %get3A_469] {strides = array<i32>} : memref<80x128xf32, #tpu.memory_space<vmem>>, vector<16xf32>,
        %add3A_471 = arith.addf %get3A_467, %get3A_470 : vector<16xf32>
        %mul3A_472 = vector.broadcast %reduce_sum3A_413 : f32 to vector<16xf32>
        %mul3A_473 = arith.mulf %mul3A_472, %get3A_9 : vector<16xf32>
        %add3A_474 = arith.addf %add3A_471, %mul3A_473 : vector<16xf32>
        %swap3A_475 = arith.index_cast %add3A_406 : i32 to index
        %swap3A_476 = arith.constant 64 : index
        %swap3A_477 = tpu.vector_load %arg18[%swap3A_475, %swap3A_476] {strides = array<i32>} : memref<80x128xf32, #tpu.memory_space<vmem>>, vector<16xf32>,
        tpu.vector_store %arg18[%swap3A_475, %swap3A_476], %add3A_474 {strides = array<i32>} : memref<80x128xf32, #tpu.memory_space<vmem>>, vector<16xf32>,
        %get3A_478 = arith.index_cast %add3A_406 : i32 to index
        %get3A_479 = arith.constant 80 : index
        %get3A_480 = tpu.vector_load %arg16[%get3A_478, %get3A_479] {strides = array<i32>} : memref<80x128xf32, #tpu.memory_space<vmem>>, vector<16xf32>,
        %get3A_481 = arith.index_cast %add3A_406 : i32 to index
        %get3A_482 = arith.constant 80 : index
        %get3A_483 = tpu.vector_load %arg17[%get3A_481, %get3A_482] {strides = array<i32>} : memref<80x128xf32, #tpu.memory_space<vmem>>, vector<16xf32>,
        %add3A_484 = arith.addf %get3A_480, %get3A_483 : vector<16xf32>
        %mul3A_485 = vector.broadcast %reduce_sum3A_413 : f32 to vector<16xf32>
        %mul3A_486 = arith.mulf %mul3A_485, %get3A_11 : vector<16xf32>
        %add3A_487 = arith.addf %add3A_484, %mul3A_486 : vector<16xf32>
        %swap3A_488 = arith.index_cast %add3A_406 : i32 to index
        %swap3A_489 = arith.constant 80 : index
        %swap3A_490 = tpu.vector_load %arg18[%swap3A_488, %swap3A_489] {strides = array<i32>} : memref<80x128xf32, #tpu.memory_space<vmem>>, vector<16xf32>,
        tpu.vector_store %arg18[%swap3A_488, %swap3A_489], %add3A_487 {strides = array<i32>} : memref<80x128xf32, #tpu.memory_space<vmem>>, vector<16xf32>,
        %get3A_491 = arith.index_cast %add3A_406 : i32 to index
        %get3A_492 = arith.constant 96 : index
        %get3A_493 = tpu.vector_load %arg16[%get3A_491, %get3A_492] {strides = array<i32>} : memref<80x128xf32, #tpu.memory_space<vmem>>, vector<16xf32>,
        %get3A_494 = arith.index_cast %add3A_406 : i32 to index
        %get3A_495 = arith.constant 96 : index
        %get3A_496 = tpu.vector_load %arg17[%get3A_494, %get3A_495] {strides = array<i32>} : memref<80x128xf32, #tpu.memory_space<vmem>>, vector<16xf32>,
        %add3A_497 = arith.addf %get3A_493, %get3A_496 : vector<16xf32>
        %mul3A_498 = vector.broadcast %reduce_sum3A_413 : f32 to vector<16xf32>
        %mul3A_499 = arith.mulf %mul3A_498, %get3A_13 : vector<16xf32>
        %add3A_500 = arith.addf %add3A_497, %mul3A_499 : vector<16xf32>
        %swap3A_501 = arith.index_cast %add3A_406 : i32 to index
        %swap3A_502 = arith.constant 96 : index
        %swap3A_503 = tpu.vector_load %arg18[%swap3A_501, %swap3A_502] {strides = array<i32>} : memref<80x128xf32, #tpu.memory_space<vmem>>, vector<16xf32>,
        tpu.vector_store %arg18[%swap3A_501, %swap3A_502], %add3A_500 {strides = array<i32>} : memref<80x128xf32, #tpu.memory_space<vmem>>, vector<16xf32>,
        %get3A_504 = arith.index_cast %add3A_406 : i32 to index
        %get3A_505 = arith.constant 112 : index
        %get3A_506 = tpu.vector_load %arg16[%get3A_504, %get3A_505] {strides = array<i32>} : memref<80x128xf32, #tpu.memory_space<vmem>>, vector<16xf32>,
        %get3A_507 = arith.index_cast %add3A_406 : i32 to index
        %get3A_508 = arith.constant 112 : index
        %get3A_509 = tpu.vector_load %arg17[%get3A_507, %get3A_508] {strides = array<i32>} : memref<80x128xf32, #tpu.memory_space<vmem>>, vector<16xf32>,
        %add3A_510 = arith.addf %get3A_506, %get3A_509 : vector<16xf32>
        %mul3A_511 = vector.broadcast %reduce_sum3A_413 : f32 to vector<16xf32>
        %mul3A_512 = arith.mulf %mul3A_511, %get3A_15 : vector<16xf32>
        %add3A_513 = arith.addf %add3A_510, %mul3A_512 : vector<16xf32>
        %swap3A_514 = arith.index_cast %add3A_406 : i32 to index
        %swap3A_515 = arith.constant 112 : index
        %swap3A_516 = tpu.vector_load %arg18[%swap3A_514, %swap3A_515] {strides = array<i32>} : memref<80x128xf32, #tpu.memory_space<vmem>>, vector<16xf32>,
        tpu.vector_store %arg18[%swap3A_514, %swap3A_515], %add3A_513 {strides = array<i32>} : memref<80x128xf32, #tpu.memory_space<vmem>>, vector<16xf32>,
      }
      %scan3A_376 = arith.constant 80 : i32
      %lt3A_377 = arith.constant 126 : i32
      %lt3A_378 = arith.cmpi slt, %add3A_52, %lt3A_377 : i32
      %convert_element_type3A_379 = arith.extui %lt3A_378 : i1 to i32
      %cond3A_380 = arith.constant 0 : i32
      %cond3A_381 = arith.cmpi ne, %convert_element_type3A_379, %cond3A_380 : i32
      scf.if %cond3A_381 {
        %add3A_402 = arith.constant 3 : i32
        %add3A_403 = arith.addi %add3A_52, %add3A_402 : i32
        %mul3A_404 = arith.constant 80 : i32
        %mul3A_405 = arith.muli %add3A_403, %mul3A_404 : i32
        %dma_start3A_406 = tpu.memref_slice %arg12[%mul3A_405] : memref<10240xi32, #tpu.memory_space<vmem>> -> memref<80xi32, #tpu.memory_space<vmem>>
        %dma_start3A_407 = arith.constant 0 : i32
        %dma_start3A_408 = arith.constant 0 : i32
        %dma_start3A_409 = tpu.memref_slice %arg2[%dma_start3A_407, %dma_start3A_408] : memref<10240x128xf32, #tpu.memory_space<hbm>> -> memref<10240x128xf32, #tpu.memory_space<hbm>>
        tpu.enqueue_indirect_dma source(%dma_start3A_409 : memref<10240x128xf32, #tpu.memory_space<hbm>>) target(%arg16 : memref<80x128xf32, #tpu.memory_space<vmem>>) offsets(%dma_start3A_406 : memref<80xi32, #tpu.memory_space<vmem>>) semaphore(%arg25 : memref<!tpu.dma_semaphore, #tpu.memory_space<semaphore_mem>>)
        %mul3A_410 = arith.constant 80 : i32
        %mul3A_411 = arith.muli %add3A_403, %mul3A_410 : i32
        %dma_start3A_412 = tpu.memref_slice %arg13[%mul3A_411] : memref<10240xi32, #tpu.memory_space<vmem>> -> memref<80xi32, #tpu.memory_space<vmem>>
        %dma_start3A_413 = arith.constant 0 : i32
        %dma_start3A_414 = arith.constant 0 : i32
        %dma_start3A_415 = tpu.memref_slice %arg3[%dma_start3A_413, %dma_start3A_414] : memref<10240x128xf32, #tpu.memory_space<hbm>> -> memref<10240x128xf32, #tpu.memory_space<hbm>>
        tpu.enqueue_indirect_dma source(%dma_start3A_415 : memref<10240x128xf32, #tpu.memory_space<hbm>>) target(%arg17 : memref<80x128xf32, #tpu.memory_space<vmem>>) offsets(%dma_start3A_412 : memref<80xi32, #tpu.memory_space<vmem>>) semaphore(%arg25 : memref<!tpu.dma_semaphore, #tpu.memory_space<semaphore_mem>>)
      } else {
      }
      %add3A_382 = arith.constant 80 : i32
      %add3A_383 = arith.addi %add3A_57, %add3A_382 : i32
      %dma_start3A_384 = arith.constant 0 : i32
      %dma_start3A_385 = tpu.memref_slice %arg10[%add3A_383, %dma_start3A_384] : memref<327680x128xf32, #tpu.memory_space<hbm>> -> memref<80x128xf32, #tpu.memory_space<hbm>>
      %dma_start3A_386 = arith.constant 0 : i32
      %dma_start3A_387 = tpu.memref_slice %arg10[%add3A_383, %dma_start3A_386] : memref<327680x128xf32, #tpu.memory_space<hbm>> -> memref<80x128xf32, #tpu.memory_space<hbm>>
      tpu.enqueue_dma source(%arg18 : memref<80x128xf32, #tpu.memory_space<vmem>>) target(%dma_start3A_387 : memref<80x128xf32, #tpu.memory_space<hbm>>) target_semaphore(%arg26 : memref<!tpu.dma_semaphore, #tpu.memory_space<semaphore_mem>>)
      %add3A_388 = arith.constant 80 : i32
      %add3A_389 = arith.addi %add3A_57, %add3A_388 : i32
      %dma_start3A_390 = arith.constant 0 : i32
      %dma_start3A_391 = tpu.memref_slice %arg11[%add3A_389, %dma_start3A_390] : memref<327680x16xf32, #tpu.memory_space<hbm>> -> memref<80x16xf32, #tpu.memory_space<hbm>>
      %dma_start3A_392 = arith.constant 0 : i32
      %dma_start3A_393 = tpu.memref_slice %arg11[%add3A_389, %dma_start3A_392] : memref<327680x16xf32, #tpu.memory_space<hbm>> -> memref<80x16xf32, #tpu.memory_space<hbm>>
      tpu.enqueue_dma source(%arg19 : memref<80x16xf32, #tpu.memory_space<vmem>>) target(%dma_start3A_393 : memref<80x16xf32, #tpu.memory_space<hbm>>) target_semaphore(%arg26 : memref<!tpu.dma_semaphore, #tpu.memory_space<semaphore_mem>>)
      %dma_wait3A_394 = arith.constant 0 : i32
      %dma_wait3A_395 = tpu.memref_slice %arg10[%add3A_383, %dma_wait3A_394] : memref<327680x128xf32, #tpu.memory_space<hbm>> -> memref<80x128xf32, #tpu.memory_space<hbm>>
      %dma_wait3A_396 = arith.constant 0 : i32
      %dma_wait3A_397 = tpu.memref_slice %arg10[%add3A_383, %dma_wait3A_396] : memref<327680x128xf32, #tpu.memory_space<hbm>> -> memref<80x128xf32, #tpu.memory_space<hbm>>
      tpu.wait_dma2 semaphore(%arg26 : memref<!tpu.dma_semaphore, #tpu.memory_space<semaphore_mem>>) src(%arg18 : memref<80x128xf32, #tpu.memory_space<vmem>>) dst(%dma_wait3A_397 : memref<80x128xf32, #tpu.memory_space<hbm>>)
      %dma_wait3A_398 = arith.constant 0 : i32
      %dma_wait3A_399 = tpu.memref_slice %arg11[%add3A_389, %dma_wait3A_398] : memref<327680x16xf32, #tpu.memory_space<hbm>> -> memref<80x16xf32, #tpu.memory_space<hbm>>
      %dma_wait3A_400 = arith.constant 0 : i32
      %dma_wait3A_401 = tpu.memref_slice %arg11[%add3A_389, %dma_wait3A_400] : memref<327680x16xf32, #tpu.memory_space<hbm>> -> memref<80x16xf32, #tpu.memory_space<hbm>>
      tpu.wait_dma2 semaphore(%arg26 : memref<!tpu.dma_semaphore, #tpu.memory_space<semaphore_mem>>) src(%arg19 : memref<80x16xf32, #tpu.memory_space<vmem>>) dst(%dma_wait3A_401 : memref<80x16xf32, #tpu.memory_space<hbm>>)
    }
    %scan3A_47 = arith.constant 64 : i32
    return
  }
}

#map = affine_map<(d0, d1) -> (0)>
#map1 = affine_map<(d0, d1) -> (0, 0)>
#map2 = affine_map<(d0, d1) -> (0, 0, 0)>
module attributes {stable_mosaic.version = 14 : i64} {
  func.func @_sc_scatter_body(%arg0: i32, %arg1: i32, %arg2: memref<327680xi32, #tpu.memory_space<hbm>>, %arg3: memref<81920x128xf32, #tpu.memory_space<hbm>>, %arg4: memref<4x32x81920xf32, #tpu.memory_space<hbm>>, %arg5: memref<10240xi32, #tpu.memory_space<vmem>>, %arg6: memref<80x128xf32, #tpu.memory_space<vmem>>, %arg7: memref<80x128xf32, #tpu.memory_space<vmem>>, %arg8: memref<81920xf32, #tpu.memory_space<vmem>>, %arg9: memref<!tpu.dma_semaphore, #tpu.memory_space<semaphore_mem>>, %arg10: memref<!tpu.dma_semaphore, #tpu.memory_space<semaphore_mem>>) attributes {dimension_semantics = [#tpu.dimension_semantics<core_parallel>, #tpu.dimension_semantics<subcore_parallel>], iteration_bounds = array<i64: 2, 16>, scalar_prefetch = 0 : i64, scratch_operands = 6 : i64, tpu.core_type = #tpu.core_type<sc_vector_subcore>, window_params = [{transform_indices = #map}, {transform_indices = #map1}, {transform_indices = #map2}]} {
    %mul3A = arith.constant 2 : i32
    %mul3A_0 = arith.muli %arg1, %mul3A : i32
    %add3A = arith.addi %mul3A_0, %arg0 : i32
    %iota3A = tpu.iota {dimensions = array<i32: 0>} : vector<16xi32>
    %mul3A_1 = arith.constant 10240 : i32
    %mul3A_2 = arith.muli %add3A, %mul3A_1 : i32
    "tpu.region"() ({
      %run_scoped3A_81 = tpu.sem_alloc : memref<!tpu.dma_semaphore, #tpu.memory_space<semaphore_mem>>
      %dma_start3A = tpu.memref_slice %arg2[%mul3A_2] : memref<327680xi32, #tpu.memory_space<hbm>> -> memref<10240xi32, #tpu.memory_space<hbm>>
      %dma_start3A_82 = tpu.memref_slice %arg2[%mul3A_2] : memref<327680xi32, #tpu.memory_space<hbm>> -> memref<10240xi32, #tpu.memory_space<hbm>>
      tpu.enqueue_dma source(%dma_start3A_82 : memref<10240xi32, #tpu.memory_space<hbm>>) target(%arg5 : memref<10240xi32, #tpu.memory_space<vmem>>) target_semaphore(%run_scoped3A_81 : memref<!tpu.dma_semaphore, #tpu.memory_space<semaphore_mem>>)
      %dma_wait3A = tpu.memref_slice %arg2[%mul3A_2] : memref<327680xi32, #tpu.memory_space<hbm>> -> memref<10240xi32, #tpu.memory_space<hbm>>
      %dma_wait3A_83 = tpu.memref_slice %arg2[%mul3A_2] : memref<327680xi32, #tpu.memory_space<hbm>> -> memref<10240xi32, #tpu.memory_space<hbm>>
      tpu.wait_dma2 semaphore(%run_scoped3A_81 : memref<!tpu.dma_semaphore, #tpu.memory_space<semaphore_mem>>) src(%dma_wait3A_83 : memref<10240xi32, #tpu.memory_space<hbm>>) dst(%arg5 : memref<10240xi32, #tpu.memory_space<vmem>>)
      tpu.yield
    }) : () -> ()
    %scan3A = arith.constant 0 : i32
    %scan3A_3 = arith.constant 1280 : i32
    %scan3A_4 = arith.addi %scan3A, %scan3A_3 : i32
    %scan3A_5 = arith.constant 1 : i32
    scf.for %scan3A_81 = %scan3A to %scan3A_4 step %scan3A_5  : i32 {
      %mul3A_82 = arith.constant 1 : i32
      %mul3A_83 = arith.muli %scan3A_81, %mul3A_82 : i32
      %add3A_84 = arith.constant 0 : i32
      %add3A_85 = arith.addi %add3A_84, %mul3A_83 : i32
      %broadcast_in_dim3A = arith.constant 0.000000e+00 : f32
      %broadcast_in_dim3A_86 = vector.broadcast %broadcast_in_dim3A : f32 to vector<16xf32>
      %mul3A_87 = arith.constant 64 : i32
      %mul3A_88 = arith.muli %mul3A_87, %add3A_85 : i32
      %add3A_89 = arith.constant 0 : i32
      %add3A_90 = arith.addi %mul3A_88, %add3A_89 : i32
      %swap3A = arith.index_cast %add3A_90 : i32 to index
      %swap3A_91 = tpu.vector_load %arg8[%swap3A] {strides = array<i32>} : memref<81920xf32, #tpu.memory_space<vmem>>, vector<16xf32>,
      tpu.vector_store %arg8[%swap3A], %broadcast_in_dim3A_86 {strides = array<i32>} : memref<81920xf32, #tpu.memory_space<vmem>>, vector<16xf32>,
      %broadcast_in_dim3A_92 = arith.constant 0.000000e+00 : f32
      %broadcast_in_dim3A_93 = vector.broadcast %broadcast_in_dim3A_92 : f32 to vector<16xf32>
      %mul3A_94 = arith.constant 64 : i32
      %mul3A_95 = arith.muli %mul3A_94, %add3A_85 : i32
      %add3A_96 = arith.constant 16 : i32
      %add3A_97 = arith.addi %mul3A_95, %add3A_96 : i32
      %swap3A_98 = arith.index_cast %add3A_97 : i32 to index
      %swap3A_99 = tpu.vector_load %arg8[%swap3A_98] {strides = array<i32>} : memref<81920xf32, #tpu.memory_space<vmem>>, vector<16xf32>,
      tpu.vector_store %arg8[%swap3A_98], %broadcast_in_dim3A_93 {strides = array<i32>} : memref<81920xf32, #tpu.memory_space<vmem>>, vector<16xf32>,
      %broadcast_in_dim3A_100 = arith.constant 0.000000e+00 : f32
      %broadcast_in_dim3A_101 = vector.broadcast %broadcast_in_dim3A_100 : f32 to vector<16xf32>
      %mul3A_102 = arith.constant 64 : i32
      %mul3A_103 = arith.muli %mul3A_102, %add3A_85 : i32
      %add3A_104 = arith.constant 32 : i32
      %add3A_105 = arith.addi %mul3A_103, %add3A_104 : i32
      %swap3A_106 = arith.index_cast %add3A_105 : i32 to index
      %swap3A_107 = tpu.vector_load %arg8[%swap3A_106] {strides = array<i32>} : memref<81920xf32, #tpu.memory_space<vmem>>, vector<16xf32>,
      tpu.vector_store %arg8[%swap3A_106], %broadcast_in_dim3A_101 {strides = array<i32>} : memref<81920xf32, #tpu.memory_space<vmem>>, vector<16xf32>,
      %broadcast_in_dim3A_108 = arith.constant 0.000000e+00 : f32
      %broadcast_in_dim3A_109 = vector.broadcast %broadcast_in_dim3A_108 : f32 to vector<16xf32>
      %mul3A_110 = arith.constant 64 : i32
      %mul3A_111 = arith.muli %mul3A_110, %add3A_85 : i32
      %add3A_112 = arith.constant 48 : i32
      %add3A_113 = arith.addi %mul3A_111, %add3A_112 : i32
      %swap3A_114 = arith.index_cast %add3A_113 : i32 to index
      %swap3A_115 = tpu.vector_load %arg8[%swap3A_114] {strides = array<i32>} : memref<81920xf32, #tpu.memory_space<vmem>>, vector<16xf32>,
      tpu.vector_store %arg8[%swap3A_114], %broadcast_in_dim3A_109 {strides = array<i32>} : memref<81920xf32, #tpu.memory_space<vmem>>, vector<16xf32>,
    }
    %scan3A_6 = arith.constant 1280 : i32
    %sub3A = arith.constant 0 : i32
    %sub3A_7 = vector.broadcast %sub3A : i32 to vector<16xi32>
    %sub3A_8 = arith.subi %iota3A, %sub3A_7 : vector<16xi32>
    %ge3A = arith.constant 0 : i32
    %ge3A_9 = vector.broadcast %ge3A : i32 to vector<16xi32>
    %ge3A_10 = arith.cmpi sge, %iota3A, %ge3A_9 : vector<16xi32>
    %lt3A = arith.constant 8 : i32
    %lt3A_11 = vector.broadcast %lt3A : i32 to vector<16xi32>
    %lt3A_12 = arith.cmpi slt, %iota3A, %lt3A_11 : vector<16xi32>
    %and3A = arith.andi %ge3A_10, %lt3A_12 : vector<16xi1>
    %scan3A_13 = arith.constant 0 : i32
    %scan3A_14 = arith.constant 16 : i32
    %scan3A_15 = arith.addi %scan3A_13, %scan3A_14 : i32
    %scan3A_16 = arith.constant 1 : i32
    scf.for %scan3A_81 = %scan3A_13 to %scan3A_15 step %scan3A_16  : i32 {
      %mul3A_82 = arith.constant 2 : i32
      %mul3A_83 = arith.muli %scan3A_81, %mul3A_82 : i32
      %add3A_84 = arith.constant 0 : i32
      %add3A_85 = arith.addi %add3A_84, %mul3A_83 : i32
      %mul3A_86 = arith.constant 2560 : i32
      %mul3A_87 = arith.muli %add3A, %mul3A_86 : i32
      %mul3A_88 = arith.constant 80 : i32
      %mul3A_89 = arith.muli %add3A_85, %mul3A_88 : i32
      %add3A_90 = arith.addi %mul3A_87, %mul3A_89 : i32
      %dma_start3A = arith.constant 0 : i32
      %dma_start3A_91 = tpu.memref_slice %arg3[%add3A_90, %dma_start3A] : memref<81920x128xf32, #tpu.memory_space<hbm>> -> memref<80x128xf32, #tpu.memory_space<hbm>>
      %dma_start3A_92 = arith.constant 0 : i32
      %dma_start3A_93 = tpu.memref_slice %arg3[%add3A_90, %dma_start3A_92] : memref<81920x128xf32, #tpu.memory_space<hbm>> -> memref<80x128xf32, #tpu.memory_space<hbm>>
      tpu.enqueue_dma source(%dma_start3A_93 : memref<80x128xf32, #tpu.memory_space<hbm>>) target(%arg6 : memref<80x128xf32, #tpu.memory_space<vmem>>) target_semaphore(%arg9 : memref<!tpu.dma_semaphore, #tpu.memory_space<semaphore_mem>>)
      %add3A_94 = arith.constant 80 : i32
      %add3A_95 = arith.addi %add3A_90, %add3A_94 : i32
      %dma_start3A_96 = arith.constant 0 : i32
      %dma_start3A_97 = tpu.memref_slice %arg3[%add3A_95, %dma_start3A_96] : memref<81920x128xf32, #tpu.memory_space<hbm>> -> memref<80x128xf32, #tpu.memory_space<hbm>>
      %dma_start3A_98 = arith.constant 0 : i32
      %dma_start3A_99 = tpu.memref_slice %arg3[%add3A_95, %dma_start3A_98] : memref<81920x128xf32, #tpu.memory_space<hbm>> -> memref<80x128xf32, #tpu.memory_space<hbm>>
      tpu.enqueue_dma source(%dma_start3A_99 : memref<80x128xf32, #tpu.memory_space<hbm>>) target(%arg7 : memref<80x128xf32, #tpu.memory_space<vmem>>) target_semaphore(%arg10 : memref<!tpu.dma_semaphore, #tpu.memory_space<semaphore_mem>>)
      %dma_wait3A = arith.constant 0 : i32
      %dma_wait3A_100 = tpu.memref_slice %arg3[%add3A_90, %dma_wait3A] : memref<81920x128xf32, #tpu.memory_space<hbm>> -> memref<80x128xf32, #tpu.memory_space<hbm>>
      %dma_wait3A_101 = arith.constant 0 : i32
      %dma_wait3A_102 = tpu.memref_slice %arg3[%add3A_90, %dma_wait3A_101] : memref<81920x128xf32, #tpu.memory_space<hbm>> -> memref<80x128xf32, #tpu.memory_space<hbm>>
      tpu.wait_dma2 semaphore(%arg9 : memref<!tpu.dma_semaphore, #tpu.memory_space<semaphore_mem>>) src(%dma_wait3A_102 : memref<80x128xf32, #tpu.memory_space<hbm>>) dst(%arg6 : memref<80x128xf32, #tpu.memory_space<vmem>>)
      %scan3A_103 = arith.constant 0 : i32
      %scan3A_104 = arith.constant 20 : i32
      %scan3A_105 = arith.addi %scan3A_103, %scan3A_104 : i32
      %scan3A_106 = arith.constant 1 : i32
      scf.for %scan3A_119 = %scan3A_103 to %scan3A_105 step %scan3A_106  : i32 {
        %mul3A_120 = arith.constant 1 : i32
        %mul3A_121 = arith.muli %scan3A_119, %mul3A_120 : i32
        %add3A_122 = arith.constant 0 : i32
        %add3A_123 = arith.addi %add3A_122, %mul3A_121 : i32
        %mul3A_124 = arith.constant 320 : i32
        %mul3A_125 = arith.muli %add3A_85, %mul3A_124 : i32
        %mul3A_126 = arith.constant 16 : i32
        %mul3A_127 = arith.muli %mul3A_126, %add3A_123 : i32
        %add3A_128 = arith.addi %mul3A_125, %mul3A_127 : i32
        %get3A = arith.index_cast %add3A_128 : i32 to index
        %get3A_129 = tpu.vector_load %arg5[%get3A] {strides = array<i32>} : memref<10240xi32, #tpu.memory_space<vmem>>, vector<16xi32>,
        %slice3A = vector.extract_strided_slice %get3A_129 {offsets = [0], sizes = [1], strides = [1]} : vector<16xi32> to vector<1xi32>
        %squeeze3A = vector.extract %slice3A[0] : i32 from vector<1xi32>
        %mul3A_130 = arith.constant 8 : i32
        %mul3A_131 = arith.muli %squeeze3A, %mul3A_130 : i32
        %add3A_132 = vector.broadcast %mul3A_131 : i32 to vector<16xi32>
        %add3A_133 = arith.addi %add3A_132, %sub3A_8 : vector<16xi32>
        %mul3A_134 = arith.constant 4 : i32
        %mul3A_135 = arith.muli %mul3A_134, %add3A_123 : i32
        %add3A_136 = arith.constant 0 : i32
        %add3A_137 = arith.addi %mul3A_135, %add3A_136 : i32
        %get3A_138 = arith.index_cast %add3A_137 : i32 to index
        %get3A_139 = arith.constant 0 : index
        %get3A_140 = tpu.vector_load %arg6[%get3A_138, %get3A_139] {strides = array<i32>} : memref<80x128xf32, #tpu.memory_space<vmem>>, vector<16xf32>,
        tpu.vector_store_idx %arg8[%add3A_133], %get3A_140 masked %and3A {add = true} : memref<81920xf32, #tpu.memory_space<vmem>>[vector<16xi32>], vector<16xf32>, vector<16xi1>
        %slice3A_141 = vector.extract_strided_slice %get3A_129 {offsets = [1], sizes = [1], strides = [1]} : vector<16xi32> to vector<1xi32>
        %squeeze3A_142 = vector.extract %slice3A_141[0] : i32 from vector<1xi32>
        %mul3A_143 = arith.constant 8 : i32
        %mul3A_144 = arith.muli %squeeze3A_142, %mul3A_143 : i32
        %add3A_145 = vector.broadcast %mul3A_144 : i32 to vector<16xi32>
        %add3A_146 = arith.addi %add3A_145, %sub3A_8 : vector<16xi32>
        %mul3A_147 = arith.constant 4 : i32
        %mul3A_148 = arith.muli %mul3A_147, %add3A_123 : i32
        %add3A_149 = arith.constant 0 : i32
        %add3A_150 = arith.addi %mul3A_148, %add3A_149 : i32
        %get3A_151 = arith.index_cast %add3A_150 : i32 to index
        %get3A_152 = arith.constant 32 : index
        %get3A_153 = tpu.vector_load %arg6[%get3A_151, %get3A_152] {strides = array<i32>} : memref<80x128xf32, #tpu.memory_space<vmem>>, vector<16xf32>,
        tpu.vector_store_idx %arg8[%add3A_146], %get3A_153 masked %and3A {add = true} : memref<81920xf32, #tpu.memory_space<vmem>>[vector<16xi32>], vector<16xf32>, vector<16xi1>
        %slice3A_154 = vector.extract_strided_slice %get3A_129 {offsets = [2], sizes = [1], strides = [1]} : vector<16xi32> to vector<1xi32>
        %squeeze3A_155 = vector.extract %slice3A_154[0] : i32 from vector<1xi32>
        %mul3A_156 = arith.constant 8 : i32
        %mul3A_157 = arith.muli %squeeze3A_155, %mul3A_156 : i32
        %add3A_158 = vector.broadcast %mul3A_157 : i32 to vector<16xi32>
        %add3A_159 = arith.addi %add3A_158, %sub3A_8 : vector<16xi32>
        %mul3A_160 = arith.constant 4 : i32
        %mul3A_161 = arith.muli %mul3A_160, %add3A_123 : i32
        %add3A_162 = arith.constant 0 : i32
        %add3A_163 = arith.addi %mul3A_161, %add3A_162 : i32
        %get3A_164 = arith.index_cast %add3A_163 : i32 to index
        %get3A_165 = arith.constant 64 : index
        %get3A_166 = tpu.vector_load %arg6[%get3A_164, %get3A_165] {strides = array<i32>} : memref<80x128xf32, #tpu.memory_space<vmem>>, vector<16xf32>,
        tpu.vector_store_idx %arg8[%add3A_159], %get3A_166 masked %and3A {add = true} : memref<81920xf32, #tpu.memory_space<vmem>>[vector<16xi32>], vector<16xf32>, vector<16xi1>
        %slice3A_167 = vector.extract_strided_slice %get3A_129 {offsets = [3], sizes = [1], strides = [1]} : vector<16xi32> to vector<1xi32>
        %squeeze3A_168 = vector.extract %slice3A_167[0] : i32 from vector<1xi32>
        %mul3A_169 = arith.constant 8 : i32
        %mul3A_170 = arith.muli %squeeze3A_168, %mul3A_169 : i32
        %add3A_171 = vector.broadcast %mul3A_170 : i32 to vector<16xi32>
        %add3A_172 = arith.addi %add3A_171, %sub3A_8 : vector<16xi32>
        %mul3A_173 = arith.constant 4 : i32
        %mul3A_174 = arith.muli %mul3A_173, %add3A_123 : i32
        %add3A_175 = arith.constant 0 : i32
        %add3A_176 = arith.addi %mul3A_174, %add3A_175 : i32
        %get3A_177 = arith.index_cast %add3A_176 : i32 to index
        %get3A_178 = arith.constant 96 : index
        %get3A_179 = tpu.vector_load %arg6[%get3A_177, %get3A_178] {strides = array<i32>} : memref<80x128xf32, #tpu.memory_space<vmem>>, vector<16xf32>,
        tpu.vector_store_idx %arg8[%add3A_172], %get3A_179 masked %and3A {add = true} : memref<81920xf32, #tpu.memory_space<vmem>>[vector<16xi32>], vector<16xf32>, vector<16xi1>
        %slice3A_180 = vector.extract_strided_slice %get3A_129 {offsets = [4], sizes = [1], strides = [1]} : vector<16xi32> to vector<1xi32>
        %squeeze3A_181 = vector.extract %slice3A_180[0] : i32 from vector<1xi32>
        %mul3A_182 = arith.constant 8 : i32
        %mul3A_183 = arith.muli %squeeze3A_181, %mul3A_182 : i32
        %add3A_184 = vector.broadcast %mul3A_183 : i32 to vector<16xi32>
        %add3A_185 = arith.addi %add3A_184, %sub3A_8 : vector<16xi32>
        %mul3A_186 = arith.constant 4 : i32
        %mul3A_187 = arith.muli %mul3A_186, %add3A_123 : i32
        %add3A_188 = arith.constant 1 : i32
        %add3A_189 = arith.addi %mul3A_187, %add3A_188 : i32
        %get3A_190 = arith.index_cast %add3A_189 : i32 to index
        %get3A_191 = arith.constant 0 : index
        %get3A_192 = tpu.vector_load %arg6[%get3A_190, %get3A_191] {strides = array<i32>} : memref<80x128xf32, #tpu.memory_space<vmem>>, vector<16xf32>,
        tpu.vector_store_idx %arg8[%add3A_185], %get3A_192 masked %and3A {add = true} : memref<81920xf32, #tpu.memory_space<vmem>>[vector<16xi32>], vector<16xf32>, vector<16xi1>
        %slice3A_193 = vector.extract_strided_slice %get3A_129 {offsets = [5], sizes = [1], strides = [1]} : vector<16xi32> to vector<1xi32>
        %squeeze3A_194 = vector.extract %slice3A_193[0] : i32 from vector<1xi32>
        %mul3A_195 = arith.constant 8 : i32
        %mul3A_196 = arith.muli %squeeze3A_194, %mul3A_195 : i32
        %add3A_197 = vector.broadcast %mul3A_196 : i32 to vector<16xi32>
        %add3A_198 = arith.addi %add3A_197, %sub3A_8 : vector<16xi32>
        %mul3A_199 = arith.constant 4 : i32
        %mul3A_200 = arith.muli %mul3A_199, %add3A_123 : i32
        %add3A_201 = arith.constant 1 : i32
        %add3A_202 = arith.addi %mul3A_200, %add3A_201 : i32
        %get3A_203 = arith.index_cast %add3A_202 : i32 to index
        %get3A_204 = arith.constant 32 : index
        %get3A_205 = tpu.vector_load %arg6[%get3A_203, %get3A_204] {strides = array<i32>} : memref<80x128xf32, #tpu.memory_space<vmem>>, vector<16xf32>,
        tpu.vector_store_idx %arg8[%add3A_198], %get3A_205 masked %and3A {add = true} : memref<81920xf32, #tpu.memory_space<vmem>>[vector<16xi32>], vector<16xf32>, vector<16xi1>
        %slice3A_206 = vector.extract_strided_slice %get3A_129 {offsets = [6], sizes = [1], strides = [1]} : vector<16xi32> to vector<1xi32>
        %squeeze3A_207 = vector.extract %slice3A_206[0] : i32 from vector<1xi32>
        %mul3A_208 = arith.constant 8 : i32
        %mul3A_209 = arith.muli %squeeze3A_207, %mul3A_208 : i32
        %add3A_210 = vector.broadcast %mul3A_209 : i32 to vector<16xi32>
        %add3A_211 = arith.addi %add3A_210, %sub3A_8 : vector<16xi32>
        %mul3A_212 = arith.constant 4 : i32
        %mul3A_213 = arith.muli %mul3A_212, %add3A_123 : i32
        %add3A_214 = arith.constant 1 : i32
        %add3A_215 = arith.addi %mul3A_213, %add3A_214 : i32
        %get3A_216 = arith.index_cast %add3A_215 : i32 to index
        %get3A_217 = arith.constant 64 : index
        %get3A_218 = tpu.vector_load %arg6[%get3A_216, %get3A_217] {strides = array<i32>} : memref<80x128xf32, #tpu.memory_space<vmem>>, vector<16xf32>,
        tpu.vector_store_idx %arg8[%add3A_211], %get3A_218 masked %and3A {add = true} : memref<81920xf32, #tpu.memory_space<vmem>>[vector<16xi32>], vector<16xf32>, vector<16xi1>
        %slice3A_219 = vector.extract_strided_slice %get3A_129 {offsets = [7], sizes = [1], strides = [1]} : vector<16xi32> to vector<1xi32>
        %squeeze3A_220 = vector.extract %slice3A_219[0] : i32 from vector<1xi32>
        %mul3A_221 = arith.constant 8 : i32
        %mul3A_222 = arith.muli %squeeze3A_220, %mul3A_221 : i32
        %add3A_223 = vector.broadcast %mul3A_222 : i32 to vector<16xi32>
        %add3A_224 = arith.addi %add3A_223, %sub3A_8 : vector<16xi32>
        %mul3A_225 = arith.constant 4 : i32
        %mul3A_226 = arith.muli %mul3A_225, %add3A_123 : i32
        %add3A_227 = arith.constant 1 : i32
        %add3A_228 = arith.addi %mul3A_226, %add3A_227 : i32
        %get3A_229 = arith.index_cast %add3A_228 : i32 to index
        %get3A_230 = arith.constant 96 : index
        %get3A_231 = tpu.vector_load %arg6[%get3A_229, %get3A_230] {strides = array<i32>} : memref<80x128xf32, #tpu.memory_space<vmem>>, vector<16xf32>,
        tpu.vector_store_idx %arg8[%add3A_224], %get3A_231 masked %and3A {add = true} : memref<81920xf32, #tpu.memory_space<vmem>>[vector<16xi32>], vector<16xf32>, vector<16xi1>
        %slice3A_232 = vector.extract_strided_slice %get3A_129 {offsets = [8], sizes = [1], strides = [1]} : vector<16xi32> to vector<1xi32>
        %squeeze3A_233 = vector.extract %slice3A_232[0] : i32 from vector<1xi32>
        %mul3A_234 = arith.constant 8 : i32
        %mul3A_235 = arith.muli %squeeze3A_233, %mul3A_234 : i32
        %add3A_236 = vector.broadcast %mul3A_235 : i32 to vector<16xi32>
        %add3A_237 = arith.addi %add3A_236, %sub3A_8 : vector<16xi32>
        %mul3A_238 = arith.constant 4 : i32
        %mul3A_239 = arith.muli %mul3A_238, %add3A_123 : i32
        %add3A_240 = arith.constant 2 : i32
        %add3A_241 = arith.addi %mul3A_239, %add3A_240 : i32
        %get3A_242 = arith.index_cast %add3A_241 : i32 to index
        %get3A_243 = arith.constant 0 : index
        %get3A_244 = tpu.vector_load %arg6[%get3A_242, %get3A_243] {strides = array<i32>} : memref<80x128xf32, #tpu.memory_space<vmem>>, vector<16xf32>,
        tpu.vector_store_idx %arg8[%add3A_237], %get3A_244 masked %and3A {add = true} : memref<81920xf32, #tpu.memory_space<vmem>>[vector<16xi32>], vector<16xf32>, vector<16xi1>
        %slice3A_245 = vector.extract_strided_slice %get3A_129 {offsets = [9], sizes = [1], strides = [1]} : vector<16xi32> to vector<1xi32>
        %squeeze3A_246 = vector.extract %slice3A_245[0] : i32 from vector<1xi32>
        %mul3A_247 = arith.constant 8 : i32
        %mul3A_248 = arith.muli %squeeze3A_246, %mul3A_247 : i32
        %add3A_249 = vector.broadcast %mul3A_248 : i32 to vector<16xi32>
        %add3A_250 = arith.addi %add3A_249, %sub3A_8 : vector<16xi32>
        %mul3A_251 = arith.constant 4 : i32
        %mul3A_252 = arith.muli %mul3A_251, %add3A_123 : i32
        %add3A_253 = arith.constant 2 : i32
        %add3A_254 = arith.addi %mul3A_252, %add3A_253 : i32
        %get3A_255 = arith.index_cast %add3A_254 : i32 to index
        %get3A_256 = arith.constant 32 : index
        %get3A_257 = tpu.vector_load %arg6[%get3A_255, %get3A_256] {strides = array<i32>} : memref<80x128xf32, #tpu.memory_space<vmem>>, vector<16xf32>,
        tpu.vector_store_idx %arg8[%add3A_250], %get3A_257 masked %and3A {add = true} : memref<81920xf32, #tpu.memory_space<vmem>>[vector<16xi32>], vector<16xf32>, vector<16xi1>
        %slice3A_258 = vector.extract_strided_slice %get3A_129 {offsets = [10], sizes = [1], strides = [1]} : vector<16xi32> to vector<1xi32>
        %squeeze3A_259 = vector.extract %slice3A_258[0] : i32 from vector<1xi32>
        %mul3A_260 = arith.constant 8 : i32
        %mul3A_261 = arith.muli %squeeze3A_259, %mul3A_260 : i32
        %add3A_262 = vector.broadcast %mul3A_261 : i32 to vector<16xi32>
        %add3A_263 = arith.addi %add3A_262, %sub3A_8 : vector<16xi32>
        %mul3A_264 = arith.constant 4 : i32
        %mul3A_265 = arith.muli %mul3A_264, %add3A_123 : i32
        %add3A_266 = arith.constant 2 : i32
        %add3A_267 = arith.addi %mul3A_265, %add3A_266 : i32
        %get3A_268 = arith.index_cast %add3A_267 : i32 to index
        %get3A_269 = arith.constant 64 : index
        %get3A_270 = tpu.vector_load %arg6[%get3A_268, %get3A_269] {strides = array<i32>} : memref<80x128xf32, #tpu.memory_space<vmem>>, vector<16xf32>,
        tpu.vector_store_idx %arg8[%add3A_263], %get3A_270 masked %and3A {add = true} : memref<81920xf32, #tpu.memory_space<vmem>>[vector<16xi32>], vector<16xf32>, vector<16xi1>
        %slice3A_271 = vector.extract_strided_slice %get3A_129 {offsets = [11], sizes = [1], strides = [1]} : vector<16xi32> to vector<1xi32>
        %squeeze3A_272 = vector.extract %slice3A_271[0] : i32 from vector<1xi32>
        %mul3A_273 = arith.constant 8 : i32
        %mul3A_274 = arith.muli %squeeze3A_272, %mul3A_273 : i32
        %add3A_275 = vector.broadcast %mul3A_274 : i32 to vector<16xi32>
        %add3A_276 = arith.addi %add3A_275, %sub3A_8 : vector<16xi32>
        %mul3A_277 = arith.constant 4 : i32
        %mul3A_278 = arith.muli %mul3A_277, %add3A_123 : i32
        %add3A_279 = arith.constant 2 : i32
        %add3A_280 = arith.addi %mul3A_278, %add3A_279 : i32
        %get3A_281 = arith.index_cast %add3A_280 : i32 to index
        %get3A_282 = arith.constant 96 : index
        %get3A_283 = tpu.vector_load %arg6[%get3A_281, %get3A_282] {strides = array<i32>} : memref<80x128xf32, #tpu.memory_space<vmem>>, vector<16xf32>,
        tpu.vector_store_idx %arg8[%add3A_276], %get3A_283 masked %and3A {add = true} : memref<81920xf32, #tpu.memory_space<vmem>>[vector<16xi32>], vector<16xf32>, vector<16xi1>
        %slice3A_284 = vector.extract_strided_slice %get3A_129 {offsets = [12], sizes = [1], strides = [1]} : vector<16xi32> to vector<1xi32>
        %squeeze3A_285 = vector.extract %slice3A_284[0] : i32 from vector<1xi32>
        %mul3A_286 = arith.constant 8 : i32
        %mul3A_287 = arith.muli %squeeze3A_285, %mul3A_286 : i32
        %add3A_288 = vector.broadcast %mul3A_287 : i32 to vector<16xi32>
        %add3A_289 = arith.addi %add3A_288, %sub3A_8 : vector<16xi32>
        %mul3A_290 = arith.constant 4 : i32
        %mul3A_291 = arith.muli %mul3A_290, %add3A_123 : i32
        %add3A_292 = arith.constant 3 : i32
        %add3A_293 = arith.addi %mul3A_291, %add3A_292 : i32
        %get3A_294 = arith.index_cast %add3A_293 : i32 to index
        %get3A_295 = arith.constant 0 : index
        %get3A_296 = tpu.vector_load %arg6[%get3A_294, %get3A_295] {strides = array<i32>} : memref<80x128xf32, #tpu.memory_space<vmem>>, vector<16xf32>,
        tpu.vector_store_idx %arg8[%add3A_289], %get3A_296 masked %and3A {add = true} : memref<81920xf32, #tpu.memory_space<vmem>>[vector<16xi32>], vector<16xf32>, vector<16xi1>
        %slice3A_297 = vector.extract_strided_slice %get3A_129 {offsets = [13], sizes = [1], strides = [1]} : vector<16xi32> to vector<1xi32>
        %squeeze3A_298 = vector.extract %slice3A_297[0] : i32 from vector<1xi32>
        %mul3A_299 = arith.constant 8 : i32
        %mul3A_300 = arith.muli %squeeze3A_298, %mul3A_299 : i32
        %add3A_301 = vector.broadcast %mul3A_300 : i32 to vector<16xi32>
        %add3A_302 = arith.addi %add3A_301, %sub3A_8 : vector<16xi32>
        %mul3A_303 = arith.constant 4 : i32
        %mul3A_304 = arith.muli %mul3A_303, %add3A_123 : i32
        %add3A_305 = arith.constant 3 : i32
        %add3A_306 = arith.addi %mul3A_304, %add3A_305 : i32
        %get3A_307 = arith.index_cast %add3A_306 : i32 to index
        %get3A_308 = arith.constant 32 : index
        %get3A_309 = tpu.vector_load %arg6[%get3A_307, %get3A_308] {strides = array<i32>} : memref<80x128xf32, #tpu.memory_space<vmem>>, vector<16xf32>,
        tpu.vector_store_idx %arg8[%add3A_302], %get3A_309 masked %and3A {add = true} : memref<81920xf32, #tpu.memory_space<vmem>>[vector<16xi32>], vector<16xf32>, vector<16xi1>
        %slice3A_310 = vector.extract_strided_slice %get3A_129 {offsets = [14], sizes = [1], strides = [1]} : vector<16xi32> to vector<1xi32>
        %squeeze3A_311 = vector.extract %slice3A_310[0] : i32 from vector<1xi32>
        %mul3A_312 = arith.constant 8 : i32
        %mul3A_313 = arith.muli %squeeze3A_311, %mul3A_312 : i32
        %add3A_314 = vector.broadcast %mul3A_313 : i32 to vector<16xi32>
        %add3A_315 = arith.addi %add3A_314, %sub3A_8 : vector<16xi32>
        %mul3A_316 = arith.constant 4 : i32
        %mul3A_317 = arith.muli %mul3A_316, %add3A_123 : i32
        %add3A_318 = arith.constant 3 : i32
        %add3A_319 = arith.addi %mul3A_317, %add3A_318 : i32
        %get3A_320 = arith.index_cast %add3A_319 : i32 to index
        %get3A_321 = arith.constant 64 : index
        %get3A_322 = tpu.vector_load %arg6[%get3A_320, %get3A_321] {strides = array<i32>} : memref<80x128xf32, #tpu.memory_space<vmem>>, vector<16xf32>,
        tpu.vector_store_idx %arg8[%add3A_315], %get3A_322 masked %and3A {add = true} : memref<81920xf32, #tpu.memory_space<vmem>>[vector<16xi32>], vector<16xf32>, vector<16xi1>
        %slice3A_323 = vector.extract_strided_slice %get3A_129 {offsets = [15], sizes = [1], strides = [1]} : vector<16xi32> to vector<1xi32>
        %squeeze3A_324 = vector.extract %slice3A_323[0] : i32 from vector<1xi32>
        %mul3A_325 = arith.constant 8 : i32
        %mul3A_326 = arith.muli %squeeze3A_324, %mul3A_325 : i32
        %add3A_327 = vector.broadcast %mul3A_326 : i32 to vector<16xi32>
        %add3A_328 = arith.addi %add3A_327, %sub3A_8 : vector<16xi32>
        %mul3A_329 = arith.constant 4 : i32
        %mul3A_330 = arith.muli %mul3A_329, %add3A_123 : i32
        %add3A_331 = arith.constant 3 : i32
        %add3A_332 = arith.addi %mul3A_330, %add3A_331 : i32
        %get3A_333 = arith.index_cast %add3A_332 : i32 to index
        %get3A_334 = arith.constant 96 : index
        %get3A_335 = tpu.vector_load %arg6[%get3A_333, %get3A_334] {strides = array<i32>} : memref<80x128xf32, #tpu.memory_space<vmem>>, vector<16xf32>,
        tpu.vector_store_idx %arg8[%add3A_328], %get3A_335 masked %and3A {add = true} : memref<81920xf32, #tpu.memory_space<vmem>>[vector<16xi32>], vector<16xf32>, vector<16xi1>
      }
      %scan3A_107 = arith.constant 20 : i32
      %dma_wait3A_108 = arith.constant 0 : i32
      %dma_wait3A_109 = tpu.memref_slice %arg3[%add3A_95, %dma_wait3A_108] : memref<81920x128xf32, #tpu.memory_space<hbm>> -> memref<80x128xf32, #tpu.memory_space<hbm>>
      %dma_wait3A_110 = arith.constant 0 : i32
      %dma_wait3A_111 = tpu.memref_slice %arg3[%add3A_95, %dma_wait3A_110] : memref<81920x128xf32, #tpu.memory_space<hbm>> -> memref<80x128xf32, #tpu.memory_space<hbm>>
      tpu.wait_dma2 semaphore(%arg10 : memref<!tpu.dma_semaphore, #tpu.memory_space<semaphore_mem>>) src(%dma_wait3A_111 : memref<80x128xf32, #tpu.memory_space<hbm>>) dst(%arg7 : memref<80x128xf32, #tpu.memory_space<vmem>>)
      %add3A_112 = arith.constant 1 : i32
      %add3A_113 = arith.addi %add3A_85, %add3A_112 : i32
      %scan3A_114 = arith.constant 0 : i32
      %scan3A_115 = arith.constant 20 : i32
      %scan3A_116 = arith.addi %scan3A_114, %scan3A_115 : i32
      %scan3A_117 = arith.constant 1 : i32
      scf.for %scan3A_119 = %scan3A_114 to %scan3A_116 step %scan3A_117  : i32 {
        %mul3A_120 = arith.constant 1 : i32
        %mul3A_121 = arith.muli %scan3A_119, %mul3A_120 : i32
        %add3A_122 = arith.constant 0 : i32
        %add3A_123 = arith.addi %add3A_122, %mul3A_121 : i32
        %mul3A_124 = arith.constant 320 : i32
        %mul3A_125 = arith.muli %add3A_113, %mul3A_124 : i32
        %mul3A_126 = arith.constant 16 : i32
        %mul3A_127 = arith.muli %mul3A_126, %add3A_123 : i32
        %add3A_128 = arith.addi %mul3A_125, %mul3A_127 : i32
        %get3A = arith.index_cast %add3A_128 : i32 to index
        %get3A_129 = tpu.vector_load %arg5[%get3A] {strides = array<i32>} : memref<10240xi32, #tpu.memory_space<vmem>>, vector<16xi32>,
        %slice3A = vector.extract_strided_slice %get3A_129 {offsets = [0], sizes = [1], strides = [1]} : vector<16xi32> to vector<1xi32>
        %squeeze3A = vector.extract %slice3A[0] : i32 from vector<1xi32>
        %mul3A_130 = arith.constant 8 : i32
        %mul3A_131 = arith.muli %squeeze3A, %mul3A_130 : i32
        %add3A_132 = vector.broadcast %mul3A_131 : i32 to vector<16xi32>
        %add3A_133 = arith.addi %add3A_132, %sub3A_8 : vector<16xi32>
        %mul3A_134 = arith.constant 4 : i32
        %mul3A_135 = arith.muli %mul3A_134, %add3A_123 : i32
        %add3A_136 = arith.constant 0 : i32
        %add3A_137 = arith.addi %mul3A_135, %add3A_136 : i32
        %get3A_138 = arith.index_cast %add3A_137 : i32 to index
        %get3A_139 = arith.constant 0 : index
        %get3A_140 = tpu.vector_load %arg7[%get3A_138, %get3A_139] {strides = array<i32>} : memref<80x128xf32, #tpu.memory_space<vmem>>, vector<16xf32>,
        tpu.vector_store_idx %arg8[%add3A_133], %get3A_140 masked %and3A {add = true} : memref<81920xf32, #tpu.memory_space<vmem>>[vector<16xi32>], vector<16xf32>, vector<16xi1>
        %slice3A_141 = vector.extract_strided_slice %get3A_129 {offsets = [1], sizes = [1], strides = [1]} : vector<16xi32> to vector<1xi32>
        %squeeze3A_142 = vector.extract %slice3A_141[0] : i32 from vector<1xi32>
        %mul3A_143 = arith.constant 8 : i32
        %mul3A_144 = arith.muli %squeeze3A_142, %mul3A_143 : i32
        %add3A_145 = vector.broadcast %mul3A_144 : i32 to vector<16xi32>
        %add3A_146 = arith.addi %add3A_145, %sub3A_8 : vector<16xi32>
        %mul3A_147 = arith.constant 4 : i32
        %mul3A_148 = arith.muli %mul3A_147, %add3A_123 : i32
        %add3A_149 = arith.constant 0 : i32
        %add3A_150 = arith.addi %mul3A_148, %add3A_149 : i32
        %get3A_151 = arith.index_cast %add3A_150 : i32 to index
        %get3A_152 = arith.constant 32 : index
        %get3A_153 = tpu.vector_load %arg7[%get3A_151, %get3A_152] {strides = array<i32>} : memref<80x128xf32, #tpu.memory_space<vmem>>, vector<16xf32>,
        tpu.vector_store_idx %arg8[%add3A_146], %get3A_153 masked %and3A {add = true} : memref<81920xf32, #tpu.memory_space<vmem>>[vector<16xi32>], vector<16xf32>, vector<16xi1>
        %slice3A_154 = vector.extract_strided_slice %get3A_129 {offsets = [2], sizes = [1], strides = [1]} : vector<16xi32> to vector<1xi32>
        %squeeze3A_155 = vector.extract %slice3A_154[0] : i32 from vector<1xi32>
        %mul3A_156 = arith.constant 8 : i32
        %mul3A_157 = arith.muli %squeeze3A_155, %mul3A_156 : i32
        %add3A_158 = vector.broadcast %mul3A_157 : i32 to vector<16xi32>
        %add3A_159 = arith.addi %add3A_158, %sub3A_8 : vector<16xi32>
        %mul3A_160 = arith.constant 4 : i32
        %mul3A_161 = arith.muli %mul3A_160, %add3A_123 : i32
        %add3A_162 = arith.constant 0 : i32
        %add3A_163 = arith.addi %mul3A_161, %add3A_162 : i32
        %get3A_164 = arith.index_cast %add3A_163 : i32 to index
        %get3A_165 = arith.constant 64 : index
        %get3A_166 = tpu.vector_load %arg7[%get3A_164, %get3A_165] {strides = array<i32>} : memref<80x128xf32, #tpu.memory_space<vmem>>, vector<16xf32>,
        tpu.vector_store_idx %arg8[%add3A_159], %get3A_166 masked %and3A {add = true} : memref<81920xf32, #tpu.memory_space<vmem>>[vector<16xi32>], vector<16xf32>, vector<16xi1>
        %slice3A_167 = vector.extract_strided_slice %get3A_129 {offsets = [3], sizes = [1], strides = [1]} : vector<16xi32> to vector<1xi32>
        %squeeze3A_168 = vector.extract %slice3A_167[0] : i32 from vector<1xi32>
        %mul3A_169 = arith.constant 8 : i32
        %mul3A_170 = arith.muli %squeeze3A_168, %mul3A_169 : i32
        %add3A_171 = vector.broadcast %mul3A_170 : i32 to vector<16xi32>
        %add3A_172 = arith.addi %add3A_171, %sub3A_8 : vector<16xi32>
        %mul3A_173 = arith.constant 4 : i32
        %mul3A_174 = arith.muli %mul3A_173, %add3A_123 : i32
        %add3A_175 = arith.constant 0 : i32
        %add3A_176 = arith.addi %mul3A_174, %add3A_175 : i32
        %get3A_177 = arith.index_cast %add3A_176 : i32 to index
        %get3A_178 = arith.constant 96 : index
        %get3A_179 = tpu.vector_load %arg7[%get3A_177, %get3A_178] {strides = array<i32>} : memref<80x128xf32, #tpu.memory_space<vmem>>, vector<16xf32>,
        tpu.vector_store_idx %arg8[%add3A_172], %get3A_179 masked %and3A {add = true} : memref<81920xf32, #tpu.memory_space<vmem>>[vector<16xi32>], vector<16xf32>, vector<16xi1>
        %slice3A_180 = vector.extract_strided_slice %get3A_129 {offsets = [4], sizes = [1], strides = [1]} : vector<16xi32> to vector<1xi32>
        %squeeze3A_181 = vector.extract %slice3A_180[0] : i32 from vector<1xi32>
        %mul3A_182 = arith.constant 8 : i32
        %mul3A_183 = arith.muli %squeeze3A_181, %mul3A_182 : i32
        %add3A_184 = vector.broadcast %mul3A_183 : i32 to vector<16xi32>
        %add3A_185 = arith.addi %add3A_184, %sub3A_8 : vector<16xi32>
        %mul3A_186 = arith.constant 4 : i32
        %mul3A_187 = arith.muli %mul3A_186, %add3A_123 : i32
        %add3A_188 = arith.constant 1 : i32
        %add3A_189 = arith.addi %mul3A_187, %add3A_188 : i32
        %get3A_190 = arith.index_cast %add3A_189 : i32 to index
        %get3A_191 = arith.constant 0 : index
        %get3A_192 = tpu.vector_load %arg7[%get3A_190, %get3A_191] {strides = array<i32>} : memref<80x128xf32, #tpu.memory_space<vmem>>, vector<16xf32>,
        tpu.vector_store_idx %arg8[%add3A_185], %get3A_192 masked %and3A {add = true} : memref<81920xf32, #tpu.memory_space<vmem>>[vector<16xi32>], vector<16xf32>, vector<16xi1>
        %slice3A_193 = vector.extract_strided_slice %get3A_129 {offsets = [5], sizes = [1], strides = [1]} : vector<16xi32> to vector<1xi32>
        %squeeze3A_194 = vector.extract %slice3A_193[0] : i32 from vector<1xi32>
        %mul3A_195 = arith.constant 8 : i32
        %mul3A_196 = arith.muli %squeeze3A_194, %mul3A_195 : i32
        %add3A_197 = vector.broadcast %mul3A_196 : i32 to vector<16xi32>
        %add3A_198 = arith.addi %add3A_197, %sub3A_8 : vector<16xi32>
        %mul3A_199 = arith.constant 4 : i32
        %mul3A_200 = arith.muli %mul3A_199, %add3A_123 : i32
        %add3A_201 = arith.constant 1 : i32
        %add3A_202 = arith.addi %mul3A_200, %add3A_201 : i32
        %get3A_203 = arith.index_cast %add3A_202 : i32 to index
        %get3A_204 = arith.constant 32 : index
        %get3A_205 = tpu.vector_load %arg7[%get3A_203, %get3A_204] {strides = array<i32>} : memref<80x128xf32, #tpu.memory_space<vmem>>, vector<16xf32>,
        tpu.vector_store_idx %arg8[%add3A_198], %get3A_205 masked %and3A {add = true} : memref<81920xf32, #tpu.memory_space<vmem>>[vector<16xi32>], vector<16xf32>, vector<16xi1>
        %slice3A_206 = vector.extract_strided_slice %get3A_129 {offsets = [6], sizes = [1], strides = [1]} : vector<16xi32> to vector<1xi32>
        %squeeze3A_207 = vector.extract %slice3A_206[0] : i32 from vector<1xi32>
        %mul3A_208 = arith.constant 8 : i32
        %mul3A_209 = arith.muli %squeeze3A_207, %mul3A_208 : i32
        %add3A_210 = vector.broadcast %mul3A_209 : i32 to vector<16xi32>
        %add3A_211 = arith.addi %add3A_210, %sub3A_8 : vector<16xi32>
        %mul3A_212 = arith.constant 4 : i32
        %mul3A_213 = arith.muli %mul3A_212, %add3A_123 : i32
        %add3A_214 = arith.constant 1 : i32
        %add3A_215 = arith.addi %mul3A_213, %add3A_214 : i32
        %get3A_216 = arith.index_cast %add3A_215 : i32 to index
        %get3A_217 = arith.constant 64 : index
        %get3A_218 = tpu.vector_load %arg7[%get3A_216, %get3A_217] {strides = array<i32>} : memref<80x128xf32, #tpu.memory_space<vmem>>, vector<16xf32>,
        tpu.vector_store_idx %arg8[%add3A_211], %get3A_218 masked %and3A {add = true} : memref<81920xf32, #tpu.memory_space<vmem>>[vector<16xi32>], vector<16xf32>, vector<16xi1>
        %slice3A_219 = vector.extract_strided_slice %get3A_129 {offsets = [7], sizes = [1], strides = [1]} : vector<16xi32> to vector<1xi32>
        %squeeze3A_220 = vector.extract %slice3A_219[0] : i32 from vector<1xi32>
        %mul3A_221 = arith.constant 8 : i32
        %mul3A_222 = arith.muli %squeeze3A_220, %mul3A_221 : i32
        %add3A_223 = vector.broadcast %mul3A_222 : i32 to vector<16xi32>
        %add3A_224 = arith.addi %add3A_223, %sub3A_8 : vector<16xi32>
        %mul3A_225 = arith.constant 4 : i32
        %mul3A_226 = arith.muli %mul3A_225, %add3A_123 : i32
        %add3A_227 = arith.constant 1 : i32
        %add3A_228 = arith.addi %mul3A_226, %add3A_227 : i32
        %get3A_229 = arith.index_cast %add3A_228 : i32 to index
        %get3A_230 = arith.constant 96 : index
        %get3A_231 = tpu.vector_load %arg7[%get3A_229, %get3A_230] {strides = array<i32>} : memref<80x128xf32, #tpu.memory_space<vmem>>, vector<16xf32>,
        tpu.vector_store_idx %arg8[%add3A_224], %get3A_231 masked %and3A {add = true} : memref<81920xf32, #tpu.memory_space<vmem>>[vector<16xi32>], vector<16xf32>, vector<16xi1>
        %slice3A_232 = vector.extract_strided_slice %get3A_129 {offsets = [8], sizes = [1], strides = [1]} : vector<16xi32> to vector<1xi32>
        %squeeze3A_233 = vector.extract %slice3A_232[0] : i32 from vector<1xi32>
        %mul3A_234 = arith.constant 8 : i32
        %mul3A_235 = arith.muli %squeeze3A_233, %mul3A_234 : i32
        %add3A_236 = vector.broadcast %mul3A_235 : i32 to vector<16xi32>
        %add3A_237 = arith.addi %add3A_236, %sub3A_8 : vector<16xi32>
        %mul3A_238 = arith.constant 4 : i32
        %mul3A_239 = arith.muli %mul3A_238, %add3A_123 : i32
        %add3A_240 = arith.constant 2 : i32
        %add3A_241 = arith.addi %mul3A_239, %add3A_240 : i32
        %get3A_242 = arith.index_cast %add3A_241 : i32 to index
        %get3A_243 = arith.constant 0 : index
        %get3A_244 = tpu.vector_load %arg7[%get3A_242, %get3A_243] {strides = array<i32>} : memref<80x128xf32, #tpu.memory_space<vmem>>, vector<16xf32>,
        tpu.vector_store_idx %arg8[%add3A_237], %get3A_244 masked %and3A {add = true} : memref<81920xf32, #tpu.memory_space<vmem>>[vector<16xi32>], vector<16xf32>, vector<16xi1>
        %slice3A_245 = vector.extract_strided_slice %get3A_129 {offsets = [9], sizes = [1], strides = [1]} : vector<16xi32> to vector<1xi32>
        %squeeze3A_246 = vector.extract %slice3A_245[0] : i32 from vector<1xi32>
        %mul3A_247 = arith.constant 8 : i32
        %mul3A_248 = arith.muli %squeeze3A_246, %mul3A_247 : i32
        %add3A_249 = vector.broadcast %mul3A_248 : i32 to vector<16xi32>
        %add3A_250 = arith.addi %add3A_249, %sub3A_8 : vector<16xi32>
        %mul3A_251 = arith.constant 4 : i32
        %mul3A_252 = arith.muli %mul3A_251, %add3A_123 : i32
        %add3A_253 = arith.constant 2 : i32
        %add3A_254 = arith.addi %mul3A_252, %add3A_253 : i32
        %get3A_255 = arith.index_cast %add3A_254 : i32 to index
        %get3A_256 = arith.constant 32 : index
        %get3A_257 = tpu.vector_load %arg7[%get3A_255, %get3A_256] {strides = array<i32>} : memref<80x128xf32, #tpu.memory_space<vmem>>, vector<16xf32>,
        tpu.vector_store_idx %arg8[%add3A_250], %get3A_257 masked %and3A {add = true} : memref<81920xf32, #tpu.memory_space<vmem>>[vector<16xi32>], vector<16xf32>, vector<16xi1>
        %slice3A_258 = vector.extract_strided_slice %get3A_129 {offsets = [10], sizes = [1], strides = [1]} : vector<16xi32> to vector<1xi32>
        %squeeze3A_259 = vector.extract %slice3A_258[0] : i32 from vector<1xi32>
        %mul3A_260 = arith.constant 8 : i32
        %mul3A_261 = arith.muli %squeeze3A_259, %mul3A_260 : i32
        %add3A_262 = vector.broadcast %mul3A_261 : i32 to vector<16xi32>
        %add3A_263 = arith.addi %add3A_262, %sub3A_8 : vector<16xi32>
        %mul3A_264 = arith.constant 4 : i32
        %mul3A_265 = arith.muli %mul3A_264, %add3A_123 : i32
        %add3A_266 = arith.constant 2 : i32
        %add3A_267 = arith.addi %mul3A_265, %add3A_266 : i32
        %get3A_268 = arith.index_cast %add3A_267 : i32 to index
        %get3A_269 = arith.constant 64 : index
        %get3A_270 = tpu.vector_load %arg7[%get3A_268, %get3A_269] {strides = array<i32>} : memref<80x128xf32, #tpu.memory_space<vmem>>, vector<16xf32>,
        tpu.vector_store_idx %arg8[%add3A_263], %get3A_270 masked %and3A {add = true} : memref<81920xf32, #tpu.memory_space<vmem>>[vector<16xi32>], vector<16xf32>, vector<16xi1>
        %slice3A_271 = vector.extract_strided_slice %get3A_129 {offsets = [11], sizes = [1], strides = [1]} : vector<16xi32> to vector<1xi32>
        %squeeze3A_272 = vector.extract %slice3A_271[0] : i32 from vector<1xi32>
        %mul3A_273 = arith.constant 8 : i32
        %mul3A_274 = arith.muli %squeeze3A_272, %mul3A_273 : i32
        %add3A_275 = vector.broadcast %mul3A_274 : i32 to vector<16xi32>
        %add3A_276 = arith.addi %add3A_275, %sub3A_8 : vector<16xi32>
        %mul3A_277 = arith.constant 4 : i32
        %mul3A_278 = arith.muli %mul3A_277, %add3A_123 : i32
        %add3A_279 = arith.constant 2 : i32
        %add3A_280 = arith.addi %mul3A_278, %add3A_279 : i32
        %get3A_281 = arith.index_cast %add3A_280 : i32 to index
        %get3A_282 = arith.constant 96 : index
        %get3A_283 = tpu.vector_load %arg7[%get3A_281, %get3A_282] {strides = array<i32>} : memref<80x128xf32, #tpu.memory_space<vmem>>, vector<16xf32>,
        tpu.vector_store_idx %arg8[%add3A_276], %get3A_283 masked %and3A {add = true} : memref<81920xf32, #tpu.memory_space<vmem>>[vector<16xi32>], vector<16xf32>, vector<16xi1>
        %slice3A_284 = vector.extract_strided_slice %get3A_129 {offsets = [12], sizes = [1], strides = [1]} : vector<16xi32> to vector<1xi32>
        %squeeze3A_285 = vector.extract %slice3A_284[0] : i32 from vector<1xi32>
        %mul3A_286 = arith.constant 8 : i32
        %mul3A_287 = arith.muli %squeeze3A_285, %mul3A_286 : i32
        %add3A_288 = vector.broadcast %mul3A_287 : i32 to vector<16xi32>
        %add3A_289 = arith.addi %add3A_288, %sub3A_8 : vector<16xi32>
        %mul3A_290 = arith.constant 4 : i32
        %mul3A_291 = arith.muli %mul3A_290, %add3A_123 : i32
        %add3A_292 = arith.constant 3 : i32
        %add3A_293 = arith.addi %mul3A_291, %add3A_292 : i32
        %get3A_294 = arith.index_cast %add3A_293 : i32 to index
        %get3A_295 = arith.constant 0 : index
        %get3A_296 = tpu.vector_load %arg7[%get3A_294, %get3A_295] {strides = array<i32>} : memref<80x128xf32, #tpu.memory_space<vmem>>, vector<16xf32>,
        tpu.vector_store_idx %arg8[%add3A_289], %get3A_296 masked %and3A {add = true} : memref<81920xf32, #tpu.memory_space<vmem>>[vector<16xi32>], vector<16xf32>, vector<16xi1>
        %slice3A_297 = vector.extract_strided_slice %get3A_129 {offsets = [13], sizes = [1], strides = [1]} : vector<16xi32> to vector<1xi32>
        %squeeze3A_298 = vector.extract %slice3A_297[0] : i32 from vector<1xi32>
        %mul3A_299 = arith.constant 8 : i32
        %mul3A_300 = arith.muli %squeeze3A_298, %mul3A_299 : i32
        %add3A_301 = vector.broadcast %mul3A_300 : i32 to vector<16xi32>
        %add3A_302 = arith.addi %add3A_301, %sub3A_8 : vector<16xi32>
        %mul3A_303 = arith.constant 4 : i32
        %mul3A_304 = arith.muli %mul3A_303, %add3A_123 : i32
        %add3A_305 = arith.constant 3 : i32
        %add3A_306 = arith.addi %mul3A_304, %add3A_305 : i32
        %get3A_307 = arith.index_cast %add3A_306 : i32 to index
        %get3A_308 = arith.constant 32 : index
        %get3A_309 = tpu.vector_load %arg7[%get3A_307, %get3A_308] {strides = array<i32>} : memref<80x128xf32, #tpu.memory_space<vmem>>, vector<16xf32>,
        tpu.vector_store_idx %arg8[%add3A_302], %get3A_309 masked %and3A {add = true} : memref<81920xf32, #tpu.memory_space<vmem>>[vector<16xi32>], vector<16xf32>, vector<16xi1>
        %slice3A_310 = vector.extract_strided_slice %get3A_129 {offsets = [14], sizes = [1], strides = [1]} : vector<16xi32> to vector<1xi32>
        %squeeze3A_311 = vector.extract %slice3A_310[0] : i32 from vector<1xi32>
        %mul3A_312 = arith.constant 8 : i32
        %mul3A_313 = arith.muli %squeeze3A_311, %mul3A_312 : i32
        %add3A_314 = vector.broadcast %mul3A_313 : i32 to vector<16xi32>
        %add3A_315 = arith.addi %add3A_314, %sub3A_8 : vector<16xi32>
        %mul3A_316 = arith.constant 4 : i32
        %mul3A_317 = arith.muli %mul3A_316, %add3A_123 : i32
        %add3A_318 = arith.constant 3 : i32
        %add3A_319 = arith.addi %mul3A_317, %add3A_318 : i32
        %get3A_320 = arith.index_cast %add3A_319 : i32 to index
        %get3A_321 = arith.constant 64 : index
        %get3A_322 = tpu.vector_load %arg7[%get3A_320, %get3A_321] {strides = array<i32>} : memref<80x128xf32, #tpu.memory_space<vmem>>, vector<16xf32>,
        tpu.vector_store_idx %arg8[%add3A_315], %get3A_322 masked %and3A {add = true} : memref<81920xf32, #tpu.memory_space<vmem>>[vector<16xi32>], vector<16xf32>, vector<16xi1>
        %slice3A_323 = vector.extract_strided_slice %get3A_129 {offsets = [15], sizes = [1], strides = [1]} : vector<16xi32> to vector<1xi32>
        %squeeze3A_324 = vector.extract %slice3A_323[0] : i32 from vector<1xi32>
        %mul3A_325 = arith.constant 8 : i32
        %mul3A_326 = arith.muli %squeeze3A_324, %mul3A_325 : i32
        %add3A_327 = vector.broadcast %mul3A_326 : i32 to vector<16xi32>
        %add3A_328 = arith.addi %add3A_327, %sub3A_8 : vector<16xi32>
        %mul3A_329 = arith.constant 4 : i32
        %mul3A_330 = arith.muli %mul3A_329, %add3A_123 : i32
        %add3A_331 = arith.constant 3 : i32
        %add3A_332 = arith.addi %mul3A_330, %add3A_331 : i32
        %get3A_333 = arith.index_cast %add3A_332 : i32 to index
        %get3A_334 = arith.constant 96 : index
        %get3A_335 = tpu.vector_load %arg7[%get3A_333, %get3A_334] {strides = array<i32>} : memref<80x128xf32, #tpu.memory_space<vmem>>, vector<16xf32>,
        tpu.vector_store_idx %arg8[%add3A_328], %get3A_335 masked %and3A {add = true} : memref<81920xf32, #tpu.memory_space<vmem>>[vector<16xi32>], vector<16xf32>, vector<16xi1>
      }
      %scan3A_118 = arith.constant 20 : i32
    }
    %scan3A_17 = arith.constant 16 : i32
    %run_scoped3A = arith.constant 0 : i32
    "tpu.region"() ({
      %run_scoped3A_81 = tpu.sem_alloc : memref<!tpu.dma_semaphore, #tpu.memory_space<semaphore_mem>>
      %dma_start3A = arith.constant 0 : i32
      %dma_start3A_82 = tpu.memref_slice %arg4[%run_scoped3A, %add3A, %dma_start3A] : memref<4x32x81920xf32, #tpu.memory_space<hbm>> -> memref<1x1x81920xf32, #tpu.memory_space<hbm>>
      %dma_start3A_83 = tpu.memref_squeeze %dma_start3A_82 : memref<1x1x81920xf32, #tpu.memory_space<hbm>> -> memref<81920xf32, #tpu.memory_space<hbm>>
      %dma_start3A_84 = arith.constant 0 : i32
      %dma_start3A_85 = tpu.memref_slice %arg4[%run_scoped3A, %add3A, %dma_start3A_84] : memref<4x32x81920xf32, #tpu.memory_space<hbm>> -> memref<1x1x81920xf32, #tpu.memory_space<hbm>>
      %dma_start3A_86 = tpu.memref_squeeze %dma_start3A_85 : memref<1x1x81920xf32, #tpu.memory_space<hbm>> -> memref<81920xf32, #tpu.memory_space<hbm>>
      tpu.enqueue_dma source(%arg8 : memref<81920xf32, #tpu.memory_space<vmem>>) target(%dma_start3A_86 : memref<81920xf32, #tpu.memory_space<hbm>>) target_semaphore(%run_scoped3A_81 : memref<!tpu.dma_semaphore, #tpu.memory_space<semaphore_mem>>)
      %dma_wait3A = arith.constant 0 : i32
      %dma_wait3A_87 = tpu.memref_slice %arg4[%run_scoped3A, %add3A, %dma_wait3A] : memref<4x32x81920xf32, #tpu.memory_space<hbm>> -> memref<1x1x81920xf32, #tpu.memory_space<hbm>>
      %dma_wait3A_88 = tpu.memref_squeeze %dma_wait3A_87 : memref<1x1x81920xf32, #tpu.memory_space<hbm>> -> memref<81920xf32, #tpu.memory_space<hbm>>
      %dma_wait3A_89 = arith.constant 0 : i32
      %dma_wait3A_90 = tpu.memref_slice %arg4[%run_scoped3A, %add3A, %dma_wait3A_89] : memref<4x32x81920xf32, #tpu.memory_space<hbm>> -> memref<1x1x81920xf32, #tpu.memory_space<hbm>>
      %dma_wait3A_91 = tpu.memref_squeeze %dma_wait3A_90 : memref<1x1x81920xf32, #tpu.memory_space<hbm>> -> memref<81920xf32, #tpu.memory_space<hbm>>
      tpu.wait_dma2 semaphore(%run_scoped3A_81 : memref<!tpu.dma_semaphore, #tpu.memory_space<semaphore_mem>>) src(%arg8 : memref<81920xf32, #tpu.memory_space<vmem>>) dst(%dma_wait3A_91 : memref<81920xf32, #tpu.memory_space<hbm>>)
      tpu.yield
    }) : () -> ()
    %scan3A_18 = arith.constant 0 : i32
    %scan3A_19 = arith.constant 1280 : i32
    %scan3A_20 = arith.addi %scan3A_18, %scan3A_19 : i32
    %scan3A_21 = arith.constant 1 : i32
    scf.for %scan3A_81 = %scan3A_18 to %scan3A_20 step %scan3A_21  : i32 {
      %mul3A_82 = arith.constant 1 : i32
      %mul3A_83 = arith.muli %scan3A_81, %mul3A_82 : i32
      %add3A_84 = arith.constant 0 : i32
      %add3A_85 = arith.addi %add3A_84, %mul3A_83 : i32
      %broadcast_in_dim3A = arith.constant 0.000000e+00 : f32
      %broadcast_in_dim3A_86 = vector.broadcast %broadcast_in_dim3A : f32 to vector<16xf32>
      %mul3A_87 = arith.constant 64 : i32
      %mul3A_88 = arith.muli %mul3A_87, %add3A_85 : i32
      %add3A_89 = arith.constant 0 : i32
      %add3A_90 = arith.addi %mul3A_88, %add3A_89 : i32
      %swap3A = arith.index_cast %add3A_90 : i32 to index
      %swap3A_91 = tpu.vector_load %arg8[%swap3A] {strides = array<i32>} : memref<81920xf32, #tpu.memory_space<vmem>>, vector<16xf32>,
      tpu.vector_store %arg8[%swap3A], %broadcast_in_dim3A_86 {strides = array<i32>} : memref<81920xf32, #tpu.memory_space<vmem>>, vector<16xf32>,
      %broadcast_in_dim3A_92 = arith.constant 0.000000e+00 : f32
      %broadcast_in_dim3A_93 = vector.broadcast %broadcast_in_dim3A_92 : f32 to vector<16xf32>
      %mul3A_94 = arith.constant 64 : i32
      %mul3A_95 = arith.muli %mul3A_94, %add3A_85 : i32
      %add3A_96 = arith.constant 16 : i32
      %add3A_97 = arith.addi %mul3A_95, %add3A_96 : i32
      %swap3A_98 = arith.index_cast %add3A_97 : i32 to index
      %swap3A_99 = tpu.vector_load %arg8[%swap3A_98] {strides = array<i32>} : memref<81920xf32, #tpu.memory_space<vmem>>, vector<16xf32>,
      tpu.vector_store %arg8[%swap3A_98], %broadcast_in_dim3A_93 {strides = array<i32>} : memref<81920xf32, #tpu.memory_space<vmem>>, vector<16xf32>,
      %broadcast_in_dim3A_100 = arith.constant 0.000000e+00 : f32
      %broadcast_in_dim3A_101 = vector.broadcast %broadcast_in_dim3A_100 : f32 to vector<16xf32>
      %mul3A_102 = arith.constant 64 : i32
      %mul3A_103 = arith.muli %mul3A_102, %add3A_85 : i32
      %add3A_104 = arith.constant 32 : i32
      %add3A_105 = arith.addi %mul3A_103, %add3A_104 : i32
      %swap3A_106 = arith.index_cast %add3A_105 : i32 to index
      %swap3A_107 = tpu.vector_load %arg8[%swap3A_106] {strides = array<i32>} : memref<81920xf32, #tpu.memory_space<vmem>>, vector<16xf32>,
      tpu.vector_store %arg8[%swap3A_106], %broadcast_in_dim3A_101 {strides = array<i32>} : memref<81920xf32, #tpu.memory_space<vmem>>, vector<16xf32>,
      %broadcast_in_dim3A_108 = arith.constant 0.000000e+00 : f32
      %broadcast_in_dim3A_109 = vector.broadcast %broadcast_in_dim3A_108 : f32 to vector<16xf32>
      %mul3A_110 = arith.constant 64 : i32
      %mul3A_111 = arith.muli %mul3A_110, %add3A_85 : i32
      %add3A_112 = arith.constant 48 : i32
      %add3A_113 = arith.addi %mul3A_111, %add3A_112 : i32
      %swap3A_114 = arith.index_cast %add3A_113 : i32 to index
      %swap3A_115 = tpu.vector_load %arg8[%swap3A_114] {strides = array<i32>} : memref<81920xf32, #tpu.memory_space<vmem>>, vector<16xf32>,
      tpu.vector_store %arg8[%swap3A_114], %broadcast_in_dim3A_109 {strides = array<i32>} : memref<81920xf32, #tpu.memory_space<vmem>>, vector<16xf32>,
    }
    %scan3A_22 = arith.constant 1280 : i32
    %sub3A_23 = arith.constant 8 : i32
    %sub3A_24 = vector.broadcast %sub3A_23 : i32 to vector<16xi32>
    %sub3A_25 = arith.subi %iota3A, %sub3A_24 : vector<16xi32>
    %ge3A_26 = arith.constant 8 : i32
    %ge3A_27 = vector.broadcast %ge3A_26 : i32 to vector<16xi32>
    %ge3A_28 = arith.cmpi sge, %iota3A, %ge3A_27 : vector<16xi32>
    %lt3A_29 = arith.constant 16 : i32
    %lt3A_30 = vector.broadcast %lt3A_29 : i32 to vector<16xi32>
    %lt3A_31 = arith.cmpi slt, %iota3A, %lt3A_30 : vector<16xi32>
    %and3A_32 = arith.andi %ge3A_28, %lt3A_31 : vector<16xi1>
    %scan3A_33 = arith.constant 0 : i32
    %scan3A_34 = arith.constant 16 : i32
    %scan3A_35 = arith.addi %scan3A_33, %scan3A_34 : i32
    %scan3A_36 = arith.constant 1 : i32
    scf.for %scan3A_81 = %scan3A_33 to %scan3A_35 step %scan3A_36  : i32 {
      %mul3A_82 = arith.constant 2 : i32
      %mul3A_83 = arith.muli %scan3A_81, %mul3A_82 : i32
      %add3A_84 = arith.constant 0 : i32
      %add3A_85 = arith.addi %add3A_84, %mul3A_83 : i32
      %mul3A_86 = arith.constant 2560 : i32
      %mul3A_87 = arith.muli %add3A, %mul3A_86 : i32
      %mul3A_88 = arith.constant 80 : i32
      %mul3A_89 = arith.muli %add3A_85, %mul3A_88 : i32
      %add3A_90 = arith.addi %mul3A_87, %mul3A_89 : i32
      %dma_start3A = arith.constant 0 : i32
      %dma_start3A_91 = tpu.memref_slice %arg3[%add3A_90, %dma_start3A] : memref<81920x128xf32, #tpu.memory_space<hbm>> -> memref<80x128xf32, #tpu.memory_space<hbm>>
      %dma_start3A_92 = arith.constant 0 : i32
      %dma_start3A_93 = tpu.memref_slice %arg3[%add3A_90, %dma_start3A_92] : memref<81920x128xf32, #tpu.memory_space<hbm>> -> memref<80x128xf32, #tpu.memory_space<hbm>>
      tpu.enqueue_dma source(%dma_start3A_93 : memref<80x128xf32, #tpu.memory_space<hbm>>) target(%arg6 : memref<80x128xf32, #tpu.memory_space<vmem>>) target_semaphore(%arg9 : memref<!tpu.dma_semaphore, #tpu.memory_space<semaphore_mem>>)
      %add3A_94 = arith.constant 80 : i32
      %add3A_95 = arith.addi %add3A_90, %add3A_94 : i32
      %dma_start3A_96 = arith.constant 0 : i32
      %dma_start3A_97 = tpu.memref_slice %arg3[%add3A_95, %dma_start3A_96] : memref<81920x128xf32, #tpu.memory_space<hbm>> -> memref<80x128xf32, #tpu.memory_space<hbm>>
      %dma_start3A_98 = arith.constant 0 : i32
      %dma_start3A_99 = tpu.memref_slice %arg3[%add3A_95, %dma_start3A_98] : memref<81920x128xf32, #tpu.memory_space<hbm>> -> memref<80x128xf32, #tpu.memory_space<hbm>>
      tpu.enqueue_dma source(%dma_start3A_99 : memref<80x128xf32, #tpu.memory_space<hbm>>) target(%arg7 : memref<80x128xf32, #tpu.memory_space<vmem>>) target_semaphore(%arg10 : memref<!tpu.dma_semaphore, #tpu.memory_space<semaphore_mem>>)
      %dma_wait3A = arith.constant 0 : i32
      %dma_wait3A_100 = tpu.memref_slice %arg3[%add3A_90, %dma_wait3A] : memref<81920x128xf32, #tpu.memory_space<hbm>> -> memref<80x128xf32, #tpu.memory_space<hbm>>
      %dma_wait3A_101 = arith.constant 0 : i32
      %dma_wait3A_102 = tpu.memref_slice %arg3[%add3A_90, %dma_wait3A_101] : memref<81920x128xf32, #tpu.memory_space<hbm>> -> memref<80x128xf32, #tpu.memory_space<hbm>>
      tpu.wait_dma2 semaphore(%arg9 : memref<!tpu.dma_semaphore, #tpu.memory_space<semaphore_mem>>) src(%dma_wait3A_102 : memref<80x128xf32, #tpu.memory_space<hbm>>) dst(%arg6 : memref<80x128xf32, #tpu.memory_space<vmem>>)
      %scan3A_103 = arith.constant 0 : i32
      %scan3A_104 = arith.constant 20 : i32
      %scan3A_105 = arith.addi %scan3A_103, %scan3A_104 : i32
      %scan3A_106 = arith.constant 1 : i32
      scf.for %scan3A_119 = %scan3A_103 to %scan3A_105 step %scan3A_106  : i32 {
        %mul3A_120 = arith.constant 1 : i32
        %mul3A_121 = arith.muli %scan3A_119, %mul3A_120 : i32
        %add3A_122 = arith.constant 0 : i32
        %add3A_123 = arith.addi %add3A_122, %mul3A_121 : i32
        %mul3A_124 = arith.constant 320 : i32
        %mul3A_125 = arith.muli %add3A_85, %mul3A_124 : i32
        %mul3A_126 = arith.constant 16 : i32
        %mul3A_127 = arith.muli %mul3A_126, %add3A_123 : i32
        %add3A_128 = arith.addi %mul3A_125, %mul3A_127 : i32
        %get3A = arith.index_cast %add3A_128 : i32 to index
        %get3A_129 = tpu.vector_load %arg5[%get3A] {strides = array<i32>} : memref<10240xi32, #tpu.memory_space<vmem>>, vector<16xi32>,
        %slice3A = vector.extract_strided_slice %get3A_129 {offsets = [0], sizes = [1], strides = [1]} : vector<16xi32> to vector<1xi32>
        %squeeze3A = vector.extract %slice3A[0] : i32 from vector<1xi32>
        %mul3A_130 = arith.constant 8 : i32
        %mul3A_131 = arith.muli %squeeze3A, %mul3A_130 : i32
        %add3A_132 = vector.broadcast %mul3A_131 : i32 to vector<16xi32>
        %add3A_133 = arith.addi %add3A_132, %sub3A_25 : vector<16xi32>
        %mul3A_134 = arith.constant 4 : i32
        %mul3A_135 = arith.muli %mul3A_134, %add3A_123 : i32
        %add3A_136 = arith.constant 0 : i32
        %add3A_137 = arith.addi %mul3A_135, %add3A_136 : i32
        %get3A_138 = arith.index_cast %add3A_137 : i32 to index
        %get3A_139 = arith.constant 0 : index
        %get3A_140 = tpu.vector_load %arg6[%get3A_138, %get3A_139] {strides = array<i32>} : memref<80x128xf32, #tpu.memory_space<vmem>>, vector<16xf32>,
        tpu.vector_store_idx %arg8[%add3A_133], %get3A_140 masked %and3A_32 {add = true} : memref<81920xf32, #tpu.memory_space<vmem>>[vector<16xi32>], vector<16xf32>, vector<16xi1>
        %slice3A_141 = vector.extract_strided_slice %get3A_129 {offsets = [1], sizes = [1], strides = [1]} : vector<16xi32> to vector<1xi32>
        %squeeze3A_142 = vector.extract %slice3A_141[0] : i32 from vector<1xi32>
        %mul3A_143 = arith.constant 8 : i32
        %mul3A_144 = arith.muli %squeeze3A_142, %mul3A_143 : i32
        %add3A_145 = vector.broadcast %mul3A_144 : i32 to vector<16xi32>
        %add3A_146 = arith.addi %add3A_145, %sub3A_25 : vector<16xi32>
        %mul3A_147 = arith.constant 4 : i32
        %mul3A_148 = arith.muli %mul3A_147, %add3A_123 : i32
        %add3A_149 = arith.constant 0 : i32
        %add3A_150 = arith.addi %mul3A_148, %add3A_149 : i32
        %get3A_151 = arith.index_cast %add3A_150 : i32 to index
        %get3A_152 = arith.constant 32 : index
        %get3A_153 = tpu.vector_load %arg6[%get3A_151, %get3A_152] {strides = array<i32>} : memref<80x128xf32, #tpu.memory_space<vmem>>, vector<16xf32>,
        tpu.vector_store_idx %arg8[%add3A_146], %get3A_153 masked %and3A_32 {add = true} : memref<81920xf32, #tpu.memory_space<vmem>>[vector<16xi32>], vector<16xf32>, vector<16xi1>
        %slice3A_154 = vector.extract_strided_slice %get3A_129 {offsets = [2], sizes = [1], strides = [1]} : vector<16xi32> to vector<1xi32>
        %squeeze3A_155 = vector.extract %slice3A_154[0] : i32 from vector<1xi32>
        %mul3A_156 = arith.constant 8 : i32
        %mul3A_157 = arith.muli %squeeze3A_155, %mul3A_156 : i32
        %add3A_158 = vector.broadcast %mul3A_157 : i32 to vector<16xi32>
        %add3A_159 = arith.addi %add3A_158, %sub3A_25 : vector<16xi32>
        %mul3A_160 = arith.constant 4 : i32
        %mul3A_161 = arith.muli %mul3A_160, %add3A_123 : i32
        %add3A_162 = arith.constant 0 : i32
        %add3A_163 = arith.addi %mul3A_161, %add3A_162 : i32
        %get3A_164 = arith.index_cast %add3A_163 : i32 to index
        %get3A_165 = arith.constant 64 : index
        %get3A_166 = tpu.vector_load %arg6[%get3A_164, %get3A_165] {strides = array<i32>} : memref<80x128xf32, #tpu.memory_space<vmem>>, vector<16xf32>,
        tpu.vector_store_idx %arg8[%add3A_159], %get3A_166 masked %and3A_32 {add = true} : memref<81920xf32, #tpu.memory_space<vmem>>[vector<16xi32>], vector<16xf32>, vector<16xi1>
        %slice3A_167 = vector.extract_strided_slice %get3A_129 {offsets = [3], sizes = [1], strides = [1]} : vector<16xi32> to vector<1xi32>
        %squeeze3A_168 = vector.extract %slice3A_167[0] : i32 from vector<1xi32>
        %mul3A_169 = arith.constant 8 : i32
        %mul3A_170 = arith.muli %squeeze3A_168, %mul3A_169 : i32
        %add3A_171 = vector.broadcast %mul3A_170 : i32 to vector<16xi32>
        %add3A_172 = arith.addi %add3A_171, %sub3A_25 : vector<16xi32>
        %mul3A_173 = arith.constant 4 : i32
        %mul3A_174 = arith.muli %mul3A_173, %add3A_123 : i32
        %add3A_175 = arith.constant 0 : i32
        %add3A_176 = arith.addi %mul3A_174, %add3A_175 : i32
        %get3A_177 = arith.index_cast %add3A_176 : i32 to index
        %get3A_178 = arith.constant 96 : index
        %get3A_179 = tpu.vector_load %arg6[%get3A_177, %get3A_178] {strides = array<i32>} : memref<80x128xf32, #tpu.memory_space<vmem>>, vector<16xf32>,
        tpu.vector_store_idx %arg8[%add3A_172], %get3A_179 masked %and3A_32 {add = true} : memref<81920xf32, #tpu.memory_space<vmem>>[vector<16xi32>], vector<16xf32>, vector<16xi1>
        %slice3A_180 = vector.extract_strided_slice %get3A_129 {offsets = [4], sizes = [1], strides = [1]} : vector<16xi32> to vector<1xi32>
        %squeeze3A_181 = vector.extract %slice3A_180[0] : i32 from vector<1xi32>
        %mul3A_182 = arith.constant 8 : i32
        %mul3A_183 = arith.muli %squeeze3A_181, %mul3A_182 : i32
        %add3A_184 = vector.broadcast %mul3A_183 : i32 to vector<16xi32>
        %add3A_185 = arith.addi %add3A_184, %sub3A_25 : vector<16xi32>
        %mul3A_186 = arith.constant 4 : i32
        %mul3A_187 = arith.muli %mul3A_186, %add3A_123 : i32
        %add3A_188 = arith.constant 1 : i32
        %add3A_189 = arith.addi %mul3A_187, %add3A_188 : i32
        %get3A_190 = arith.index_cast %add3A_189 : i32 to index
        %get3A_191 = arith.constant 0 : index
        %get3A_192 = tpu.vector_load %arg6[%get3A_190, %get3A_191] {strides = array<i32>} : memref<80x128xf32, #tpu.memory_space<vmem>>, vector<16xf32>,
        tpu.vector_store_idx %arg8[%add3A_185], %get3A_192 masked %and3A_32 {add = true} : memref<81920xf32, #tpu.memory_space<vmem>>[vector<16xi32>], vector<16xf32>, vector<16xi1>
        %slice3A_193 = vector.extract_strided_slice %get3A_129 {offsets = [5], sizes = [1], strides = [1]} : vector<16xi32> to vector<1xi32>
        %squeeze3A_194 = vector.extract %slice3A_193[0] : i32 from vector<1xi32>
        %mul3A_195 = arith.constant 8 : i32
        %mul3A_196 = arith.muli %squeeze3A_194, %mul3A_195 : i32
        %add3A_197 = vector.broadcast %mul3A_196 : i32 to vector<16xi32>
        %add3A_198 = arith.addi %add3A_197, %sub3A_25 : vector<16xi32>
        %mul3A_199 = arith.constant 4 : i32
        %mul3A_200 = arith.muli %mul3A_199, %add3A_123 : i32
        %add3A_201 = arith.constant 1 : i32
        %add3A_202 = arith.addi %mul3A_200, %add3A_201 : i32
        %get3A_203 = arith.index_cast %add3A_202 : i32 to index
        %get3A_204 = arith.constant 32 : index
        %get3A_205 = tpu.vector_load %arg6[%get3A_203, %get3A_204] {strides = array<i32>} : memref<80x128xf32, #tpu.memory_space<vmem>>, vector<16xf32>,
        tpu.vector_store_idx %arg8[%add3A_198], %get3A_205 masked %and3A_32 {add = true} : memref<81920xf32, #tpu.memory_space<vmem>>[vector<16xi32>], vector<16xf32>, vector<16xi1>
        %slice3A_206 = vector.extract_strided_slice %get3A_129 {offsets = [6], sizes = [1], strides = [1]} : vector<16xi32> to vector<1xi32>
        %squeeze3A_207 = vector.extract %slice3A_206[0] : i32 from vector<1xi32>
        %mul3A_208 = arith.constant 8 : i32
        %mul3A_209 = arith.muli %squeeze3A_207, %mul3A_208 : i32
        %add3A_210 = vector.broadcast %mul3A_209 : i32 to vector<16xi32>
        %add3A_211 = arith.addi %add3A_210, %sub3A_25 : vector<16xi32>
        %mul3A_212 = arith.constant 4 : i32
        %mul3A_213 = arith.muli %mul3A_212, %add3A_123 : i32
        %add3A_214 = arith.constant 1 : i32
        %add3A_215 = arith.addi %mul3A_213, %add3A_214 : i32
        %get3A_216 = arith.index_cast %add3A_215 : i32 to index
        %get3A_217 = arith.constant 64 : index
        %get3A_218 = tpu.vector_load %arg6[%get3A_216, %get3A_217] {strides = array<i32>} : memref<80x128xf32, #tpu.memory_space<vmem>>, vector<16xf32>,
        tpu.vector_store_idx %arg8[%add3A_211], %get3A_218 masked %and3A_32 {add = true} : memref<81920xf32, #tpu.memory_space<vmem>>[vector<16xi32>], vector<16xf32>, vector<16xi1>
        %slice3A_219 = vector.extract_strided_slice %get3A_129 {offsets = [7], sizes = [1], strides = [1]} : vector<16xi32> to vector<1xi32>
        %squeeze3A_220 = vector.extract %slice3A_219[0] : i32 from vector<1xi32>
        %mul3A_221 = arith.constant 8 : i32
        %mul3A_222 = arith.muli %squeeze3A_220, %mul3A_221 : i32
        %add3A_223 = vector.broadcast %mul3A_222 : i32 to vector<16xi32>
        %add3A_224 = arith.addi %add3A_223, %sub3A_25 : vector<16xi32>
        %mul3A_225 = arith.constant 4 : i32
        %mul3A_226 = arith.muli %mul3A_225, %add3A_123 : i32
        %add3A_227 = arith.constant 1 : i32
        %add3A_228 = arith.addi %mul3A_226, %add3A_227 : i32
        %get3A_229 = arith.index_cast %add3A_228 : i32 to index
        %get3A_230 = arith.constant 96 : index
        %get3A_231 = tpu.vector_load %arg6[%get3A_229, %get3A_230] {strides = array<i32>} : memref<80x128xf32, #tpu.memory_space<vmem>>, vector<16xf32>,
        tpu.vector_store_idx %arg8[%add3A_224], %get3A_231 masked %and3A_32 {add = true} : memref<81920xf32, #tpu.memory_space<vmem>>[vector<16xi32>], vector<16xf32>, vector<16xi1>
        %slice3A_232 = vector.extract_strided_slice %get3A_129 {offsets = [8], sizes = [1], strides = [1]} : vector<16xi32> to vector<1xi32>
        %squeeze3A_233 = vector.extract %slice3A_232[0] : i32 from vector<1xi32>
        %mul3A_234 = arith.constant 8 : i32
        %mul3A_235 = arith.muli %squeeze3A_233, %mul3A_234 : i32
        %add3A_236 = vector.broadcast %mul3A_235 : i32 to vector<16xi32>
        %add3A_237 = arith.addi %add3A_236, %sub3A_25 : vector<16xi32>
        %mul3A_238 = arith.constant 4 : i32
        %mul3A_239 = arith.muli %mul3A_238, %add3A_123 : i32
        %add3A_240 = arith.constant 2 : i32
        %add3A_241 = arith.addi %mul3A_239, %add3A_240 : i32
        %get3A_242 = arith.index_cast %add3A_241 : i32 to index
        %get3A_243 = arith.constant 0 : index
        %get3A_244 = tpu.vector_load %arg6[%get3A_242, %get3A_243] {strides = array<i32>} : memref<80x128xf32, #tpu.memory_space<vmem>>, vector<16xf32>,
        tpu.vector_store_idx %arg8[%add3A_237], %get3A_244 masked %and3A_32 {add = true} : memref<81920xf32, #tpu.memory_space<vmem>>[vector<16xi32>], vector<16xf32>, vector<16xi1>
        %slice3A_245 = vector.extract_strided_slice %get3A_129 {offsets = [9], sizes = [1], strides = [1]} : vector<16xi32> to vector<1xi32>
        %squeeze3A_246 = vector.extract %slice3A_245[0] : i32 from vector<1xi32>
        %mul3A_247 = arith.constant 8 : i32
        %mul3A_248 = arith.muli %squeeze3A_246, %mul3A_247 : i32
        %add3A_249 = vector.broadcast %mul3A_248 : i32 to vector<16xi32>
        %add3A_250 = arith.addi %add3A_249, %sub3A_25 : vector<16xi32>
        %mul3A_251 = arith.constant 4 : i32
        %mul3A_252 = arith.muli %mul3A_251, %add3A_123 : i32
        %add3A_253 = arith.constant 2 : i32
        %add3A_254 = arith.addi %mul3A_252, %add3A_253 : i32
        %get3A_255 = arith.index_cast %add3A_254 : i32 to index
        %get3A_256 = arith.constant 32 : index
        %get3A_257 = tpu.vector_load %arg6[%get3A_255, %get3A_256] {strides = array<i32>} : memref<80x128xf32, #tpu.memory_space<vmem>>, vector<16xf32>,
        tpu.vector_store_idx %arg8[%add3A_250], %get3A_257 masked %and3A_32 {add = true} : memref<81920xf32, #tpu.memory_space<vmem>>[vector<16xi32>], vector<16xf32>, vector<16xi1>
        %slice3A_258 = vector.extract_strided_slice %get3A_129 {offsets = [10], sizes = [1], strides = [1]} : vector<16xi32> to vector<1xi32>
        %squeeze3A_259 = vector.extract %slice3A_258[0] : i32 from vector<1xi32>
        %mul3A_260 = arith.constant 8 : i32
        %mul3A_261 = arith.muli %squeeze3A_259, %mul3A_260 : i32
        %add3A_262 = vector.broadcast %mul3A_261 : i32 to vector<16xi32>
        %add3A_263 = arith.addi %add3A_262, %sub3A_25 : vector<16xi32>
        %mul3A_264 = arith.constant 4 : i32
        %mul3A_265 = arith.muli %mul3A_264, %add3A_123 : i32
        %add3A_266 = arith.constant 2 : i32
        %add3A_267 = arith.addi %mul3A_265, %add3A_266 : i32
        %get3A_268 = arith.index_cast %add3A_267 : i32 to index
        %get3A_269 = arith.constant 64 : index
        %get3A_270 = tpu.vector_load %arg6[%get3A_268, %get3A_269] {strides = array<i32>} : memref<80x128xf32, #tpu.memory_space<vmem>>, vector<16xf32>,
        tpu.vector_store_idx %arg8[%add3A_263], %get3A_270 masked %and3A_32 {add = true} : memref<81920xf32, #tpu.memory_space<vmem>>[vector<16xi32>], vector<16xf32>, vector<16xi1>
        %slice3A_271 = vector.extract_strided_slice %get3A_129 {offsets = [11], sizes = [1], strides = [1]} : vector<16xi32> to vector<1xi32>
        %squeeze3A_272 = vector.extract %slice3A_271[0] : i32 from vector<1xi32>
        %mul3A_273 = arith.constant 8 : i32
        %mul3A_274 = arith.muli %squeeze3A_272, %mul3A_273 : i32
        %add3A_275 = vector.broadcast %mul3A_274 : i32 to vector<16xi32>
        %add3A_276 = arith.addi %add3A_275, %sub3A_25 : vector<16xi32>
        %mul3A_277 = arith.constant 4 : i32
        %mul3A_278 = arith.muli %mul3A_277, %add3A_123 : i32
        %add3A_279 = arith.constant 2 : i32
        %add3A_280 = arith.addi %mul3A_278, %add3A_279 : i32
        %get3A_281 = arith.index_cast %add3A_280 : i32 to index
        %get3A_282 = arith.constant 96 : index
        %get3A_283 = tpu.vector_load %arg6[%get3A_281, %get3A_282] {strides = array<i32>} : memref<80x128xf32, #tpu.memory_space<vmem>>, vector<16xf32>,
        tpu.vector_store_idx %arg8[%add3A_276], %get3A_283 masked %and3A_32 {add = true} : memref<81920xf32, #tpu.memory_space<vmem>>[vector<16xi32>], vector<16xf32>, vector<16xi1>
        %slice3A_284 = vector.extract_strided_slice %get3A_129 {offsets = [12], sizes = [1], strides = [1]} : vector<16xi32> to vector<1xi32>
        %squeeze3A_285 = vector.extract %slice3A_284[0] : i32 from vector<1xi32>
        %mul3A_286 = arith.constant 8 : i32
        %mul3A_287 = arith.muli %squeeze3A_285, %mul3A_286 : i32
        %add3A_288 = vector.broadcast %mul3A_287 : i32 to vector<16xi32>
        %add3A_289 = arith.addi %add3A_288, %sub3A_25 : vector<16xi32>
        %mul3A_290 = arith.constant 4 : i32
        %mul3A_291 = arith.muli %mul3A_290, %add3A_123 : i32
        %add3A_292 = arith.constant 3 : i32
        %add3A_293 = arith.addi %mul3A_291, %add3A_292 : i32
        %get3A_294 = arith.index_cast %add3A_293 : i32 to index
        %get3A_295 = arith.constant 0 : index
        %get3A_296 = tpu.vector_load %arg6[%get3A_294, %get3A_295] {strides = array<i32>} : memref<80x128xf32, #tpu.memory_space<vmem>>, vector<16xf32>,
        tpu.vector_store_idx %arg8[%add3A_289], %get3A_296 masked %and3A_32 {add = true} : memref<81920xf32, #tpu.memory_space<vmem>>[vector<16xi32>], vector<16xf32>, vector<16xi1>
        %slice3A_297 = vector.extract_strided_slice %get3A_129 {offsets = [13], sizes = [1], strides = [1]} : vector<16xi32> to vector<1xi32>
        %squeeze3A_298 = vector.extract %slice3A_297[0] : i32 from vector<1xi32>
        %mul3A_299 = arith.constant 8 : i32
        %mul3A_300 = arith.muli %squeeze3A_298, %mul3A_299 : i32
        %add3A_301 = vector.broadcast %mul3A_300 : i32 to vector<16xi32>
        %add3A_302 = arith.addi %add3A_301, %sub3A_25 : vector<16xi32>
        %mul3A_303 = arith.constant 4 : i32
        %mul3A_304 = arith.muli %mul3A_303, %add3A_123 : i32
        %add3A_305 = arith.constant 3 : i32
        %add3A_306 = arith.addi %mul3A_304, %add3A_305 : i32
        %get3A_307 = arith.index_cast %add3A_306 : i32 to index
        %get3A_308 = arith.constant 32 : index
        %get3A_309 = tpu.vector_load %arg6[%get3A_307, %get3A_308] {strides = array<i32>} : memref<80x128xf32, #tpu.memory_space<vmem>>, vector<16xf32>,
        tpu.vector_store_idx %arg8[%add3A_302], %get3A_309 masked %and3A_32 {add = true} : memref<81920xf32, #tpu.memory_space<vmem>>[vector<16xi32>], vector<16xf32>, vector<16xi1>
        %slice3A_310 = vector.extract_strided_slice %get3A_129 {offsets = [14], sizes = [1], strides = [1]} : vector<16xi32> to vector<1xi32>
        %squeeze3A_311 = vector.extract %slice3A_310[0] : i32 from vector<1xi32>
        %mul3A_312 = arith.constant 8 : i32
        %mul3A_313 = arith.muli %squeeze3A_311, %mul3A_312 : i32
        %add3A_314 = vector.broadcast %mul3A_313 : i32 to vector<16xi32>
        %add3A_315 = arith.addi %add3A_314, %sub3A_25 : vector<16xi32>
        %mul3A_316 = arith.constant 4 : i32
        %mul3A_317 = arith.muli %mul3A_316, %add3A_123 : i32
        %add3A_318 = arith.constant 3 : i32
        %add3A_319 = arith.addi %mul3A_317, %add3A_318 : i32
        %get3A_320 = arith.index_cast %add3A_319 : i32 to index
        %get3A_321 = arith.constant 64 : index
        %get3A_322 = tpu.vector_load %arg6[%get3A_320, %get3A_321] {strides = array<i32>} : memref<80x128xf32, #tpu.memory_space<vmem>>, vector<16xf32>,
        tpu.vector_store_idx %arg8[%add3A_315], %get3A_322 masked %and3A_32 {add = true} : memref<81920xf32, #tpu.memory_space<vmem>>[vector<16xi32>], vector<16xf32>, vector<16xi1>
        %slice3A_323 = vector.extract_strided_slice %get3A_129 {offsets = [15], sizes = [1], strides = [1]} : vector<16xi32> to vector<1xi32>
        %squeeze3A_324 = vector.extract %slice3A_323[0] : i32 from vector<1xi32>
        %mul3A_325 = arith.constant 8 : i32
        %mul3A_326 = arith.muli %squeeze3A_324, %mul3A_325 : i32
        %add3A_327 = vector.broadcast %mul3A_326 : i32 to vector<16xi32>
        %add3A_328 = arith.addi %add3A_327, %sub3A_25 : vector<16xi32>
        %mul3A_329 = arith.constant 4 : i32
        %mul3A_330 = arith.muli %mul3A_329, %add3A_123 : i32
        %add3A_331 = arith.constant 3 : i32
        %add3A_332 = arith.addi %mul3A_330, %add3A_331 : i32
        %get3A_333 = arith.index_cast %add3A_332 : i32 to index
        %get3A_334 = arith.constant 96 : index
        %get3A_335 = tpu.vector_load %arg6[%get3A_333, %get3A_334] {strides = array<i32>} : memref<80x128xf32, #tpu.memory_space<vmem>>, vector<16xf32>,
        tpu.vector_store_idx %arg8[%add3A_328], %get3A_335 masked %and3A_32 {add = true} : memref<81920xf32, #tpu.memory_space<vmem>>[vector<16xi32>], vector<16xf32>, vector<16xi1>
      }
      %scan3A_107 = arith.constant 20 : i32
      %dma_wait3A_108 = arith.constant 0 : i32
      %dma_wait3A_109 = tpu.memref_slice %arg3[%add3A_95, %dma_wait3A_108] : memref<81920x128xf32, #tpu.memory_space<hbm>> -> memref<80x128xf32, #tpu.memory_space<hbm>>
      %dma_wait3A_110 = arith.constant 0 : i32
      %dma_wait3A_111 = tpu.memref_slice %arg3[%add3A_95, %dma_wait3A_110] : memref<81920x128xf32, #tpu.memory_space<hbm>> -> memref<80x128xf32, #tpu.memory_space<hbm>>
      tpu.wait_dma2 semaphore(%arg10 : memref<!tpu.dma_semaphore, #tpu.memory_space<semaphore_mem>>) src(%dma_wait3A_111 : memref<80x128xf32, #tpu.memory_space<hbm>>) dst(%arg7 : memref<80x128xf32, #tpu.memory_space<vmem>>)
      %add3A_112 = arith.constant 1 : i32
      %add3A_113 = arith.addi %add3A_85, %add3A_112 : i32
      %scan3A_114 = arith.constant 0 : i32
      %scan3A_115 = arith.constant 20 : i32
      %scan3A_116 = arith.addi %scan3A_114, %scan3A_115 : i32
      %scan3A_117 = arith.constant 1 : i32
      scf.for %scan3A_119 = %scan3A_114 to %scan3A_116 step %scan3A_117  : i32 {
        %mul3A_120 = arith.constant 1 : i32
        %mul3A_121 = arith.muli %scan3A_119, %mul3A_120 : i32
        %add3A_122 = arith.constant 0 : i32
        %add3A_123 = arith.addi %add3A_122, %mul3A_121 : i32
        %mul3A_124 = arith.constant 320 : i32
        %mul3A_125 = arith.muli %add3A_113, %mul3A_124 : i32
        %mul3A_126 = arith.constant 16 : i32
        %mul3A_127 = arith.muli %mul3A_126, %add3A_123 : i32
        %add3A_128 = arith.addi %mul3A_125, %mul3A_127 : i32
        %get3A = arith.index_cast %add3A_128 : i32 to index
        %get3A_129 = tpu.vector_load %arg5[%get3A] {strides = array<i32>} : memref<10240xi32, #tpu.memory_space<vmem>>, vector<16xi32>,
        %slice3A = vector.extract_strided_slice %get3A_129 {offsets = [0], sizes = [1], strides = [1]} : vector<16xi32> to vector<1xi32>
        %squeeze3A = vector.extract %slice3A[0] : i32 from vector<1xi32>
        %mul3A_130 = arith.constant 8 : i32
        %mul3A_131 = arith.muli %squeeze3A, %mul3A_130 : i32
        %add3A_132 = vector.broadcast %mul3A_131 : i32 to vector<16xi32>
        %add3A_133 = arith.addi %add3A_132, %sub3A_25 : vector<16xi32>
        %mul3A_134 = arith.constant 4 : i32
        %mul3A_135 = arith.muli %mul3A_134, %add3A_123 : i32
        %add3A_136 = arith.constant 0 : i32
        %add3A_137 = arith.addi %mul3A_135, %add3A_136 : i32
        %get3A_138 = arith.index_cast %add3A_137 : i32 to index
        %get3A_139 = arith.constant 0 : index
        %get3A_140 = tpu.vector_load %arg7[%get3A_138, %get3A_139] {strides = array<i32>} : memref<80x128xf32, #tpu.memory_space<vmem>>, vector<16xf32>,
        tpu.vector_store_idx %arg8[%add3A_133], %get3A_140 masked %and3A_32 {add = true} : memref<81920xf32, #tpu.memory_space<vmem>>[vector<16xi32>], vector<16xf32>, vector<16xi1>
        %slice3A_141 = vector.extract_strided_slice %get3A_129 {offsets = [1], sizes = [1], strides = [1]} : vector<16xi32> to vector<1xi32>
        %squeeze3A_142 = vector.extract %slice3A_141[0] : i32 from vector<1xi32>
        %mul3A_143 = arith.constant 8 : i32
        %mul3A_144 = arith.muli %squeeze3A_142, %mul3A_143 : i32
        %add3A_145 = vector.broadcast %mul3A_144 : i32 to vector<16xi32>
        %add3A_146 = arith.addi %add3A_145, %sub3A_25 : vector<16xi32>
        %mul3A_147 = arith.constant 4 : i32
        %mul3A_148 = arith.muli %mul3A_147, %add3A_123 : i32
        %add3A_149 = arith.constant 0 : i32
        %add3A_150 = arith.addi %mul3A_148, %add3A_149 : i32
        %get3A_151 = arith.index_cast %add3A_150 : i32 to index
        %get3A_152 = arith.constant 32 : index
        %get3A_153 = tpu.vector_load %arg7[%get3A_151, %get3A_152] {strides = array<i32>} : memref<80x128xf32, #tpu.memory_space<vmem>>, vector<16xf32>,
        tpu.vector_store_idx %arg8[%add3A_146], %get3A_153 masked %and3A_32 {add = true} : memref<81920xf32, #tpu.memory_space<vmem>>[vector<16xi32>], vector<16xf32>, vector<16xi1>
        %slice3A_154 = vector.extract_strided_slice %get3A_129 {offsets = [2], sizes = [1], strides = [1]} : vector<16xi32> to vector<1xi32>
        %squeeze3A_155 = vector.extract %slice3A_154[0] : i32 from vector<1xi32>
        %mul3A_156 = arith.constant 8 : i32
        %mul3A_157 = arith.muli %squeeze3A_155, %mul3A_156 : i32
        %add3A_158 = vector.broadcast %mul3A_157 : i32 to vector<16xi32>
        %add3A_159 = arith.addi %add3A_158, %sub3A_25 : vector<16xi32>
        %mul3A_160 = arith.constant 4 : i32
        %mul3A_161 = arith.muli %mul3A_160, %add3A_123 : i32
        %add3A_162 = arith.constant 0 : i32
        %add3A_163 = arith.addi %mul3A_161, %add3A_162 : i32
        %get3A_164 = arith.index_cast %add3A_163 : i32 to index
        %get3A_165 = arith.constant 64 : index
        %get3A_166 = tpu.vector_load %arg7[%get3A_164, %get3A_165] {strides = array<i32>} : memref<80x128xf32, #tpu.memory_space<vmem>>, vector<16xf32>,
        tpu.vector_store_idx %arg8[%add3A_159], %get3A_166 masked %and3A_32 {add = true} : memref<81920xf32, #tpu.memory_space<vmem>>[vector<16xi32>], vector<16xf32>, vector<16xi1>
        %slice3A_167 = vector.extract_strided_slice %get3A_129 {offsets = [3], sizes = [1], strides = [1]} : vector<16xi32> to vector<1xi32>
        %squeeze3A_168 = vector.extract %slice3A_167[0] : i32 from vector<1xi32>
        %mul3A_169 = arith.constant 8 : i32
        %mul3A_170 = arith.muli %squeeze3A_168, %mul3A_169 : i32
        %add3A_171 = vector.broadcast %mul3A_170 : i32 to vector<16xi32>
        %add3A_172 = arith.addi %add3A_171, %sub3A_25 : vector<16xi32>
        %mul3A_173 = arith.constant 4 : i32
        %mul3A_174 = arith.muli %mul3A_173, %add3A_123 : i32
        %add3A_175 = arith.constant 0 : i32
        %add3A_176 = arith.addi %mul3A_174, %add3A_175 : i32
        %get3A_177 = arith.index_cast %add3A_176 : i32 to index
        %get3A_178 = arith.constant 96 : index
        %get3A_179 = tpu.vector_load %arg7[%get3A_177, %get3A_178] {strides = array<i32>} : memref<80x128xf32, #tpu.memory_space<vmem>>, vector<16xf32>,
        tpu.vector_store_idx %arg8[%add3A_172], %get3A_179 masked %and3A_32 {add = true} : memref<81920xf32, #tpu.memory_space<vmem>>[vector<16xi32>], vector<16xf32>, vector<16xi1>
        %slice3A_180 = vector.extract_strided_slice %get3A_129 {offsets = [4], sizes = [1], strides = [1]} : vector<16xi32> to vector<1xi32>
        %squeeze3A_181 = vector.extract %slice3A_180[0] : i32 from vector<1xi32>
        %mul3A_182 = arith.constant 8 : i32
        %mul3A_183 = arith.muli %squeeze3A_181, %mul3A_182 : i32
        %add3A_184 = vector.broadcast %mul3A_183 : i32 to vector<16xi32>
        %add3A_185 = arith.addi %add3A_184, %sub3A_25 : vector<16xi32>
        %mul3A_186 = arith.constant 4 : i32
        %mul3A_187 = arith.muli %mul3A_186, %add3A_123 : i32
        %add3A_188 = arith.constant 1 : i32
        %add3A_189 = arith.addi %mul3A_187, %add3A_188 : i32
        %get3A_190 = arith.index_cast %add3A_189 : i32 to index
        %get3A_191 = arith.constant 0 : index
        %get3A_192 = tpu.vector_load %arg7[%get3A_190, %get3A_191] {strides = array<i32>} : memref<80x128xf32, #tpu.memory_space<vmem>>, vector<16xf32>,
        tpu.vector_store_idx %arg8[%add3A_185], %get3A_192 masked %and3A_32 {add = true} : memref<81920xf32, #tpu.memory_space<vmem>>[vector<16xi32>], vector<16xf32>, vector<16xi1>
        %slice3A_193 = vector.extract_strided_slice %get3A_129 {offsets = [5], sizes = [1], strides = [1]} : vector<16xi32> to vector<1xi32>
        %squeeze3A_194 = vector.extract %slice3A_193[0] : i32 from vector<1xi32>
        %mul3A_195 = arith.constant 8 : i32
        %mul3A_196 = arith.muli %squeeze3A_194, %mul3A_195 : i32
        %add3A_197 = vector.broadcast %mul3A_196 : i32 to vector<16xi32>
        %add3A_198 = arith.addi %add3A_197, %sub3A_25 : vector<16xi32>
        %mul3A_199 = arith.constant 4 : i32
        %mul3A_200 = arith.muli %mul3A_199, %add3A_123 : i32
        %add3A_201 = arith.constant 1 : i32
        %add3A_202 = arith.addi %mul3A_200, %add3A_201 : i32
        %get3A_203 = arith.index_cast %add3A_202 : i32 to index
        %get3A_204 = arith.constant 32 : index
        %get3A_205 = tpu.vector_load %arg7[%get3A_203, %get3A_204] {strides = array<i32>} : memref<80x128xf32, #tpu.memory_space<vmem>>, vector<16xf32>,
        tpu.vector_store_idx %arg8[%add3A_198], %get3A_205 masked %and3A_32 {add = true} : memref<81920xf32, #tpu.memory_space<vmem>>[vector<16xi32>], vector<16xf32>, vector<16xi1>
        %slice3A_206 = vector.extract_strided_slice %get3A_129 {offsets = [6], sizes = [1], strides = [1]} : vector<16xi32> to vector<1xi32>
        %squeeze3A_207 = vector.extract %slice3A_206[0] : i32 from vector<1xi32>
        %mul3A_208 = arith.constant 8 : i32
        %mul3A_209 = arith.muli %squeeze3A_207, %mul3A_208 : i32
        %add3A_210 = vector.broadcast %mul3A_209 : i32 to vector<16xi32>
        %add3A_211 = arith.addi %add3A_210, %sub3A_25 : vector<16xi32>
        %mul3A_212 = arith.constant 4 : i32
        %mul3A_213 = arith.muli %mul3A_212, %add3A_123 : i32
        %add3A_214 = arith.constant 1 : i32
        %add3A_215 = arith.addi %mul3A_213, %add3A_214 : i32
        %get3A_216 = arith.index_cast %add3A_215 : i32 to index
        %get3A_217 = arith.constant 64 : index
        %get3A_218 = tpu.vector_load %arg7[%get3A_216, %get3A_217] {strides = array<i32>} : memref<80x128xf32, #tpu.memory_space<vmem>>, vector<16xf32>,
        tpu.vector_store_idx %arg8[%add3A_211], %get3A_218 masked %and3A_32 {add = true} : memref<81920xf32, #tpu.memory_space<vmem>>[vector<16xi32>], vector<16xf32>, vector<16xi1>
        %slice3A_219 = vector.extract_strided_slice %get3A_129 {offsets = [7], sizes = [1], strides = [1]} : vector<16xi32> to vector<1xi32>
        %squeeze3A_220 = vector.extract %slice3A_219[0] : i32 from vector<1xi32>
        %mul3A_221 = arith.constant 8 : i32
        %mul3A_222 = arith.muli %squeeze3A_220, %mul3A_221 : i32
        %add3A_223 = vector.broadcast %mul3A_222 : i32 to vector<16xi32>
        %add3A_224 = arith.addi %add3A_223, %sub3A_25 : vector<16xi32>
        %mul3A_225 = arith.constant 4 : i32
        %mul3A_226 = arith.muli %mul3A_225, %add3A_123 : i32
        %add3A_227 = arith.constant 1 : i32
        %add3A_228 = arith.addi %mul3A_226, %add3A_227 : i32
        %get3A_229 = arith.index_cast %add3A_228 : i32 to index
        %get3A_230 = arith.constant 96 : index
        %get3A_231 = tpu.vector_load %arg7[%get3A_229, %get3A_230] {strides = array<i32>} : memref<80x128xf32, #tpu.memory_space<vmem>>, vector<16xf32>,
        tpu.vector_store_idx %arg8[%add3A_224], %get3A_231 masked %and3A_32 {add = true} : memref<81920xf32, #tpu.memory_space<vmem>>[vector<16xi32>], vector<16xf32>, vector<16xi1>
        %slice3A_232 = vector.extract_strided_slice %get3A_129 {offsets = [8], sizes = [1], strides = [1]} : vector<16xi32> to vector<1xi32>
        %squeeze3A_233 = vector.extract %slice3A_232[0] : i32 from vector<1xi32>
        %mul3A_234 = arith.constant 8 : i32
        %mul3A_235 = arith.muli %squeeze3A_233, %mul3A_234 : i32
        %add3A_236 = vector.broadcast %mul3A_235 : i32 to vector<16xi32>
        %add3A_237 = arith.addi %add3A_236, %sub3A_25 : vector<16xi32>
        %mul3A_238 = arith.constant 4 : i32
        %mul3A_239 = arith.muli %mul3A_238, %add3A_123 : i32
        %add3A_240 = arith.constant 2 : i32
        %add3A_241 = arith.addi %mul3A_239, %add3A_240 : i32
        %get3A_242 = arith.index_cast %add3A_241 : i32 to index
        %get3A_243 = arith.constant 0 : index
        %get3A_244 = tpu.vector_load %arg7[%get3A_242, %get3A_243] {strides = array<i32>} : memref<80x128xf32, #tpu.memory_space<vmem>>, vector<16xf32>,
        tpu.vector_store_idx %arg8[%add3A_237], %get3A_244 masked %and3A_32 {add = true} : memref<81920xf32, #tpu.memory_space<vmem>>[vector<16xi32>], vector<16xf32>, vector<16xi1>
        %slice3A_245 = vector.extract_strided_slice %get3A_129 {offsets = [9], sizes = [1], strides = [1]} : vector<16xi32> to vector<1xi32>
        %squeeze3A_246 = vector.extract %slice3A_245[0] : i32 from vector<1xi32>
        %mul3A_247 = arith.constant 8 : i32
        %mul3A_248 = arith.muli %squeeze3A_246, %mul3A_247 : i32
        %add3A_249 = vector.broadcast %mul3A_248 : i32 to vector<16xi32>
        %add3A_250 = arith.addi %add3A_249, %sub3A_25 : vector<16xi32>
        %mul3A_251 = arith.constant 4 : i32
        %mul3A_252 = arith.muli %mul3A_251, %add3A_123 : i32
        %add3A_253 = arith.constant 2 : i32
        %add3A_254 = arith.addi %mul3A_252, %add3A_253 : i32
        %get3A_255 = arith.index_cast %add3A_254 : i32 to index
        %get3A_256 = arith.constant 32 : index
        %get3A_257 = tpu.vector_load %arg7[%get3A_255, %get3A_256] {strides = array<i32>} : memref<80x128xf32, #tpu.memory_space<vmem>>, vector<16xf32>,
        tpu.vector_store_idx %arg8[%add3A_250], %get3A_257 masked %and3A_32 {add = true} : memref<81920xf32, #tpu.memory_space<vmem>>[vector<16xi32>], vector<16xf32>, vector<16xi1>
        %slice3A_258 = vector.extract_strided_slice %get3A_129 {offsets = [10], sizes = [1], strides = [1]} : vector<16xi32> to vector<1xi32>
        %squeeze3A_259 = vector.extract %slice3A_258[0] : i32 from vector<1xi32>
        %mul3A_260 = arith.constant 8 : i32
        %mul3A_261 = arith.muli %squeeze3A_259, %mul3A_260 : i32
        %add3A_262 = vector.broadcast %mul3A_261 : i32 to vector<16xi32>
        %add3A_263 = arith.addi %add3A_262, %sub3A_25 : vector<16xi32>
        %mul3A_264 = arith.constant 4 : i32
        %mul3A_265 = arith.muli %mul3A_264, %add3A_123 : i32
        %add3A_266 = arith.constant 2 : i32
        %add3A_267 = arith.addi %mul3A_265, %add3A_266 : i32
        %get3A_268 = arith.index_cast %add3A_267 : i32 to index
        %get3A_269 = arith.constant 64 : index
        %get3A_270 = tpu.vector_load %arg7[%get3A_268, %get3A_269] {strides = array<i32>} : memref<80x128xf32, #tpu.memory_space<vmem>>, vector<16xf32>,
        tpu.vector_store_idx %arg8[%add3A_263], %get3A_270 masked %and3A_32 {add = true} : memref<81920xf32, #tpu.memory_space<vmem>>[vector<16xi32>], vector<16xf32>, vector<16xi1>
        %slice3A_271 = vector.extract_strided_slice %get3A_129 {offsets = [11], sizes = [1], strides = [1]} : vector<16xi32> to vector<1xi32>
        %squeeze3A_272 = vector.extract %slice3A_271[0] : i32 from vector<1xi32>
        %mul3A_273 = arith.constant 8 : i32
        %mul3A_274 = arith.muli %squeeze3A_272, %mul3A_273 : i32
        %add3A_275 = vector.broadcast %mul3A_274 : i32 to vector<16xi32>
        %add3A_276 = arith.addi %add3A_275, %sub3A_25 : vector<16xi32>
        %mul3A_277 = arith.constant 4 : i32
        %mul3A_278 = arith.muli %mul3A_277, %add3A_123 : i32
        %add3A_279 = arith.constant 2 : i32
        %add3A_280 = arith.addi %mul3A_278, %add3A_279 : i32
        %get3A_281 = arith.index_cast %add3A_280 : i32 to index
        %get3A_282 = arith.constant 96 : index
        %get3A_283 = tpu.vector_load %arg7[%get3A_281, %get3A_282] {strides = array<i32>} : memref<80x128xf32, #tpu.memory_space<vmem>>, vector<16xf32>,
        tpu.vector_store_idx %arg8[%add3A_276], %get3A_283 masked %and3A_32 {add = true} : memref<81920xf32, #tpu.memory_space<vmem>>[vector<16xi32>], vector<16xf32>, vector<16xi1>
        %slice3A_284 = vector.extract_strided_slice %get3A_129 {offsets = [12], sizes = [1], strides = [1]} : vector<16xi32> to vector<1xi32>
        %squeeze3A_285 = vector.extract %slice3A_284[0] : i32 from vector<1xi32>
        %mul3A_286 = arith.constant 8 : i32
        %mul3A_287 = arith.muli %squeeze3A_285, %mul3A_286 : i32
        %add3A_288 = vector.broadcast %mul3A_287 : i32 to vector<16xi32>
        %add3A_289 = arith.addi %add3A_288, %sub3A_25 : vector<16xi32>
        %mul3A_290 = arith.constant 4 : i32
        %mul3A_291 = arith.muli %mul3A_290, %add3A_123 : i32
        %add3A_292 = arith.constant 3 : i32
        %add3A_293 = arith.addi %mul3A_291, %add3A_292 : i32
        %get3A_294 = arith.index_cast %add3A_293 : i32 to index
        %get3A_295 = arith.constant 0 : index
        %get3A_296 = tpu.vector_load %arg7[%get3A_294, %get3A_295] {strides = array<i32>} : memref<80x128xf32, #tpu.memory_space<vmem>>, vector<16xf32>,
        tpu.vector_store_idx %arg8[%add3A_289], %get3A_296 masked %and3A_32 {add = true} : memref<81920xf32, #tpu.memory_space<vmem>>[vector<16xi32>], vector<16xf32>, vector<16xi1>
        %slice3A_297 = vector.extract_strided_slice %get3A_129 {offsets = [13], sizes = [1], strides = [1]} : vector<16xi32> to vector<1xi32>
        %squeeze3A_298 = vector.extract %slice3A_297[0] : i32 from vector<1xi32>
        %mul3A_299 = arith.constant 8 : i32
        %mul3A_300 = arith.muli %squeeze3A_298, %mul3A_299 : i32
        %add3A_301 = vector.broadcast %mul3A_300 : i32 to vector<16xi32>
        %add3A_302 = arith.addi %add3A_301, %sub3A_25 : vector<16xi32>
        %mul3A_303 = arith.constant 4 : i32
        %mul3A_304 = arith.muli %mul3A_303, %add3A_123 : i32
        %add3A_305 = arith.constant 3 : i32
        %add3A_306 = arith.addi %mul3A_304, %add3A_305 : i32
        %get3A_307 = arith.index_cast %add3A_306 : i32 to index
        %get3A_308 = arith.constant 32 : index
        %get3A_309 = tpu.vector_load %arg7[%get3A_307, %get3A_308] {strides = array<i32>} : memref<80x128xf32, #tpu.memory_space<vmem>>, vector<16xf32>,
        tpu.vector_store_idx %arg8[%add3A_302], %get3A_309 masked %and3A_32 {add = true} : memref<81920xf32, #tpu.memory_space<vmem>>[vector<16xi32>], vector<16xf32>, vector<16xi1>
        %slice3A_310 = vector.extract_strided_slice %get3A_129 {offsets = [14], sizes = [1], strides = [1]} : vector<16xi32> to vector<1xi32>
        %squeeze3A_311 = vector.extract %slice3A_310[0] : i32 from vector<1xi32>
        %mul3A_312 = arith.constant 8 : i32
        %mul3A_313 = arith.muli %squeeze3A_311, %mul3A_312 : i32
        %add3A_314 = vector.broadcast %mul3A_313 : i32 to vector<16xi32>
        %add3A_315 = arith.addi %add3A_314, %sub3A_25 : vector<16xi32>
        %mul3A_316 = arith.constant 4 : i32
        %mul3A_317 = arith.muli %mul3A_316, %add3A_123 : i32
        %add3A_318 = arith.constant 3 : i32
        %add3A_319 = arith.addi %mul3A_317, %add3A_318 : i32
        %get3A_320 = arith.index_cast %add3A_319 : i32 to index
        %get3A_321 = arith.constant 64 : index
        %get3A_322 = tpu.vector_load %arg7[%get3A_320, %get3A_321] {strides = array<i32>} : memref<80x128xf32, #tpu.memory_space<vmem>>, vector<16xf32>,
        tpu.vector_store_idx %arg8[%add3A_315], %get3A_322 masked %and3A_32 {add = true} : memref<81920xf32, #tpu.memory_space<vmem>>[vector<16xi32>], vector<16xf32>, vector<16xi1>
        %slice3A_323 = vector.extract_strided_slice %get3A_129 {offsets = [15], sizes = [1], strides = [1]} : vector<16xi32> to vector<1xi32>
        %squeeze3A_324 = vector.extract %slice3A_323[0] : i32 from vector<1xi32>
        %mul3A_325 = arith.constant 8 : i32
        %mul3A_326 = arith.muli %squeeze3A_324, %mul3A_325 : i32
        %add3A_327 = vector.broadcast %mul3A_326 : i32 to vector<16xi32>
        %add3A_328 = arith.addi %add3A_327, %sub3A_25 : vector<16xi32>
        %mul3A_329 = arith.constant 4 : i32
        %mul3A_330 = arith.muli %mul3A_329, %add3A_123 : i32
        %add3A_331 = arith.constant 3 : i32
        %add3A_332 = arith.addi %mul3A_330, %add3A_331 : i32
        %get3A_333 = arith.index_cast %add3A_332 : i32 to index
        %get3A_334 = arith.constant 96 : index
        %get3A_335 = tpu.vector_load %arg7[%get3A_333, %get3A_334] {strides = array<i32>} : memref<80x128xf32, #tpu.memory_space<vmem>>, vector<16xf32>,
        tpu.vector_store_idx %arg8[%add3A_328], %get3A_335 masked %and3A_32 {add = true} : memref<81920xf32, #tpu.memory_space<vmem>>[vector<16xi32>], vector<16xf32>, vector<16xi1>
      }
      %scan3A_118 = arith.constant 20 : i32
    }
    %scan3A_37 = arith.constant 16 : i32
    %run_scoped3A_38 = arith.constant 1 : i32
    "tpu.region"() ({
      %run_scoped3A_81 = tpu.sem_alloc : memref<!tpu.dma_semaphore, #tpu.memory_space<semaphore_mem>>
      %dma_start3A = arith.constant 0 : i32
      %dma_start3A_82 = tpu.memref_slice %arg4[%run_scoped3A_38, %add3A, %dma_start3A] : memref<4x32x81920xf32, #tpu.memory_space<hbm>> -> memref<1x1x81920xf32, #tpu.memory_space<hbm>>
      %dma_start3A_83 = tpu.memref_squeeze %dma_start3A_82 : memref<1x1x81920xf32, #tpu.memory_space<hbm>> -> memref<81920xf32, #tpu.memory_space<hbm>>
      %dma_start3A_84 = arith.constant 0 : i32
      %dma_start3A_85 = tpu.memref_slice %arg4[%run_scoped3A_38, %add3A, %dma_start3A_84] : memref<4x32x81920xf32, #tpu.memory_space<hbm>> -> memref<1x1x81920xf32, #tpu.memory_space<hbm>>
      %dma_start3A_86 = tpu.memref_squeeze %dma_start3A_85 : memref<1x1x81920xf32, #tpu.memory_space<hbm>> -> memref<81920xf32, #tpu.memory_space<hbm>>
      tpu.enqueue_dma source(%arg8 : memref<81920xf32, #tpu.memory_space<vmem>>) target(%dma_start3A_86 : memref<81920xf32, #tpu.memory_space<hbm>>) target_semaphore(%run_scoped3A_81 : memref<!tpu.dma_semaphore, #tpu.memory_space<semaphore_mem>>)
      %dma_wait3A = arith.constant 0 : i32
      %dma_wait3A_87 = tpu.memref_slice %arg4[%run_scoped3A_38, %add3A, %dma_wait3A] : memref<4x32x81920xf32, #tpu.memory_space<hbm>> -> memref<1x1x81920xf32, #tpu.memory_space<hbm>>
      %dma_wait3A_88 = tpu.memref_squeeze %dma_wait3A_87 : memref<1x1x81920xf32, #tpu.memory_space<hbm>> -> memref<81920xf32, #tpu.memory_space<hbm>>
      %dma_wait3A_89 = arith.constant 0 : i32
      %dma_wait3A_90 = tpu.memref_slice %arg4[%run_scoped3A_38, %add3A, %dma_wait3A_89] : memref<4x32x81920xf32, #tpu.memory_space<hbm>> -> memref<1x1x81920xf32, #tpu.memory_space<hbm>>
      %dma_wait3A_91 = tpu.memref_squeeze %dma_wait3A_90 : memref<1x1x81920xf32, #tpu.memory_space<hbm>> -> memref<81920xf32, #tpu.memory_space<hbm>>
      tpu.wait_dma2 semaphore(%run_scoped3A_81 : memref<!tpu.dma_semaphore, #tpu.memory_space<semaphore_mem>>) src(%arg8 : memref<81920xf32, #tpu.memory_space<vmem>>) dst(%dma_wait3A_91 : memref<81920xf32, #tpu.memory_space<hbm>>)
      tpu.yield
    }) : () -> ()
    %scan3A_39 = arith.constant 0 : i32
    %scan3A_40 = arith.constant 1280 : i32
    %scan3A_41 = arith.addi %scan3A_39, %scan3A_40 : i32
    %scan3A_42 = arith.constant 1 : i32
    scf.for %scan3A_81 = %scan3A_39 to %scan3A_41 step %scan3A_42  : i32 {
      %mul3A_82 = arith.constant 1 : i32
      %mul3A_83 = arith.muli %scan3A_81, %mul3A_82 : i32
      %add3A_84 = arith.constant 0 : i32
      %add3A_85 = arith.addi %add3A_84, %mul3A_83 : i32
      %broadcast_in_dim3A = arith.constant 0.000000e+00 : f32
      %broadcast_in_dim3A_86 = vector.broadcast %broadcast_in_dim3A : f32 to vector<16xf32>
      %mul3A_87 = arith.constant 64 : i32
      %mul3A_88 = arith.muli %mul3A_87, %add3A_85 : i32
      %add3A_89 = arith.constant 0 : i32
      %add3A_90 = arith.addi %mul3A_88, %add3A_89 : i32
      %swap3A = arith.index_cast %add3A_90 : i32 to index
      %swap3A_91 = tpu.vector_load %arg8[%swap3A] {strides = array<i32>} : memref<81920xf32, #tpu.memory_space<vmem>>, vector<16xf32>,
      tpu.vector_store %arg8[%swap3A], %broadcast_in_dim3A_86 {strides = array<i32>} : memref<81920xf32, #tpu.memory_space<vmem>>, vector<16xf32>,
      %broadcast_in_dim3A_92 = arith.constant 0.000000e+00 : f32
      %broadcast_in_dim3A_93 = vector.broadcast %broadcast_in_dim3A_92 : f32 to vector<16xf32>
      %mul3A_94 = arith.constant 64 : i32
      %mul3A_95 = arith.muli %mul3A_94, %add3A_85 : i32
      %add3A_96 = arith.constant 16 : i32
      %add3A_97 = arith.addi %mul3A_95, %add3A_96 : i32
      %swap3A_98 = arith.index_cast %add3A_97 : i32 to index
      %swap3A_99 = tpu.vector_load %arg8[%swap3A_98] {strides = array<i32>} : memref<81920xf32, #tpu.memory_space<vmem>>, vector<16xf32>,
      tpu.vector_store %arg8[%swap3A_98], %broadcast_in_dim3A_93 {strides = array<i32>} : memref<81920xf32, #tpu.memory_space<vmem>>, vector<16xf32>,
      %broadcast_in_dim3A_100 = arith.constant 0.000000e+00 : f32
      %broadcast_in_dim3A_101 = vector.broadcast %broadcast_in_dim3A_100 : f32 to vector<16xf32>
      %mul3A_102 = arith.constant 64 : i32
      %mul3A_103 = arith.muli %mul3A_102, %add3A_85 : i32
      %add3A_104 = arith.constant 32 : i32
      %add3A_105 = arith.addi %mul3A_103, %add3A_104 : i32
      %swap3A_106 = arith.index_cast %add3A_105 : i32 to index
      %swap3A_107 = tpu.vector_load %arg8[%swap3A_106] {strides = array<i32>} : memref<81920xf32, #tpu.memory_space<vmem>>, vector<16xf32>,
      tpu.vector_store %arg8[%swap3A_106], %broadcast_in_dim3A_101 {strides = array<i32>} : memref<81920xf32, #tpu.memory_space<vmem>>, vector<16xf32>,
      %broadcast_in_dim3A_108 = arith.constant 0.000000e+00 : f32
      %broadcast_in_dim3A_109 = vector.broadcast %broadcast_in_dim3A_108 : f32 to vector<16xf32>
      %mul3A_110 = arith.constant 64 : i32
      %mul3A_111 = arith.muli %mul3A_110, %add3A_85 : i32
      %add3A_112 = arith.constant 48 : i32
      %add3A_113 = arith.addi %mul3A_111, %add3A_112 : i32
      %swap3A_114 = arith.index_cast %add3A_113 : i32 to index
      %swap3A_115 = tpu.vector_load %arg8[%swap3A_114] {strides = array<i32>} : memref<81920xf32, #tpu.memory_space<vmem>>, vector<16xf32>,
      tpu.vector_store %arg8[%swap3A_114], %broadcast_in_dim3A_109 {strides = array<i32>} : memref<81920xf32, #tpu.memory_space<vmem>>, vector<16xf32>,
    }
    %scan3A_43 = arith.constant 1280 : i32
    %sub3A_44 = arith.constant 0 : i32
    %sub3A_45 = vector.broadcast %sub3A_44 : i32 to vector<16xi32>
    %sub3A_46 = arith.subi %iota3A, %sub3A_45 : vector<16xi32>
    %ge3A_47 = arith.constant 0 : i32
    %ge3A_48 = vector.broadcast %ge3A_47 : i32 to vector<16xi32>
    %ge3A_49 = arith.cmpi sge, %iota3A, %ge3A_48 : vector<16xi32>
    %lt3A_50 = arith.constant 8 : i32
    %lt3A_51 = vector.broadcast %lt3A_50 : i32 to vector<16xi32>
    %lt3A_52 = arith.cmpi slt, %iota3A, %lt3A_51 : vector<16xi32>
    %and3A_53 = arith.andi %ge3A_49, %lt3A_52 : vector<16xi1>
    %scan3A_54 = arith.constant 0 : i32
    %scan3A_55 = arith.constant 16 : i32
    %scan3A_56 = arith.addi %scan3A_54, %scan3A_55 : i32
    %scan3A_57 = arith.constant 1 : i32
    scf.for %scan3A_81 = %scan3A_54 to %scan3A_56 step %scan3A_57  : i32 {
      %mul3A_82 = arith.constant 2 : i32
      %mul3A_83 = arith.muli %scan3A_81, %mul3A_82 : i32
      %add3A_84 = arith.constant 0 : i32
      %add3A_85 = arith.addi %add3A_84, %mul3A_83 : i32
      %mul3A_86 = arith.constant 2560 : i32
      %mul3A_87 = arith.muli %add3A, %mul3A_86 : i32
      %mul3A_88 = arith.constant 80 : i32
      %mul3A_89 = arith.muli %add3A_85, %mul3A_88 : i32
      %add3A_90 = arith.addi %mul3A_87, %mul3A_89 : i32
      %dma_start3A = arith.constant 0 : i32
      %dma_start3A_91 = tpu.memref_slice %arg3[%add3A_90, %dma_start3A] : memref<81920x128xf32, #tpu.memory_space<hbm>> -> memref<80x128xf32, #tpu.memory_space<hbm>>
      %dma_start3A_92 = arith.constant 0 : i32
      %dma_start3A_93 = tpu.memref_slice %arg3[%add3A_90, %dma_start3A_92] : memref<81920x128xf32, #tpu.memory_space<hbm>> -> memref<80x128xf32, #tpu.memory_space<hbm>>
      tpu.enqueue_dma source(%dma_start3A_93 : memref<80x128xf32, #tpu.memory_space<hbm>>) target(%arg6 : memref<80x128xf32, #tpu.memory_space<vmem>>) target_semaphore(%arg9 : memref<!tpu.dma_semaphore, #tpu.memory_space<semaphore_mem>>)
      %add3A_94 = arith.constant 80 : i32
      %add3A_95 = arith.addi %add3A_90, %add3A_94 : i32
      %dma_start3A_96 = arith.constant 0 : i32
      %dma_start3A_97 = tpu.memref_slice %arg3[%add3A_95, %dma_start3A_96] : memref<81920x128xf32, #tpu.memory_space<hbm>> -> memref<80x128xf32, #tpu.memory_space<hbm>>
      %dma_start3A_98 = arith.constant 0 : i32
      %dma_start3A_99 = tpu.memref_slice %arg3[%add3A_95, %dma_start3A_98] : memref<81920x128xf32, #tpu.memory_space<hbm>> -> memref<80x128xf32, #tpu.memory_space<hbm>>
      tpu.enqueue_dma source(%dma_start3A_99 : memref<80x128xf32, #tpu.memory_space<hbm>>) target(%arg7 : memref<80x128xf32, #tpu.memory_space<vmem>>) target_semaphore(%arg10 : memref<!tpu.dma_semaphore, #tpu.memory_space<semaphore_mem>>)
      %dma_wait3A = arith.constant 0 : i32
      %dma_wait3A_100 = tpu.memref_slice %arg3[%add3A_90, %dma_wait3A] : memref<81920x128xf32, #tpu.memory_space<hbm>> -> memref<80x128xf32, #tpu.memory_space<hbm>>
      %dma_wait3A_101 = arith.constant 0 : i32
      %dma_wait3A_102 = tpu.memref_slice %arg3[%add3A_90, %dma_wait3A_101] : memref<81920x128xf32, #tpu.memory_space<hbm>> -> memref<80x128xf32, #tpu.memory_space<hbm>>
      tpu.wait_dma2 semaphore(%arg9 : memref<!tpu.dma_semaphore, #tpu.memory_space<semaphore_mem>>) src(%dma_wait3A_102 : memref<80x128xf32, #tpu.memory_space<hbm>>) dst(%arg6 : memref<80x128xf32, #tpu.memory_space<vmem>>)
      %scan3A_103 = arith.constant 0 : i32
      %scan3A_104 = arith.constant 20 : i32
      %scan3A_105 = arith.addi %scan3A_103, %scan3A_104 : i32
      %scan3A_106 = arith.constant 1 : i32
      scf.for %scan3A_119 = %scan3A_103 to %scan3A_105 step %scan3A_106  : i32 {
        %mul3A_120 = arith.constant 1 : i32
        %mul3A_121 = arith.muli %scan3A_119, %mul3A_120 : i32
        %add3A_122 = arith.constant 0 : i32
        %add3A_123 = arith.addi %add3A_122, %mul3A_121 : i32
        %mul3A_124 = arith.constant 320 : i32
        %mul3A_125 = arith.muli %add3A_85, %mul3A_124 : i32
        %mul3A_126 = arith.constant 16 : i32
        %mul3A_127 = arith.muli %mul3A_126, %add3A_123 : i32
        %add3A_128 = arith.addi %mul3A_125, %mul3A_127 : i32
        %get3A = arith.index_cast %add3A_128 : i32 to index
        %get3A_129 = tpu.vector_load %arg5[%get3A] {strides = array<i32>} : memref<10240xi32, #tpu.memory_space<vmem>>, vector<16xi32>,
        %slice3A = vector.extract_strided_slice %get3A_129 {offsets = [0], sizes = [1], strides = [1]} : vector<16xi32> to vector<1xi32>
        %squeeze3A = vector.extract %slice3A[0] : i32 from vector<1xi32>
        %mul3A_130 = arith.constant 8 : i32
        %mul3A_131 = arith.muli %squeeze3A, %mul3A_130 : i32
        %add3A_132 = vector.broadcast %mul3A_131 : i32 to vector<16xi32>
        %add3A_133 = arith.addi %add3A_132, %sub3A_46 : vector<16xi32>
        %mul3A_134 = arith.constant 4 : i32
        %mul3A_135 = arith.muli %mul3A_134, %add3A_123 : i32
        %add3A_136 = arith.constant 0 : i32
        %add3A_137 = arith.addi %mul3A_135, %add3A_136 : i32
        %get3A_138 = arith.index_cast %add3A_137 : i32 to index
        %get3A_139 = arith.constant 16 : index
        %get3A_140 = tpu.vector_load %arg6[%get3A_138, %get3A_139] {strides = array<i32>} : memref<80x128xf32, #tpu.memory_space<vmem>>, vector<16xf32>,
        tpu.vector_store_idx %arg8[%add3A_133], %get3A_140 masked %and3A_53 {add = true} : memref<81920xf32, #tpu.memory_space<vmem>>[vector<16xi32>], vector<16xf32>, vector<16xi1>
        %slice3A_141 = vector.extract_strided_slice %get3A_129 {offsets = [1], sizes = [1], strides = [1]} : vector<16xi32> to vector<1xi32>
        %squeeze3A_142 = vector.extract %slice3A_141[0] : i32 from vector<1xi32>
        %mul3A_143 = arith.constant 8 : i32
        %mul3A_144 = arith.muli %squeeze3A_142, %mul3A_143 : i32
        %add3A_145 = vector.broadcast %mul3A_144 : i32 to vector<16xi32>
        %add3A_146 = arith.addi %add3A_145, %sub3A_46 : vector<16xi32>
        %mul3A_147 = arith.constant 4 : i32
        %mul3A_148 = arith.muli %mul3A_147, %add3A_123 : i32
        %add3A_149 = arith.constant 0 : i32
        %add3A_150 = arith.addi %mul3A_148, %add3A_149 : i32
        %get3A_151 = arith.index_cast %add3A_150 : i32 to index
        %get3A_152 = arith.constant 48 : index
        %get3A_153 = tpu.vector_load %arg6[%get3A_151, %get3A_152] {strides = array<i32>} : memref<80x128xf32, #tpu.memory_space<vmem>>, vector<16xf32>,
        tpu.vector_store_idx %arg8[%add3A_146], %get3A_153 masked %and3A_53 {add = true} : memref<81920xf32, #tpu.memory_space<vmem>>[vector<16xi32>], vector<16xf32>, vector<16xi1>
        %slice3A_154 = vector.extract_strided_slice %get3A_129 {offsets = [2], sizes = [1], strides = [1]} : vector<16xi32> to vector<1xi32>
        %squeeze3A_155 = vector.extract %slice3A_154[0] : i32 from vector<1xi32>
        %mul3A_156 = arith.constant 8 : i32
        %mul3A_157 = arith.muli %squeeze3A_155, %mul3A_156 : i32
        %add3A_158 = vector.broadcast %mul3A_157 : i32 to vector<16xi32>
        %add3A_159 = arith.addi %add3A_158, %sub3A_46 : vector<16xi32>
        %mul3A_160 = arith.constant 4 : i32
        %mul3A_161 = arith.muli %mul3A_160, %add3A_123 : i32
        %add3A_162 = arith.constant 0 : i32
        %add3A_163 = arith.addi %mul3A_161, %add3A_162 : i32
        %get3A_164 = arith.index_cast %add3A_163 : i32 to index
        %get3A_165 = arith.constant 80 : index
        %get3A_166 = tpu.vector_load %arg6[%get3A_164, %get3A_165] {strides = array<i32>} : memref<80x128xf32, #tpu.memory_space<vmem>>, vector<16xf32>,
        tpu.vector_store_idx %arg8[%add3A_159], %get3A_166 masked %and3A_53 {add = true} : memref<81920xf32, #tpu.memory_space<vmem>>[vector<16xi32>], vector<16xf32>, vector<16xi1>
        %slice3A_167 = vector.extract_strided_slice %get3A_129 {offsets = [3], sizes = [1], strides = [1]} : vector<16xi32> to vector<1xi32>
        %squeeze3A_168 = vector.extract %slice3A_167[0] : i32 from vector<1xi32>
        %mul3A_169 = arith.constant 8 : i32
        %mul3A_170 = arith.muli %squeeze3A_168, %mul3A_169 : i32
        %add3A_171 = vector.broadcast %mul3A_170 : i32 to vector<16xi32>
        %add3A_172 = arith.addi %add3A_171, %sub3A_46 : vector<16xi32>
        %mul3A_173 = arith.constant 4 : i32
        %mul3A_174 = arith.muli %mul3A_173, %add3A_123 : i32
        %add3A_175 = arith.constant 0 : i32
        %add3A_176 = arith.addi %mul3A_174, %add3A_175 : i32
        %get3A_177 = arith.index_cast %add3A_176 : i32 to index
        %get3A_178 = arith.constant 112 : index
        %get3A_179 = tpu.vector_load %arg6[%get3A_177, %get3A_178] {strides = array<i32>} : memref<80x128xf32, #tpu.memory_space<vmem>>, vector<16xf32>,
        tpu.vector_store_idx %arg8[%add3A_172], %get3A_179 masked %and3A_53 {add = true} : memref<81920xf32, #tpu.memory_space<vmem>>[vector<16xi32>], vector<16xf32>, vector<16xi1>
        %slice3A_180 = vector.extract_strided_slice %get3A_129 {offsets = [4], sizes = [1], strides = [1]} : vector<16xi32> to vector<1xi32>
        %squeeze3A_181 = vector.extract %slice3A_180[0] : i32 from vector<1xi32>
        %mul3A_182 = arith.constant 8 : i32
        %mul3A_183 = arith.muli %squeeze3A_181, %mul3A_182 : i32
        %add3A_184 = vector.broadcast %mul3A_183 : i32 to vector<16xi32>
        %add3A_185 = arith.addi %add3A_184, %sub3A_46 : vector<16xi32>
        %mul3A_186 = arith.constant 4 : i32
        %mul3A_187 = arith.muli %mul3A_186, %add3A_123 : i32
        %add3A_188 = arith.constant 1 : i32
        %add3A_189 = arith.addi %mul3A_187, %add3A_188 : i32
        %get3A_190 = arith.index_cast %add3A_189 : i32 to index
        %get3A_191 = arith.constant 16 : index
        %get3A_192 = tpu.vector_load %arg6[%get3A_190, %get3A_191] {strides = array<i32>} : memref<80x128xf32, #tpu.memory_space<vmem>>, vector<16xf32>,
        tpu.vector_store_idx %arg8[%add3A_185], %get3A_192 masked %and3A_53 {add = true} : memref<81920xf32, #tpu.memory_space<vmem>>[vector<16xi32>], vector<16xf32>, vector<16xi1>
        %slice3A_193 = vector.extract_strided_slice %get3A_129 {offsets = [5], sizes = [1], strides = [1]} : vector<16xi32> to vector<1xi32>
        %squeeze3A_194 = vector.extract %slice3A_193[0] : i32 from vector<1xi32>
        %mul3A_195 = arith.constant 8 : i32
        %mul3A_196 = arith.muli %squeeze3A_194, %mul3A_195 : i32
        %add3A_197 = vector.broadcast %mul3A_196 : i32 to vector<16xi32>
        %add3A_198 = arith.addi %add3A_197, %sub3A_46 : vector<16xi32>
        %mul3A_199 = arith.constant 4 : i32
        %mul3A_200 = arith.muli %mul3A_199, %add3A_123 : i32
        %add3A_201 = arith.constant 1 : i32
        %add3A_202 = arith.addi %mul3A_200, %add3A_201 : i32
        %get3A_203 = arith.index_cast %add3A_202 : i32 to index
        %get3A_204 = arith.constant 48 : index
        %get3A_205 = tpu.vector_load %arg6[%get3A_203, %get3A_204] {strides = array<i32>} : memref<80x128xf32, #tpu.memory_space<vmem>>, vector<16xf32>,
        tpu.vector_store_idx %arg8[%add3A_198], %get3A_205 masked %and3A_53 {add = true} : memref<81920xf32, #tpu.memory_space<vmem>>[vector<16xi32>], vector<16xf32>, vector<16xi1>
        %slice3A_206 = vector.extract_strided_slice %get3A_129 {offsets = [6], sizes = [1], strides = [1]} : vector<16xi32> to vector<1xi32>
        %squeeze3A_207 = vector.extract %slice3A_206[0] : i32 from vector<1xi32>
        %mul3A_208 = arith.constant 8 : i32
        %mul3A_209 = arith.muli %squeeze3A_207, %mul3A_208 : i32
        %add3A_210 = vector.broadcast %mul3A_209 : i32 to vector<16xi32>
        %add3A_211 = arith.addi %add3A_210, %sub3A_46 : vector<16xi32>
        %mul3A_212 = arith.constant 4 : i32
        %mul3A_213 = arith.muli %mul3A_212, %add3A_123 : i32
        %add3A_214 = arith.constant 1 : i32
        %add3A_215 = arith.addi %mul3A_213, %add3A_214 : i32
        %get3A_216 = arith.index_cast %add3A_215 : i32 to index
        %get3A_217 = arith.constant 80 : index
        %get3A_218 = tpu.vector_load %arg6[%get3A_216, %get3A_217] {strides = array<i32>} : memref<80x128xf32, #tpu.memory_space<vmem>>, vector<16xf32>,
        tpu.vector_store_idx %arg8[%add3A_211], %get3A_218 masked %and3A_53 {add = true} : memref<81920xf32, #tpu.memory_space<vmem>>[vector<16xi32>], vector<16xf32>, vector<16xi1>
        %slice3A_219 = vector.extract_strided_slice %get3A_129 {offsets = [7], sizes = [1], strides = [1]} : vector<16xi32> to vector<1xi32>
        %squeeze3A_220 = vector.extract %slice3A_219[0] : i32 from vector<1xi32>
        %mul3A_221 = arith.constant 8 : i32
        %mul3A_222 = arith.muli %squeeze3A_220, %mul3A_221 : i32
        %add3A_223 = vector.broadcast %mul3A_222 : i32 to vector<16xi32>
        %add3A_224 = arith.addi %add3A_223, %sub3A_46 : vector<16xi32>
        %mul3A_225 = arith.constant 4 : i32
        %mul3A_226 = arith.muli %mul3A_225, %add3A_123 : i32
        %add3A_227 = arith.constant 1 : i32
        %add3A_228 = arith.addi %mul3A_226, %add3A_227 : i32
        %get3A_229 = arith.index_cast %add3A_228 : i32 to index
        %get3A_230 = arith.constant 112 : index
        %get3A_231 = tpu.vector_load %arg6[%get3A_229, %get3A_230] {strides = array<i32>} : memref<80x128xf32, #tpu.memory_space<vmem>>, vector<16xf32>,
        tpu.vector_store_idx %arg8[%add3A_224], %get3A_231 masked %and3A_53 {add = true} : memref<81920xf32, #tpu.memory_space<vmem>>[vector<16xi32>], vector<16xf32>, vector<16xi1>
        %slice3A_232 = vector.extract_strided_slice %get3A_129 {offsets = [8], sizes = [1], strides = [1]} : vector<16xi32> to vector<1xi32>
        %squeeze3A_233 = vector.extract %slice3A_232[0] : i32 from vector<1xi32>
        %mul3A_234 = arith.constant 8 : i32
        %mul3A_235 = arith.muli %squeeze3A_233, %mul3A_234 : i32
        %add3A_236 = vector.broadcast %mul3A_235 : i32 to vector<16xi32>
        %add3A_237 = arith.addi %add3A_236, %sub3A_46 : vector<16xi32>
        %mul3A_238 = arith.constant 4 : i32
        %mul3A_239 = arith.muli %mul3A_238, %add3A_123 : i32
        %add3A_240 = arith.constant 2 : i32
        %add3A_241 = arith.addi %mul3A_239, %add3A_240 : i32
        %get3A_242 = arith.index_cast %add3A_241 : i32 to index
        %get3A_243 = arith.constant 16 : index
        %get3A_244 = tpu.vector_load %arg6[%get3A_242, %get3A_243] {strides = array<i32>} : memref<80x128xf32, #tpu.memory_space<vmem>>, vector<16xf32>,
        tpu.vector_store_idx %arg8[%add3A_237], %get3A_244 masked %and3A_53 {add = true} : memref<81920xf32, #tpu.memory_space<vmem>>[vector<16xi32>], vector<16xf32>, vector<16xi1>
        %slice3A_245 = vector.extract_strided_slice %get3A_129 {offsets = [9], sizes = [1], strides = [1]} : vector<16xi32> to vector<1xi32>
        %squeeze3A_246 = vector.extract %slice3A_245[0] : i32 from vector<1xi32>
        %mul3A_247 = arith.constant 8 : i32
        %mul3A_248 = arith.muli %squeeze3A_246, %mul3A_247 : i32
        %add3A_249 = vector.broadcast %mul3A_248 : i32 to vector<16xi32>
        %add3A_250 = arith.addi %add3A_249, %sub3A_46 : vector<16xi32>
        %mul3A_251 = arith.constant 4 : i32
        %mul3A_252 = arith.muli %mul3A_251, %add3A_123 : i32
        %add3A_253 = arith.constant 2 : i32
        %add3A_254 = arith.addi %mul3A_252, %add3A_253 : i32
        %get3A_255 = arith.index_cast %add3A_254 : i32 to index
        %get3A_256 = arith.constant 48 : index
        %get3A_257 = tpu.vector_load %arg6[%get3A_255, %get3A_256] {strides = array<i32>} : memref<80x128xf32, #tpu.memory_space<vmem>>, vector<16xf32>,
        tpu.vector_store_idx %arg8[%add3A_250], %get3A_257 masked %and3A_53 {add = true} : memref<81920xf32, #tpu.memory_space<vmem>>[vector<16xi32>], vector<16xf32>, vector<16xi1>
        %slice3A_258 = vector.extract_strided_slice %get3A_129 {offsets = [10], sizes = [1], strides = [1]} : vector<16xi32> to vector<1xi32>
        %squeeze3A_259 = vector.extract %slice3A_258[0] : i32 from vector<1xi32>
        %mul3A_260 = arith.constant 8 : i32
        %mul3A_261 = arith.muli %squeeze3A_259, %mul3A_260 : i32
        %add3A_262 = vector.broadcast %mul3A_261 : i32 to vector<16xi32>
        %add3A_263 = arith.addi %add3A_262, %sub3A_46 : vector<16xi32>
        %mul3A_264 = arith.constant 4 : i32
        %mul3A_265 = arith.muli %mul3A_264, %add3A_123 : i32
        %add3A_266 = arith.constant 2 : i32
        %add3A_267 = arith.addi %mul3A_265, %add3A_266 : i32
        %get3A_268 = arith.index_cast %add3A_267 : i32 to index
        %get3A_269 = arith.constant 80 : index
        %get3A_270 = tpu.vector_load %arg6[%get3A_268, %get3A_269] {strides = array<i32>} : memref<80x128xf32, #tpu.memory_space<vmem>>, vector<16xf32>,
        tpu.vector_store_idx %arg8[%add3A_263], %get3A_270 masked %and3A_53 {add = true} : memref<81920xf32, #tpu.memory_space<vmem>>[vector<16xi32>], vector<16xf32>, vector<16xi1>
        %slice3A_271 = vector.extract_strided_slice %get3A_129 {offsets = [11], sizes = [1], strides = [1]} : vector<16xi32> to vector<1xi32>
        %squeeze3A_272 = vector.extract %slice3A_271[0] : i32 from vector<1xi32>
        %mul3A_273 = arith.constant 8 : i32
        %mul3A_274 = arith.muli %squeeze3A_272, %mul3A_273 : i32
        %add3A_275 = vector.broadcast %mul3A_274 : i32 to vector<16xi32>
        %add3A_276 = arith.addi %add3A_275, %sub3A_46 : vector<16xi32>
        %mul3A_277 = arith.constant 4 : i32
        %mul3A_278 = arith.muli %mul3A_277, %add3A_123 : i32
        %add3A_279 = arith.constant 2 : i32
        %add3A_280 = arith.addi %mul3A_278, %add3A_279 : i32
        %get3A_281 = arith.index_cast %add3A_280 : i32 to index
        %get3A_282 = arith.constant 112 : index
        %get3A_283 = tpu.vector_load %arg6[%get3A_281, %get3A_282] {strides = array<i32>} : memref<80x128xf32, #tpu.memory_space<vmem>>, vector<16xf32>,
        tpu.vector_store_idx %arg8[%add3A_276], %get3A_283 masked %and3A_53 {add = true} : memref<81920xf32, #tpu.memory_space<vmem>>[vector<16xi32>], vector<16xf32>, vector<16xi1>
        %slice3A_284 = vector.extract_strided_slice %get3A_129 {offsets = [12], sizes = [1], strides = [1]} : vector<16xi32> to vector<1xi32>
        %squeeze3A_285 = vector.extract %slice3A_284[0] : i32 from vector<1xi32>
        %mul3A_286 = arith.constant 8 : i32
        %mul3A_287 = arith.muli %squeeze3A_285, %mul3A_286 : i32
        %add3A_288 = vector.broadcast %mul3A_287 : i32 to vector<16xi32>
        %add3A_289 = arith.addi %add3A_288, %sub3A_46 : vector<16xi32>
        %mul3A_290 = arith.constant 4 : i32
        %mul3A_291 = arith.muli %mul3A_290, %add3A_123 : i32
        %add3A_292 = arith.constant 3 : i32
        %add3A_293 = arith.addi %mul3A_291, %add3A_292 : i32
        %get3A_294 = arith.index_cast %add3A_293 : i32 to index
        %get3A_295 = arith.constant 16 : index
        %get3A_296 = tpu.vector_load %arg6[%get3A_294, %get3A_295] {strides = array<i32>} : memref<80x128xf32, #tpu.memory_space<vmem>>, vector<16xf32>,
        tpu.vector_store_idx %arg8[%add3A_289], %get3A_296 masked %and3A_53 {add = true} : memref<81920xf32, #tpu.memory_space<vmem>>[vector<16xi32>], vector<16xf32>, vector<16xi1>
        %slice3A_297 = vector.extract_strided_slice %get3A_129 {offsets = [13], sizes = [1], strides = [1]} : vector<16xi32> to vector<1xi32>
        %squeeze3A_298 = vector.extract %slice3A_297[0] : i32 from vector<1xi32>
        %mul3A_299 = arith.constant 8 : i32
        %mul3A_300 = arith.muli %squeeze3A_298, %mul3A_299 : i32
        %add3A_301 = vector.broadcast %mul3A_300 : i32 to vector<16xi32>
        %add3A_302 = arith.addi %add3A_301, %sub3A_46 : vector<16xi32>
        %mul3A_303 = arith.constant 4 : i32
        %mul3A_304 = arith.muli %mul3A_303, %add3A_123 : i32
        %add3A_305 = arith.constant 3 : i32
        %add3A_306 = arith.addi %mul3A_304, %add3A_305 : i32
        %get3A_307 = arith.index_cast %add3A_306 : i32 to index
        %get3A_308 = arith.constant 48 : index
        %get3A_309 = tpu.vector_load %arg6[%get3A_307, %get3A_308] {strides = array<i32>} : memref<80x128xf32, #tpu.memory_space<vmem>>, vector<16xf32>,
        tpu.vector_store_idx %arg8[%add3A_302], %get3A_309 masked %and3A_53 {add = true} : memref<81920xf32, #tpu.memory_space<vmem>>[vector<16xi32>], vector<16xf32>, vector<16xi1>
        %slice3A_310 = vector.extract_strided_slice %get3A_129 {offsets = [14], sizes = [1], strides = [1]} : vector<16xi32> to vector<1xi32>
        %squeeze3A_311 = vector.extract %slice3A_310[0] : i32 from vector<1xi32>
        %mul3A_312 = arith.constant 8 : i32
        %mul3A_313 = arith.muli %squeeze3A_311, %mul3A_312 : i32
        %add3A_314 = vector.broadcast %mul3A_313 : i32 to vector<16xi32>
        %add3A_315 = arith.addi %add3A_314, %sub3A_46 : vector<16xi32>
        %mul3A_316 = arith.constant 4 : i32
        %mul3A_317 = arith.muli %mul3A_316, %add3A_123 : i32
        %add3A_318 = arith.constant 3 : i32
        %add3A_319 = arith.addi %mul3A_317, %add3A_318 : i32
        %get3A_320 = arith.index_cast %add3A_319 : i32 to index
        %get3A_321 = arith.constant 80 : index
        %get3A_322 = tpu.vector_load %arg6[%get3A_320, %get3A_321] {strides = array<i32>} : memref<80x128xf32, #tpu.memory_space<vmem>>, vector<16xf32>,
        tpu.vector_store_idx %arg8[%add3A_315], %get3A_322 masked %and3A_53 {add = true} : memref<81920xf32, #tpu.memory_space<vmem>>[vector<16xi32>], vector<16xf32>, vector<16xi1>
        %slice3A_323 = vector.extract_strided_slice %get3A_129 {offsets = [15], sizes = [1], strides = [1]} : vector<16xi32> to vector<1xi32>
        %squeeze3A_324 = vector.extract %slice3A_323[0] : i32 from vector<1xi32>
        %mul3A_325 = arith.constant 8 : i32
        %mul3A_326 = arith.muli %squeeze3A_324, %mul3A_325 : i32
        %add3A_327 = vector.broadcast %mul3A_326 : i32 to vector<16xi32>
        %add3A_328 = arith.addi %add3A_327, %sub3A_46 : vector<16xi32>
        %mul3A_329 = arith.constant 4 : i32
        %mul3A_330 = arith.muli %mul3A_329, %add3A_123 : i32
        %add3A_331 = arith.constant 3 : i32
        %add3A_332 = arith.addi %mul3A_330, %add3A_331 : i32
        %get3A_333 = arith.index_cast %add3A_332 : i32 to index
        %get3A_334 = arith.constant 112 : index
        %get3A_335 = tpu.vector_load %arg6[%get3A_333, %get3A_334] {strides = array<i32>} : memref<80x128xf32, #tpu.memory_space<vmem>>, vector<16xf32>,
        tpu.vector_store_idx %arg8[%add3A_328], %get3A_335 masked %and3A_53 {add = true} : memref<81920xf32, #tpu.memory_space<vmem>>[vector<16xi32>], vector<16xf32>, vector<16xi1>
      }
      %scan3A_107 = arith.constant 20 : i32
      %dma_wait3A_108 = arith.constant 0 : i32
      %dma_wait3A_109 = tpu.memref_slice %arg3[%add3A_95, %dma_wait3A_108] : memref<81920x128xf32, #tpu.memory_space<hbm>> -> memref<80x128xf32, #tpu.memory_space<hbm>>
      %dma_wait3A_110 = arith.constant 0 : i32
      %dma_wait3A_111 = tpu.memref_slice %arg3[%add3A_95, %dma_wait3A_110] : memref<81920x128xf32, #tpu.memory_space<hbm>> -> memref<80x128xf32, #tpu.memory_space<hbm>>
      tpu.wait_dma2 semaphore(%arg10 : memref<!tpu.dma_semaphore, #tpu.memory_space<semaphore_mem>>) src(%dma_wait3A_111 : memref<80x128xf32, #tpu.memory_space<hbm>>) dst(%arg7 : memref<80x128xf32, #tpu.memory_space<vmem>>)
      %add3A_112 = arith.constant 1 : i32
      %add3A_113 = arith.addi %add3A_85, %add3A_112 : i32
      %scan3A_114 = arith.constant 0 : i32
      %scan3A_115 = arith.constant 20 : i32
      %scan3A_116 = arith.addi %scan3A_114, %scan3A_115 : i32
      %scan3A_117 = arith.constant 1 : i32
      scf.for %scan3A_119 = %scan3A_114 to %scan3A_116 step %scan3A_117  : i32 {
        %mul3A_120 = arith.constant 1 : i32
        %mul3A_121 = arith.muli %scan3A_119, %mul3A_120 : i32
        %add3A_122 = arith.constant 0 : i32
        %add3A_123 = arith.addi %add3A_122, %mul3A_121 : i32
        %mul3A_124 = arith.constant 320 : i32
        %mul3A_125 = arith.muli %add3A_113, %mul3A_124 : i32
        %mul3A_126 = arith.constant 16 : i32
        %mul3A_127 = arith.muli %mul3A_126, %add3A_123 : i32
        %add3A_128 = arith.addi %mul3A_125, %mul3A_127 : i32
        %get3A = arith.index_cast %add3A_128 : i32 to index
        %get3A_129 = tpu.vector_load %arg5[%get3A] {strides = array<i32>} : memref<10240xi32, #tpu.memory_space<vmem>>, vector<16xi32>,
        %slice3A = vector.extract_strided_slice %get3A_129 {offsets = [0], sizes = [1], strides = [1]} : vector<16xi32> to vector<1xi32>
        %squeeze3A = vector.extract %slice3A[0] : i32 from vector<1xi32>
        %mul3A_130 = arith.constant 8 : i32
        %mul3A_131 = arith.muli %squeeze3A, %mul3A_130 : i32
        %add3A_132 = vector.broadcast %mul3A_131 : i32 to vector<16xi32>
        %add3A_133 = arith.addi %add3A_132, %sub3A_46 : vector<16xi32>
        %mul3A_134 = arith.constant 4 : i32
        %mul3A_135 = arith.muli %mul3A_134, %add3A_123 : i32
        %add3A_136 = arith.constant 0 : i32
        %add3A_137 = arith.addi %mul3A_135, %add3A_136 : i32
        %get3A_138 = arith.index_cast %add3A_137 : i32 to index
        %get3A_139 = arith.constant 16 : index
        %get3A_140 = tpu.vector_load %arg7[%get3A_138, %get3A_139] {strides = array<i32>} : memref<80x128xf32, #tpu.memory_space<vmem>>, vector<16xf32>,
        tpu.vector_store_idx %arg8[%add3A_133], %get3A_140 masked %and3A_53 {add = true} : memref<81920xf32, #tpu.memory_space<vmem>>[vector<16xi32>], vector<16xf32>, vector<16xi1>
        %slice3A_141 = vector.extract_strided_slice %get3A_129 {offsets = [1], sizes = [1], strides = [1]} : vector<16xi32> to vector<1xi32>
        %squeeze3A_142 = vector.extract %slice3A_141[0] : i32 from vector<1xi32>
        %mul3A_143 = arith.constant 8 : i32
        %mul3A_144 = arith.muli %squeeze3A_142, %mul3A_143 : i32
        %add3A_145 = vector.broadcast %mul3A_144 : i32 to vector<16xi32>
        %add3A_146 = arith.addi %add3A_145, %sub3A_46 : vector<16xi32>
        %mul3A_147 = arith.constant 4 : i32
        %mul3A_148 = arith.muli %mul3A_147, %add3A_123 : i32
        %add3A_149 = arith.constant 0 : i32
        %add3A_150 = arith.addi %mul3A_148, %add3A_149 : i32
        %get3A_151 = arith.index_cast %add3A_150 : i32 to index
        %get3A_152 = arith.constant 48 : index
        %get3A_153 = tpu.vector_load %arg7[%get3A_151, %get3A_152] {strides = array<i32>} : memref<80x128xf32, #tpu.memory_space<vmem>>, vector<16xf32>,
        tpu.vector_store_idx %arg8[%add3A_146], %get3A_153 masked %and3A_53 {add = true} : memref<81920xf32, #tpu.memory_space<vmem>>[vector<16xi32>], vector<16xf32>, vector<16xi1>
        %slice3A_154 = vector.extract_strided_slice %get3A_129 {offsets = [2], sizes = [1], strides = [1]} : vector<16xi32> to vector<1xi32>
        %squeeze3A_155 = vector.extract %slice3A_154[0] : i32 from vector<1xi32>
        %mul3A_156 = arith.constant 8 : i32
        %mul3A_157 = arith.muli %squeeze3A_155, %mul3A_156 : i32
        %add3A_158 = vector.broadcast %mul3A_157 : i32 to vector<16xi32>
        %add3A_159 = arith.addi %add3A_158, %sub3A_46 : vector<16xi32>
        %mul3A_160 = arith.constant 4 : i32
        %mul3A_161 = arith.muli %mul3A_160, %add3A_123 : i32
        %add3A_162 = arith.constant 0 : i32
        %add3A_163 = arith.addi %mul3A_161, %add3A_162 : i32
        %get3A_164 = arith.index_cast %add3A_163 : i32 to index
        %get3A_165 = arith.constant 80 : index
        %get3A_166 = tpu.vector_load %arg7[%get3A_164, %get3A_165] {strides = array<i32>} : memref<80x128xf32, #tpu.memory_space<vmem>>, vector<16xf32>,
        tpu.vector_store_idx %arg8[%add3A_159], %get3A_166 masked %and3A_53 {add = true} : memref<81920xf32, #tpu.memory_space<vmem>>[vector<16xi32>], vector<16xf32>, vector<16xi1>
        %slice3A_167 = vector.extract_strided_slice %get3A_129 {offsets = [3], sizes = [1], strides = [1]} : vector<16xi32> to vector<1xi32>
        %squeeze3A_168 = vector.extract %slice3A_167[0] : i32 from vector<1xi32>
        %mul3A_169 = arith.constant 8 : i32
        %mul3A_170 = arith.muli %squeeze3A_168, %mul3A_169 : i32
        %add3A_171 = vector.broadcast %mul3A_170 : i32 to vector<16xi32>
        %add3A_172 = arith.addi %add3A_171, %sub3A_46 : vector<16xi32>
        %mul3A_173 = arith.constant 4 : i32
        %mul3A_174 = arith.muli %mul3A_173, %add3A_123 : i32
        %add3A_175 = arith.constant 0 : i32
        %add3A_176 = arith.addi %mul3A_174, %add3A_175 : i32
        %get3A_177 = arith.index_cast %add3A_176 : i32 to index
        %get3A_178 = arith.constant 112 : index
        %get3A_179 = tpu.vector_load %arg7[%get3A_177, %get3A_178] {strides = array<i32>} : memref<80x128xf32, #tpu.memory_space<vmem>>, vector<16xf32>,
        tpu.vector_store_idx %arg8[%add3A_172], %get3A_179 masked %and3A_53 {add = true} : memref<81920xf32, #tpu.memory_space<vmem>>[vector<16xi32>], vector<16xf32>, vector<16xi1>
        %slice3A_180 = vector.extract_strided_slice %get3A_129 {offsets = [4], sizes = [1], strides = [1]} : vector<16xi32> to vector<1xi32>
        %squeeze3A_181 = vector.extract %slice3A_180[0] : i32 from vector<1xi32>
        %mul3A_182 = arith.constant 8 : i32
        %mul3A_183 = arith.muli %squeeze3A_181, %mul3A_182 : i32
        %add3A_184 = vector.broadcast %mul3A_183 : i32 to vector<16xi32>
        %add3A_185 = arith.addi %add3A_184, %sub3A_46 : vector<16xi32>
        %mul3A_186 = arith.constant 4 : i32
        %mul3A_187 = arith.muli %mul3A_186, %add3A_123 : i32
        %add3A_188 = arith.constant 1 : i32
        %add3A_189 = arith.addi %mul3A_187, %add3A_188 : i32
        %get3A_190 = arith.index_cast %add3A_189 : i32 to index
        %get3A_191 = arith.constant 16 : index
        %get3A_192 = tpu.vector_load %arg7[%get3A_190, %get3A_191] {strides = array<i32>} : memref<80x128xf32, #tpu.memory_space<vmem>>, vector<16xf32>,
        tpu.vector_store_idx %arg8[%add3A_185], %get3A_192 masked %and3A_53 {add = true} : memref<81920xf32, #tpu.memory_space<vmem>>[vector<16xi32>], vector<16xf32>, vector<16xi1>
        %slice3A_193 = vector.extract_strided_slice %get3A_129 {offsets = [5], sizes = [1], strides = [1]} : vector<16xi32> to vector<1xi32>
        %squeeze3A_194 = vector.extract %slice3A_193[0] : i32 from vector<1xi32>
        %mul3A_195 = arith.constant 8 : i32
        %mul3A_196 = arith.muli %squeeze3A_194, %mul3A_195 : i32
        %add3A_197 = vector.broadcast %mul3A_196 : i32 to vector<16xi32>
        %add3A_198 = arith.addi %add3A_197, %sub3A_46 : vector<16xi32>
        %mul3A_199 = arith.constant 4 : i32
        %mul3A_200 = arith.muli %mul3A_199, %add3A_123 : i32
        %add3A_201 = arith.constant 1 : i32
        %add3A_202 = arith.addi %mul3A_200, %add3A_201 : i32
        %get3A_203 = arith.index_cast %add3A_202 : i32 to index
        %get3A_204 = arith.constant 48 : index
        %get3A_205 = tpu.vector_load %arg7[%get3A_203, %get3A_204] {strides = array<i32>} : memref<80x128xf32, #tpu.memory_space<vmem>>, vector<16xf32>,
        tpu.vector_store_idx %arg8[%add3A_198], %get3A_205 masked %and3A_53 {add = true} : memref<81920xf32, #tpu.memory_space<vmem>>[vector<16xi32>], vector<16xf32>, vector<16xi1>
        %slice3A_206 = vector.extract_strided_slice %get3A_129 {offsets = [6], sizes = [1], strides = [1]} : vector<16xi32> to vector<1xi32>
        %squeeze3A_207 = vector.extract %slice3A_206[0] : i32 from vector<1xi32>
        %mul3A_208 = arith.constant 8 : i32
        %mul3A_209 = arith.muli %squeeze3A_207, %mul3A_208 : i32
        %add3A_210 = vector.broadcast %mul3A_209 : i32 to vector<16xi32>
        %add3A_211 = arith.addi %add3A_210, %sub3A_46 : vector<16xi32>
        %mul3A_212 = arith.constant 4 : i32
        %mul3A_213 = arith.muli %mul3A_212, %add3A_123 : i32
        %add3A_214 = arith.constant 1 : i32
        %add3A_215 = arith.addi %mul3A_213, %add3A_214 : i32
        %get3A_216 = arith.index_cast %add3A_215 : i32 to index
        %get3A_217 = arith.constant 80 : index
        %get3A_218 = tpu.vector_load %arg7[%get3A_216, %get3A_217] {strides = array<i32>} : memref<80x128xf32, #tpu.memory_space<vmem>>, vector<16xf32>,
        tpu.vector_store_idx %arg8[%add3A_211], %get3A_218 masked %and3A_53 {add = true} : memref<81920xf32, #tpu.memory_space<vmem>>[vector<16xi32>], vector<16xf32>, vector<16xi1>
        %slice3A_219 = vector.extract_strided_slice %get3A_129 {offsets = [7], sizes = [1], strides = [1]} : vector<16xi32> to vector<1xi32>
        %squeeze3A_220 = vector.extract %slice3A_219[0] : i32 from vector<1xi32>
        %mul3A_221 = arith.constant 8 : i32
        %mul3A_222 = arith.muli %squeeze3A_220, %mul3A_221 : i32
        %add3A_223 = vector.broadcast %mul3A_222 : i32 to vector<16xi32>
        %add3A_224 = arith.addi %add3A_223, %sub3A_46 : vector<16xi32>
        %mul3A_225 = arith.constant 4 : i32
        %mul3A_226 = arith.muli %mul3A_225, %add3A_123 : i32
        %add3A_227 = arith.constant 1 : i32
        %add3A_228 = arith.addi %mul3A_226, %add3A_227 : i32
        %get3A_229 = arith.index_cast %add3A_228 : i32 to index
        %get3A_230 = arith.constant 112 : index
        %get3A_231 = tpu.vector_load %arg7[%get3A_229, %get3A_230] {strides = array<i32>} : memref<80x128xf32, #tpu.memory_space<vmem>>, vector<16xf32>,
        tpu.vector_store_idx %arg8[%add3A_224], %get3A_231 masked %and3A_53 {add = true} : memref<81920xf32, #tpu.memory_space<vmem>>[vector<16xi32>], vector<16xf32>, vector<16xi1>
        %slice3A_232 = vector.extract_strided_slice %get3A_129 {offsets = [8], sizes = [1], strides = [1]} : vector<16xi32> to vector<1xi32>
        %squeeze3A_233 = vector.extract %slice3A_232[0] : i32 from vector<1xi32>
        %mul3A_234 = arith.constant 8 : i32
        %mul3A_235 = arith.muli %squeeze3A_233, %mul3A_234 : i32
        %add3A_236 = vector.broadcast %mul3A_235 : i32 to vector<16xi32>
        %add3A_237 = arith.addi %add3A_236, %sub3A_46 : vector<16xi32>
        %mul3A_238 = arith.constant 4 : i32
        %mul3A_239 = arith.muli %mul3A_238, %add3A_123 : i32
        %add3A_240 = arith.constant 2 : i32
        %add3A_241 = arith.addi %mul3A_239, %add3A_240 : i32
        %get3A_242 = arith.index_cast %add3A_241 : i32 to index
        %get3A_243 = arith.constant 16 : index
        %get3A_244 = tpu.vector_load %arg7[%get3A_242, %get3A_243] {strides = array<i32>} : memref<80x128xf32, #tpu.memory_space<vmem>>, vector<16xf32>,
        tpu.vector_store_idx %arg8[%add3A_237], %get3A_244 masked %and3A_53 {add = true} : memref<81920xf32, #tpu.memory_space<vmem>>[vector<16xi32>], vector<16xf32>, vector<16xi1>
        %slice3A_245 = vector.extract_strided_slice %get3A_129 {offsets = [9], sizes = [1], strides = [1]} : vector<16xi32> to vector<1xi32>
        %squeeze3A_246 = vector.extract %slice3A_245[0] : i32 from vector<1xi32>
        %mul3A_247 = arith.constant 8 : i32
        %mul3A_248 = arith.muli %squeeze3A_246, %mul3A_247 : i32
        %add3A_249 = vector.broadcast %mul3A_248 : i32 to vector<16xi32>
        %add3A_250 = arith.addi %add3A_249, %sub3A_46 : vector<16xi32>
        %mul3A_251 = arith.constant 4 : i32
        %mul3A_252 = arith.muli %mul3A_251, %add3A_123 : i32
        %add3A_253 = arith.constant 2 : i32
        %add3A_254 = arith.addi %mul3A_252, %add3A_253 : i32
        %get3A_255 = arith.index_cast %add3A_254 : i32 to index
        %get3A_256 = arith.constant 48 : index
        %get3A_257 = tpu.vector_load %arg7[%get3A_255, %get3A_256] {strides = array<i32>} : memref<80x128xf32, #tpu.memory_space<vmem>>, vector<16xf32>,
        tpu.vector_store_idx %arg8[%add3A_250], %get3A_257 masked %and3A_53 {add = true} : memref<81920xf32, #tpu.memory_space<vmem>>[vector<16xi32>], vector<16xf32>, vector<16xi1>
        %slice3A_258 = vector.extract_strided_slice %get3A_129 {offsets = [10], sizes = [1], strides = [1]} : vector<16xi32> to vector<1xi32>
        %squeeze3A_259 = vector.extract %slice3A_258[0] : i32 from vector<1xi32>
        %mul3A_260 = arith.constant 8 : i32
        %mul3A_261 = arith.muli %squeeze3A_259, %mul3A_260 : i32
        %add3A_262 = vector.broadcast %mul3A_261 : i32 to vector<16xi32>
        %add3A_263 = arith.addi %add3A_262, %sub3A_46 : vector<16xi32>
        %mul3A_264 = arith.constant 4 : i32
        %mul3A_265 = arith.muli %mul3A_264, %add3A_123 : i32
        %add3A_266 = arith.constant 2 : i32
        %add3A_267 = arith.addi %mul3A_265, %add3A_266 : i32
        %get3A_268 = arith.index_cast %add3A_267 : i32 to index
        %get3A_269 = arith.constant 80 : index
        %get3A_270 = tpu.vector_load %arg7[%get3A_268, %get3A_269] {strides = array<i32>} : memref<80x128xf32, #tpu.memory_space<vmem>>, vector<16xf32>,
        tpu.vector_store_idx %arg8[%add3A_263], %get3A_270 masked %and3A_53 {add = true} : memref<81920xf32, #tpu.memory_space<vmem>>[vector<16xi32>], vector<16xf32>, vector<16xi1>
        %slice3A_271 = vector.extract_strided_slice %get3A_129 {offsets = [11], sizes = [1], strides = [1]} : vector<16xi32> to vector<1xi32>
        %squeeze3A_272 = vector.extract %slice3A_271[0] : i32 from vector<1xi32>
        %mul3A_273 = arith.constant 8 : i32
        %mul3A_274 = arith.muli %squeeze3A_272, %mul3A_273 : i32
        %add3A_275 = vector.broadcast %mul3A_274 : i32 to vector<16xi32>
        %add3A_276 = arith.addi %add3A_275, %sub3A_46 : vector<16xi32>
        %mul3A_277 = arith.constant 4 : i32
        %mul3A_278 = arith.muli %mul3A_277, %add3A_123 : i32
        %add3A_279 = arith.constant 2 : i32
        %add3A_280 = arith.addi %mul3A_278, %add3A_279 : i32
        %get3A_281 = arith.index_cast %add3A_280 : i32 to index
        %get3A_282 = arith.constant 112 : index
        %get3A_283 = tpu.vector_load %arg7[%get3A_281, %get3A_282] {strides = array<i32>} : memref<80x128xf32, #tpu.memory_space<vmem>>, vector<16xf32>,
        tpu.vector_store_idx %arg8[%add3A_276], %get3A_283 masked %and3A_53 {add = true} : memref<81920xf32, #tpu.memory_space<vmem>>[vector<16xi32>], vector<16xf32>, vector<16xi1>
        %slice3A_284 = vector.extract_strided_slice %get3A_129 {offsets = [12], sizes = [1], strides = [1]} : vector<16xi32> to vector<1xi32>
        %squeeze3A_285 = vector.extract %slice3A_284[0] : i32 from vector<1xi32>
        %mul3A_286 = arith.constant 8 : i32
        %mul3A_287 = arith.muli %squeeze3A_285, %mul3A_286 : i32
        %add3A_288 = vector.broadcast %mul3A_287 : i32 to vector<16xi32>
        %add3A_289 = arith.addi %add3A_288, %sub3A_46 : vector<16xi32>
        %mul3A_290 = arith.constant 4 : i32
        %mul3A_291 = arith.muli %mul3A_290, %add3A_123 : i32
        %add3A_292 = arith.constant 3 : i32
        %add3A_293 = arith.addi %mul3A_291, %add3A_292 : i32
        %get3A_294 = arith.index_cast %add3A_293 : i32 to index
        %get3A_295 = arith.constant 16 : index
        %get3A_296 = tpu.vector_load %arg7[%get3A_294, %get3A_295] {strides = array<i32>} : memref<80x128xf32, #tpu.memory_space<vmem>>, vector<16xf32>,
        tpu.vector_store_idx %arg8[%add3A_289], %get3A_296 masked %and3A_53 {add = true} : memref<81920xf32, #tpu.memory_space<vmem>>[vector<16xi32>], vector<16xf32>, vector<16xi1>
        %slice3A_297 = vector.extract_strided_slice %get3A_129 {offsets = [13], sizes = [1], strides = [1]} : vector<16xi32> to vector<1xi32>
        %squeeze3A_298 = vector.extract %slice3A_297[0] : i32 from vector<1xi32>
        %mul3A_299 = arith.constant 8 : i32
        %mul3A_300 = arith.muli %squeeze3A_298, %mul3A_299 : i32
        %add3A_301 = vector.broadcast %mul3A_300 : i32 to vector<16xi32>
        %add3A_302 = arith.addi %add3A_301, %sub3A_46 : vector<16xi32>
        %mul3A_303 = arith.constant 4 : i32
        %mul3A_304 = arith.muli %mul3A_303, %add3A_123 : i32
        %add3A_305 = arith.constant 3 : i32
        %add3A_306 = arith.addi %mul3A_304, %add3A_305 : i32
        %get3A_307 = arith.index_cast %add3A_306 : i32 to index
        %get3A_308 = arith.constant 48 : index
        %get3A_309 = tpu.vector_load %arg7[%get3A_307, %get3A_308] {strides = array<i32>} : memref<80x128xf32, #tpu.memory_space<vmem>>, vector<16xf32>,
        tpu.vector_store_idx %arg8[%add3A_302], %get3A_309 masked %and3A_53 {add = true} : memref<81920xf32, #tpu.memory_space<vmem>>[vector<16xi32>], vector<16xf32>, vector<16xi1>
        %slice3A_310 = vector.extract_strided_slice %get3A_129 {offsets = [14], sizes = [1], strides = [1]} : vector<16xi32> to vector<1xi32>
        %squeeze3A_311 = vector.extract %slice3A_310[0] : i32 from vector<1xi32>
        %mul3A_312 = arith.constant 8 : i32
        %mul3A_313 = arith.muli %squeeze3A_311, %mul3A_312 : i32
        %add3A_314 = vector.broadcast %mul3A_313 : i32 to vector<16xi32>
        %add3A_315 = arith.addi %add3A_314, %sub3A_46 : vector<16xi32>
        %mul3A_316 = arith.constant 4 : i32
        %mul3A_317 = arith.muli %mul3A_316, %add3A_123 : i32
        %add3A_318 = arith.constant 3 : i32
        %add3A_319 = arith.addi %mul3A_317, %add3A_318 : i32
        %get3A_320 = arith.index_cast %add3A_319 : i32 to index
        %get3A_321 = arith.constant 80 : index
        %get3A_322 = tpu.vector_load %arg7[%get3A_320, %get3A_321] {strides = array<i32>} : memref<80x128xf32, #tpu.memory_space<vmem>>, vector<16xf32>,
        tpu.vector_store_idx %arg8[%add3A_315], %get3A_322 masked %and3A_53 {add = true} : memref<81920xf32, #tpu.memory_space<vmem>>[vector<16xi32>], vector<16xf32>, vector<16xi1>
        %slice3A_323 = vector.extract_strided_slice %get3A_129 {offsets = [15], sizes = [1], strides = [1]} : vector<16xi32> to vector<1xi32>
        %squeeze3A_324 = vector.extract %slice3A_323[0] : i32 from vector<1xi32>
        %mul3A_325 = arith.constant 8 : i32
        %mul3A_326 = arith.muli %squeeze3A_324, %mul3A_325 : i32
        %add3A_327 = vector.broadcast %mul3A_326 : i32 to vector<16xi32>
        %add3A_328 = arith.addi %add3A_327, %sub3A_46 : vector<16xi32>
        %mul3A_329 = arith.constant 4 : i32
        %mul3A_330 = arith.muli %mul3A_329, %add3A_123 : i32
        %add3A_331 = arith.constant 3 : i32
        %add3A_332 = arith.addi %mul3A_330, %add3A_331 : i32
        %get3A_333 = arith.index_cast %add3A_332 : i32 to index
        %get3A_334 = arith.constant 112 : index
        %get3A_335 = tpu.vector_load %arg7[%get3A_333, %get3A_334] {strides = array<i32>} : memref<80x128xf32, #tpu.memory_space<vmem>>, vector<16xf32>,
        tpu.vector_store_idx %arg8[%add3A_328], %get3A_335 masked %and3A_53 {add = true} : memref<81920xf32, #tpu.memory_space<vmem>>[vector<16xi32>], vector<16xf32>, vector<16xi1>
      }
      %scan3A_118 = arith.constant 20 : i32
    }
    %scan3A_58 = arith.constant 16 : i32
    %run_scoped3A_59 = arith.constant 2 : i32
    "tpu.region"() ({
      %run_scoped3A_81 = tpu.sem_alloc : memref<!tpu.dma_semaphore, #tpu.memory_space<semaphore_mem>>
      %dma_start3A = arith.constant 0 : i32
      %dma_start3A_82 = tpu.memref_slice %arg4[%run_scoped3A_59, %add3A, %dma_start3A] : memref<4x32x81920xf32, #tpu.memory_space<hbm>> -> memref<1x1x81920xf32, #tpu.memory_space<hbm>>
      %dma_start3A_83 = tpu.memref_squeeze %dma_start3A_82 : memref<1x1x81920xf32, #tpu.memory_space<hbm>> -> memref<81920xf32, #tpu.memory_space<hbm>>
      %dma_start3A_84 = arith.constant 0 : i32
      %dma_start3A_85 = tpu.memref_slice %arg4[%run_scoped3A_59, %add3A, %dma_start3A_84] : memref<4x32x81920xf32, #tpu.memory_space<hbm>> -> memref<1x1x81920xf32, #tpu.memory_space<hbm>>
      %dma_start3A_86 = tpu.memref_squeeze %dma_start3A_85 : memref<1x1x81920xf32, #tpu.memory_space<hbm>> -> memref<81920xf32, #tpu.memory_space<hbm>>
      tpu.enqueue_dma source(%arg8 : memref<81920xf32, #tpu.memory_space<vmem>>) target(%dma_start3A_86 : memref<81920xf32, #tpu.memory_space<hbm>>) target_semaphore(%run_scoped3A_81 : memref<!tpu.dma_semaphore, #tpu.memory_space<semaphore_mem>>)
      %dma_wait3A = arith.constant 0 : i32
      %dma_wait3A_87 = tpu.memref_slice %arg4[%run_scoped3A_59, %add3A, %dma_wait3A] : memref<4x32x81920xf32, #tpu.memory_space<hbm>> -> memref<1x1x81920xf32, #tpu.memory_space<hbm>>
      %dma_wait3A_88 = tpu.memref_squeeze %dma_wait3A_87 : memref<1x1x81920xf32, #tpu.memory_space<hbm>> -> memref<81920xf32, #tpu.memory_space<hbm>>
      %dma_wait3A_89 = arith.constant 0 : i32
      %dma_wait3A_90 = tpu.memref_slice %arg4[%run_scoped3A_59, %add3A, %dma_wait3A_89] : memref<4x32x81920xf32, #tpu.memory_space<hbm>> -> memref<1x1x81920xf32, #tpu.memory_space<hbm>>
      %dma_wait3A_91 = tpu.memref_squeeze %dma_wait3A_90 : memref<1x1x81920xf32, #tpu.memory_space<hbm>> -> memref<81920xf32, #tpu.memory_space<hbm>>
      tpu.wait_dma2 semaphore(%run_scoped3A_81 : memref<!tpu.dma_semaphore, #tpu.memory_space<semaphore_mem>>) src(%arg8 : memref<81920xf32, #tpu.memory_space<vmem>>) dst(%dma_wait3A_91 : memref<81920xf32, #tpu.memory_space<hbm>>)
      tpu.yield
    }) : () -> ()
    %scan3A_60 = arith.constant 0 : i32
    %scan3A_61 = arith.constant 1280 : i32
    %scan3A_62 = arith.addi %scan3A_60, %scan3A_61 : i32
    %scan3A_63 = arith.constant 1 : i32
    scf.for %scan3A_81 = %scan3A_60 to %scan3A_62 step %scan3A_63  : i32 {
      %mul3A_82 = arith.constant 1 : i32
      %mul3A_83 = arith.muli %scan3A_81, %mul3A_82 : i32
      %add3A_84 = arith.constant 0 : i32
      %add3A_85 = arith.addi %add3A_84, %mul3A_83 : i32
      %broadcast_in_dim3A = arith.constant 0.000000e+00 : f32
      %broadcast_in_dim3A_86 = vector.broadcast %broadcast_in_dim3A : f32 to vector<16xf32>
      %mul3A_87 = arith.constant 64 : i32
      %mul3A_88 = arith.muli %mul3A_87, %add3A_85 : i32
      %add3A_89 = arith.constant 0 : i32
      %add3A_90 = arith.addi %mul3A_88, %add3A_89 : i32
      %swap3A = arith.index_cast %add3A_90 : i32 to index
      %swap3A_91 = tpu.vector_load %arg8[%swap3A] {strides = array<i32>} : memref<81920xf32, #tpu.memory_space<vmem>>, vector<16xf32>,
      tpu.vector_store %arg8[%swap3A], %broadcast_in_dim3A_86 {strides = array<i32>} : memref<81920xf32, #tpu.memory_space<vmem>>, vector<16xf32>,
      %broadcast_in_dim3A_92 = arith.constant 0.000000e+00 : f32
      %broadcast_in_dim3A_93 = vector.broadcast %broadcast_in_dim3A_92 : f32 to vector<16xf32>
      %mul3A_94 = arith.constant 64 : i32
      %mul3A_95 = arith.muli %mul3A_94, %add3A_85 : i32
      %add3A_96 = arith.constant 16 : i32
      %add3A_97 = arith.addi %mul3A_95, %add3A_96 : i32
      %swap3A_98 = arith.index_cast %add3A_97 : i32 to index
      %swap3A_99 = tpu.vector_load %arg8[%swap3A_98] {strides = array<i32>} : memref<81920xf32, #tpu.memory_space<vmem>>, vector<16xf32>,
      tpu.vector_store %arg8[%swap3A_98], %broadcast_in_dim3A_93 {strides = array<i32>} : memref<81920xf32, #tpu.memory_space<vmem>>, vector<16xf32>,
      %broadcast_in_dim3A_100 = arith.constant 0.000000e+00 : f32
      %broadcast_in_dim3A_101 = vector.broadcast %broadcast_in_dim3A_100 : f32 to vector<16xf32>
      %mul3A_102 = arith.constant 64 : i32
      %mul3A_103 = arith.muli %mul3A_102, %add3A_85 : i32
      %add3A_104 = arith.constant 32 : i32
      %add3A_105 = arith.addi %mul3A_103, %add3A_104 : i32
      %swap3A_106 = arith.index_cast %add3A_105 : i32 to index
      %swap3A_107 = tpu.vector_load %arg8[%swap3A_106] {strides = array<i32>} : memref<81920xf32, #tpu.memory_space<vmem>>, vector<16xf32>,
      tpu.vector_store %arg8[%swap3A_106], %broadcast_in_dim3A_101 {strides = array<i32>} : memref<81920xf32, #tpu.memory_space<vmem>>, vector<16xf32>,
      %broadcast_in_dim3A_108 = arith.constant 0.000000e+00 : f32
      %broadcast_in_dim3A_109 = vector.broadcast %broadcast_in_dim3A_108 : f32 to vector<16xf32>
      %mul3A_110 = arith.constant 64 : i32
      %mul3A_111 = arith.muli %mul3A_110, %add3A_85 : i32
      %add3A_112 = arith.constant 48 : i32
      %add3A_113 = arith.addi %mul3A_111, %add3A_112 : i32
      %swap3A_114 = arith.index_cast %add3A_113 : i32 to index
      %swap3A_115 = tpu.vector_load %arg8[%swap3A_114] {strides = array<i32>} : memref<81920xf32, #tpu.memory_space<vmem>>, vector<16xf32>,
      tpu.vector_store %arg8[%swap3A_114], %broadcast_in_dim3A_109 {strides = array<i32>} : memref<81920xf32, #tpu.memory_space<vmem>>, vector<16xf32>,
    }
    %scan3A_64 = arith.constant 1280 : i32
    %sub3A_65 = arith.constant 8 : i32
    %sub3A_66 = vector.broadcast %sub3A_65 : i32 to vector<16xi32>
    %sub3A_67 = arith.subi %iota3A, %sub3A_66 : vector<16xi32>
    %ge3A_68 = arith.constant 8 : i32
    %ge3A_69 = vector.broadcast %ge3A_68 : i32 to vector<16xi32>
    %ge3A_70 = arith.cmpi sge, %iota3A, %ge3A_69 : vector<16xi32>
    %lt3A_71 = arith.constant 16 : i32
    %lt3A_72 = vector.broadcast %lt3A_71 : i32 to vector<16xi32>
    %lt3A_73 = arith.cmpi slt, %iota3A, %lt3A_72 : vector<16xi32>
    %and3A_74 = arith.andi %ge3A_70, %lt3A_73 : vector<16xi1>
    %scan3A_75 = arith.constant 0 : i32
    %scan3A_76 = arith.constant 16 : i32
    %scan3A_77 = arith.addi %scan3A_75, %scan3A_76 : i32
    %scan3A_78 = arith.constant 1 : i32
    scf.for %scan3A_81 = %scan3A_75 to %scan3A_77 step %scan3A_78  : i32 {
      %mul3A_82 = arith.constant 2 : i32
      %mul3A_83 = arith.muli %scan3A_81, %mul3A_82 : i32
      %add3A_84 = arith.constant 0 : i32
      %add3A_85 = arith.addi %add3A_84, %mul3A_83 : i32
      %mul3A_86 = arith.constant 2560 : i32
      %mul3A_87 = arith.muli %add3A, %mul3A_86 : i32
      %mul3A_88 = arith.constant 80 : i32
      %mul3A_89 = arith.muli %add3A_85, %mul3A_88 : i32
      %add3A_90 = arith.addi %mul3A_87, %mul3A_89 : i32
      %dma_start3A = arith.constant 0 : i32
      %dma_start3A_91 = tpu.memref_slice %arg3[%add3A_90, %dma_start3A] : memref<81920x128xf32, #tpu.memory_space<hbm>> -> memref<80x128xf32, #tpu.memory_space<hbm>>
      %dma_start3A_92 = arith.constant 0 : i32
      %dma_start3A_93 = tpu.memref_slice %arg3[%add3A_90, %dma_start3A_92] : memref<81920x128xf32, #tpu.memory_space<hbm>> -> memref<80x128xf32, #tpu.memory_space<hbm>>
      tpu.enqueue_dma source(%dma_start3A_93 : memref<80x128xf32, #tpu.memory_space<hbm>>) target(%arg6 : memref<80x128xf32, #tpu.memory_space<vmem>>) target_semaphore(%arg9 : memref<!tpu.dma_semaphore, #tpu.memory_space<semaphore_mem>>)
      %add3A_94 = arith.constant 80 : i32
      %add3A_95 = arith.addi %add3A_90, %add3A_94 : i32
      %dma_start3A_96 = arith.constant 0 : i32
      %dma_start3A_97 = tpu.memref_slice %arg3[%add3A_95, %dma_start3A_96] : memref<81920x128xf32, #tpu.memory_space<hbm>> -> memref<80x128xf32, #tpu.memory_space<hbm>>
      %dma_start3A_98 = arith.constant 0 : i32
      %dma_start3A_99 = tpu.memref_slice %arg3[%add3A_95, %dma_start3A_98] : memref<81920x128xf32, #tpu.memory_space<hbm>> -> memref<80x128xf32, #tpu.memory_space<hbm>>
      tpu.enqueue_dma source(%dma_start3A_99 : memref<80x128xf32, #tpu.memory_space<hbm>>) target(%arg7 : memref<80x128xf32, #tpu.memory_space<vmem>>) target_semaphore(%arg10 : memref<!tpu.dma_semaphore, #tpu.memory_space<semaphore_mem>>)
      %dma_wait3A = arith.constant 0 : i32
      %dma_wait3A_100 = tpu.memref_slice %arg3[%add3A_90, %dma_wait3A] : memref<81920x128xf32, #tpu.memory_space<hbm>> -> memref<80x128xf32, #tpu.memory_space<hbm>>
      %dma_wait3A_101 = arith.constant 0 : i32
      %dma_wait3A_102 = tpu.memref_slice %arg3[%add3A_90, %dma_wait3A_101] : memref<81920x128xf32, #tpu.memory_space<hbm>> -> memref<80x128xf32, #tpu.memory_space<hbm>>
      tpu.wait_dma2 semaphore(%arg9 : memref<!tpu.dma_semaphore, #tpu.memory_space<semaphore_mem>>) src(%dma_wait3A_102 : memref<80x128xf32, #tpu.memory_space<hbm>>) dst(%arg6 : memref<80x128xf32, #tpu.memory_space<vmem>>)
      %scan3A_103 = arith.constant 0 : i32
      %scan3A_104 = arith.constant 20 : i32
      %scan3A_105 = arith.addi %scan3A_103, %scan3A_104 : i32
      %scan3A_106 = arith.constant 1 : i32
      scf.for %scan3A_119 = %scan3A_103 to %scan3A_105 step %scan3A_106  : i32 {
        %mul3A_120 = arith.constant 1 : i32
        %mul3A_121 = arith.muli %scan3A_119, %mul3A_120 : i32
        %add3A_122 = arith.constant 0 : i32
        %add3A_123 = arith.addi %add3A_122, %mul3A_121 : i32
        %mul3A_124 = arith.constant 320 : i32
        %mul3A_125 = arith.muli %add3A_85, %mul3A_124 : i32
        %mul3A_126 = arith.constant 16 : i32
        %mul3A_127 = arith.muli %mul3A_126, %add3A_123 : i32
        %add3A_128 = arith.addi %mul3A_125, %mul3A_127 : i32
        %get3A = arith.index_cast %add3A_128 : i32 to index
        %get3A_129 = tpu.vector_load %arg5[%get3A] {strides = array<i32>} : memref<10240xi32, #tpu.memory_space<vmem>>, vector<16xi32>,
        %slice3A = vector.extract_strided_slice %get3A_129 {offsets = [0], sizes = [1], strides = [1]} : vector<16xi32> to vector<1xi32>
        %squeeze3A = vector.extract %slice3A[0] : i32 from vector<1xi32>
        %mul3A_130 = arith.constant 8 : i32
        %mul3A_131 = arith.muli %squeeze3A, %mul3A_130 : i32
        %add3A_132 = vector.broadcast %mul3A_131 : i32 to vector<16xi32>
        %add3A_133 = arith.addi %add3A_132, %sub3A_67 : vector<16xi32>
        %mul3A_134 = arith.constant 4 : i32
        %mul3A_135 = arith.muli %mul3A_134, %add3A_123 : i32
        %add3A_136 = arith.constant 0 : i32
        %add3A_137 = arith.addi %mul3A_135, %add3A_136 : i32
        %get3A_138 = arith.index_cast %add3A_137 : i32 to index
        %get3A_139 = arith.constant 16 : index
        %get3A_140 = tpu.vector_load %arg6[%get3A_138, %get3A_139] {strides = array<i32>} : memref<80x128xf32, #tpu.memory_space<vmem>>, vector<16xf32>,
        tpu.vector_store_idx %arg8[%add3A_133], %get3A_140 masked %and3A_74 {add = true} : memref<81920xf32, #tpu.memory_space<vmem>>[vector<16xi32>], vector<16xf32>, vector<16xi1>
        %slice3A_141 = vector.extract_strided_slice %get3A_129 {offsets = [1], sizes = [1], strides = [1]} : vector<16xi32> to vector<1xi32>
        %squeeze3A_142 = vector.extract %slice3A_141[0] : i32 from vector<1xi32>
        %mul3A_143 = arith.constant 8 : i32
        %mul3A_144 = arith.muli %squeeze3A_142, %mul3A_143 : i32
        %add3A_145 = vector.broadcast %mul3A_144 : i32 to vector<16xi32>
        %add3A_146 = arith.addi %add3A_145, %sub3A_67 : vector<16xi32>
        %mul3A_147 = arith.constant 4 : i32
        %mul3A_148 = arith.muli %mul3A_147, %add3A_123 : i32
        %add3A_149 = arith.constant 0 : i32
        %add3A_150 = arith.addi %mul3A_148, %add3A_149 : i32
        %get3A_151 = arith.index_cast %add3A_150 : i32 to index
        %get3A_152 = arith.constant 48 : index
        %get3A_153 = tpu.vector_load %arg6[%get3A_151, %get3A_152] {strides = array<i32>} : memref<80x128xf32, #tpu.memory_space<vmem>>, vector<16xf32>,
        tpu.vector_store_idx %arg8[%add3A_146], %get3A_153 masked %and3A_74 {add = true} : memref<81920xf32, #tpu.memory_space<vmem>>[vector<16xi32>], vector<16xf32>, vector<16xi1>
        %slice3A_154 = vector.extract_strided_slice %get3A_129 {offsets = [2], sizes = [1], strides = [1]} : vector<16xi32> to vector<1xi32>
        %squeeze3A_155 = vector.extract %slice3A_154[0] : i32 from vector<1xi32>
        %mul3A_156 = arith.constant 8 : i32
        %mul3A_157 = arith.muli %squeeze3A_155, %mul3A_156 : i32
        %add3A_158 = vector.broadcast %mul3A_157 : i32 to vector<16xi32>
        %add3A_159 = arith.addi %add3A_158, %sub3A_67 : vector<16xi32>
        %mul3A_160 = arith.constant 4 : i32
        %mul3A_161 = arith.muli %mul3A_160, %add3A_123 : i32
        %add3A_162 = arith.constant 0 : i32
        %add3A_163 = arith.addi %mul3A_161, %add3A_162 : i32
        %get3A_164 = arith.index_cast %add3A_163 : i32 to index
        %get3A_165 = arith.constant 80 : index
        %get3A_166 = tpu.vector_load %arg6[%get3A_164, %get3A_165] {strides = array<i32>} : memref<80x128xf32, #tpu.memory_space<vmem>>, vector<16xf32>,
        tpu.vector_store_idx %arg8[%add3A_159], %get3A_166 masked %and3A_74 {add = true} : memref<81920xf32, #tpu.memory_space<vmem>>[vector<16xi32>], vector<16xf32>, vector<16xi1>
        %slice3A_167 = vector.extract_strided_slice %get3A_129 {offsets = [3], sizes = [1], strides = [1]} : vector<16xi32> to vector<1xi32>
        %squeeze3A_168 = vector.extract %slice3A_167[0] : i32 from vector<1xi32>
        %mul3A_169 = arith.constant 8 : i32
        %mul3A_170 = arith.muli %squeeze3A_168, %mul3A_169 : i32
        %add3A_171 = vector.broadcast %mul3A_170 : i32 to vector<16xi32>
        %add3A_172 = arith.addi %add3A_171, %sub3A_67 : vector<16xi32>
        %mul3A_173 = arith.constant 4 : i32
        %mul3A_174 = arith.muli %mul3A_173, %add3A_123 : i32
        %add3A_175 = arith.constant 0 : i32
        %add3A_176 = arith.addi %mul3A_174, %add3A_175 : i32
        %get3A_177 = arith.index_cast %add3A_176 : i32 to index
        %get3A_178 = arith.constant 112 : index
        %get3A_179 = tpu.vector_load %arg6[%get3A_177, %get3A_178] {strides = array<i32>} : memref<80x128xf32, #tpu.memory_space<vmem>>, vector<16xf32>,
        tpu.vector_store_idx %arg8[%add3A_172], %get3A_179 masked %and3A_74 {add = true} : memref<81920xf32, #tpu.memory_space<vmem>>[vector<16xi32>], vector<16xf32>, vector<16xi1>
        %slice3A_180 = vector.extract_strided_slice %get3A_129 {offsets = [4], sizes = [1], strides = [1]} : vector<16xi32> to vector<1xi32>
        %squeeze3A_181 = vector.extract %slice3A_180[0] : i32 from vector<1xi32>
        %mul3A_182 = arith.constant 8 : i32
        %mul3A_183 = arith.muli %squeeze3A_181, %mul3A_182 : i32
        %add3A_184 = vector.broadcast %mul3A_183 : i32 to vector<16xi32>
        %add3A_185 = arith.addi %add3A_184, %sub3A_67 : vector<16xi32>
        %mul3A_186 = arith.constant 4 : i32
        %mul3A_187 = arith.muli %mul3A_186, %add3A_123 : i32
        %add3A_188 = arith.constant 1 : i32
        %add3A_189 = arith.addi %mul3A_187, %add3A_188 : i32
        %get3A_190 = arith.index_cast %add3A_189 : i32 to index
        %get3A_191 = arith.constant 16 : index
        %get3A_192 = tpu.vector_load %arg6[%get3A_190, %get3A_191] {strides = array<i32>} : memref<80x128xf32, #tpu.memory_space<vmem>>, vector<16xf32>,
        tpu.vector_store_idx %arg8[%add3A_185], %get3A_192 masked %and3A_74 {add = true} : memref<81920xf32, #tpu.memory_space<vmem>>[vector<16xi32>], vector<16xf32>, vector<16xi1>
        %slice3A_193 = vector.extract_strided_slice %get3A_129 {offsets = [5], sizes = [1], strides = [1]} : vector<16xi32> to vector<1xi32>
        %squeeze3A_194 = vector.extract %slice3A_193[0] : i32 from vector<1xi32>
        %mul3A_195 = arith.constant 8 : i32
        %mul3A_196 = arith.muli %squeeze3A_194, %mul3A_195 : i32
        %add3A_197 = vector.broadcast %mul3A_196 : i32 to vector<16xi32>
        %add3A_198 = arith.addi %add3A_197, %sub3A_67 : vector<16xi32>
        %mul3A_199 = arith.constant 4 : i32
        %mul3A_200 = arith.muli %mul3A_199, %add3A_123 : i32
        %add3A_201 = arith.constant 1 : i32
        %add3A_202 = arith.addi %mul3A_200, %add3A_201 : i32
        %get3A_203 = arith.index_cast %add3A_202 : i32 to index
        %get3A_204 = arith.constant 48 : index
        %get3A_205 = tpu.vector_load %arg6[%get3A_203, %get3A_204] {strides = array<i32>} : memref<80x128xf32, #tpu.memory_space<vmem>>, vector<16xf32>,
        tpu.vector_store_idx %arg8[%add3A_198], %get3A_205 masked %and3A_74 {add = true} : memref<81920xf32, #tpu.memory_space<vmem>>[vector<16xi32>], vector<16xf32>, vector<16xi1>
        %slice3A_206 = vector.extract_strided_slice %get3A_129 {offsets = [6], sizes = [1], strides = [1]} : vector<16xi32> to vector<1xi32>
        %squeeze3A_207 = vector.extract %slice3A_206[0] : i32 from vector<1xi32>
        %mul3A_208 = arith.constant 8 : i32
        %mul3A_209 = arith.muli %squeeze3A_207, %mul3A_208 : i32
        %add3A_210 = vector.broadcast %mul3A_209 : i32 to vector<16xi32>
        %add3A_211 = arith.addi %add3A_210, %sub3A_67 : vector<16xi32>
        %mul3A_212 = arith.constant 4 : i32
        %mul3A_213 = arith.muli %mul3A_212, %add3A_123 : i32
        %add3A_214 = arith.constant 1 : i32
        %add3A_215 = arith.addi %mul3A_213, %add3A_214 : i32
        %get3A_216 = arith.index_cast %add3A_215 : i32 to index
        %get3A_217 = arith.constant 80 : index
        %get3A_218 = tpu.vector_load %arg6[%get3A_216, %get3A_217] {strides = array<i32>} : memref<80x128xf32, #tpu.memory_space<vmem>>, vector<16xf32>,
        tpu.vector_store_idx %arg8[%add3A_211], %get3A_218 masked %and3A_74 {add = true} : memref<81920xf32, #tpu.memory_space<vmem>>[vector<16xi32>], vector<16xf32>, vector<16xi1>
        %slice3A_219 = vector.extract_strided_slice %get3A_129 {offsets = [7], sizes = [1], strides = [1]} : vector<16xi32> to vector<1xi32>
        %squeeze3A_220 = vector.extract %slice3A_219[0] : i32 from vector<1xi32>
        %mul3A_221 = arith.constant 8 : i32
        %mul3A_222 = arith.muli %squeeze3A_220, %mul3A_221 : i32
        %add3A_223 = vector.broadcast %mul3A_222 : i32 to vector<16xi32>
        %add3A_224 = arith.addi %add3A_223, %sub3A_67 : vector<16xi32>
        %mul3A_225 = arith.constant 4 : i32
        %mul3A_226 = arith.muli %mul3A_225, %add3A_123 : i32
        %add3A_227 = arith.constant 1 : i32
        %add3A_228 = arith.addi %mul3A_226, %add3A_227 : i32
        %get3A_229 = arith.index_cast %add3A_228 : i32 to index
        %get3A_230 = arith.constant 112 : index
        %get3A_231 = tpu.vector_load %arg6[%get3A_229, %get3A_230] {strides = array<i32>} : memref<80x128xf32, #tpu.memory_space<vmem>>, vector<16xf32>,
        tpu.vector_store_idx %arg8[%add3A_224], %get3A_231 masked %and3A_74 {add = true} : memref<81920xf32, #tpu.memory_space<vmem>>[vector<16xi32>], vector<16xf32>, vector<16xi1>
        %slice3A_232 = vector.extract_strided_slice %get3A_129 {offsets = [8], sizes = [1], strides = [1]} : vector<16xi32> to vector<1xi32>
        %squeeze3A_233 = vector.extract %slice3A_232[0] : i32 from vector<1xi32>
        %mul3A_234 = arith.constant 8 : i32
        %mul3A_235 = arith.muli %squeeze3A_233, %mul3A_234 : i32
        %add3A_236 = vector.broadcast %mul3A_235 : i32 to vector<16xi32>
        %add3A_237 = arith.addi %add3A_236, %sub3A_67 : vector<16xi32>
        %mul3A_238 = arith.constant 4 : i32
        %mul3A_239 = arith.muli %mul3A_238, %add3A_123 : i32
        %add3A_240 = arith.constant 2 : i32
        %add3A_241 = arith.addi %mul3A_239, %add3A_240 : i32
        %get3A_242 = arith.index_cast %add3A_241 : i32 to index
        %get3A_243 = arith.constant 16 : index
        %get3A_244 = tpu.vector_load %arg6[%get3A_242, %get3A_243] {strides = array<i32>} : memref<80x128xf32, #tpu.memory_space<vmem>>, vector<16xf32>,
        tpu.vector_store_idx %arg8[%add3A_237], %get3A_244 masked %and3A_74 {add = true} : memref<81920xf32, #tpu.memory_space<vmem>>[vector<16xi32>], vector<16xf32>, vector<16xi1>
        %slice3A_245 = vector.extract_strided_slice %get3A_129 {offsets = [9], sizes = [1], strides = [1]} : vector<16xi32> to vector<1xi32>
        %squeeze3A_246 = vector.extract %slice3A_245[0] : i32 from vector<1xi32>
        %mul3A_247 = arith.constant 8 : i32
        %mul3A_248 = arith.muli %squeeze3A_246, %mul3A_247 : i32
        %add3A_249 = vector.broadcast %mul3A_248 : i32 to vector<16xi32>
        %add3A_250 = arith.addi %add3A_249, %sub3A_67 : vector<16xi32>
        %mul3A_251 = arith.constant 4 : i32
        %mul3A_252 = arith.muli %mul3A_251, %add3A_123 : i32
        %add3A_253 = arith.constant 2 : i32
        %add3A_254 = arith.addi %mul3A_252, %add3A_253 : i32
        %get3A_255 = arith.index_cast %add3A_254 : i32 to index
        %get3A_256 = arith.constant 48 : index
        %get3A_257 = tpu.vector_load %arg6[%get3A_255, %get3A_256] {strides = array<i32>} : memref<80x128xf32, #tpu.memory_space<vmem>>, vector<16xf32>,
        tpu.vector_store_idx %arg8[%add3A_250], %get3A_257 masked %and3A_74 {add = true} : memref<81920xf32, #tpu.memory_space<vmem>>[vector<16xi32>], vector<16xf32>, vector<16xi1>
        %slice3A_258 = vector.extract_strided_slice %get3A_129 {offsets = [10], sizes = [1], strides = [1]} : vector<16xi32> to vector<1xi32>
        %squeeze3A_259 = vector.extract %slice3A_258[0] : i32 from vector<1xi32>
        %mul3A_260 = arith.constant 8 : i32
        %mul3A_261 = arith.muli %squeeze3A_259, %mul3A_260 : i32
        %add3A_262 = vector.broadcast %mul3A_261 : i32 to vector<16xi32>
        %add3A_263 = arith.addi %add3A_262, %sub3A_67 : vector<16xi32>
        %mul3A_264 = arith.constant 4 : i32
        %mul3A_265 = arith.muli %mul3A_264, %add3A_123 : i32
        %add3A_266 = arith.constant 2 : i32
        %add3A_267 = arith.addi %mul3A_265, %add3A_266 : i32
        %get3A_268 = arith.index_cast %add3A_267 : i32 to index
        %get3A_269 = arith.constant 80 : index
        %get3A_270 = tpu.vector_load %arg6[%get3A_268, %get3A_269] {strides = array<i32>} : memref<80x128xf32, #tpu.memory_space<vmem>>, vector<16xf32>,
        tpu.vector_store_idx %arg8[%add3A_263], %get3A_270 masked %and3A_74 {add = true} : memref<81920xf32, #tpu.memory_space<vmem>>[vector<16xi32>], vector<16xf32>, vector<16xi1>
        %slice3A_271 = vector.extract_strided_slice %get3A_129 {offsets = [11], sizes = [1], strides = [1]} : vector<16xi32> to vector<1xi32>
        %squeeze3A_272 = vector.extract %slice3A_271[0] : i32 from vector<1xi32>
        %mul3A_273 = arith.constant 8 : i32
        %mul3A_274 = arith.muli %squeeze3A_272, %mul3A_273 : i32
        %add3A_275 = vector.broadcast %mul3A_274 : i32 to vector<16xi32>
        %add3A_276 = arith.addi %add3A_275, %sub3A_67 : vector<16xi32>
        %mul3A_277 = arith.constant 4 : i32
        %mul3A_278 = arith.muli %mul3A_277, %add3A_123 : i32
        %add3A_279 = arith.constant 2 : i32
        %add3A_280 = arith.addi %mul3A_278, %add3A_279 : i32
        %get3A_281 = arith.index_cast %add3A_280 : i32 to index
        %get3A_282 = arith.constant 112 : index
        %get3A_283 = tpu.vector_load %arg6[%get3A_281, %get3A_282] {strides = array<i32>} : memref<80x128xf32, #tpu.memory_space<vmem>>, vector<16xf32>,
        tpu.vector_store_idx %arg8[%add3A_276], %get3A_283 masked %and3A_74 {add = true} : memref<81920xf32, #tpu.memory_space<vmem>>[vector<16xi32>], vector<16xf32>, vector<16xi1>
        %slice3A_284 = vector.extract_strided_slice %get3A_129 {offsets = [12], sizes = [1], strides = [1]} : vector<16xi32> to vector<1xi32>
        %squeeze3A_285 = vector.extract %slice3A_284[0] : i32 from vector<1xi32>
        %mul3A_286 = arith.constant 8 : i32
        %mul3A_287 = arith.muli %squeeze3A_285, %mul3A_286 : i32
        %add3A_288 = vector.broadcast %mul3A_287 : i32 to vector<16xi32>
        %add3A_289 = arith.addi %add3A_288, %sub3A_67 : vector<16xi32>
        %mul3A_290 = arith.constant 4 : i32
        %mul3A_291 = arith.muli %mul3A_290, %add3A_123 : i32
        %add3A_292 = arith.constant 3 : i32
        %add3A_293 = arith.addi %mul3A_291, %add3A_292 : i32
        %get3A_294 = arith.index_cast %add3A_293 : i32 to index
        %get3A_295 = arith.constant 16 : index
        %get3A_296 = tpu.vector_load %arg6[%get3A_294, %get3A_295] {strides = array<i32>} : memref<80x128xf32, #tpu.memory_space<vmem>>, vector<16xf32>,
        tpu.vector_store_idx %arg8[%add3A_289], %get3A_296 masked %and3A_74 {add = true} : memref<81920xf32, #tpu.memory_space<vmem>>[vector<16xi32>], vector<16xf32>, vector<16xi1>
        %slice3A_297 = vector.extract_strided_slice %get3A_129 {offsets = [13], sizes = [1], strides = [1]} : vector<16xi32> to vector<1xi32>
        %squeeze3A_298 = vector.extract %slice3A_297[0] : i32 from vector<1xi32>
        %mul3A_299 = arith.constant 8 : i32
        %mul3A_300 = arith.muli %squeeze3A_298, %mul3A_299 : i32
        %add3A_301 = vector.broadcast %mul3A_300 : i32 to vector<16xi32>
        %add3A_302 = arith.addi %add3A_301, %sub3A_67 : vector<16xi32>
        %mul3A_303 = arith.constant 4 : i32
        %mul3A_304 = arith.muli %mul3A_303, %add3A_123 : i32
        %add3A_305 = arith.constant 3 : i32
        %add3A_306 = arith.addi %mul3A_304, %add3A_305 : i32
        %get3A_307 = arith.index_cast %add3A_306 : i32 to index
        %get3A_308 = arith.constant 48 : index
        %get3A_309 = tpu.vector_load %arg6[%get3A_307, %get3A_308] {strides = array<i32>} : memref<80x128xf32, #tpu.memory_space<vmem>>, vector<16xf32>,
        tpu.vector_store_idx %arg8[%add3A_302], %get3A_309 masked %and3A_74 {add = true} : memref<81920xf32, #tpu.memory_space<vmem>>[vector<16xi32>], vector<16xf32>, vector<16xi1>
        %slice3A_310 = vector.extract_strided_slice %get3A_129 {offsets = [14], sizes = [1], strides = [1]} : vector<16xi32> to vector<1xi32>
        %squeeze3A_311 = vector.extract %slice3A_310[0] : i32 from vector<1xi32>
        %mul3A_312 = arith.constant 8 : i32
        %mul3A_313 = arith.muli %squeeze3A_311, %mul3A_312 : i32
        %add3A_314 = vector.broadcast %mul3A_313 : i32 to vector<16xi32>
        %add3A_315 = arith.addi %add3A_314, %sub3A_67 : vector<16xi32>
        %mul3A_316 = arith.constant 4 : i32
        %mul3A_317 = arith.muli %mul3A_316, %add3A_123 : i32
        %add3A_318 = arith.constant 3 : i32
        %add3A_319 = arith.addi %mul3A_317, %add3A_318 : i32
        %get3A_320 = arith.index_cast %add3A_319 : i32 to index
        %get3A_321 = arith.constant 80 : index
        %get3A_322 = tpu.vector_load %arg6[%get3A_320, %get3A_321] {strides = array<i32>} : memref<80x128xf32, #tpu.memory_space<vmem>>, vector<16xf32>,
        tpu.vector_store_idx %arg8[%add3A_315], %get3A_322 masked %and3A_74 {add = true} : memref<81920xf32, #tpu.memory_space<vmem>>[vector<16xi32>], vector<16xf32>, vector<16xi1>
        %slice3A_323 = vector.extract_strided_slice %get3A_129 {offsets = [15], sizes = [1], strides = [1]} : vector<16xi32> to vector<1xi32>
        %squeeze3A_324 = vector.extract %slice3A_323[0] : i32 from vector<1xi32>
        %mul3A_325 = arith.constant 8 : i32
        %mul3A_326 = arith.muli %squeeze3A_324, %mul3A_325 : i32
        %add3A_327 = vector.broadcast %mul3A_326 : i32 to vector<16xi32>
        %add3A_328 = arith.addi %add3A_327, %sub3A_67 : vector<16xi32>
        %mul3A_329 = arith.constant 4 : i32
        %mul3A_330 = arith.muli %mul3A_329, %add3A_123 : i32
        %add3A_331 = arith.constant 3 : i32
        %add3A_332 = arith.addi %mul3A_330, %add3A_331 : i32
        %get3A_333 = arith.index_cast %add3A_332 : i32 to index
        %get3A_334 = arith.constant 112 : index
        %get3A_335 = tpu.vector_load %arg6[%get3A_333, %get3A_334] {strides = array<i32>} : memref<80x128xf32, #tpu.memory_space<vmem>>, vector<16xf32>,
        tpu.vector_store_idx %arg8[%add3A_328], %get3A_335 masked %and3A_74 {add = true} : memref<81920xf32, #tpu.memory_space<vmem>>[vector<16xi32>], vector<16xf32>, vector<16xi1>
      }
      %scan3A_107 = arith.constant 20 : i32
      %dma_wait3A_108 = arith.constant 0 : i32
      %dma_wait3A_109 = tpu.memref_slice %arg3[%add3A_95, %dma_wait3A_108] : memref<81920x128xf32, #tpu.memory_space<hbm>> -> memref<80x128xf32, #tpu.memory_space<hbm>>
      %dma_wait3A_110 = arith.constant 0 : i32
      %dma_wait3A_111 = tpu.memref_slice %arg3[%add3A_95, %dma_wait3A_110] : memref<81920x128xf32, #tpu.memory_space<hbm>> -> memref<80x128xf32, #tpu.memory_space<hbm>>
      tpu.wait_dma2 semaphore(%arg10 : memref<!tpu.dma_semaphore, #tpu.memory_space<semaphore_mem>>) src(%dma_wait3A_111 : memref<80x128xf32, #tpu.memory_space<hbm>>) dst(%arg7 : memref<80x128xf32, #tpu.memory_space<vmem>>)
      %add3A_112 = arith.constant 1 : i32
      %add3A_113 = arith.addi %add3A_85, %add3A_112 : i32
      %scan3A_114 = arith.constant 0 : i32
      %scan3A_115 = arith.constant 20 : i32
      %scan3A_116 = arith.addi %scan3A_114, %scan3A_115 : i32
      %scan3A_117 = arith.constant 1 : i32
      scf.for %scan3A_119 = %scan3A_114 to %scan3A_116 step %scan3A_117  : i32 {
        %mul3A_120 = arith.constant 1 : i32
        %mul3A_121 = arith.muli %scan3A_119, %mul3A_120 : i32
        %add3A_122 = arith.constant 0 : i32
        %add3A_123 = arith.addi %add3A_122, %mul3A_121 : i32
        %mul3A_124 = arith.constant 320 : i32
        %mul3A_125 = arith.muli %add3A_113, %mul3A_124 : i32
        %mul3A_126 = arith.constant 16 : i32
        %mul3A_127 = arith.muli %mul3A_126, %add3A_123 : i32
        %add3A_128 = arith.addi %mul3A_125, %mul3A_127 : i32
        %get3A = arith.index_cast %add3A_128 : i32 to index
        %get3A_129 = tpu.vector_load %arg5[%get3A] {strides = array<i32>} : memref<10240xi32, #tpu.memory_space<vmem>>, vector<16xi32>,
        %slice3A = vector.extract_strided_slice %get3A_129 {offsets = [0], sizes = [1], strides = [1]} : vector<16xi32> to vector<1xi32>
        %squeeze3A = vector.extract %slice3A[0] : i32 from vector<1xi32>
        %mul3A_130 = arith.constant 8 : i32
        %mul3A_131 = arith.muli %squeeze3A, %mul3A_130 : i32
        %add3A_132 = vector.broadcast %mul3A_131 : i32 to vector<16xi32>
        %add3A_133 = arith.addi %add3A_132, %sub3A_67 : vector<16xi32>
        %mul3A_134 = arith.constant 4 : i32
        %mul3A_135 = arith.muli %mul3A_134, %add3A_123 : i32
        %add3A_136 = arith.constant 0 : i32
        %add3A_137 = arith.addi %mul3A_135, %add3A_136 : i32
        %get3A_138 = arith.index_cast %add3A_137 : i32 to index
        %get3A_139 = arith.constant 16 : index
        %get3A_140 = tpu.vector_load %arg7[%get3A_138, %get3A_139] {strides = array<i32>} : memref<80x128xf32, #tpu.memory_space<vmem>>, vector<16xf32>,
        tpu.vector_store_idx %arg8[%add3A_133], %get3A_140 masked %and3A_74 {add = true} : memref<81920xf32, #tpu.memory_space<vmem>>[vector<16xi32>], vector<16xf32>, vector<16xi1>
        %slice3A_141 = vector.extract_strided_slice %get3A_129 {offsets = [1], sizes = [1], strides = [1]} : vector<16xi32> to vector<1xi32>
        %squeeze3A_142 = vector.extract %slice3A_141[0] : i32 from vector<1xi32>
        %mul3A_143 = arith.constant 8 : i32
        %mul3A_144 = arith.muli %squeeze3A_142, %mul3A_143 : i32
        %add3A_145 = vector.broadcast %mul3A_144 : i32 to vector<16xi32>
        %add3A_146 = arith.addi %add3A_145, %sub3A_67 : vector<16xi32>
        %mul3A_147 = arith.constant 4 : i32
        %mul3A_148 = arith.muli %mul3A_147, %add3A_123 : i32
        %add3A_149 = arith.constant 0 : i32
        %add3A_150 = arith.addi %mul3A_148, %add3A_149 : i32
        %get3A_151 = arith.index_cast %add3A_150 : i32 to index
        %get3A_152 = arith.constant 48 : index
        %get3A_153 = tpu.vector_load %arg7[%get3A_151, %get3A_152] {strides = array<i32>} : memref<80x128xf32, #tpu.memory_space<vmem>>, vector<16xf32>,
        tpu.vector_store_idx %arg8[%add3A_146], %get3A_153 masked %and3A_74 {add = true} : memref<81920xf32, #tpu.memory_space<vmem>>[vector<16xi32>], vector<16xf32>, vector<16xi1>
        %slice3A_154 = vector.extract_strided_slice %get3A_129 {offsets = [2], sizes = [1], strides = [1]} : vector<16xi32> to vector<1xi32>
        %squeeze3A_155 = vector.extract %slice3A_154[0] : i32 from vector<1xi32>
        %mul3A_156 = arith.constant 8 : i32
        %mul3A_157 = arith.muli %squeeze3A_155, %mul3A_156 : i32
        %add3A_158 = vector.broadcast %mul3A_157 : i32 to vector<16xi32>
        %add3A_159 = arith.addi %add3A_158, %sub3A_67 : vector<16xi32>
        %mul3A_160 = arith.constant 4 : i32
        %mul3A_161 = arith.muli %mul3A_160, %add3A_123 : i32
        %add3A_162 = arith.constant 0 : i32
        %add3A_163 = arith.addi %mul3A_161, %add3A_162 : i32
        %get3A_164 = arith.index_cast %add3A_163 : i32 to index
        %get3A_165 = arith.constant 80 : index
        %get3A_166 = tpu.vector_load %arg7[%get3A_164, %get3A_165] {strides = array<i32>} : memref<80x128xf32, #tpu.memory_space<vmem>>, vector<16xf32>,
        tpu.vector_store_idx %arg8[%add3A_159], %get3A_166 masked %and3A_74 {add = true} : memref<81920xf32, #tpu.memory_space<vmem>>[vector<16xi32>], vector<16xf32>, vector<16xi1>
        %slice3A_167 = vector.extract_strided_slice %get3A_129 {offsets = [3], sizes = [1], strides = [1]} : vector<16xi32> to vector<1xi32>
        %squeeze3A_168 = vector.extract %slice3A_167[0] : i32 from vector<1xi32>
        %mul3A_169 = arith.constant 8 : i32
        %mul3A_170 = arith.muli %squeeze3A_168, %mul3A_169 : i32
        %add3A_171 = vector.broadcast %mul3A_170 : i32 to vector<16xi32>
        %add3A_172 = arith.addi %add3A_171, %sub3A_67 : vector<16xi32>
        %mul3A_173 = arith.constant 4 : i32
        %mul3A_174 = arith.muli %mul3A_173, %add3A_123 : i32
        %add3A_175 = arith.constant 0 : i32
        %add3A_176 = arith.addi %mul3A_174, %add3A_175 : i32
        %get3A_177 = arith.index_cast %add3A_176 : i32 to index
        %get3A_178 = arith.constant 112 : index
        %get3A_179 = tpu.vector_load %arg7[%get3A_177, %get3A_178] {strides = array<i32>} : memref<80x128xf32, #tpu.memory_space<vmem>>, vector<16xf32>,
        tpu.vector_store_idx %arg8[%add3A_172], %get3A_179 masked %and3A_74 {add = true} : memref<81920xf32, #tpu.memory_space<vmem>>[vector<16xi32>], vector<16xf32>, vector<16xi1>
        %slice3A_180 = vector.extract_strided_slice %get3A_129 {offsets = [4], sizes = [1], strides = [1]} : vector<16xi32> to vector<1xi32>
        %squeeze3A_181 = vector.extract %slice3A_180[0] : i32 from vector<1xi32>
        %mul3A_182 = arith.constant 8 : i32
        %mul3A_183 = arith.muli %squeeze3A_181, %mul3A_182 : i32
        %add3A_184 = vector.broadcast %mul3A_183 : i32 to vector<16xi32>
        %add3A_185 = arith.addi %add3A_184, %sub3A_67 : vector<16xi32>
        %mul3A_186 = arith.constant 4 : i32
        %mul3A_187 = arith.muli %mul3A_186, %add3A_123 : i32
        %add3A_188 = arith.constant 1 : i32
        %add3A_189 = arith.addi %mul3A_187, %add3A_188 : i32
        %get3A_190 = arith.index_cast %add3A_189 : i32 to index
        %get3A_191 = arith.constant 16 : index
        %get3A_192 = tpu.vector_load %arg7[%get3A_190, %get3A_191] {strides = array<i32>} : memref<80x128xf32, #tpu.memory_space<vmem>>, vector<16xf32>,
        tpu.vector_store_idx %arg8[%add3A_185], %get3A_192 masked %and3A_74 {add = true} : memref<81920xf32, #tpu.memory_space<vmem>>[vector<16xi32>], vector<16xf32>, vector<16xi1>
        %slice3A_193 = vector.extract_strided_slice %get3A_129 {offsets = [5], sizes = [1], strides = [1]} : vector<16xi32> to vector<1xi32>
        %squeeze3A_194 = vector.extract %slice3A_193[0] : i32 from vector<1xi32>
        %mul3A_195 = arith.constant 8 : i32
        %mul3A_196 = arith.muli %squeeze3A_194, %mul3A_195 : i32
        %add3A_197 = vector.broadcast %mul3A_196 : i32 to vector<16xi32>
        %add3A_198 = arith.addi %add3A_197, %sub3A_67 : vector<16xi32>
        %mul3A_199 = arith.constant 4 : i32
        %mul3A_200 = arith.muli %mul3A_199, %add3A_123 : i32
        %add3A_201 = arith.constant 1 : i32
        %add3A_202 = arith.addi %mul3A_200, %add3A_201 : i32
        %get3A_203 = arith.index_cast %add3A_202 : i32 to index
        %get3A_204 = arith.constant 48 : index
        %get3A_205 = tpu.vector_load %arg7[%get3A_203, %get3A_204] {strides = array<i32>} : memref<80x128xf32, #tpu.memory_space<vmem>>, vector<16xf32>,
        tpu.vector_store_idx %arg8[%add3A_198], %get3A_205 masked %and3A_74 {add = true} : memref<81920xf32, #tpu.memory_space<vmem>>[vector<16xi32>], vector<16xf32>, vector<16xi1>
        %slice3A_206 = vector.extract_strided_slice %get3A_129 {offsets = [6], sizes = [1], strides = [1]} : vector<16xi32> to vector<1xi32>
        %squeeze3A_207 = vector.extract %slice3A_206[0] : i32 from vector<1xi32>
        %mul3A_208 = arith.constant 8 : i32
        %mul3A_209 = arith.muli %squeeze3A_207, %mul3A_208 : i32
        %add3A_210 = vector.broadcast %mul3A_209 : i32 to vector<16xi32>
        %add3A_211 = arith.addi %add3A_210, %sub3A_67 : vector<16xi32>
        %mul3A_212 = arith.constant 4 : i32
        %mul3A_213 = arith.muli %mul3A_212, %add3A_123 : i32
        %add3A_214 = arith.constant 1 : i32
        %add3A_215 = arith.addi %mul3A_213, %add3A_214 : i32
        %get3A_216 = arith.index_cast %add3A_215 : i32 to index
        %get3A_217 = arith.constant 80 : index
        %get3A_218 = tpu.vector_load %arg7[%get3A_216, %get3A_217] {strides = array<i32>} : memref<80x128xf32, #tpu.memory_space<vmem>>, vector<16xf32>,
        tpu.vector_store_idx %arg8[%add3A_211], %get3A_218 masked %and3A_74 {add = true} : memref<81920xf32, #tpu.memory_space<vmem>>[vector<16xi32>], vector<16xf32>, vector<16xi1>
        %slice3A_219 = vector.extract_strided_slice %get3A_129 {offsets = [7], sizes = [1], strides = [1]} : vector<16xi32> to vector<1xi32>
        %squeeze3A_220 = vector.extract %slice3A_219[0] : i32 from vector<1xi32>
        %mul3A_221 = arith.constant 8 : i32
        %mul3A_222 = arith.muli %squeeze3A_220, %mul3A_221 : i32
        %add3A_223 = vector.broadcast %mul3A_222 : i32 to vector<16xi32>
        %add3A_224 = arith.addi %add3A_223, %sub3A_67 : vector<16xi32>
        %mul3A_225 = arith.constant 4 : i32
        %mul3A_226 = arith.muli %mul3A_225, %add3A_123 : i32
        %add3A_227 = arith.constant 1 : i32
        %add3A_228 = arith.addi %mul3A_226, %add3A_227 : i32
        %get3A_229 = arith.index_cast %add3A_228 : i32 to index
        %get3A_230 = arith.constant 112 : index
        %get3A_231 = tpu.vector_load %arg7[%get3A_229, %get3A_230] {strides = array<i32>} : memref<80x128xf32, #tpu.memory_space<vmem>>, vector<16xf32>,
        tpu.vector_store_idx %arg8[%add3A_224], %get3A_231 masked %and3A_74 {add = true} : memref<81920xf32, #tpu.memory_space<vmem>>[vector<16xi32>], vector<16xf32>, vector<16xi1>
        %slice3A_232 = vector.extract_strided_slice %get3A_129 {offsets = [8], sizes = [1], strides = [1]} : vector<16xi32> to vector<1xi32>
        %squeeze3A_233 = vector.extract %slice3A_232[0] : i32 from vector<1xi32>
        %mul3A_234 = arith.constant 8 : i32
        %mul3A_235 = arith.muli %squeeze3A_233, %mul3A_234 : i32
        %add3A_236 = vector.broadcast %mul3A_235 : i32 to vector<16xi32>
        %add3A_237 = arith.addi %add3A_236, %sub3A_67 : vector<16xi32>
        %mul3A_238 = arith.constant 4 : i32
        %mul3A_239 = arith.muli %mul3A_238, %add3A_123 : i32
        %add3A_240 = arith.constant 2 : i32
        %add3A_241 = arith.addi %mul3A_239, %add3A_240 : i32
        %get3A_242 = arith.index_cast %add3A_241 : i32 to index
        %get3A_243 = arith.constant 16 : index
        %get3A_244 = tpu.vector_load %arg7[%get3A_242, %get3A_243] {strides = array<i32>} : memref<80x128xf32, #tpu.memory_space<vmem>>, vector<16xf32>,
        tpu.vector_store_idx %arg8[%add3A_237], %get3A_244 masked %and3A_74 {add = true} : memref<81920xf32, #tpu.memory_space<vmem>>[vector<16xi32>], vector<16xf32>, vector<16xi1>
        %slice3A_245 = vector.extract_strided_slice %get3A_129 {offsets = [9], sizes = [1], strides = [1]} : vector<16xi32> to vector<1xi32>
        %squeeze3A_246 = vector.extract %slice3A_245[0] : i32 from vector<1xi32>
        %mul3A_247 = arith.constant 8 : i32
        %mul3A_248 = arith.muli %squeeze3A_246, %mul3A_247 : i32
        %add3A_249 = vector.broadcast %mul3A_248 : i32 to vector<16xi32>
        %add3A_250 = arith.addi %add3A_249, %sub3A_67 : vector<16xi32>
        %mul3A_251 = arith.constant 4 : i32
        %mul3A_252 = arith.muli %mul3A_251, %add3A_123 : i32
        %add3A_253 = arith.constant 2 : i32
        %add3A_254 = arith.addi %mul3A_252, %add3A_253 : i32
        %get3A_255 = arith.index_cast %add3A_254 : i32 to index
        %get3A_256 = arith.constant 48 : index
        %get3A_257 = tpu.vector_load %arg7[%get3A_255, %get3A_256] {strides = array<i32>} : memref<80x128xf32, #tpu.memory_space<vmem>>, vector<16xf32>,
        tpu.vector_store_idx %arg8[%add3A_250], %get3A_257 masked %and3A_74 {add = true} : memref<81920xf32, #tpu.memory_space<vmem>>[vector<16xi32>], vector<16xf32>, vector<16xi1>
        %slice3A_258 = vector.extract_strided_slice %get3A_129 {offsets = [10], sizes = [1], strides = [1]} : vector<16xi32> to vector<1xi32>
        %squeeze3A_259 = vector.extract %slice3A_258[0] : i32 from vector<1xi32>
        %mul3A_260 = arith.constant 8 : i32
        %mul3A_261 = arith.muli %squeeze3A_259, %mul3A_260 : i32
        %add3A_262 = vector.broadcast %mul3A_261 : i32 to vector<16xi32>
        %add3A_263 = arith.addi %add3A_262, %sub3A_67 : vector<16xi32>
        %mul3A_264 = arith.constant 4 : i32
        %mul3A_265 = arith.muli %mul3A_264, %add3A_123 : i32
        %add3A_266 = arith.constant 2 : i32
        %add3A_267 = arith.addi %mul3A_265, %add3A_266 : i32
        %get3A_268 = arith.index_cast %add3A_267 : i32 to index
        %get3A_269 = arith.constant 80 : index
        %get3A_270 = tpu.vector_load %arg7[%get3A_268, %get3A_269] {strides = array<i32>} : memref<80x128xf32, #tpu.memory_space<vmem>>, vector<16xf32>,
        tpu.vector_store_idx %arg8[%add3A_263], %get3A_270 masked %and3A_74 {add = true} : memref<81920xf32, #tpu.memory_space<vmem>>[vector<16xi32>], vector<16xf32>, vector<16xi1>
        %slice3A_271 = vector.extract_strided_slice %get3A_129 {offsets = [11], sizes = [1], strides = [1]} : vector<16xi32> to vector<1xi32>
        %squeeze3A_272 = vector.extract %slice3A_271[0] : i32 from vector<1xi32>
        %mul3A_273 = arith.constant 8 : i32
        %mul3A_274 = arith.muli %squeeze3A_272, %mul3A_273 : i32
        %add3A_275 = vector.broadcast %mul3A_274 : i32 to vector<16xi32>
        %add3A_276 = arith.addi %add3A_275, %sub3A_67 : vector<16xi32>
        %mul3A_277 = arith.constant 4 : i32
        %mul3A_278 = arith.muli %mul3A_277, %add3A_123 : i32
        %add3A_279 = arith.constant 2 : i32
        %add3A_280 = arith.addi %mul3A_278, %add3A_279 : i32
        %get3A_281 = arith.index_cast %add3A_280 : i32 to index
        %get3A_282 = arith.constant 112 : index
        %get3A_283 = tpu.vector_load %arg7[%get3A_281, %get3A_282] {strides = array<i32>} : memref<80x128xf32, #tpu.memory_space<vmem>>, vector<16xf32>,
        tpu.vector_store_idx %arg8[%add3A_276], %get3A_283 masked %and3A_74 {add = true} : memref<81920xf32, #tpu.memory_space<vmem>>[vector<16xi32>], vector<16xf32>, vector<16xi1>
        %slice3A_284 = vector.extract_strided_slice %get3A_129 {offsets = [12], sizes = [1], strides = [1]} : vector<16xi32> to vector<1xi32>
        %squeeze3A_285 = vector.extract %slice3A_284[0] : i32 from vector<1xi32>
        %mul3A_286 = arith.constant 8 : i32
        %mul3A_287 = arith.muli %squeeze3A_285, %mul3A_286 : i32
        %add3A_288 = vector.broadcast %mul3A_287 : i32 to vector<16xi32>
        %add3A_289 = arith.addi %add3A_288, %sub3A_67 : vector<16xi32>
        %mul3A_290 = arith.constant 4 : i32
        %mul3A_291 = arith.muli %mul3A_290, %add3A_123 : i32
        %add3A_292 = arith.constant 3 : i32
        %add3A_293 = arith.addi %mul3A_291, %add3A_292 : i32
        %get3A_294 = arith.index_cast %add3A_293 : i32 to index
        %get3A_295 = arith.constant 16 : index
        %get3A_296 = tpu.vector_load %arg7[%get3A_294, %get3A_295] {strides = array<i32>} : memref<80x128xf32, #tpu.memory_space<vmem>>, vector<16xf32>,
        tpu.vector_store_idx %arg8[%add3A_289], %get3A_296 masked %and3A_74 {add = true} : memref<81920xf32, #tpu.memory_space<vmem>>[vector<16xi32>], vector<16xf32>, vector<16xi1>
        %slice3A_297 = vector.extract_strided_slice %get3A_129 {offsets = [13], sizes = [1], strides = [1]} : vector<16xi32> to vector<1xi32>
        %squeeze3A_298 = vector.extract %slice3A_297[0] : i32 from vector<1xi32>
        %mul3A_299 = arith.constant 8 : i32
        %mul3A_300 = arith.muli %squeeze3A_298, %mul3A_299 : i32
        %add3A_301 = vector.broadcast %mul3A_300 : i32 to vector<16xi32>
        %add3A_302 = arith.addi %add3A_301, %sub3A_67 : vector<16xi32>
        %mul3A_303 = arith.constant 4 : i32
        %mul3A_304 = arith.muli %mul3A_303, %add3A_123 : i32
        %add3A_305 = arith.constant 3 : i32
        %add3A_306 = arith.addi %mul3A_304, %add3A_305 : i32
        %get3A_307 = arith.index_cast %add3A_306 : i32 to index
        %get3A_308 = arith.constant 48 : index
        %get3A_309 = tpu.vector_load %arg7[%get3A_307, %get3A_308] {strides = array<i32>} : memref<80x128xf32, #tpu.memory_space<vmem>>, vector<16xf32>,
        tpu.vector_store_idx %arg8[%add3A_302], %get3A_309 masked %and3A_74 {add = true} : memref<81920xf32, #tpu.memory_space<vmem>>[vector<16xi32>], vector<16xf32>, vector<16xi1>
        %slice3A_310 = vector.extract_strided_slice %get3A_129 {offsets = [14], sizes = [1], strides = [1]} : vector<16xi32> to vector<1xi32>
        %squeeze3A_311 = vector.extract %slice3A_310[0] : i32 from vector<1xi32>
        %mul3A_312 = arith.constant 8 : i32
        %mul3A_313 = arith.muli %squeeze3A_311, %mul3A_312 : i32
        %add3A_314 = vector.broadcast %mul3A_313 : i32 to vector<16xi32>
        %add3A_315 = arith.addi %add3A_314, %sub3A_67 : vector<16xi32>
        %mul3A_316 = arith.constant 4 : i32
        %mul3A_317 = arith.muli %mul3A_316, %add3A_123 : i32
        %add3A_318 = arith.constant 3 : i32
        %add3A_319 = arith.addi %mul3A_317, %add3A_318 : i32
        %get3A_320 = arith.index_cast %add3A_319 : i32 to index
        %get3A_321 = arith.constant 80 : index
        %get3A_322 = tpu.vector_load %arg7[%get3A_320, %get3A_321] {strides = array<i32>} : memref<80x128xf32, #tpu.memory_space<vmem>>, vector<16xf32>,
        tpu.vector_store_idx %arg8[%add3A_315], %get3A_322 masked %and3A_74 {add = true} : memref<81920xf32, #tpu.memory_space<vmem>>[vector<16xi32>], vector<16xf32>, vector<16xi1>
        %slice3A_323 = vector.extract_strided_slice %get3A_129 {offsets = [15], sizes = [1], strides = [1]} : vector<16xi32> to vector<1xi32>
        %squeeze3A_324 = vector.extract %slice3A_323[0] : i32 from vector<1xi32>
        %mul3A_325 = arith.constant 8 : i32
        %mul3A_326 = arith.muli %squeeze3A_324, %mul3A_325 : i32
        %add3A_327 = vector.broadcast %mul3A_326 : i32 to vector<16xi32>
        %add3A_328 = arith.addi %add3A_327, %sub3A_67 : vector<16xi32>
        %mul3A_329 = arith.constant 4 : i32
        %mul3A_330 = arith.muli %mul3A_329, %add3A_123 : i32
        %add3A_331 = arith.constant 3 : i32
        %add3A_332 = arith.addi %mul3A_330, %add3A_331 : i32
        %get3A_333 = arith.index_cast %add3A_332 : i32 to index
        %get3A_334 = arith.constant 112 : index
        %get3A_335 = tpu.vector_load %arg7[%get3A_333, %get3A_334] {strides = array<i32>} : memref<80x128xf32, #tpu.memory_space<vmem>>, vector<16xf32>,
        tpu.vector_store_idx %arg8[%add3A_328], %get3A_335 masked %and3A_74 {add = true} : memref<81920xf32, #tpu.memory_space<vmem>>[vector<16xi32>], vector<16xf32>, vector<16xi1>
      }
      %scan3A_118 = arith.constant 20 : i32
    }
    %scan3A_79 = arith.constant 16 : i32
    %run_scoped3A_80 = arith.constant 3 : i32
    "tpu.region"() ({
      %run_scoped3A_81 = tpu.sem_alloc : memref<!tpu.dma_semaphore, #tpu.memory_space<semaphore_mem>>
      %dma_start3A = arith.constant 0 : i32
      %dma_start3A_82 = tpu.memref_slice %arg4[%run_scoped3A_80, %add3A, %dma_start3A] : memref<4x32x81920xf32, #tpu.memory_space<hbm>> -> memref<1x1x81920xf32, #tpu.memory_space<hbm>>
      %dma_start3A_83 = tpu.memref_squeeze %dma_start3A_82 : memref<1x1x81920xf32, #tpu.memory_space<hbm>> -> memref<81920xf32, #tpu.memory_space<hbm>>
      %dma_start3A_84 = arith.constant 0 : i32
      %dma_start3A_85 = tpu.memref_slice %arg4[%run_scoped3A_80, %add3A, %dma_start3A_84] : memref<4x32x81920xf32, #tpu.memory_space<hbm>> -> memref<1x1x81920xf32, #tpu.memory_space<hbm>>
      %dma_start3A_86 = tpu.memref_squeeze %dma_start3A_85 : memref<1x1x81920xf32, #tpu.memory_space<hbm>> -> memref<81920xf32, #tpu.memory_space<hbm>>
      tpu.enqueue_dma source(%arg8 : memref<81920xf32, #tpu.memory_space<vmem>>) target(%dma_start3A_86 : memref<81920xf32, #tpu.memory_space<hbm>>) target_semaphore(%run_scoped3A_81 : memref<!tpu.dma_semaphore, #tpu.memory_space<semaphore_mem>>)
      %dma_wait3A = arith.constant 0 : i32
      %dma_wait3A_87 = tpu.memref_slice %arg4[%run_scoped3A_80, %add3A, %dma_wait3A] : memref<4x32x81920xf32, #tpu.memory_space<hbm>> -> memref<1x1x81920xf32, #tpu.memory_space<hbm>>
      %dma_wait3A_88 = tpu.memref_squeeze %dma_wait3A_87 : memref<1x1x81920xf32, #tpu.memory_space<hbm>> -> memref<81920xf32, #tpu.memory_space<hbm>>
      %dma_wait3A_89 = arith.constant 0 : i32
      %dma_wait3A_90 = tpu.memref_slice %arg4[%run_scoped3A_80, %add3A, %dma_wait3A_89] : memref<4x32x81920xf32, #tpu.memory_space<hbm>> -> memref<1x1x81920xf32, #tpu.memory_space<hbm>>
      %dma_wait3A_91 = tpu.memref_squeeze %dma_wait3A_90 : memref<1x1x81920xf32, #tpu.memory_space<hbm>> -> memref<81920xf32, #tpu.memory_space<hbm>>
      tpu.wait_dma2 semaphore(%run_scoped3A_81 : memref<!tpu.dma_semaphore, #tpu.memory_space<semaphore_mem>>) src(%arg8 : memref<81920xf32, #tpu.memory_space<vmem>>) dst(%dma_wait3A_91 : memref<81920xf32, #tpu.memory_space<hbm>>)
      tpu.yield
    }) : () -> ()
    return
  }
}

module attributes {stable_mosaic.version = 14 : i64} {
  func.func @_node_body(%arg0: i32, %arg1: memref<1024x128xf32, #tpu.memory_space<vmem>>, %arg2: memref<128x128xf32, #tpu.memory_space<vmem>>, %arg3: memref<1x128xf32, #tpu.memory_space<vmem>>, %arg4: memref<128x192xf32, #tpu.memory_space<vmem>>, %arg5: memref<1x192xf32, #tpu.memory_space<vmem>>, %arg6: memref<128x128xf32, #tpu.memory_space<vmem>>, %arg7: memref<1x128xf32, #tpu.memory_space<vmem>>, %arg8: memref<128x128xf32, #tpu.memory_space<vmem>>, %arg9: memref<1024x8xf32, #tpu.memory_space<vmem>>, %arg10: memref<1024x8xf32, #tpu.memory_space<vmem>>, %arg11: memref<1024x128xf32, #tpu.memory_space<vmem>>, %arg12: memref<1024x48xf32, #tpu.memory_space<vmem>>, %arg13: memref<1024x128xf32, #tpu.memory_space<vmem>>, %arg14: memref<1024x128xf32, #tpu.memory_space<vmem>>) attributes {dimension_semantics = [#tpu.dimension_semantics<arbitrary>], iteration_bounds = array<i64: 10>, scalar_prefetch = 0 : i64, scratch_operands = 0 : i64, tpu.core_type = #tpu.core_type<tc>, window_params = [{transform_indices = @transform_0, window_bounds = array<i64: 1024, 128>}, {pipeline_mode = #tpu.pipeline_mode<synchronous>, transform_indices = @transform_1, window_bounds = array<i64: 128, 128>}, {pipeline_mode = #tpu.pipeline_mode<synchronous>, transform_indices = @transform_2, window_bounds = array<i64: 1, 128>}, {pipeline_mode = #tpu.pipeline_mode<synchronous>, transform_indices = @transform_3, window_bounds = array<i64: 128, 192>}, {pipeline_mode = #tpu.pipeline_mode<synchronous>, transform_indices = @transform_4, window_bounds = array<i64: 1, 192>}, {pipeline_mode = #tpu.pipeline_mode<synchronous>, transform_indices = @transform_5, window_bounds = array<i64: 128, 128>}, {pipeline_mode = #tpu.pipeline_mode<synchronous>, transform_indices = @transform_6, window_bounds = array<i64: 1, 128>}, {pipeline_mode = #tpu.pipeline_mode<synchronous>, transform_indices = @transform_7, window_bounds = array<i64: 128, 128>}, {transform_indices = @transform_8, window_bounds = array<i64: 1024, 8>}, {transform_indices = @transform_9, window_bounds = array<i64: 1024, 8>}, {transform_indices = @transform_10, window_bounds = array<i64: 1024, 128>}, {transform_indices = @transform_11, window_bounds = array<i64: 1024, 48>}, {transform_indices = @transform_12, window_bounds = array<i64: 1024, 128>}, {transform_indices = @transform_13, window_bounds = array<i64: 1024, 128>}]} {
    %get3A = arith.constant 0 : index
    %get3A_0 = arith.constant 0 : index
    %get3A_1 = vector.load %arg1[%get3A, %get3A_0] : memref<1024x128xf32, #tpu.memory_space<vmem>>, vector<1024x128xf32>
    %get3A_2 = arith.constant 0 : index
    %get3A_3 = arith.constant 0 : index
    %get3A_4 = vector.load %arg2[%get3A_2, %get3A_3] : memref<128x128xf32, #tpu.memory_space<vmem>>, vector<128x128xf32>
    %dot_general3A = arith.constant dense<0.000000e+00> : vector<1024x128xf32>
    %dot_general3A_5 = tpu.matmul %get3A_1, %get3A_4, %dot_general3A {dimension_numbers = #tpu.dot_dimension_numbers<[1], [0], [0], [1], [0, 0, 1, 1], [], []>, precision = #tpu.contract_precision<fp32>, transpose_lhs_hint = false} : vector<1024x128xf32>, vector<128x128xf32>, vector<1024x128xf32> -> vector<1024x128xf32>
    %get3A_6 = arith.constant 0 : index
    %get3A_7 = arith.constant 0 : index
    %get3A_8 = vector.load %arg3[%get3A_6, %get3A_7] : memref<1x128xf32, #tpu.memory_space<vmem>>, vector<1x128xf32>
    %add3A = vector.broadcast %get3A_8 : vector<1x128xf32> to vector<1024x128xf32>
    %add3A_9 = arith.addf %dot_general3A_5, %add3A : vector<1024x128xf32>
    %neg3A = arith.constant 0.000000e+00 : f32
    %neg3A_10 = vector.broadcast %neg3A : f32 to vector<1024x128xf32>
    %neg3A_11 = arith.subf %neg3A_10, %add3A_9 : vector<1024x128xf32>
    %exp3A = math.exp %neg3A_11 : vector<1024x128xf32>
    %add3A_12 = arith.constant 1.000000e+00 : f32
    %add3A_13 = vector.broadcast %add3A_12 : f32 to vector<1024x128xf32>
    %add3A_14 = arith.addf %add3A_13, %exp3A : vector<1024x128xf32>
    %div3A = arith.divf %add3A_9, %add3A_14 : vector<1024x128xf32>
    %get3A_15 = arith.constant 0 : index
    %get3A_16 = arith.constant 0 : index
    %get3A_17 = vector.load %arg4[%get3A_15, %get3A_16] : memref<128x192xf32, #tpu.memory_space<vmem>>, vector<128x192xf32>
    %dot_general3A_18 = arith.constant dense<0.000000e+00> : vector<1024x192xf32>
    %dot_general3A_19 = tpu.matmul %div3A, %get3A_17, %dot_general3A_18 {dimension_numbers = #tpu.dot_dimension_numbers<[1], [0], [0], [1], [0, 0, 1, 1], [], []>, precision = #tpu.contract_precision<fp32>, transpose_lhs_hint = false} : vector<1024x128xf32>, vector<128x192xf32>, vector<1024x192xf32> -> vector<1024x192xf32>
    %get3A_20 = arith.constant 0 : index
    %get3A_21 = arith.constant 0 : index
    %get3A_22 = vector.load %arg5[%get3A_20, %get3A_21] : memref<1x192xf32, #tpu.memory_space<vmem>>, vector<1x192xf32>
    %add3A_23 = vector.broadcast %get3A_22 : vector<1x192xf32> to vector<1024x192xf32>
    %add3A_24 = arith.addf %dot_general3A_19, %add3A_23 : vector<1024x192xf32>
    %slice3A = vector.extract_strided_slice %add3A_24 {offsets = [0, 0], sizes = [1024, 8], strides = [1, 1]} : vector<1024x192xf32> to vector<1024x8xf32>
    %reduce_max3A = arith.constant dense<0xFF800000> : vector<1024xf32>
    %reduce_max3A_25 = vector.multi_reduction <maximumf>, %slice3A, %reduce_max3A [1] : vector<1024x8xf32> to vector<1024xf32>
    %broadcast_in_dim3A = vector.shape_cast %reduce_max3A_25 : vector<1024xf32> to vector<1024x1xf32>
    %sub3A = vector.broadcast %broadcast_in_dim3A : vector<1024x1xf32> to vector<1024x8xf32>
    %sub3A_26 = arith.subf %slice3A, %sub3A : vector<1024x8xf32>
    %exp3A_27 = math.exp %sub3A_26 : vector<1024x8xf32>
    %reduce_sum3A = arith.constant dense<0.000000e+00> : vector<1024xf32>
    %reduce_sum3A_28 = vector.multi_reduction <add>, %exp3A_27, %reduce_sum3A [1] : vector<1024x8xf32> to vector<1024xf32>
    %broadcast_in_dim3A_29 = vector.shape_cast %reduce_sum3A_28 : vector<1024xf32> to vector<1024x1xf32>
    %div3A_30 = vector.broadcast %broadcast_in_dim3A_29 : vector<1024x1xf32> to vector<1024x8xf32>
    %div3A_31 = arith.divf %exp3A_27, %div3A_30 : vector<1024x8xf32>
    %swap3A = arith.constant 0 : index
    %swap3A_32 = arith.constant 0 : index
    %swap3A_33 = vector.load %arg9[%swap3A, %swap3A_32] : memref<1024x8xf32, #tpu.memory_space<vmem>>, vector<1024x8xf32>
    tpu.vector_store %arg9[%swap3A, %swap3A_32], %div3A_31 {strides = array<i32>} : memref<1024x8xf32, #tpu.memory_space<vmem>>, vector<1024x8xf32>,
    %slice3A_34 = vector.extract_strided_slice %add3A_24 {offsets = [0, 8], sizes = [1024, 8], strides = [1, 1]} : vector<1024x192xf32> to vector<1024x8xf32>
    %max3A = arith.constant 0.000000e+00 : f32
    %max3A_35 = vector.broadcast %max3A : f32 to vector<1024x8xf32>
    %max3A_36 = arith.maximumf %slice3A_34, %max3A_35 : vector<1024x8xf32>
    %abs3A = math.absf %slice3A_34 : vector<1024x8xf32>
    %neg3A_37 = arith.constant 0.000000e+00 : f32
    %neg3A_38 = vector.broadcast %neg3A_37 : f32 to vector<1024x8xf32>
    %neg3A_39 = arith.subf %neg3A_38, %abs3A : vector<1024x8xf32>
    %exp3A_40 = math.exp %neg3A_39 : vector<1024x8xf32>
    %log1p3A = math.log1p %exp3A_40 : vector<1024x8xf32>
    %add3A_41 = arith.addf %max3A_36, %log1p3A : vector<1024x8xf32>
    %add3A_42 = arith.constant 9.99999974E-6 : f32
    %add3A_43 = vector.broadcast %add3A_42 : f32 to vector<1024x8xf32>
    %add3A_44 = arith.addf %add3A_41, %add3A_43 : vector<1024x8xf32>
    %swap3A_45 = arith.constant 0 : index
    %swap3A_46 = arith.constant 0 : index
    %swap3A_47 = vector.load %arg10[%swap3A_45, %swap3A_46] : memref<1024x8xf32, #tpu.memory_space<vmem>>, vector<1024x8xf32>
    tpu.vector_store %arg10[%swap3A_45, %swap3A_46], %add3A_44 {strides = array<i32>} : memref<1024x8xf32, #tpu.memory_space<vmem>>, vector<1024x8xf32>,
    %slice3A_48 = vector.extract_strided_slice %add3A_24 {offsets = [0, 16], sizes = [1024, 128], strides = [1, 1]} : vector<1024x192xf32> to vector<1024x128xf32>
    %reduce_max3A_49 = arith.constant dense<0xFF800000> : vector<1024xf32>
    %reduce_max3A_50 = vector.multi_reduction <maximumf>, %slice3A_48, %reduce_max3A_49 [1] : vector<1024x128xf32> to vector<1024xf32>
    %broadcast_in_dim3A_51 = vector.shape_cast %reduce_max3A_50 : vector<1024xf32> to vector<1024x1xf32>
    %sub3A_52 = vector.broadcast %broadcast_in_dim3A_51 : vector<1024x1xf32> to vector<1024x128xf32>
    %sub3A_53 = arith.subf %slice3A_48, %sub3A_52 : vector<1024x128xf32>
    %exp3A_54 = math.exp %sub3A_53 : vector<1024x128xf32>
    %iota3A = tpu.iota {dimensions = array<i32: 0>} : vector<128x8xi32>
    %iota3A_55 = tpu.iota {dimensions = array<i32: 1>} : vector<128x8xi32>
    %jit3A = arith.constant 16 : i32
    %div3A_56 = vector.broadcast %jit3A : i32 to vector<128x8xi32>
    %div3A_57 = arith.divsi %iota3A, %div3A_56 : vector<128x8xi32>
    %sign3A = arith.constant 0 : i32
    %sign3A_58 = vector.broadcast %sign3A : i32 to vector<128x8xi32>
    %sign3A_59 = arith.cmpi sgt, %iota3A, %sign3A_58 : vector<128x8xi32>
    %sign3A_60 = arith.extui %sign3A_59 : vector<128x8xi1> to vector<128x8xi32>
    %sign3A_61 = arith.constant 0 : i32
    %sign3A_62 = vector.broadcast %sign3A_61 : i32 to vector<128x8xi32>
    %sign3A_63 = arith.cmpi slt, %iota3A, %sign3A_62 : vector<128x8xi32>
    %sign3A_64 = arith.extui %sign3A_63 : vector<128x8xi1> to vector<128x8xi32>
    %sign3A_65 = arith.subi %sign3A_60, %sign3A_64 : vector<128x8xi32>
    %sign3A_66 = arith.constant 0 : i32
    %sign3A_67 = arith.cmpi sgt, %jit3A, %sign3A_66 : i32
    %sign3A_68 = arith.extui %sign3A_67 : i1 to i32
    %sign3A_69 = arith.constant 0 : i32
    %sign3A_70 = arith.cmpi slt, %jit3A, %sign3A_69 : i32
    %sign3A_71 = arith.extui %sign3A_70 : i1 to i32
    %sign3A_72 = arith.subi %sign3A_68, %sign3A_71 : i32
    %ne3A = vector.broadcast %sign3A_72 : i32 to vector<128x8xi32>
    %ne3A_73 = arith.cmpi ne, %sign3A_65, %ne3A : vector<128x8xi32>
    %rem3A = vector.broadcast %jit3A : i32 to vector<128x8xi32>
    %rem3A_74 = arith.remsi %iota3A, %rem3A : vector<128x8xi32>
    %ne3A_75 = arith.constant 0 : i32
    %ne3A_76 = vector.broadcast %ne3A_75 : i32 to vector<128x8xi32>
    %ne3A_77 = arith.cmpi ne, %rem3A_74, %ne3A_76 : vector<128x8xi32>
    %and3A = arith.andi %ne3A_73, %ne3A_77 : vector<128x8xi1>
    %sub3A_78 = arith.constant 1 : i32
    %sub3A_79 = vector.broadcast %sub3A_78 : i32 to vector<128x8xi32>
    %sub3A_80 = arith.subi %div3A_57, %sub3A_79 : vector<128x8xi32>
    %select_n3A = arith.select %and3A, %sub3A_80, %div3A_57 : vector<128x8xi1>, vector<128x8xi32>
    %eq3A = arith.cmpi eq, %select_n3A, %iota3A_55 : vector<128x8xi32>
    %convert_element_type3A = arith.extui %eq3A : vector<128x8xi1> to vector<128x8xi32>
    %convert_element_type3A_81 = arith.sitofp %convert_element_type3A : vector<128x8xi32> to vector<128x8xf32>
    %iota3A_82 = tpu.iota {dimensions = array<i32: 0>} : vector<8x128xi32>
    %iota3A_83 = tpu.iota {dimensions = array<i32: 1>} : vector<8x128xi32>
    %jit3A_84 = arith.constant 16 : i32
    %div3A_85 = vector.broadcast %jit3A_84 : i32 to vector<8x128xi32>
    %div3A_86 = arith.divsi %iota3A_83, %div3A_85 : vector<8x128xi32>
    %sign3A_87 = arith.constant 0 : i32
    %sign3A_88 = vector.broadcast %sign3A_87 : i32 to vector<8x128xi32>
    %sign3A_89 = arith.cmpi sgt, %iota3A_83, %sign3A_88 : vector<8x128xi32>
    %sign3A_90 = arith.extui %sign3A_89 : vector<8x128xi1> to vector<8x128xi32>
    %sign3A_91 = arith.constant 0 : i32
    %sign3A_92 = vector.broadcast %sign3A_91 : i32 to vector<8x128xi32>
    %sign3A_93 = arith.cmpi slt, %iota3A_83, %sign3A_92 : vector<8x128xi32>
    %sign3A_94 = arith.extui %sign3A_93 : vector<8x128xi1> to vector<8x128xi32>
    %sign3A_95 = arith.subi %sign3A_90, %sign3A_94 : vector<8x128xi32>
    %sign3A_96 = arith.constant 0 : i32
    %sign3A_97 = arith.cmpi sgt, %jit3A_84, %sign3A_96 : i32
    %sign3A_98 = arith.extui %sign3A_97 : i1 to i32
    %sign3A_99 = arith.constant 0 : i32
    %sign3A_100 = arith.cmpi slt, %jit3A_84, %sign3A_99 : i32
    %sign3A_101 = arith.extui %sign3A_100 : i1 to i32
    %sign3A_102 = arith.subi %sign3A_98, %sign3A_101 : i32
    %ne3A_103 = vector.broadcast %sign3A_102 : i32 to vector<8x128xi32>
    %ne3A_104 = arith.cmpi ne, %sign3A_95, %ne3A_103 : vector<8x128xi32>
    %rem3A_105 = vector.broadcast %jit3A_84 : i32 to vector<8x128xi32>
    %rem3A_106 = arith.remsi %iota3A_83, %rem3A_105 : vector<8x128xi32>
    %ne3A_107 = arith.constant 0 : i32
    %ne3A_108 = vector.broadcast %ne3A_107 : i32 to vector<8x128xi32>
    %ne3A_109 = arith.cmpi ne, %rem3A_106, %ne3A_108 : vector<8x128xi32>
    %and3A_110 = arith.andi %ne3A_104, %ne3A_109 : vector<8x128xi1>
    %sub3A_111 = arith.constant 1 : i32
    %sub3A_112 = vector.broadcast %sub3A_111 : i32 to vector<8x128xi32>
    %sub3A_113 = arith.subi %div3A_86, %sub3A_112 : vector<8x128xi32>
    %select_n3A_114 = arith.select %and3A_110, %sub3A_113, %div3A_86 : vector<8x128xi1>, vector<8x128xi32>
    %eq3A_115 = arith.cmpi eq, %iota3A_82, %select_n3A_114 : vector<8x128xi32>
    %convert_element_type3A_116 = arith.extui %eq3A_115 : vector<8x128xi1> to vector<8x128xi32>
    %convert_element_type3A_117 = arith.sitofp %convert_element_type3A_116 : vector<8x128xi32> to vector<8x128xf32>
    %dot_general3A_118 = arith.constant dense<0.000000e+00> : vector<1024x8xf32>
    %dot_general3A_119 = tpu.matmul %exp3A_54, %convert_element_type3A_81, %dot_general3A_118 {dimension_numbers = #tpu.dot_dimension_numbers<[1], [0], [0], [1], [0, 0, 1, 1], [], []>, precision = #tpu.contract_precision<fp32>, transpose_lhs_hint = false} : vector<1024x128xf32>, vector<128x8xf32>, vector<1024x8xf32> -> vector<1024x8xf32>
    %dot_general3A_120 = arith.constant dense<0.000000e+00> : vector<1024x128xf32>
    %dot_general3A_121 = tpu.matmul %dot_general3A_119, %convert_element_type3A_117, %dot_general3A_120 {dimension_numbers = #tpu.dot_dimension_numbers<[1], [0], [0], [1], [0, 0, 1, 1], [], []>, precision = #tpu.contract_precision<fp32>, transpose_lhs_hint = false} : vector<1024x8xf32>, vector<8x128xf32>, vector<1024x128xf32> -> vector<1024x128xf32>
    %div3A_122 = arith.divf %exp3A_54, %dot_general3A_121 : vector<1024x128xf32>
    %swap3A_123 = arith.constant 0 : index
    %swap3A_124 = arith.constant 0 : index
    %swap3A_125 = vector.load %arg11[%swap3A_123, %swap3A_124] : memref<1024x128xf32, #tpu.memory_space<vmem>>, vector<1024x128xf32>
    tpu.vector_store %arg11[%swap3A_123, %swap3A_124], %div3A_122 {strides = array<i32>} : memref<1024x128xf32, #tpu.memory_space<vmem>>, vector<1024x128xf32>,
    %slice3A_126 = vector.extract_strided_slice %add3A_24 {offsets = [0, 144], sizes = [1024, 48], strides = [1, 1]} : vector<1024x192xf32> to vector<1024x48xf32>
    %reduce_max3A_127 = arith.constant dense<0xFF800000> : vector<1024xf32>
    %reduce_max3A_128 = vector.multi_reduction <maximumf>, %slice3A_126, %reduce_max3A_127 [1] : vector<1024x48xf32> to vector<1024xf32>
    %broadcast_in_dim3A_129 = vector.shape_cast %reduce_max3A_128 : vector<1024xf32> to vector<1024x1xf32>
    %sub3A_130 = vector.broadcast %broadcast_in_dim3A_129 : vector<1024x1xf32> to vector<1024x48xf32>
    %sub3A_131 = arith.subf %slice3A_126, %sub3A_130 : vector<1024x48xf32>
    %exp3A_132 = math.exp %sub3A_131 : vector<1024x48xf32>
    %iota3A_133 = tpu.iota {dimensions = array<i32: 0>} : vector<48x8xi32>
    %iota3A_134 = tpu.iota {dimensions = array<i32: 1>} : vector<48x8xi32>
    %jit3A_135 = arith.constant 6 : i32
    %div3A_136 = vector.broadcast %jit3A_135 : i32 to vector<48x8xi32>
    %div3A_137 = arith.divsi %iota3A_133, %div3A_136 : vector<48x8xi32>
    %sign3A_138 = arith.constant 0 : i32
    %sign3A_139 = vector.broadcast %sign3A_138 : i32 to vector<48x8xi32>
    %sign3A_140 = arith.cmpi sgt, %iota3A_133, %sign3A_139 : vector<48x8xi32>
    %sign3A_141 = arith.extui %sign3A_140 : vector<48x8xi1> to vector<48x8xi32>
    %sign3A_142 = arith.constant 0 : i32
    %sign3A_143 = vector.broadcast %sign3A_142 : i32 to vector<48x8xi32>
    %sign3A_144 = arith.cmpi slt, %iota3A_133, %sign3A_143 : vector<48x8xi32>
    %sign3A_145 = arith.extui %sign3A_144 : vector<48x8xi1> to vector<48x8xi32>
    %sign3A_146 = arith.subi %sign3A_141, %sign3A_145 : vector<48x8xi32>
    %sign3A_147 = arith.constant 0 : i32
    %sign3A_148 = arith.cmpi sgt, %jit3A_135, %sign3A_147 : i32
    %sign3A_149 = arith.extui %sign3A_148 : i1 to i32
    %sign3A_150 = arith.constant 0 : i32
    %sign3A_151 = arith.cmpi slt, %jit3A_135, %sign3A_150 : i32
    %sign3A_152 = arith.extui %sign3A_151 : i1 to i32
    %sign3A_153 = arith.subi %sign3A_149, %sign3A_152 : i32
    %ne3A_154 = vector.broadcast %sign3A_153 : i32 to vector<48x8xi32>
    %ne3A_155 = arith.cmpi ne, %sign3A_146, %ne3A_154 : vector<48x8xi32>
    %rem3A_156 = vector.broadcast %jit3A_135 : i32 to vector<48x8xi32>
    %rem3A_157 = arith.remsi %iota3A_133, %rem3A_156 : vector<48x8xi32>
    %ne3A_158 = arith.constant 0 : i32
    %ne3A_159 = vector.broadcast %ne3A_158 : i32 to vector<48x8xi32>
    %ne3A_160 = arith.cmpi ne, %rem3A_157, %ne3A_159 : vector<48x8xi32>
    %and3A_161 = arith.andi %ne3A_155, %ne3A_160 : vector<48x8xi1>
    %sub3A_162 = arith.constant 1 : i32
    %sub3A_163 = vector.broadcast %sub3A_162 : i32 to vector<48x8xi32>
    %sub3A_164 = arith.subi %div3A_137, %sub3A_163 : vector<48x8xi32>
    %select_n3A_165 = arith.select %and3A_161, %sub3A_164, %div3A_137 : vector<48x8xi1>, vector<48x8xi32>
    %eq3A_166 = arith.cmpi eq, %select_n3A_165, %iota3A_134 : vector<48x8xi32>
    %convert_element_type3A_167 = arith.extui %eq3A_166 : vector<48x8xi1> to vector<48x8xi32>
    %convert_element_type3A_168 = arith.sitofp %convert_element_type3A_167 : vector<48x8xi32> to vector<48x8xf32>
    %iota3A_169 = tpu.iota {dimensions = array<i32: 0>} : vector<8x48xi32>
    %iota3A_170 = tpu.iota {dimensions = array<i32: 1>} : vector<8x48xi32>
    %jit3A_171 = arith.constant 6 : i32
    %div3A_172 = vector.broadcast %jit3A_171 : i32 to vector<8x48xi32>
    %div3A_173 = arith.divsi %iota3A_170, %div3A_172 : vector<8x48xi32>
    %sign3A_174 = arith.constant 0 : i32
    %sign3A_175 = vector.broadcast %sign3A_174 : i32 to vector<8x48xi32>
    %sign3A_176 = arith.cmpi sgt, %iota3A_170, %sign3A_175 : vector<8x48xi32>
    %sign3A_177 = arith.extui %sign3A_176 : vector<8x48xi1> to vector<8x48xi32>
    %sign3A_178 = arith.constant 0 : i32
    %sign3A_179 = vector.broadcast %sign3A_178 : i32 to vector<8x48xi32>
    %sign3A_180 = arith.cmpi slt, %iota3A_170, %sign3A_179 : vector<8x48xi32>
    %sign3A_181 = arith.extui %sign3A_180 : vector<8x48xi1> to vector<8x48xi32>
    %sign3A_182 = arith.subi %sign3A_177, %sign3A_181 : vector<8x48xi32>
    %sign3A_183 = arith.constant 0 : i32
    %sign3A_184 = arith.cmpi sgt, %jit3A_171, %sign3A_183 : i32
    %sign3A_185 = arith.extui %sign3A_184 : i1 to i32
    %sign3A_186 = arith.constant 0 : i32
    %sign3A_187 = arith.cmpi slt, %jit3A_171, %sign3A_186 : i32
    %sign3A_188 = arith.extui %sign3A_187 : i1 to i32
    %sign3A_189 = arith.subi %sign3A_185, %sign3A_188 : i32
    %ne3A_190 = vector.broadcast %sign3A_189 : i32 to vector<8x48xi32>
    %ne3A_191 = arith.cmpi ne, %sign3A_182, %ne3A_190 : vector<8x48xi32>
    %rem3A_192 = vector.broadcast %jit3A_171 : i32 to vector<8x48xi32>
    %rem3A_193 = arith.remsi %iota3A_170, %rem3A_192 : vector<8x48xi32>
    %ne3A_194 = arith.constant 0 : i32
    %ne3A_195 = vector.broadcast %ne3A_194 : i32 to vector<8x48xi32>
    %ne3A_196 = arith.cmpi ne, %rem3A_193, %ne3A_195 : vector<8x48xi32>
    %and3A_197 = arith.andi %ne3A_191, %ne3A_196 : vector<8x48xi1>
    %sub3A_198 = arith.constant 1 : i32
    %sub3A_199 = vector.broadcast %sub3A_198 : i32 to vector<8x48xi32>
    %sub3A_200 = arith.subi %div3A_173, %sub3A_199 : vector<8x48xi32>
    %select_n3A_201 = arith.select %and3A_197, %sub3A_200, %div3A_173 : vector<8x48xi1>, vector<8x48xi32>
    %eq3A_202 = arith.cmpi eq, %iota3A_169, %select_n3A_201 : vector<8x48xi32>
    %convert_element_type3A_203 = arith.extui %eq3A_202 : vector<8x48xi1> to vector<8x48xi32>
    %convert_element_type3A_204 = arith.sitofp %convert_element_type3A_203 : vector<8x48xi32> to vector<8x48xf32>
    %dot_general3A_205 = arith.constant dense<0.000000e+00> : vector<1024x8xf32>
    %dot_general3A_206 = tpu.matmul %exp3A_132, %convert_element_type3A_168, %dot_general3A_205 {dimension_numbers = #tpu.dot_dimension_numbers<[1], [0], [0], [1], [0, 0, 1, 1], [], []>, precision = #tpu.contract_precision<fp32>, transpose_lhs_hint = false} : vector<1024x48xf32>, vector<48x8xf32>, vector<1024x8xf32> -> vector<1024x8xf32>
    %dot_general3A_207 = arith.constant dense<0.000000e+00> : vector<1024x48xf32>
    %dot_general3A_208 = tpu.matmul %dot_general3A_206, %convert_element_type3A_204, %dot_general3A_207 {dimension_numbers = #tpu.dot_dimension_numbers<[1], [0], [0], [1], [0, 0, 1, 1], [], []>, precision = #tpu.contract_precision<fp32>, transpose_lhs_hint = false} : vector<1024x8xf32>, vector<8x48xf32>, vector<1024x48xf32> -> vector<1024x48xf32>
    %div3A_209 = arith.divf %exp3A_132, %dot_general3A_208 : vector<1024x48xf32>
    %swap3A_210 = arith.constant 0 : index
    %swap3A_211 = arith.constant 0 : index
    %swap3A_212 = vector.load %arg12[%swap3A_210, %swap3A_211] : memref<1024x48xf32, #tpu.memory_space<vmem>>, vector<1024x48xf32>
    tpu.vector_store %arg12[%swap3A_210, %swap3A_211], %div3A_209 {strides = array<i32>} : memref<1024x48xf32, #tpu.memory_space<vmem>>, vector<1024x48xf32>,
    %get3A_213 = arith.constant 0 : index
    %get3A_214 = arith.constant 0 : index
    %get3A_215 = vector.load %arg6[%get3A_213, %get3A_214] : memref<128x128xf32, #tpu.memory_space<vmem>>, vector<128x128xf32>
    %dot_general3A_216 = arith.constant dense<0.000000e+00> : vector<1024x128xf32>
    %dot_general3A_217 = tpu.matmul %get3A_1, %get3A_215, %dot_general3A_216 {dimension_numbers = #tpu.dot_dimension_numbers<[1], [0], [0], [1], [0, 0, 1, 1], [], []>, precision = #tpu.contract_precision<fp32>, transpose_lhs_hint = false} : vector<1024x128xf32>, vector<128x128xf32>, vector<1024x128xf32> -> vector<1024x128xf32>
    %get3A_218 = arith.constant 0 : index
    %get3A_219 = arith.constant 0 : index
    %get3A_220 = vector.load %arg7[%get3A_218, %get3A_219] : memref<1x128xf32, #tpu.memory_space<vmem>>, vector<1x128xf32>
    %add3A_221 = vector.broadcast %get3A_220 : vector<1x128xf32> to vector<1024x128xf32>
    %add3A_222 = arith.addf %dot_general3A_217, %add3A_221 : vector<1024x128xf32>
    %swap3A_223 = arith.constant 0 : index
    %swap3A_224 = arith.constant 0 : index
    %swap3A_225 = vector.load %arg13[%swap3A_223, %swap3A_224] : memref<1024x128xf32, #tpu.memory_space<vmem>>, vector<1024x128xf32>
    tpu.vector_store %arg13[%swap3A_223, %swap3A_224], %add3A_222 {strides = array<i32>} : memref<1024x128xf32, #tpu.memory_space<vmem>>, vector<1024x128xf32>,
    %get3A_226 = arith.constant 0 : index
    %get3A_227 = arith.constant 0 : index
    %get3A_228 = vector.load %arg8[%get3A_226, %get3A_227] : memref<128x128xf32, #tpu.memory_space<vmem>>, vector<128x128xf32>
    %dot_general3A_229 = arith.constant dense<0.000000e+00> : vector<1024x128xf32>
    %dot_general3A_230 = tpu.matmul %get3A_1, %get3A_228, %dot_general3A_229 {dimension_numbers = #tpu.dot_dimension_numbers<[1], [0], [0], [1], [0, 0, 1, 1], [], []>, precision = #tpu.contract_precision<fp32>, transpose_lhs_hint = false} : vector<1024x128xf32>, vector<128x128xf32>, vector<1024x128xf32> -> vector<1024x128xf32>
    %swap3A_231 = arith.constant 0 : index
    %swap3A_232 = arith.constant 0 : index
    %swap3A_233 = vector.load %arg14[%swap3A_231, %swap3A_232] : memref<1024x128xf32, #tpu.memory_space<vmem>>, vector<1024x128xf32>
    tpu.vector_store %arg14[%swap3A_231, %swap3A_232], %dot_general3A_230 {strides = array<i32>} : memref<1024x128xf32, #tpu.memory_space<vmem>>, vector<1024x128xf32>,
    return
  }
  func.func @transform_0(%arg0: i32) -> (i32, i32) {
    %c0_i32 = arith.constant 0 : i32
    %c0_i32_0 = arith.constant 0 : i32
    return %arg0, %c0_i32 : i32, i32
  }
  func.func @transform_1(%arg0: i32) -> (i32, i32) {
    %c0_i32 = arith.constant 0 : i32
    %c0_i32_0 = arith.constant 0 : i32
    %c0_i32_1 = arith.constant 0 : i32
    return %c0_i32, %c0_i32_0 : i32, i32
  }
  func.func @transform_2(%arg0: i32) -> (i32, i32) {
    %c0_i32 = arith.constant 0 : i32
    %c0_i32_0 = arith.constant 0 : i32
    %c0_i32_1 = arith.constant 0 : i32
    return %c0_i32, %c0_i32_0 : i32, i32
  }
  func.func @transform_3(%arg0: i32) -> (i32, i32) {
    %c0_i32 = arith.constant 0 : i32
    %c0_i32_0 = arith.constant 0 : i32
    %c0_i32_1 = arith.constant 0 : i32
    return %c0_i32, %c0_i32_0 : i32, i32
  }
  func.func @transform_4(%arg0: i32) -> (i32, i32) {
    %c0_i32 = arith.constant 0 : i32
    %c0_i32_0 = arith.constant 0 : i32
    %c0_i32_1 = arith.constant 0 : i32
    return %c0_i32, %c0_i32_0 : i32, i32
  }
  func.func @transform_5(%arg0: i32) -> (i32, i32) {
    %c0_i32 = arith.constant 0 : i32
    %c0_i32_0 = arith.constant 0 : i32
    %c0_i32_1 = arith.constant 0 : i32
    return %c0_i32, %c0_i32_0 : i32, i32
  }
  func.func @transform_6(%arg0: i32) -> (i32, i32) {
    %c0_i32 = arith.constant 0 : i32
    %c0_i32_0 = arith.constant 0 : i32
    %c0_i32_1 = arith.constant 0 : i32
    return %c0_i32, %c0_i32_0 : i32, i32
  }
  func.func @transform_7(%arg0: i32) -> (i32, i32) {
    %c0_i32 = arith.constant 0 : i32
    %c0_i32_0 = arith.constant 0 : i32
    %c0_i32_1 = arith.constant 0 : i32
    return %c0_i32, %c0_i32_0 : i32, i32
  }
  func.func @transform_8(%arg0: i32) -> (i32, i32) {
    %c0_i32 = arith.constant 0 : i32
    %c0_i32_0 = arith.constant 0 : i32
    return %arg0, %c0_i32 : i32, i32
  }
  func.func @transform_9(%arg0: i32) -> (i32, i32) {
    %c0_i32 = arith.constant 0 : i32
    %c0_i32_0 = arith.constant 0 : i32
    return %arg0, %c0_i32 : i32, i32
  }
  func.func @transform_10(%arg0: i32) -> (i32, i32) {
    %c0_i32 = arith.constant 0 : i32
    %c0_i32_0 = arith.constant 0 : i32
    return %arg0, %c0_i32 : i32, i32
  }
  func.func @transform_11(%arg0: i32) -> (i32, i32) {
    %c0_i32 = arith.constant 0 : i32
    %c0_i32_0 = arith.constant 0 : i32
    return %arg0, %c0_i32 : i32, i32
  }
  func.func @transform_12(%arg0: i32) -> (i32, i32) {
    %c0_i32 = arith.constant 0 : i32
    %c0_i32_0 = arith.constant 0 : i32
    return %arg0, %c0_i32 : i32, i32
  }
  func.func @transform_13(%arg0: i32) -> (i32, i32) {
    %c0_i32 = arith.constant 0 : i32
    %c0_i32_0 = arith.constant 0 : i32
    return %arg0, %c0_i32 : i32, i32
  }
}

module attributes {stable_mosaic.version = 14 : i64} {
  func.func @_emlp_body(%arg0: i32, %arg1: memref<2048x128xf32, #tpu.memory_space<vmem>>, %arg2: memref<2048x16xf32, #tpu.memory_space<vmem>>, %arg3: memref<128x8xf32, #tpu.memory_space<vmem>>, %arg4: memref<1x8xf32, #tpu.memory_space<vmem>>, %arg5: memref<2048x32xf32, #tpu.memory_space<vmem>>) attributes {dimension_semantics = [#tpu.dimension_semantics<arbitrary>], iteration_bounds = array<i64: 160>, scalar_prefetch = 0 : i64, scratch_operands = 0 : i64, tpu.core_type = #tpu.core_type<tc>, window_params = [{transform_indices = @transform_0, window_bounds = array<i64: 2048, 128>}, {transform_indices = @transform_1, window_bounds = array<i64: 2048, 16>}, {pipeline_mode = #tpu.pipeline_mode<synchronous>, transform_indices = @transform_2, window_bounds = array<i64: 128, 8>}, {pipeline_mode = #tpu.pipeline_mode<synchronous>, transform_indices = @transform_3, window_bounds = array<i64: 1, 8>}, {transform_indices = @transform_4, window_bounds = array<i64: 2048, 32>}]} {
    %get3A = arith.constant 0 : index
    %get3A_0 = arith.constant 0 : index
    %get3A_1 = vector.load %arg1[%get3A, %get3A_0] : memref<2048x128xf32, #tpu.memory_space<vmem>>, vector<2048x128xf32>
    %neg3A = arith.constant 0.000000e+00 : f32
    %neg3A_2 = vector.broadcast %neg3A : f32 to vector<2048x128xf32>
    %neg3A_3 = arith.subf %neg3A_2, %get3A_1 : vector<2048x128xf32>
    %exp3A = math.exp %neg3A_3 : vector<2048x128xf32>
    %add3A = arith.constant 1.000000e+00 : f32
    %add3A_4 = vector.broadcast %add3A : f32 to vector<2048x128xf32>
    %add3A_5 = arith.addf %add3A_4, %exp3A : vector<2048x128xf32>
    %div3A = arith.divf %get3A_1, %add3A_5 : vector<2048x128xf32>
    %get3A_6 = arith.constant 0 : index
    %get3A_7 = arith.constant 0 : index
    %get3A_8 = vector.load %arg3[%get3A_6, %get3A_7] : memref<128x8xf32, #tpu.memory_space<vmem>>, vector<128x8xf32>
    %dot_general3A = arith.constant dense<0.000000e+00> : vector<2048x8xf32>
    %dot_general3A_9 = tpu.matmul %div3A, %get3A_8, %dot_general3A {dimension_numbers = #tpu.dot_dimension_numbers<[1], [0], [0], [1], [0, 0, 1, 1], [], []>, precision = #tpu.contract_precision<fp32>, transpose_lhs_hint = false} : vector<2048x128xf32>, vector<128x8xf32>, vector<2048x8xf32> -> vector<2048x8xf32>
    %get3A_10 = arith.constant 0 : index
    %get3A_11 = arith.constant 0 : index
    %get3A_12 = vector.load %arg4[%get3A_10, %get3A_11] : memref<1x8xf32, #tpu.memory_space<vmem>>, vector<1x8xf32>
    %add3A_13 = vector.broadcast %get3A_12 : vector<1x8xf32> to vector<2048x8xf32>
    %add3A_14 = arith.addf %dot_general3A_9, %add3A_13 : vector<2048x8xf32>
    %iota3A = tpu.iota {dimensions = array<i32: 0>} : vector<8x32xi32>
    %iota3A_15 = tpu.iota {dimensions = array<i32: 1>} : vector<8x32xi32>
    %jit3A = arith.constant 4 : i32
    %div3A_16 = vector.broadcast %jit3A : i32 to vector<8x32xi32>
    %div3A_17 = arith.divsi %iota3A_15, %div3A_16 : vector<8x32xi32>
    %sign3A = arith.constant 0 : i32
    %sign3A_18 = vector.broadcast %sign3A : i32 to vector<8x32xi32>
    %sign3A_19 = arith.cmpi sgt, %iota3A_15, %sign3A_18 : vector<8x32xi32>
    %sign3A_20 = arith.extui %sign3A_19 : vector<8x32xi1> to vector<8x32xi32>
    %sign3A_21 = arith.constant 0 : i32
    %sign3A_22 = vector.broadcast %sign3A_21 : i32 to vector<8x32xi32>
    %sign3A_23 = arith.cmpi slt, %iota3A_15, %sign3A_22 : vector<8x32xi32>
    %sign3A_24 = arith.extui %sign3A_23 : vector<8x32xi1> to vector<8x32xi32>
    %sign3A_25 = arith.subi %sign3A_20, %sign3A_24 : vector<8x32xi32>
    %sign3A_26 = arith.constant 0 : i32
    %sign3A_27 = arith.cmpi sgt, %jit3A, %sign3A_26 : i32
    %sign3A_28 = arith.extui %sign3A_27 : i1 to i32
    %sign3A_29 = arith.constant 0 : i32
    %sign3A_30 = arith.cmpi slt, %jit3A, %sign3A_29 : i32
    %sign3A_31 = arith.extui %sign3A_30 : i1 to i32
    %sign3A_32 = arith.subi %sign3A_28, %sign3A_31 : i32
    %ne3A = vector.broadcast %sign3A_32 : i32 to vector<8x32xi32>
    %ne3A_33 = arith.cmpi ne, %sign3A_25, %ne3A : vector<8x32xi32>
    %rem3A = vector.broadcast %jit3A : i32 to vector<8x32xi32>
    %rem3A_34 = arith.remsi %iota3A_15, %rem3A : vector<8x32xi32>
    %ne3A_35 = arith.constant 0 : i32
    %ne3A_36 = vector.broadcast %ne3A_35 : i32 to vector<8x32xi32>
    %ne3A_37 = arith.cmpi ne, %rem3A_34, %ne3A_36 : vector<8x32xi32>
    %and3A = arith.andi %ne3A_33, %ne3A_37 : vector<8x32xi1>
    %sub3A = arith.constant 1 : i32
    %sub3A_38 = vector.broadcast %sub3A : i32 to vector<8x32xi32>
    %sub3A_39 = arith.subi %div3A_17, %sub3A_38 : vector<8x32xi32>
    %select_n3A = arith.select %and3A, %sub3A_39, %div3A_17 : vector<8x32xi1>, vector<8x32xi32>
    %eq3A = arith.cmpi eq, %select_n3A, %iota3A : vector<8x32xi32>
    %convert_element_type3A = arith.extui %eq3A : vector<8x32xi1> to vector<8x32xi32>
    %convert_element_type3A_40 = arith.sitofp %convert_element_type3A : vector<8x32xi32> to vector<8x32xf32>
    %iota3A_41 = tpu.iota {dimensions = array<i32: 0>} : vector<16x32xi32>
    %iota3A_42 = tpu.iota {dimensions = array<i32: 1>} : vector<16x32xi32>
    %jit3A_43 = arith.constant 4 : i32
    %eq3A_44 = arith.constant 0 : i32
    %eq3A_45 = arith.cmpi eq, %jit3A_43, %eq3A_44 : i32
    %jit3A_46 = arith.constant 1 : i32
    %select_n3A_47 = arith.select %eq3A_45, %jit3A_46, %jit3A_43 : i32
    %rem3A_48 = vector.broadcast %select_n3A_47 : i32 to vector<16x32xi32>
    %rem3A_49 = arith.remsi %iota3A_42, %rem3A_48 : vector<16x32xi32>
    %ne3A_50 = arith.constant 0 : i32
    %ne3A_51 = vector.broadcast %ne3A_50 : i32 to vector<16x32xi32>
    %ne3A_52 = arith.cmpi ne, %rem3A_49, %ne3A_51 : vector<16x32xi32>
    %lt3A = arith.constant 0 : i32
    %lt3A_53 = vector.broadcast %lt3A : i32 to vector<16x32xi32>
    %lt3A_54 = arith.cmpi slt, %rem3A_49, %lt3A_53 : vector<16x32xi32>
    %lt3A_55 = arith.constant 0 : i32
    %lt3A_56 = arith.cmpi slt, %select_n3A_47, %lt3A_55 : i32
    %ne3A_57 = vector.broadcast %lt3A_56 : i1 to vector<16x32xi1>
    %ne3A_58 = vector.broadcast %ne3A_57 : vector<16x32xi1> to vector<16x32xi1>
    %ne3A_59 = arith.xori %lt3A_54, %ne3A_58 : vector<16x32xi1>
    %and3A_60 = arith.andi %ne3A_59, %ne3A_52 : vector<16x32xi1>
    %add3A_61 = vector.broadcast %select_n3A_47 : i32 to vector<16x32xi32>
    %add3A_62 = arith.addi %rem3A_49, %add3A_61 : vector<16x32xi32>
    %select_n3A_63 = arith.select %and3A_60, %add3A_62, %rem3A_49 : vector<16x32xi1>, vector<16x32xi32>
    %eq3A_64 = arith.cmpi eq, %select_n3A_63, %iota3A_41 : vector<16x32xi32>
    %convert_element_type3A_65 = arith.extui %eq3A_64 : vector<16x32xi1> to vector<16x32xi32>
    %convert_element_type3A_66 = arith.sitofp %convert_element_type3A_65 : vector<16x32xi32> to vector<16x32xf32>
    %dot_general3A_67 = arith.constant dense<0.000000e+00> : vector<2048x32xf32>
    %dot_general3A_68 = tpu.matmul %add3A_14, %convert_element_type3A_40, %dot_general3A_67 {dimension_numbers = #tpu.dot_dimension_numbers<[1], [0], [0], [1], [0, 0, 1, 1], [], []>, precision = #tpu.contract_precision<fp32>, transpose_lhs_hint = false} : vector<2048x8xf32>, vector<8x32xf32>, vector<2048x32xf32> -> vector<2048x32xf32>
    %get3A_69 = arith.constant 0 : index
    %get3A_70 = arith.constant 0 : index
    %get3A_71 = vector.load %arg2[%get3A_69, %get3A_70] : memref<2048x16xf32, #tpu.memory_space<vmem>>, vector<2048x16xf32>
    %dot_general3A_72 = arith.constant dense<0.000000e+00> : vector<2048x32xf32>
    %dot_general3A_73 = tpu.matmul %get3A_71, %convert_element_type3A_66, %dot_general3A_72 {dimension_numbers = #tpu.dot_dimension_numbers<[1], [0], [0], [1], [0, 0, 1, 1], [], []>, precision = #tpu.contract_precision<fp32>, transpose_lhs_hint = false} : vector<2048x16xf32>, vector<16x32xf32>, vector<2048x32xf32> -> vector<2048x32xf32>
    %mul3A = arith.mulf %dot_general3A_68, %dot_general3A_73 : vector<2048x32xf32>
    %swap3A = arith.constant 0 : index
    %swap3A_74 = arith.constant 0 : index
    %swap3A_75 = vector.load %arg5[%swap3A, %swap3A_74] : memref<2048x32xf32, #tpu.memory_space<vmem>>, vector<2048x32xf32>
    tpu.vector_store %arg5[%swap3A, %swap3A_74], %mul3A {strides = array<i32>} : memref<2048x32xf32, #tpu.memory_space<vmem>>, vector<2048x32xf32>,
    return
  }
  func.func @transform_0(%arg0: i32) -> (i32, i32) {
    %c0_i32 = arith.constant 0 : i32
    %c0_i32_0 = arith.constant 0 : i32
    return %arg0, %c0_i32 : i32, i32
  }
  func.func @transform_1(%arg0: i32) -> (i32, i32) {
    %c0_i32 = arith.constant 0 : i32
    %c0_i32_0 = arith.constant 0 : i32
    return %arg0, %c0_i32 : i32, i32
  }
  func.func @transform_2(%arg0: i32) -> (i32, i32) {
    %c0_i32 = arith.constant 0 : i32
    %c0_i32_0 = arith.constant 0 : i32
    %c0_i32_1 = arith.constant 0 : i32
    return %c0_i32, %c0_i32_0 : i32, i32
  }
  func.func @transform_3(%arg0: i32) -> (i32, i32) {
    %c0_i32 = arith.constant 0 : i32
    %c0_i32_0 = arith.constant 0 : i32
    %c0_i32_1 = arith.constant 0 : i32
    return %c0_i32, %c0_i32_0 : i32, i32
  }
  func.func @transform_4(%arg0: i32) -> (i32, i32) {
    %c0_i32 = arith.constant 0 : i32
    %c0_i32_0 = arith.constant 0 : i32
    return %arg0, %c0_i32 : i32, i32
  }
}

module attributes {stable_mosaic.version = 14 : i64} {
  func.func @_musum_body(%arg0: i32, %arg1: memref<4x32x64x128xf32, #tpu.memory_space<vmem>>, %arg2: memref<4x64x128xf32, #tpu.memory_space<vmem>>) attributes {dimension_semantics = [#tpu.dimension_semantics<arbitrary>], iteration_bounds = array<i64: 10>, scalar_prefetch = 0 : i64, scratch_operands = 0 : i64, tpu.core_type = #tpu.core_type<tc>, window_params = [{transform_indices = @transform_0, window_bounds = array<i64: 4, 32, 64, 128>}, {transform_indices = @transform_1, window_bounds = array<i64: 4, 64, 128>}]} {
    %get3A = arith.constant 0 : index
    %get3A_0 = arith.constant 0 : index
    %get3A_1 = arith.constant 0 : index
    %get3A_2 = arith.constant 0 : index
    %get3A_3 = vector.load %arg1[%get3A, %get3A_0, %get3A_1, %get3A_2] : memref<4x32x64x128xf32, #tpu.memory_space<vmem>>, vector<4x32x64x128xf32>
    %reduce_sum3A = arith.constant dense<0.000000e+00> : vector<4x64x128xf32>
    %reduce_sum3A_4 = vector.multi_reduction <add>, %get3A_3, %reduce_sum3A [1] : vector<4x32x64x128xf32> to vector<4x64x128xf32>
    %swap3A = arith.constant 0 : index
    %swap3A_5 = arith.constant 0 : index
    %swap3A_6 = arith.constant 0 : index
    %swap3A_7 = vector.load %arg2[%swap3A, %swap3A_5, %swap3A_6] : memref<4x64x128xf32, #tpu.memory_space<vmem>>, vector<4x64x128xf32>
    tpu.vector_store %arg2[%swap3A, %swap3A_5, %swap3A_6], %reduce_sum3A_4 {strides = array<i32>} : memref<4x64x128xf32, #tpu.memory_space<vmem>>, vector<4x64x128xf32>,
    return
  }
  func.func @transform_0(%arg0: i32) -> (i32, i32, i32, i32) {
    %c0_i32 = arith.constant 0 : i32
    %c0_i32_0 = arith.constant 0 : i32
    %c0_i32_1 = arith.constant 0 : i32
    %c0_i32_2 = arith.constant 0 : i32
    return %c0_i32, %c0_i32_0, %arg0, %c0_i32_1 : i32, i32, i32, i32
  }
  func.func @transform_1(%arg0: i32) -> (i32, i32, i32) {
    %c0_i32 = arith.constant 0 : i32
    %c0_i32_0 = arith.constant 0 : i32
    %c0_i32_1 = arith.constant 0 : i32
    return %c0_i32, %arg0, %c0_i32_0 : i32, i32, i32
  }
}

module attributes {stable_mosaic.version = 14 : i64} {
  func.func @_mu_body(%arg0: i32, %arg1: memref<1024x32xf32, #tpu.memory_space<vmem>>, %arg2: memref<1024x16xf32, #tpu.memory_space<vmem>>, %arg3: memref<1024x24xf32, #tpu.memory_space<vmem>>) attributes {dimension_semantics = [#tpu.dimension_semantics<arbitrary>], iteration_bounds = array<i64: 10>, scalar_prefetch = 0 : i64, scratch_operands = 0 : i64, tpu.core_type = #tpu.core_type<tc>, window_params = [{transform_indices = @transform_0, window_bounds = array<i64: 1024, 32>}, {transform_indices = @transform_1, window_bounds = array<i64: 1024, 16>}, {transform_indices = @transform_2, window_bounds = array<i64: 1024, 24>}]} {
    %get3A = arith.constant 0 : index
    %get3A_0 = arith.constant 0 : index
    %get3A_1 = vector.load %arg1[%get3A, %get3A_0] : memref<1024x32xf32, #tpu.memory_space<vmem>>, vector<1024x32xf32>
    %iota3A = tpu.iota {dimensions = array<i32: 0>} : vector<32x24xi32>
    %iota3A_2 = tpu.iota {dimensions = array<i32: 1>} : vector<32x24xi32>
    %jit3A = arith.constant 4 : i32
    %div3A = vector.broadcast %jit3A : i32 to vector<32x24xi32>
    %div3A_3 = arith.divsi %iota3A, %div3A : vector<32x24xi32>
    %sign3A = arith.constant 0 : i32
    %sign3A_4 = vector.broadcast %sign3A : i32 to vector<32x24xi32>
    %sign3A_5 = arith.cmpi sgt, %iota3A, %sign3A_4 : vector<32x24xi32>
    %sign3A_6 = arith.extui %sign3A_5 : vector<32x24xi1> to vector<32x24xi32>
    %sign3A_7 = arith.constant 0 : i32
    %sign3A_8 = vector.broadcast %sign3A_7 : i32 to vector<32x24xi32>
    %sign3A_9 = arith.cmpi slt, %iota3A, %sign3A_8 : vector<32x24xi32>
    %sign3A_10 = arith.extui %sign3A_9 : vector<32x24xi1> to vector<32x24xi32>
    %sign3A_11 = arith.subi %sign3A_6, %sign3A_10 : vector<32x24xi32>
    %sign3A_12 = arith.constant 0 : i32
    %sign3A_13 = arith.cmpi sgt, %jit3A, %sign3A_12 : i32
    %sign3A_14 = arith.extui %sign3A_13 : i1 to i32
    %sign3A_15 = arith.constant 0 : i32
    %sign3A_16 = arith.cmpi slt, %jit3A, %sign3A_15 : i32
    %sign3A_17 = arith.extui %sign3A_16 : i1 to i32
    %sign3A_18 = arith.subi %sign3A_14, %sign3A_17 : i32
    %ne3A = vector.broadcast %sign3A_18 : i32 to vector<32x24xi32>
    %ne3A_19 = arith.cmpi ne, %sign3A_11, %ne3A : vector<32x24xi32>
    %rem3A = vector.broadcast %jit3A : i32 to vector<32x24xi32>
    %rem3A_20 = arith.remsi %iota3A, %rem3A : vector<32x24xi32>
    %ne3A_21 = arith.constant 0 : i32
    %ne3A_22 = vector.broadcast %ne3A_21 : i32 to vector<32x24xi32>
    %ne3A_23 = arith.cmpi ne, %rem3A_20, %ne3A_22 : vector<32x24xi32>
    %and3A = arith.andi %ne3A_19, %ne3A_23 : vector<32x24xi1>
    %sub3A = arith.constant 1 : i32
    %sub3A_24 = vector.broadcast %sub3A : i32 to vector<32x24xi32>
    %sub3A_25 = arith.subi %div3A_3, %sub3A_24 : vector<32x24xi32>
    %select_n3A = arith.select %and3A, %sub3A_25, %div3A_3 : vector<32x24xi1>, vector<32x24xi32>
    %mul3A = arith.constant 3 : i32
    %mul3A_26 = vector.broadcast %mul3A : i32 to vector<32x24xi32>
    %mul3A_27 = arith.muli %mul3A_26, %select_n3A : vector<32x24xi32>
    %jit3A_28 = arith.constant 4 : i32
    %eq3A = arith.constant 0 : i32
    %eq3A_29 = arith.cmpi eq, %jit3A_28, %eq3A : i32
    %jit3A_30 = arith.constant 1 : i32
    %select_n3A_31 = arith.select %eq3A_29, %jit3A_30, %jit3A_28 : i32
    %rem3A_32 = vector.broadcast %select_n3A_31 : i32 to vector<32x24xi32>
    %rem3A_33 = arith.remsi %iota3A, %rem3A_32 : vector<32x24xi32>
    %ne3A_34 = arith.constant 0 : i32
    %ne3A_35 = vector.broadcast %ne3A_34 : i32 to vector<32x24xi32>
    %ne3A_36 = arith.cmpi ne, %rem3A_33, %ne3A_35 : vector<32x24xi32>
    %lt3A = arith.constant 0 : i32
    %lt3A_37 = vector.broadcast %lt3A : i32 to vector<32x24xi32>
    %lt3A_38 = arith.cmpi slt, %rem3A_33, %lt3A_37 : vector<32x24xi32>
    %lt3A_39 = arith.constant 0 : i32
    %lt3A_40 = arith.cmpi slt, %select_n3A_31, %lt3A_39 : i32
    %ne3A_41 = vector.broadcast %lt3A_40 : i1 to vector<32x24xi1>
    %ne3A_42 = vector.broadcast %ne3A_41 : vector<32x24xi1> to vector<32x24xi1>
    %ne3A_43 = arith.xori %lt3A_38, %ne3A_42 : vector<32x24xi1>
    %and3A_44 = arith.andi %ne3A_43, %ne3A_36 : vector<32x24xi1>
    %add3A = vector.broadcast %select_n3A_31 : i32 to vector<32x24xi32>
    %add3A_45 = arith.addi %rem3A_33, %add3A : vector<32x24xi32>
    %select_n3A_46 = arith.select %and3A_44, %add3A_45, %rem3A_33 : vector<32x24xi1>, vector<32x24xi32>
    %add3A_47 = arith.addi %mul3A_27, %select_n3A_46 : vector<32x24xi32>
    %eq3A_48 = arith.cmpi eq, %iota3A_2, %add3A_47 : vector<32x24xi32>
    %jit3A_49 = arith.constant 4 : i32
    %eq3A_50 = arith.constant 0 : i32
    %eq3A_51 = arith.cmpi eq, %jit3A_49, %eq3A_50 : i32
    %jit3A_52 = arith.constant 1 : i32
    %select_n3A_53 = arith.select %eq3A_51, %jit3A_52, %jit3A_49 : i32
    %rem3A_54 = vector.broadcast %select_n3A_53 : i32 to vector<32x24xi32>
    %rem3A_55 = arith.remsi %iota3A, %rem3A_54 : vector<32x24xi32>
    %ne3A_56 = arith.constant 0 : i32
    %ne3A_57 = vector.broadcast %ne3A_56 : i32 to vector<32x24xi32>
    %ne3A_58 = arith.cmpi ne, %rem3A_55, %ne3A_57 : vector<32x24xi32>
    %lt3A_59 = arith.constant 0 : i32
    %lt3A_60 = vector.broadcast %lt3A_59 : i32 to vector<32x24xi32>
    %lt3A_61 = arith.cmpi slt, %rem3A_55, %lt3A_60 : vector<32x24xi32>
    %lt3A_62 = arith.constant 0 : i32
    %lt3A_63 = arith.cmpi slt, %select_n3A_53, %lt3A_62 : i32
    %ne3A_64 = vector.broadcast %lt3A_63 : i1 to vector<32x24xi1>
    %ne3A_65 = vector.broadcast %ne3A_64 : vector<32x24xi1> to vector<32x24xi1>
    %ne3A_66 = arith.xori %lt3A_61, %ne3A_65 : vector<32x24xi1>
    %and3A_67 = arith.andi %ne3A_66, %ne3A_58 : vector<32x24xi1>
    %add3A_68 = vector.broadcast %select_n3A_53 : i32 to vector<32x24xi32>
    %add3A_69 = arith.addi %rem3A_55, %add3A_68 : vector<32x24xi32>
    %select_n3A_70 = arith.select %and3A_67, %add3A_69, %rem3A_55 : vector<32x24xi1>, vector<32x24xi32>
    %lt3A_71 = arith.constant 3 : i32
    %lt3A_72 = vector.broadcast %lt3A_71 : i32 to vector<32x24xi32>
    %lt3A_73 = arith.cmpi slt, %select_n3A_70, %lt3A_72 : vector<32x24xi32>
    %and3A_74 = arith.andi %eq3A_48, %lt3A_73 : vector<32x24xi1>
    %convert_element_type3A = arith.extui %and3A_74 : vector<32x24xi1> to vector<32x24xi32>
    %convert_element_type3A_75 = arith.sitofp %convert_element_type3A : vector<32x24xi32> to vector<32x24xf32>
    %iota3A_76 = tpu.iota {dimensions = array<i32: 0>} : vector<16x24xi32>
    %iota3A_77 = tpu.iota {dimensions = array<i32: 1>} : vector<16x24xi32>
    %jit3A_78 = arith.constant 3 : i32
    %eq3A_79 = arith.constant 0 : i32
    %eq3A_80 = arith.cmpi eq, %jit3A_78, %eq3A_79 : i32
    %jit3A_81 = arith.constant 1 : i32
    %select_n3A_82 = arith.select %eq3A_80, %jit3A_81, %jit3A_78 : i32
    %rem3A_83 = vector.broadcast %select_n3A_82 : i32 to vector<16x24xi32>
    %rem3A_84 = arith.remsi %iota3A_77, %rem3A_83 : vector<16x24xi32>
    %ne3A_85 = arith.constant 0 : i32
    %ne3A_86 = vector.broadcast %ne3A_85 : i32 to vector<16x24xi32>
    %ne3A_87 = arith.cmpi ne, %rem3A_84, %ne3A_86 : vector<16x24xi32>
    %lt3A_88 = arith.constant 0 : i32
    %lt3A_89 = vector.broadcast %lt3A_88 : i32 to vector<16x24xi32>
    %lt3A_90 = arith.cmpi slt, %rem3A_84, %lt3A_89 : vector<16x24xi32>
    %lt3A_91 = arith.constant 0 : i32
    %lt3A_92 = arith.cmpi slt, %select_n3A_82, %lt3A_91 : i32
    %ne3A_93 = vector.broadcast %lt3A_92 : i1 to vector<16x24xi1>
    %ne3A_94 = vector.broadcast %ne3A_93 : vector<16x24xi1> to vector<16x24xi1>
    %ne3A_95 = arith.xori %lt3A_90, %ne3A_94 : vector<16x24xi1>
    %and3A_96 = arith.andi %ne3A_95, %ne3A_87 : vector<16x24xi1>
    %add3A_97 = vector.broadcast %select_n3A_82 : i32 to vector<16x24xi32>
    %add3A_98 = arith.addi %rem3A_84, %add3A_97 : vector<16x24xi32>
    %select_n3A_99 = arith.select %and3A_96, %add3A_98, %rem3A_84 : vector<16x24xi1>, vector<16x24xi32>
    %eq3A_100 = arith.cmpi eq, %select_n3A_99, %iota3A_76 : vector<16x24xi32>
    %convert_element_type3A_101 = arith.extui %eq3A_100 : vector<16x24xi1> to vector<16x24xi32>
    %convert_element_type3A_102 = arith.sitofp %convert_element_type3A_101 : vector<16x24xi32> to vector<16x24xf32>
    %dot_general3A = arith.constant dense<0.000000e+00> : vector<1024x24xf32>
    %dot_general3A_103 = tpu.matmul %get3A_1, %convert_element_type3A_75, %dot_general3A {dimension_numbers = #tpu.dot_dimension_numbers<[1], [0], [0], [1], [0, 0, 1, 1], [], []>, precision = #tpu.contract_precision<fp32>, transpose_lhs_hint = false} : vector<1024x32xf32>, vector<32x24xf32>, vector<1024x24xf32> -> vector<1024x24xf32>
    %get3A_104 = arith.constant 0 : index
    %get3A_105 = arith.constant 0 : index
    %get3A_106 = vector.load %arg2[%get3A_104, %get3A_105] : memref<1024x16xf32, #tpu.memory_space<vmem>>, vector<1024x16xf32>
    %dot_general3A_107 = arith.constant dense<0.000000e+00> : vector<1024x24xf32>
    %dot_general3A_108 = tpu.matmul %get3A_106, %convert_element_type3A_102, %dot_general3A_107 {dimension_numbers = #tpu.dot_dimension_numbers<[1], [0], [0], [1], [0, 0, 1, 1], [], []>, precision = #tpu.contract_precision<fp32>, transpose_lhs_hint = false} : vector<1024x16xf32>, vector<16x24xf32>, vector<1024x24xf32> -> vector<1024x24xf32>
    %add3A_109 = arith.addf %dot_general3A_103, %dot_general3A_108 : vector<1024x24xf32>
    %swap3A = arith.constant 0 : index
    %swap3A_110 = arith.constant 0 : index
    %swap3A_111 = vector.load %arg3[%swap3A, %swap3A_110] : memref<1024x24xf32, #tpu.memory_space<vmem>>, vector<1024x24xf32>
    tpu.vector_store %arg3[%swap3A, %swap3A_110], %add3A_109 {strides = array<i32>} : memref<1024x24xf32, #tpu.memory_space<vmem>>, vector<1024x24xf32>,
    return
  }
  func.func @transform_0(%arg0: i32) -> (i32, i32) {
    %c0_i32 = arith.constant 0 : i32
    %c0_i32_0 = arith.constant 0 : i32
    return %arg0, %c0_i32 : i32, i32
  }
  func.func @transform_1(%arg0: i32) -> (i32, i32) {
    %c0_i32 = arith.constant 0 : i32
    %c0_i32_0 = arith.constant 0 : i32
    return %arg0, %c0_i32 : i32, i32
  }
  func.func @transform_2(%arg0: i32) -> (i32, i32) {
    %c0_i32 = arith.constant 0 : i32
    %c0_i32_0 = arith.constant 0 : i32
    return %arg0, %c0_i32 : i32, i32
  }
}

</mosaic_0001>

<sc_bundles>
// kernel: kernel.11.cloned.1.call-start
scs
__scs_entry_jumppad:
0x0: {  	(pc) =	sbr.rel $0x88, $3  }
0x1: {  	(tag) =	ssettag $0x0;
	lr =	simm.s32 $0x1  }
0x2: {  	[smem:$0x3F96] =	sst lr;
	_ =	strace $0xD0000000  }
0x3: {  	_ = 	snop  }
0x4: {  	_ = 	snop  }
0x5: {  	_ = 	snop  }
0x6: {  	_ = 	snop  }
0x7: {  	_ = 	snop  }
__scs_overlays_trampoline_lowered:
0x8: {  	[smem:$0x3FA5] =	sst s0  }
0x9: {  	[smem:$0x3FA6] =	sst s1  }
0xa: {  	[smem:$0x3FA7] =	sst s2  }
0xb: {  	[smem:$0x3FA8] =	sst s3  }
0xc: {  	[smem:$0x3FA9] =	sst s4  }
0xd: {  	[smem:$0x3FAA] =	sst s5  }
0xe: {  	[smem:$0x3FAB] =	sst s6  }
0xf: {  	[smem:$0x3FAC] =	sst s7  }
0x10: {  	[smem:$0x3FAD] =	sst s8  }
0x11: {  	[smem:$0x3FAE] =	sst s9;
	s0 =	simm.s32 @!p0 $0x0  }
0x12: {  	s1 =	sld [smem:$0x3F94];
	s0 =	simm.s32 @p0 $0x1  }
0x13: {  	[smem:$0x3FAF] =	sst s0;
	s0 =	simm.s32 @!p1 $0x0  }
0x14: {  	s2 =	sld [smem:$0x3F93];
	s0 =	simm.s32 @p1 $0x1  }
0x15: {  	[smem:$0x3FB0] =	sst s0;
	s0 =	simm.s32 @!p2 $0x0  }
0x16: {  	s3 =	sld [smem:$0x3FDB];
	s0 =	simm.s32 @p2 $0x1  }
0x17: {  	s4 =	simm.s32 $0x1BF5;
	[smem:$0x3FB2] =	sst s0  }
0x18: {  	s0 =	sld [smem:$0x3F95];
	_ =	swait.ge [sflag:s4], $0x0  }
0x19: {  	s7 =	sld [smem:$0x3F96]  }
0x1a: {  	s8 =	sadd.s32 $0xFFFFE003, lr  }
0x1b: {  	s9 =	sadd.s32 $0xFFFFFEF7, lr;
	s5 =	simm.s32 $0xFFFFFFFF;
	p2 =	slt.u32 s8, $0xFFFFF086  }
0x1c: {  	p1 =	slt.u32 s9, $0xF7A;
	s5 =	simm.s32 @!p2 $0x0  }
0x1d: {  	s5 =	simm.s32 @p1 $0x1;
	p0 =	seq.s32 s7, s2  }
0x1e: {  	s7 =	smul.u32 @!p0 $0xF7A, s2;
	p2 =	seq.s32 @!p0 s5, $0x0  }
0x1f: {  	s9 =	smul.u32 $0xF7A, s1;
	s8 =	simm.s32 @!p0 $0x1BF5;
	p2 =	por !p2, p0  }
0x20: {  	[sflag:s8] =	ssyncset.s32 @!p0 $0xFFFFF086;
	s6 =	sadd.s32 @!p0 s3, s7;
	s7 =	simm.s32 @!p0 $0x108  }
0x21: {  	s3 =	sadd.s32 s3, s9;
	s6 =	sadd.s32 @!p0 $0x88, s6;
	s7 =	simm.s32 @p2 $0x1082  }
0x22: {  	[simem:s7], [sflag:s8] =	dma.local @!p0 [hbm:s6], $0xF7A  }
0x23: {  	s9 =	sor.u32 $0xD0000000, s2;
	s6 =	simm.s32 $0x108;
	_ =	swait.ge @!p0 [sflag:s8], $0x0  }
0x24: {  	s3 =	sadd.s32 $0x88, s3;
	s6 =	simm.s32 @!p1 $0x1082;
	[sflag:s4] =	ssyncset.s32 $0xFFFFF086  }
0x25: {  	[simem:s6], [sflag:s4] =	dma.local [hbm:s3], $0xF7A  }
0x26: {  	[smem:$0x3F96] =	sst s1;
	(tag) =	ssettag s2;
	_ =	strace s9  }
0x27: {  	s1 =	sld [smem:$0x3FA6]  }
0x28: {  	s2 =	sld [smem:$0x3FA7]  }
0x29: {  	s4 =	sld [smem:$0x3FA9]  }
0x2a: {  	p0 =	seq.s32 s5, $0x0;
	s5 =	sld [smem:$0x3FAA]  }
0x2b: {  	s6 =	sld [smem:$0x3FAB]  }
0x2c: {  	s7 =	sld [smem:$0x3FAC]  }
0x2d: {  	s3 =	simm.s32 $0x108;
	s8 =	sld [smem:$0x3FAD]  }
0x2e: {  	s3 =	simm.s32 @!p0 $0x1082;
	s9 =	sld [smem:$0x3FAE]  }
0x2f: {  	lr =	sadd.s32 s0, s3;
	s0 =	sld [smem:$0x3FA5]  }
0x30: {  	s3 =	sld [smem:$0x3FA8]  }
0x31: {  	[smem:$0x3FB1] =	sst s10  }
0x32: {  	s10 =	sld [smem:$0x3FAF];
	_ =	sdelay $0x3  }
0x33: {  	p0 =	seq.s32 s10, $0x1;
	s10 =	sld [smem:$0x3FB1];
	_ =	sdelay $0x3  }
0x34: {  	[smem:$0x3FB1] =	sst s10  }
0x35: {  	s10 =	sld [smem:$0x3FB0];
	_ =	sdelay $0x3  }
0x36: {  	p1 =	seq.s32 s10, $0x1;
	s10 =	sld [smem:$0x3FB1];
	_ =	sdelay $0x3  }
0x37: {  	[smem:$0x3FB1] =	sst s10  }
0x38: {  	s10 =	sld [smem:$0x3FB2]  }
0x39: {  	_ = 	snop;
	(pc) =	sbr.ind lr, $3  }
0x3a: {  	_ = 	snop  }
0x3b: {  	_ = 	snop  }
0x3c: {  	p2 =	seq.s32 s10, $0x1;
	s10 =	sld [smem:$0x3FB1]  }
0x3d: {  	_ =	shalt  }
0x3e: {  	_ =	shalt  }
0x3f: {  	_ =	shalt  }
0x40: {  	_ =	shalt  }
0x41: {  	_ =	shalt  }
0x42: {  	_ =	shalt  }
0x43: {  	_ =	shalt  }
0x44: {  	_ =	shalt  }
0x45: {  	_ =	shalt  }
0x46: {  	_ =	shalt  }
0x47: {  	_ =	shalt  }
0x48: {  	_ =	shalt  }
0x49: {  	_ =	shalt  }
0x4a: {  	_ =	shalt  }
0x4b: {  	_ =	shalt  }
0x4c: {  	_ =	shalt  }
0x4d: {  	_ =	shalt  }
0x4e: {  	_ =	shalt  }
0x4f: {  	_ =	shalt  }
0x50: {  	_ =	shalt  }
0x51: {  	_ =	shalt  }
0x52: {  	_ =	shalt  }
0x53: {  	_ =	shalt  }
0x54: {  	_ =	shalt  }
0x55: {  	_ =	shalt  }
0x56: {  	_ =	shalt  }
0x57: {  	_ =	shalt  }
0x58: {  	_ =	shalt  }
0x59: {  	_ =	shalt  }
0x5a: {  	_ =	shalt  }
0x5b: {  	_ =	shalt  }
0x5c: {  	_ =	shalt  }
0x5d: {  	_ =	shalt  }
0x5e: {  	_ =	shalt  }
0x5f: {  	_ =	shalt  }
0x60: {  	_ =	shalt  }
0x61: {  	_ =	shalt  }
0x62: {  	_ =	shalt  }
0x63: {  	_ =	shalt  }
0x64: {  	_ =	shalt  }
0x65: {  	_ =	shalt  }
0x66: {  	_ =	shalt  }
0x67: {  	_ =	shalt  }
0x68: {  	_ =	shalt  }
0x69: {  	_ =	shalt  }
0x6a: {  	_ =	shalt  }
0x6b: {  	_ =	shalt  }
0x6c: {  	_ =	shalt  }
0x6d: {  	_ =	shalt  }
0x6e: {  	_ =	shalt  }
0x6f: {  	_ =	shalt  }
0x70: {  	_ =	shalt  }
0x71: {  	_ =	shalt  }
0x72: {  	_ =	shalt  }
0x73: {  	_ =	shalt  }
0x74: {  	_ =	shalt  }
0x75: {  	_ =	shalt  }
0x76: {  	_ =	shalt  }
0x77: {  	_ =	shalt  }
0x78: {  	_ =	shalt  }
0x79: {  	_ =	shalt  }
0x7a: {  	_ =	shalt  }
0x7b: {  	_ =	shalt  }
0x7c: {  	_ =	shalt  }
0x7d: {  	_ =	shalt  }
0x7e: {  	_ =	shalt  }
0x7f: {  	_ =	shalt  }
0x80: {  	_ =	shalt  }
0x81: {  	_ =	shalt  }
0x82: {  	_ =	shalt  }
0x83: {  	_ =	shalt  }
0x84: {  	_ =	shalt  }
0x85: {  	_ =	shalt  }
0x86: {  	_ =	shalt  }
0x87: {  	_ =	shalt  }
.Lfunc_end0:
.L_simem_size_0:
called_computation.2_lowered:
.L_overlay_start_0:
0x88: {  	s2 =	sld [smem:$0x3FD9]  }
0x89: {  	s3 =	sld [smem:$0x3FFE];
	_ =	sdelay $0x1  }
0x8a: {  	s1 =	srdreg.scid  }
0x8b: {  	s0 =	sand.u32 $0x1, s1  }
0x8c: {  	s16 =	sshll.u32 s0, $0xA;
	s2 =	sadd.s32 s3, s2  }
0x8d: {  	s2 =	sadd.s32 s2, s16  }
0x8e: {  	[smem:$0x3FBD] =	sst s2  }
0x8f: {  	_ = 	snop  }
0x90: {  	(tm) =	ssettm $0x1  }
0x91: {  	s17 =	sld [smem:$0x3FFB];
	_ =	sdelay $0x3  }
0x92: {  	_ =	strace s17  }
0x93: {  	s2 =	sld [smem:$0x3FFC];
	_ =	sdelay $0x3  }
0x94: {  	_ =	strace s2  }
0x95: {  	s2 =	sld [smem:$0x3FFD];
	_ =	sdelay $0x3  }
0x96: {  	_ =	strace s2  }
0x97: {  	_ =	strace $0x8FFFFFFF  }
0x98: {  	s18 =	sld [smem:$0x3FDB];
	_ =	sdelay $0x1  }
0x99: {  	s19 =	simm.s32 $_scs_section_size  }
0x9a: {  	s4 =	simm.s32 $_size__tile_overlayer_lowered;
	s5 =	simm.s32 $_tile_overlayer_lowered  }
0x9b: {  	s22 =	simm.s32 $0x1BFF;
	s21 =	sshll.u32 s5, $0x1;
	s2 =	sadd.s32 s19, s18  }
0x9c: {  	s6 =	simm.s32 $0x0;
	s20 =	sshll.u32 s4, $0x1;
	s4 =	sadd.s32 s21, s2  }
0x9d: {  	[timem:s6], [sflag:s22] =	dma.local [hbm:s4], s20  }
0x9e: {  	_ =	swait.ge [sflag:s22], s20  }
0x9f: {  	s3 =	ssub.s32 $0x0, s20;
	[sflag:s22] =	ssyncset.done $0x0  }
0xa0: {  	[sflag:s22] =	ssyncadd.s32 s3;
	_ =	sdelay $0x1  }
0xa1: {  	s23 =	simm.s32 $0x1B8B  }
0xa2: {  	_ =	swait.ge [sflag:s23], $0x1  }
0xa3: {  	[sflag:s23] =	ssyncset.done $0x0  }
0xa4: {  	s25 =	simm.s32 $0x1B8E;
	s24 =	sld [smem:$0x3FFE];
	[sflag:s23] =	ssyncadd.s32 $0xFFFFFFFF  }
0xa5: {  	s26 =	simm.s32 $execute0_lowered;
	[smem:$0x3FD2] =	sst s25  }
0xa6: {  	s4 =	sshll.u32 s26, $0x1;
	_ =	strace $0x80000049;
	[dreg:$0x1] =	wrdreg $0xFFFFFFFF  }
0xa7: {  	s28 =	simm.s32 $_size_execute0_lowered;
	s2 =	sadd.s32 s2, s4;
	[dreg:$0x0] =	wrdreg $0x0  }
0xa8: {  	s4 =	sshll.u32 s28, $0x1;
	[dreg:$0x2] =	wrdreg s2  }
0xa9: {  	[dreg:$0x3] =	wrdreg s4  }
0xaa: {  	[dreg:$0x4] =	wrdreg $0xC0  }
0xab: {  	_ =	task [dreg:s6], $0x5FFFF  }
0xac: {  	[dreg:$0x1] =	wrdreg $0xFFFFFFFF  }
0xad: {  	[dreg:$0x0] =	wrdreg $0x60  }
0xae: {  	[dreg:$0x2] =	wrdreg s24  }
0xaf: {  	[dreg:$0x3] =	wrdreg $0x9  }
0xb0: {  	_ =	task.clear_ibuf [dreg:s6], $0x4FFFF;
	_ =	strace $0x90000049  }
0xb1: {  	s29 =	simm.s32 $0x9;
	_ =	strace $0x8000004B  }
0xb2: {  	_ =	swait.ge [sflag:s29], $0x1  }
0xb3: {  	[sflag:s29] =	ssyncadd.s32 $0xFFFFFFFF  }
0xb4: {  	_ =	strace $0x9000004B  }
0xb5: {  	_ =	sfence  }
0xb6: {  	s30 =	sld [smem:$0x0];
	_ =	sdelay $0x2  }
0xb7: {  	s31 =	sshll.u32 s1, $0xD;
	s1 =	sshrl.u32 s1, $0x2  }
0xb8: {  	s3 =	sand.u32 $0x4000, s31;
	s1 =	sadd.s32 s1, s30  }
0xb9: {  	s0 =	sor.u32 s3, s0;
	s1 =	sshll.u32 s1, $0x11  }
0xba: {  	s0 =	sor.u32 s1, s0  }
0xbb: {  	s0 =	sadd.s32 $0x8F2B, s0  }
0xbc: {  	[sflag:s0] =	ssyncadd.remote.s32 $0x1  }
0xbd: {  	_ =	sfence.sel $0xFFFF  }
0xbe: {  	[dreg:$0x0] =	wrdreg $0xFFFFFFFF;
	(pc) =	sbr.abs _section_cstart, $3  }
0xbf: {  	[dreg:$0x1] =	wrdreg $0xFFFFFFFF  }
0xc0: {  	_ =	task.clear_ibuf [dreg:s6], $0x2FFFF;
	_ =	strace $0x9FFFFFFF  }
0xc1: {  	(tm) =	ssettm $0x7FFFFFFF  }
tec
execute0_lowered:
.L_overlay_start_1:
0x0: {  	(tag) =	ssettag $0x1  }
0x1: {  	s1 =	srdreg.scid  }
0x2: {  	s0 =	stileid.u32;
	s6 =	rddreg [dreg:$0x0];
	s2 =	simm.s32 $0x0  }
0x3: {  	s14 =	simm.s32 $0x5000;
	s15 =	simm.s32 $0x1;
	s16 =	simm.s32 $0x7800  }
0x4: {  	s17 =	simm.s32 $0x2;
	s18 =	simm.s32 $0x80;
	s19 =	simm.s32 $0x400  }
0x5: {  	s20 =	simm.s32 $0x0;
	s3 =	sand.u32 $0x1, s1;
	s1 =	rddreg [dreg:$0x1]  }
0x6: {  	s26 =	sshll.u32 s0, $0x1;
	[smem:$0x7FF] =	sst s2;
	s7 =	sshrl.u32 s0, $0x2  }
0x7: {  	s11 =	sadd.s32 $0x247C00, s6;
	s5 =	sor.u32 s3, s26;
	_ =	strace $0x8000004A  }
0x8: {  	s8 =	ssub.s32 $0x2, s3;
	s7 =	smul.u32 $0xA0000, s7;
	s3 =	sadd.s32 $0x107C00, s6  }
0x9: {  	s4 =	smul.u32 $0x500, s5;
	s9 =	sshll.u32 s5, $0x7;
	s10 =	sshrl.u32 s8, $0x1  }
0xa: {  	s5 =	smul.u32 $0xA00, s5;
	s9 =	sand.u32 $0x380, s9;
	s12 =	ssub.s32 s8, s10  }
0xb: {  	s4 =	sadd.s32 s4, s6;
	s28 =	sor.u32 s7, s9;
	s6 =	sadd.s32 $0x108100, s6  }
0xc: {  	vm0 =	vcmask $0x3F20;
	s4 =	sadd.s32 $0x3C00, s4;
	s7 =	sshrl.u32 s28, $0x3;
	s9 =	sadd.s32 $0x280000, s28  }
0xd: {  	s29 =	sadd.s32 $0x500000, s28;
	s13 =	sadd.s32 $0x780000, s28;
	s7 =	sadd.s32 s11, s7  }
0xe: {  	s9 =	sshrl.u32 s9, $0x3;
	s30 =	sshrl.u32 s29, $0x3;
	s31 =	sshrl.u32 s13, $0x3  }
0xf: {  	v0 =	vlaneseq.u32;
	s13 =	simm.s32 $0x2800;
	s8 =	sadd.s32 s11, s9;
	s9 =	sadd.s32 s11, s30  }
0x10: {  	v1 =	vimm.f32 $0.0e+00;
	v2 =	vadd.s32 $0xFFFFFFF8, v0;
	s10 =	sadd.s32 s11, s31;
	s11 =	smax.u32 s12, $0x1;
	s12 =	simm.s32 $0x3  }
.LBB2_1:
0x11: {  	[tilespmem:s2], [sflag:$0x3] =	stream.linear.gather [hbm4b:s4+s2], $0x2800, $0x38;
	[tilespmem:$0x1B800] =	vst v63  }
0x12: {  	_ =	swait.ge [sflag:s12], $0x2800  }
0x13: {  	[sflag:s12] =	ssyncset.done $0x0  }
0x14: {  	s21 =	simm.s32 $0x0;
	[sflag:s12] =	ssyncadd.s32 $0xFFFFD800  }
.LBB2_2:
0x15: {  	p0 =	sne.s32 s21, $0x4FF00  }
.Ltmp0:
0x16: {  	s22 =	sshra.s32 s21, $0x2;
	(pc) =	sbr.rel @p0 .LBB2_2-.Ltmp0, $4  }
0x17: {  	[tilespmem:s22+$0x7800] =	vst v1  }
0x18: {  	[tilespmem:s22+$0x7810] =	vst v1  }
0x19: {  	[tilespmem:s22+$0x7820] =	vst v1  }
0x1a: {  	s21 =	sadd.s32 $0x100, s21;
	[tilespmem:s22+$0x7830] =	vst v1  }
0x1b: {  	s21 =	simm.s32 $0x0  }
0x1c: {  	s22 =	simm.s32 $0x140;
	s23 =	simm.s32 $0x0;
	s24 =	simm.s32 $0x0  }
.LBB2_4:
0x1d: {  	s25 =	smul.u32 $0xA0, s24;
	_ =	sdelay $0x1  }
0x1e: {  	s25 =	sadd.s32 s5, s25  }
0x1f: {  	s25 =	sshll.u32 s25, $0x4  }
0x20: {  	s26 =	sadd.s32 s3, s25  }
0x21: {  	[tilespmem:s13], [sflag:$0x1] =	stream.linear.gather [hbm4b:s26+s21], $0x2800, $0x38;
	[tilespmem:$0x1B800] =	vst v63  }
0x22: {  	s25 =	sadd.s32 s25, s6  }
0x23: {  	[tilespmem:s14], [sflag:$0x2] =	stream.linear.gather [hbm4b:s25+s21], $0x2800, $0x38;
	[tilespmem:$0x1B800] =	vst v63  }
0x24: {  	s26 =	sadd.s32 $0x0, s23;
	_ =	swait.ge [sflag:s15], $0x2800  }
0x25: {  	s28 =	sand.u32 $0x70, s21;
	s25 =	sand.u32 $0x7F80, s26;
	[sflag:s15] =	ssyncset.done $0x0  }
0x26: {  	s25 =	sor.u32 s28, s25;
	[sflag:s15] =	ssyncadd.s32 $0xFFFFD800  }
0x27: {  	v3 =	vld [tilespmem:s25+$0x0];
	_ =	sdelay $0x4  }
0x28: {  	v3 =	vshll.u32 v3, $0x3  }
0x29: {  	v4 =	vbroadcast v3, $0x0  }
0x2a: {  	s25 =	simm.s32 $0x2900  }
0x2b: {  	v5 =	vld [tilespmem:s25+$0xFFFFFF00];
	v4 =	vadd.s32 v0, v4;
	_ =	sdelay $0x3  }
0x2c: {  	v6 =	vbroadcast v3, $0x1  }
0x2d: {  	[tilespmem:v4+s16+$0x0] =	vst.idx.add.f32.msk $0xff, v5  }
0x2e: {  	v4 =	vadd.s32 v0, v6;
	v5 =	vld [tilespmem:s25+$0xFFFFFF20];
	_ =	sdelay $0x3  }
0x2f: {  	v6 =	vbroadcast v3, $0x2  }
0x30: {  	[tilespmem:v4+s16+$0x0] =	vst.idx.add.f32.msk $0xff, v5  }
0x31: {  	v4 =	vadd.s32 v0, v6;
	v5 =	vld [tilespmem:s25+$0xFFFFFF40];
	_ =	sdelay $0x3  }
0x32: {  	v6 =	vbroadcast v3, $0x3  }
0x33: {  	[tilespmem:v4+s16+$0x0] =	vst.idx.add.f32.msk $0xff, v5  }
0x34: {  	v4 =	vadd.s32 v0, v6;
	v5 =	vld [tilespmem:s25+$0xFFFFFF60];
	_ =	sdelay $0x3  }
0x35: {  	v6 =	vbroadcast v3, $0x4  }
0x36: {  	[tilespmem:v4+s16+$0x0] =	vst.idx.add.f32.msk $0xff, v5  }
0x37: {  	v4 =	vadd.s32 v0, v6;
	v5 =	vld [tilespmem:s25+$0xFFFFFF80];
	_ =	sdelay $0x3  }
0x38: {  	v6 =	vbroadcast v3, $0x5  }
0x39: {  	[tilespmem:v4+s16+$0x0] =	vst.idx.add.f32.msk $0xff, v5  }
0x3a: {  	v4 =	vadd.s32 v0, v6;
	v5 =	vld [tilespmem:s25+$0xFFFFFFA0];
	_ =	sdelay $0x3  }
0x3b: {  	v6 =	vbroadcast v3, $0x6  }
0x3c: {  	[tilespmem:v4+s16+$0x0] =	vst.idx.add.f32.msk $0xff, v5  }
0x3d: {  	v4 =	vadd.s32 v0, v6;
	v5 =	vld [tilespmem:s25+$0xFFFFFFC0];
	_ =	sdelay $0x3  }
0x3e: {  	v6 =	vbroadcast v3, $0x7  }
0x3f: {  	[tilespmem:v4+s16+$0x0] =	vst.idx.add.f32.msk $0xff, v5  }
0x40: {  	v4 =	vadd.s32 v0, v6;
	v5 =	vld [tilespmem:s25+$0xFFFFFFE0];
	_ =	sdelay $0x3  }
0x41: {  	v6 =	vbroadcast v3, $0x8  }
0x42: {  	[tilespmem:v4+s16+$0x0] =	vst.idx.add.f32.msk $0xff, v5  }
0x43: {  	v4 =	vadd.s32 v0, v6;
	v5 =	vld [tilespmem:s25+$0x0];
	_ =	sdelay $0x3  }
0x44: {  	v6 =	vbroadcast v3, $0x9  }
0x45: {  	[tilespmem:v4+s16+$0x0] =	vst.idx.add.f32.msk $0xff, v5  }
0x46: {  	v4 =	vadd.s32 v0, v6;
	v5 =	vld [tilespmem:s25+$0x20];
	_ =	sdelay $0x3  }
0x47: {  	v6 =	vbroadcast v3, $0xA  }
0x48: {  	[tilespmem:v4+s16+$0x0] =	vst.idx.add.f32.msk $0xff, v5  }
0x49: {  	v4 =	vadd.s32 v0, v6;
	v5 =	vld [tilespmem:s25+$0x40];
	_ =	sdelay $0x3  }
0x4a: {  	v6 =	vbroadcast v3, $0xB  }
0x4b: {  	[tilespmem:v4+s16+$0x0] =	vst.idx.add.f32.msk $0xff, v5  }
0x4c: {  	v4 =	vadd.s32 v0, v6;
	v5 =	vld [tilespmem:s25+$0x60];
	_ =	sdelay $0x3  }
0x4d: {  	v6 =	vbroadcast v3, $0xC  }
0x4e: {  	[tilespmem:v4+s16+$0x0] =	vst.idx.add.f32.msk $0xff, v5  }
0x4f: {  	v4 =	vadd.s32 v0, v6;
	v5 =	vld [tilespmem:s25+$0x80];
	_ =	sdelay $0x1  }
0x50: {  	(v2sf) =	vpush v3, $0xF;
	_ =	sdelay $0x1  }
0x51: {  	v6 =	vbroadcast v3, $0xD  }
0x52: {  	[tilespmem:v4+s16+$0x0] =	vst.idx.add.f32.msk $0xff, v5  }
0x53: {  	v4 =	vadd.s32 v0, v6;
	v5 =	vld [tilespmem:s25+$0xA0];
	_ =	sdelay $0x3  }
0x54: {  	v3 =	vbroadcast v3, $0xE  }
0x55: {  	[tilespmem:v4+s16+$0x0] =	vst.idx.add.f32.msk $0xff, v5  }
0x56: {  	v3 =	vadd.s32 v0, v3;
	v4 =	vld [tilespmem:s25+$0xC0];
	_ =	sdelay $0x4  }
0x57: {  	s28 =	spop (v2sf);
	[tilespmem:v3+s16+$0x0] =	vst.idx.add.f32.msk $0xff, v4  }
0x58: {  	v3 =	vadd.s32 s28, v0;
	v4 =	vld [tilespmem:s25+$0xE0];
	_ =	sdelay $0x1  }
0x59: {  	s31 =	simm.s32 $0x10;
	s30 =	sadd.s32 $0x10, s23  }
0x5a: {  	s29 =	simm.s32 $0x20;
	s30 =	sand.u32 $0x7F80, s30;
	s26 =	sand.u32 $0x70, s31  }
.LBB2_5:
0x5b: {  	s30 =	sor.u32 s26, s30  }
0x5c: {  	[tilespmem:v3+s16+$0x0] =	vst.idx.add.f32.msk $0xff, v4;
	s25 =	sadd.s32 $0x200, s25;
	s26 =	smov.u32 s29;
	s28 =	sadd.s32 $0x10, s29  }
0x5d: {  	p0 =	sne.s32 s29, $0x130;
	v3 =	vld [tilespmem:s30+$0x0];
	_ =	sdelay $0x4  }
0x5e: {  	v3 =	vshll.u32 v3, $0x3  }
0x5f: {  	v4 =	vbroadcast v3, $0x0;
	v5 =	vbroadcast v3, $0x1;
	(v2sf) =	vpush v3, $0xF  }
0x60: {  	v6 =	vbroadcast v3, $0x2;
	v7 =	vbroadcast v3, $0x3  }
0x61: {  	v9 =	vbroadcast v3, $0x4;
	v10 =	vbroadcast v3, $0x5;
	v4 =	vadd.s32 v0, v4;
	v8 =	vld [tilespmem:s25+$0xFFFFFF00]  }
0x62: {  	v11 =	vbroadcast v3, $0x6;
	v12 =	vbroadcast v3, $0x7  }
0x63: {  	v13 =	vbroadcast v3, $0x8;
	v14 =	vbroadcast v3, $0x9  }
0x64: {  	v15 =	vbroadcast v3, $0xA;
	v16 =	vbroadcast v3, $0xB  }
0x65: {  	v17 =	vbroadcast v3, $0xC;
	v18 =	vbroadcast v3, $0xD  }
0x66: {  	v3 =	vbroadcast v3, $0xE;
	[tilespmem:v4+s16+$0x0] =	vst.idx.add.f32.msk $0xff, v8  }
0x67: {  	v4 =	vadd.s32 v0, v5;
	v5 =	vld [tilespmem:s25+$0xFFFFFF20];
	_ =	sdelay $0x4  }
0x68: {  	[tilespmem:v4+s16+$0x0] =	vst.idx.add.f32.msk $0xff, v5  }
0x69: {  	v4 =	vadd.s32 v0, v6;
	v5 =	vld [tilespmem:s25+$0xFFFFFF40]  }
0x6a: {  	s29 =	spop (v2sf);
	_ =	sdelay $0x3  }
0x6b: {  	[tilespmem:v4+s16+$0x0] =	vst.idx.add.f32.msk $0xff, v5  }
0x6c: {  	v4 =	vadd.s32 v0, v7;
	v5 =	vld [tilespmem:s25+$0xFFFFFF60];
	_ =	sdelay $0x4  }
0x6d: {  	[tilespmem:v4+s16+$0x0] =	vst.idx.add.f32.msk $0xff, v5  }
0x6e: {  	v4 =	vadd.s32 v0, v9;
	v5 =	vld [tilespmem:s25+$0xFFFFFF80];
	_ =	sdelay $0x4  }
0x6f: {  	[tilespmem:v4+s16+$0x0] =	vst.idx.add.f32.msk $0xff, v5  }
0x70: {  	v4 =	vadd.s32 v0, v10;
	v5 =	vld [tilespmem:s25+$0xFFFFFFA0];
	_ =	sdelay $0x4  }
0x71: {  	[tilespmem:v4+s16+$0x0] =	vst.idx.add.f32.msk $0xff, v5  }
0x72: {  	v4 =	vadd.s32 v0, v11;
	v5 =	vld [tilespmem:s25+$0xFFFFFFC0];
	_ =	sdelay $0x4  }
0x73: {  	[tilespmem:v4+s16+$0x0] =	vst.idx.add.f32.msk $0xff, v5  }
0x74: {  	v4 =	vadd.s32 v0, v12;
	v5 =	vld [tilespmem:s25+$0xFFFFFFE0];
	_ =	sdelay $0x4  }
0x75: {  	[tilespmem:v4+s16+$0x0] =	vst.idx.add.f32.msk $0xff, v5  }
0x76: {  	v4 =	vadd.s32 v0, v13;
	v5 =	vld [tilespmem:s25+$0x0];
	_ =	sdelay $0x4  }
0x77: {  	[tilespmem:v4+s16+$0x0] =	vst.idx.add.f32.msk $0xff, v5  }
0x78: {  	v4 =	vadd.s32 v0, v14;
	v5 =	vld [tilespmem:s25+$0x20];
	_ =	sdelay $0x4  }
0x79: {  	[tilespmem:v4+s16+$0x0] =	vst.idx.add.f32.msk $0xff, v5  }
0x7a: {  	v4 =	vadd.s32 v0, v15;
	v5 =	vld [tilespmem:s25+$0x40];
	_ =	sdelay $0x4  }
0x7b: {  	[tilespmem:v4+s16+$0x0] =	vst.idx.add.f32.msk $0xff, v5  }
0x7c: {  	v4 =	vadd.s32 v0, v16;
	v5 =	vld [tilespmem:s25+$0x60];
	_ =	sdelay $0x4  }
0x7d: {  	[tilespmem:v4+s16+$0x0] =	vst.idx.add.f32.msk $0xff, v5  }
0x7e: {  	v4 =	vadd.s32 v0, v17;
	v5 =	vld [tilespmem:s25+$0x80];
	_ =	sdelay $0x4  }
0x7f: {  	[tilespmem:v4+s16+$0x0] =	vst.idx.add.f32.msk $0xff, v5  }
0x80: {  	v4 =	vadd.s32 v0, v18;
	v5 =	vld [tilespmem:s25+$0xA0];
	_ =	sdelay $0x4  }
0x81: {  	[tilespmem:v4+s16+$0x0] =	vst.idx.add.f32.msk $0xff, v5  }
0x82: {  	v3 =	vadd.s32 v0, v3;
	v4 =	vld [tilespmem:s25+$0xC0];
	_ =	sdelay $0x4  }
0x83: {  	[tilespmem:v3+s16+$0x0] =	vst.idx.add.f32.msk $0xff, v4  }
.Ltmp1:
0x84: {  	v3 =	vadd.s32 s29, v0;
	v4 =	vld [tilespmem:s25+$0xE0];
	(pc) =	sbr.rel @p0 .LBB2_5-.Ltmp1, $3  }
0x85: {  	_ =	sdelay $0x1  }
0x86: {  	s29 =	sadd.s32 s26, s23  }
0x87: {  	s26 =	sand.u32 $0x70, s26;
	s30 =	sand.u32 $0x7F80, s29;
	s29 =	smov.u32 s28  }
0x88: {  	_ =	sdelay $0x3  }
0x89: {  	s26 =	sor.u32 s26, s30;
	[tilespmem:v3+s16+$0x0] =	vst.idx.add.f32.msk $0xff, v4  }
0x8a: {  	v3 =	vld [tilespmem:s26+$0x0];
	_ =	sdelay $0x4  }
0x8b: {  	v3 =	vshll.u32 v3, $0x3  }
0x8c: {  	v4 =	vbroadcast v3, $0x0  }
0x8d: {  	s25 =	sadd.s32 $0x200, s25  }
0x8e: {  	v5 =	vld [tilespmem:s25+$0xFFFFFF00];
	v4 =	vadd.s32 v0, v4;
	_ =	sdelay $0x3  }
0x8f: {  	v6 =	vbroadcast v3, $0x1  }
0x90: {  	[tilespmem:v4+s16+$0x0] =	vst.idx.add.f32.msk $0xff, v5  }
0x91: {  	v4 =	vadd.s32 v0, v6;
	v5 =	vld [tilespmem:s25+$0xFFFFFF20];
	_ =	sdelay $0x3  }
0x92: {  	v6 =	vbroadcast v3, $0x2  }
0x93: {  	[tilespmem:v4+s16+$0x0] =	vst.idx.add.f32.msk $0xff, v5  }
0x94: {  	v4 =	vadd.s32 v0, v6;
	v5 =	vld [tilespmem:s25+$0xFFFFFF40];
	_ =	sdelay $0x3  }
0x95: {  	v6 =	vbroadcast v3, $0x3  }
0x96: {  	[tilespmem:v4+s16+$0x0] =	vst.idx.add.f32.msk $0xff, v5  }
0x97: {  	v4 =	vadd.s32 v0, v6;
	v5 =	vld [tilespmem:s25+$0xFFFFFF60];
	_ =	sdelay $0x3  }
0x98: {  	v6 =	vbroadcast v3, $0x4  }
0x99: {  	[tilespmem:v4+s16+$0x0] =	vst.idx.add.f32.msk $0xff, v5  }
0x9a: {  	v4 =	vadd.s32 v0, v6;
	v5 =	vld [tilespmem:s25+$0xFFFFFF80];
	_ =	sdelay $0x3  }
0x9b: {  	v6 =	vbroadcast v3, $0x5  }
0x9c: {  	[tilespmem:v4+s16+$0x0] =	vst.idx.add.f32.msk $0xff, v5  }
0x9d: {  	v4 =	vadd.s32 v0, v6;
	v5 =	vld [tilespmem:s25+$0xFFFFFFA0];
	_ =	sdelay $0x3  }
0x9e: {  	v6 =	vbroadcast v3, $0x6  }
0x9f: {  	[tilespmem:v4+s16+$0x0] =	vst.idx.add.f32.msk $0xff, v5  }
0xa0: {  	v4 =	vadd.s32 v0, v6;
	v5 =	vld [tilespmem:s25+$0xFFFFFFC0];
	_ =	sdelay $0x3  }
0xa1: {  	v6 =	vbroadcast v3, $0x7  }
0xa2: {  	[tilespmem:v4+s16+$0x0] =	vst.idx.add.f32.msk $0xff, v5  }
0xa3: {  	v4 =	vadd.s32 v0, v6;
	v5 =	vld [tilespmem:s25+$0xFFFFFFE0];
	_ =	sdelay $0x3  }
0xa4: {  	v6 =	vbroadcast v3, $0x8  }
0xa5: {  	[tilespmem:v4+s16+$0x0] =	vst.idx.add.f32.msk $0xff, v5  }
0xa6: {  	v4 =	vadd.s32 v0, v6;
	v5 =	vld [tilespmem:s25+$0x0];
	_ =	sdelay $0x3  }
0xa7: {  	v6 =	vbroadcast v3, $0x9  }
0xa8: {  	[tilespmem:v4+s16+$0x0] =	vst.idx.add.f32.msk $0xff, v5  }
0xa9: {  	v4 =	vadd.s32 v0, v6;
	v5 =	vld [tilespmem:s25+$0x20];
	_ =	sdelay $0x3  }
0xaa: {  	v6 =	vbroadcast v3, $0xA  }
0xab: {  	[tilespmem:v4+s16+$0x0] =	vst.idx.add.f32.msk $0xff, v5  }
0xac: {  	v4 =	vadd.s32 v0, v6;
	v5 =	vld [tilespmem:s25+$0x40];
	_ =	sdelay $0x3  }
0xad: {  	v6 =	vbroadcast v3, $0xB  }
0xae: {  	[tilespmem:v4+s16+$0x0] =	vst.idx.add.f32.msk $0xff, v5  }
0xaf: {  	v4 =	vadd.s32 v0, v6;
	v5 =	vld [tilespmem:s25+$0x60];
	_ =	sdelay $0x3  }
0xb0: {  	v6 =	vbroadcast v3, $0xC  }
0xb1: {  	[tilespmem:v4+s16+$0x0] =	vst.idx.add.f32.msk $0xff, v5  }
0xb2: {  	v4 =	vadd.s32 v0, v6;
	v5 =	vld [tilespmem:s25+$0x80];
	_ =	sdelay $0x1  }
0xb3: {  	(v2sf) =	vpush v3, $0xF;
	_ =	sdelay $0x1  }
0xb4: {  	v6 =	vbroadcast v3, $0xD  }
0xb5: {  	[tilespmem:v4+s16+$0x0] =	vst.idx.add.f32.msk $0xff, v5  }
0xb6: {  	v4 =	vadd.s32 v0, v6;
	v5 =	vld [tilespmem:s25+$0xA0];
	_ =	sdelay $0x3  }
0xb7: {  	v3 =	vbroadcast v3, $0xE  }
0xb8: {  	[tilespmem:v4+s16+$0x0] =	vst.idx.add.f32.msk $0xff, v5  }
0xb9: {  	v3 =	vadd.s32 v0, v3;
	v4 =	vld [tilespmem:s25+$0xC0];
	_ =	sdelay $0x4  }
0xba: {  	s30 =	spop (v2sf);
	[tilespmem:v3+s16+$0x0] =	vst.idx.add.f32.msk $0xff, v4  }
0xbb: {  	v4 =	vadd.s32 s30, v0;
	v5 =	vld [tilespmem:s25+$0xE0];
	_ =	sdelay $0x3  }
0xbc: {  	v3 =	vmov s22  }
0xbd: {  	[tilespmem:v4+s16+$0x0] =	vst.idx.add.f32.msk $0xff, v5  }
0xbe: {  	_ =	swait.ge [sflag:s17], $0x2800  }
0xbf: {  	[sflag:s17] =	ssyncset.done $0x0  }
0xc0: {  	s31 =	simm.s32 $0x0;
	[sflag:s17] =	ssyncadd.s32 $0xFFFFD800  }
0xc1: {  	v4 =	vld.idx.msk [tilespmem:v3+s31+$0x0 ss:$0x1], $0xffff;
	_ =	sdelay $0x4  }
0xc2: {  	v4 =	vshll.u32 v4, $0x3  }
0xc3: {  	v5 =	vbroadcast v4, $0x0  }
0xc4: {  	s25 =	simm.s32 $0x5100  }
0xc5: {  	v6 =	vld [tilespmem:s25+$0xFFFFFF00];
	v5 =	vadd.s32 v0, v5;
	_ =	sdelay $0x3  }
0xc6: {  	v7 =	vbroadcast v4, $0x1  }
0xc7: {  	[tilespmem:v5+s16+$0x0] =	vst.idx.add.f32.msk $0xff, v6  }
0xc8: {  	v5 =	vadd.s32 v0, v7;
	v6 =	vld [tilespmem:s25+$0xFFFFFF20];
	_ =	sdelay $0x3  }
0xc9: {  	v7 =	vbroadcast v4, $0x2  }
0xca: {  	[tilespmem:v5+s16+$0x0] =	vst.idx.add.f32.msk $0xff, v6  }
0xcb: {  	v5 =	vadd.s32 v0, v7;
	v6 =	vld [tilespmem:s25+$0xFFFFFF40];
	_ =	sdelay $0x3  }
0xcc: {  	v7 =	vbroadcast v4, $0x3  }
0xcd: {  	[tilespmem:v5+s16+$0x0] =	vst.idx.add.f32.msk $0xff, v6  }
0xce: {  	v5 =	vadd.s32 v0, v7;
	v6 =	vld [tilespmem:s25+$0xFFFFFF60];
	_ =	sdelay $0x3  }
0xcf: {  	v7 =	vbroadcast v4, $0x4  }
0xd0: {  	[tilespmem:v5+s16+$0x0] =	vst.idx.add.f32.msk $0xff, v6  }
0xd1: {  	v5 =	vadd.s32 v0, v7;
	v6 =	vld [tilespmem:s25+$0xFFFFFF80];
	_ =	sdelay $0x3  }
0xd2: {  	v7 =	vbroadcast v4, $0x5  }
0xd3: {  	[tilespmem:v5+s16+$0x0] =	vst.idx.add.f32.msk $0xff, v6  }
0xd4: {  	v5 =	vadd.s32 v0, v7;
	v6 =	vld [tilespmem:s25+$0xFFFFFFA0];
	_ =	sdelay $0x3  }
0xd5: {  	v7 =	vbroadcast v4, $0x6  }
0xd6: {  	[tilespmem:v5+s16+$0x0] =	vst.idx.add.f32.msk $0xff, v6  }
0xd7: {  	v5 =	vadd.s32 v0, v7;
	v6 =	vld [tilespmem:s25+$0xFFFFFFC0];
	_ =	sdelay $0x3  }
0xd8: {  	v7 =	vbroadcast v4, $0x7  }
0xd9: {  	[tilespmem:v5+s16+$0x0] =	vst.idx.add.f32.msk $0xff, v6  }
0xda: {  	v5 =	vadd.s32 v0, v7;
	v6 =	vld [tilespmem:s25+$0xFFFFFFE0];
	_ =	sdelay $0x3  }
0xdb: {  	v7 =	vbroadcast v4, $0x8  }
0xdc: {  	[tilespmem:v5+s16+$0x0] =	vst.idx.add.f32.msk $0xff, v6  }
0xdd: {  	v5 =	vadd.s32 v0, v7;
	v6 =	vld [tilespmem:s25+$0x0];
	_ =	sdelay $0x3  }
0xde: {  	v7 =	vbroadcast v4, $0x9  }
0xdf: {  	[tilespmem:v5+s16+$0x0] =	vst.idx.add.f32.msk $0xff, v6  }
0xe0: {  	v5 =	vadd.s32 v0, v7;
	v6 =	vld [tilespmem:s25+$0x20];
	_ =	sdelay $0x3  }
0xe1: {  	v7 =	vbroadcast v4, $0xA  }
0xe2: {  	[tilespmem:v5+s16+$0x0] =	vst.idx.add.f32.msk $0xff, v6  }
0xe3: {  	v5 =	vadd.s32 v0, v7;
	v6 =	vld [tilespmem:s25+$0x40];
	_ =	sdelay $0x3  }
0xe4: {  	v7 =	vbroadcast v4, $0xB  }
0xe5: {  	[tilespmem:v5+s16+$0x0] =	vst.idx.add.f32.msk $0xff, v6  }
0xe6: {  	v5 =	vadd.s32 v0, v7;
	v6 =	vld [tilespmem:s25+$0x60];
	_ =	sdelay $0x3  }
0xe7: {  	v7 =	vbroadcast v4, $0xC  }
0xe8: {  	[tilespmem:v5+s16+$0x0] =	vst.idx.add.f32.msk $0xff, v6  }
0xe9: {  	v5 =	vadd.s32 v0, v7;
	v6 =	vld [tilespmem:s25+$0x80];
	_ =	sdelay $0x1  }
0xea: {  	(v2sf) =	vpush v4, $0xF;
	_ =	sdelay $0x1  }
0xeb: {  	v7 =	vbroadcast v4, $0xD  }
0xec: {  	[tilespmem:v5+s16+$0x0] =	vst.idx.add.f32.msk $0xff, v6  }
0xed: {  	v5 =	vadd.s32 v0, v7;
	v6 =	vld [tilespmem:s25+$0xA0];
	_ =	sdelay $0x3  }
0xee: {  	v4 =	vbroadcast v4, $0xE  }
0xef: {  	[tilespmem:v5+s16+$0x0] =	vst.idx.add.f32.msk $0xff, v6  }
0xf0: {  	v4 =	vadd.s32 v0, v4;
	v5 =	vld [tilespmem:s25+$0xC0];
	_ =	sdelay $0x4  }
0xf1: {  	s28 =	spop (v2sf);
	[tilespmem:v4+s16+$0x0] =	vst.idx.add.f32.msk $0xff, v5  }
0xf2: {  	s29 =	simm.s32 $0x80;
	s26 =	simm.s32 $0x40;
	v4 =	vadd.s32 s28, v0;
	v5 =	vld [tilespmem:s25+$0xE0]  }
.LBB2_7:
0xf3: {  	_ =	sdelay $0x2  }
0xf4: {  	s30 =	sshra.s32 s26, $0x2  }
0xf5: {  	s25 =	sadd.s32 $0x200, s25;
	s26 =	smov.u32 s29;
	s28 =	sadd.s32 $0x40, s29;
	[tilespmem:v4+s16+$0x0] =	vst.idx.add.f32.msk $0xff, v5  }
0xf6: {  	p0 =	sne.s32 s29, $0x4C0;
	v4 =	vld.idx.msk [tilespmem:v3+s30+$0x0 ss:$0x1], $0xffff;
	_ =	sdelay $0x5  }
0xf7: {  	v4 =	vshll.u32 v4, $0x3  }
0xf8: {  	v5 =	vbroadcast v4, $0x0;
	v6 =	vbroadcast v4, $0x1;
	(v2sf) =	vpush v4, $0xF  }
0xf9: {  	v7 =	vbroadcast v4, $0x2;
	v8 =	vbroadcast v4, $0x3  }
0xfa: {  	v10 =	vbroadcast v4, $0x4;
	v11 =	vbroadcast v4, $0x5;
	v5 =	vadd.s32 v0, v5;
	v9 =	vld [tilespmem:s25+$0xFFFFFF00]  }
0xfb: {  	v12 =	vbroadcast v4, $0x6;
	v13 =	vbroadcast v4, $0x7  }
0xfc: {  	v14 =	vbroadcast v4, $0x8;
	v15 =	vbroadcast v4, $0x9  }
0xfd: {  	v16 =	vbroadcast v4, $0xA;
	v17 =	vbroadcast v4, $0xB  }
0xfe: {  	v18 =	vbroadcast v4, $0xC;
	v19 =	vbroadcast v4, $0xD  }
0xff: {  	v4 =	vbroadcast v4, $0xE;
	[tilespmem:v5+s16+$0x0] =	vst.idx.add.f32.msk $0xff, v9  }
0x100: {  	v5 =	vadd.s32 v0, v6;
	v6 =	vld [tilespmem:s25+$0xFFFFFF20];
	_ =	sdelay $0x4  }
0x101: {  	[tilespmem:v5+s16+$0x0] =	vst.idx.add.f32.msk $0xff, v6  }
0x102: {  	v5 =	vadd.s32 v0, v7;
	v6 =	vld [tilespmem:s25+$0xFFFFFF40]  }
0x103: {  	s29 =	spop (v2sf);
	_ =	sdelay $0x3  }
0x104: {  	[tilespmem:v5+s16+$0x0] =	vst.idx.add.f32.msk $0xff, v6  }
0x105: {  	v5 =	vadd.s32 v0, v8;
	v6 =	vld [tilespmem:s25+$0xFFFFFF60];
	_ =	sdelay $0x4  }
0x106: {  	[tilespmem:v5+s16+$0x0] =	vst.idx.add.f32.msk $0xff, v6  }
0x107: {  	v5 =	vadd.s32 v0, v10;
	v6 =	vld [tilespmem:s25+$0xFFFFFF80];
	_ =	sdelay $0x4  }
0x108: {  	[tilespmem:v5+s16+$0x0] =	vst.idx.add.f32.msk $0xff, v6  }
0x109: {  	v5 =	vadd.s32 v0, v11;
	v6 =	vld [tilespmem:s25+$0xFFFFFFA0];
	_ =	sdelay $0x4  }
0x10a: {  	[tilespmem:v5+s16+$0x0] =	vst.idx.add.f32.msk $0xff, v6  }
0x10b: {  	v5 =	vadd.s32 v0, v12;
	v6 =	vld [tilespmem:s25+$0xFFFFFFC0];
	_ =	sdelay $0x4  }
0x10c: {  	[tilespmem:v5+s16+$0x0] =	vst.idx.add.f32.msk $0xff, v6  }
0x10d: {  	v5 =	vadd.s32 v0, v13;
	v6 =	vld [tilespmem:s25+$0xFFFFFFE0];
	_ =	sdelay $0x4  }
0x10e: {  	[tilespmem:v5+s16+$0x0] =	vst.idx.add.f32.msk $0xff, v6  }
0x10f: {  	v5 =	vadd.s32 v0, v14;
	v6 =	vld [tilespmem:s25+$0x0];
	_ =	sdelay $0x4  }
0x110: {  	[tilespmem:v5+s16+$0x0] =	vst.idx.add.f32.msk $0xff, v6  }
0x111: {  	v5 =	vadd.s32 v0, v15;
	v6 =	vld [tilespmem:s25+$0x20];
	_ =	sdelay $0x4  }
0x112: {  	[tilespmem:v5+s16+$0x0] =	vst.idx.add.f32.msk $0xff, v6  }
0x113: {  	v5 =	vadd.s32 v0, v16;
	v6 =	vld [tilespmem:s25+$0x40];
	_ =	sdelay $0x4  }
0x114: {  	[tilespmem:v5+s16+$0x0] =	vst.idx.add.f32.msk $0xff, v6  }
0x115: {  	v5 =	vadd.s32 v0, v17;
	v6 =	vld [tilespmem:s25+$0x60];
	_ =	sdelay $0x4  }
0x116: {  	[tilespmem:v5+s16+$0x0] =	vst.idx.add.f32.msk $0xff, v6  }
0x117: {  	v5 =	vadd.s32 v0, v18;
	v6 =	vld [tilespmem:s25+$0x80];
	_ =	sdelay $0x4  }
0x118: {  	[tilespmem:v5+s16+$0x0] =	vst.idx.add.f32.msk $0xff, v6  }
0x119: {  	v5 =	vadd.s32 v0, v19;
	v6 =	vld [tilespmem:s25+$0xA0];
	_ =	sdelay $0x4  }
0x11a: {  	[tilespmem:v5+s16+$0x0] =	vst.idx.add.f32.msk $0xff, v6  }
0x11b: {  	v4 =	vadd.s32 v0, v4;
	v5 =	vld [tilespmem:s25+$0xC0];
	_ =	sdelay $0x1  }
.Ltmp2:
0x11c: {  	(pc) =	sbr.rel @p0 .LBB2_7-.Ltmp2, $3  }
0x11d: {  	_ =	sdelay $0x1  }
0x11e: {  	[tilespmem:v4+s16+$0x0] =	vst.idx.add.f32.msk $0xff, v5  }
0x11f: {  	v4 =	vadd.s32 s29, v0;
	s29 =	smov.u32 s28;
	v5 =	vld [tilespmem:s25+$0xE0]  }
0x120: {  	_ =	sdelay $0x3  }
0x121: {  	s26 =	sshra.s32 s26, $0x2;
	[tilespmem:v4+s16+$0x0] =	vst.idx.add.f32.msk $0xff, v5  }
0x122: {  	v3 =	vld.idx.msk [tilespmem:v3+s26+$0x0 ss:$0x1], $0xffff;
	_ =	sdelay $0x4  }
0x123: {  	v3 =	vshll.u32 v3, $0x3  }
0x124: {  	v38 =	vbroadcast v3, $0x0  }
0x125: {  	s25 =	sadd.s32 $0x200, s25  }
0x126: {  	v5 =	vld [tilespmem:s25+$0xFFFFFF00];
	v4 =	vadd.s32 v0, v38;
	_ =	sdelay $0x3  }
0x127: {  	v6 =	vbroadcast v3, $0x1  }
0x128: {  	[tilespmem:v4+s16+$0x0] =	vst.idx.add.f32.msk $0xff, v5  }
0x129: {  	v39 =	vadd.s32 v0, v6;
	v5 =	vld [tilespmem:s25+$0xFFFFFF20];
	_ =	sdelay $0x3  }
0x12a: {  	v40 =	vbroadcast v3, $0x2  }
0x12b: {  	[tilespmem:v39+s16+$0x0] =	vst.idx.add.f32.msk $0xff, v5  }
0x12c: {  	v41 =	vadd.s32 v0, v40;
	v5 =	vld [tilespmem:s25+$0xFFFFFF40];
	_ =	sdelay $0x3  }
0x12d: {  	v42 =	vbroadcast v3, $0x3  }
0x12e: {  	[tilespmem:v41+s16+$0x0] =	vst.idx.add.f32.msk $0xff, v5  }
0x12f: {  	v43 =	vadd.s32 v0, v42;
	v5 =	vld [tilespmem:s25+$0xFFFFFF60];
	_ =	sdelay $0x3  }
0x130: {  	v44 =	vbroadcast v3, $0x4  }
0x131: {  	[tilespmem:v43+s16+$0x0] =	vst.idx.add.f32.msk $0xff, v5  }
0x132: {  	v45 =	vadd.s32 v0, v44;
	v5 =	vld [tilespmem:s25+$0xFFFFFF80];
	_ =	sdelay $0x3  }
0x133: {  	v46 =	vbroadcast v3, $0x5  }
0x134: {  	[tilespmem:v45+s16+$0x0] =	vst.idx.add.f32.msk $0xff, v5  }
0x135: {  	v47 =	vadd.s32 v0, v46;
	v5 =	vld [tilespmem:s25+$0xFFFFFFA0];
	_ =	sdelay $0x3  }
0x136: {  	v48 =	vbroadcast v3, $0x6  }
0x137: {  	[tilespmem:v47+s16+$0x0] =	vst.idx.add.f32.msk $0xff, v5  }
0x138: {  	v49 =	vadd.s32 v0, v48;
	v5 =	vld [tilespmem:s25+$0xFFFFFFC0];
	_ =	sdelay $0x3  }
0x139: {  	v50 =	vbroadcast v3, $0x7  }
0x13a: {  	[tilespmem:v49+s16+$0x0] =	vst.idx.add.f32.msk $0xff, v5  }
0x13b: {  	v51 =	vadd.s32 v0, v50;
	v5 =	vld [tilespmem:s25+$0xFFFFFFE0];
	_ =	sdelay $0x3  }
0x13c: {  	v52 =	vbroadcast v3, $0x8  }
0x13d: {  	[tilespmem:v51+s16+$0x0] =	vst.idx.add.f32.msk $0xff, v5  }
0x13e: {  	v53 =	vadd.s32 v0, v52;
	v5 =	vld [tilespmem:s25+$0x0];
	_ =	sdelay $0x3  }
0x13f: {  	v54 =	vbroadcast v3, $0x9  }
0x140: {  	[tilespmem:v53+s16+$0x0] =	vst.idx.add.f32.msk $0xff, v5  }
0x141: {  	v55 =	vadd.s32 v0, v54;
	v5 =	vld [tilespmem:s25+$0x20];
	_ =	sdelay $0x3  }
0x142: {  	v56 =	vbroadcast v3, $0xA  }
0x143: {  	[tilespmem:v55+s16+$0x0] =	vst.idx.add.f32.msk $0xff, v5  }
0x144: {  	v57 =	vadd.s32 v0, v56;
	v5 =	vld [tilespmem:s25+$0x40];
	_ =	sdelay $0x3  }
0x145: {  	v58 =	vbroadcast v3, $0xB  }
0x146: {  	[tilespmem:v57+s16+$0x0] =	vst.idx.add.f32.msk $0xff, v5  }
0x147: {  	v59 =	vadd.s32 v0, v58;
	v5 =	vld [tilespmem:s25+$0x60];
	_ =	sdelay $0x3  }
0x148: {  	v60 =	vbroadcast v3, $0xC  }
0x149: {  	[tilespmem:v59+s16+$0x0] =	vst.idx.add.f32.msk $0xff, v5  }
0x14a: {  	v61 =	vadd.s32 v0, v60;
	v5 =	vld [tilespmem:s25+$0x80];
	_ =	sdelay $0x1  }
0x14b: {  	(v2sf) =	vpush v3, $0xF;
	_ =	sdelay $0x1  }
0x14c: {  	v62 =	vbroadcast v3, $0xD  }
0x14d: {  	[tilespmem:v61+s16+$0x0] =	vst.idx.add.f32.msk $0xff, v5  }
0x14e: {  	v63 =	vadd.s32 v0, v62;
	v5 =	vld [tilespmem:s25+$0xA0];
	_ =	sdelay $0x3  }
0x14f: {  	v3 =	vbroadcast v3, $0xE  }
0x150: {  	[tilespmem:v63+s16+$0x0] =	vst.idx.add.f32.msk $0xff, v5  }
0x151: {  	v3 =	vadd.s32 v0, v3;
	v4 =	vld [tilespmem:s25+$0xC0];
	_ =	sdelay $0x4  }
0x152: {  	s24 =	sadd.s32 $0x1, s24;
	s31 =	spop (v2sf);
	[tilespmem:v3+s16+$0x0] =	vst.idx.add.f32.msk $0xff, v4  }
0x153: {  	p0 =	sne.s32 s24, $0x10;
	v3 =	vadd.s32 s31, v0;
	v4 =	vld [tilespmem:s25+$0xE0]  }
.Ltmp3:
0x154: {  	_ = 	snop;
	(pc) =	sbr.rel @p0 .LBB2_4-.Ltmp3, $2  }
0x155: {  	_ =	sdelay $0x2  }
0x156: {  	s23 =	sadd.s32 $0x280, s23;
	s22 =	sadd.s32 $0x280, s22;
	[tilespmem:v3+s16+$0x0] =	vst.idx.add.f32.msk $0xff, v4  }
0x157: {  	[hbm4b:s7+s18] =	stream.strided.scatter [tilespmem:s16], [sflag:$0x3], $0x14000, s19, s18, $0x38;
	[tilespmem:$0x1B800] =	vst v63  }
0x158: {  	_ =	swait.ge [sflag:s12], $0x14000  }
0x159: {  	[sflag:s12] =	ssyncset.done $0x0  }
0x15a: {  	s21 =	simm.s32 $0x0;
	s22 =	simm.s32 $0x0;
	[sflag:s12] =	ssyncadd.s32 $0xFFFEC000  }
.LBB2_10:
0x15b: {  	p0 =	sne.s32 s22, $0x4FF00  }
.Ltmp4:
0x15c: {  	s23 =	sshra.s32 s22, $0x2;
	(pc) =	sbr.rel @p0 .LBB2_10-.Ltmp4, $4  }
0x15d: {  	[tilespmem:s23+$0x7800] =	vst v1  }
0x15e: {  	[tilespmem:s23+$0x7810] =	vst v1  }
0x15f: {  	[tilespmem:s23+$0x7820] =	vst v1  }
0x160: {  	s22 =	sadd.s32 $0x100, s22;
	[tilespmem:s23+$0x7830] =	vst v1  }
0x161: {  	s22 =	simm.s32 $0x140;
	s23 =	simm.s32 $0x0  }
.LBB2_12:
0x162: {  	s24 =	smul.u32 $0xA0, s23;
	_ =	sdelay $0x1  }
0x163: {  	s24 =	sadd.s32 s5, s24  }
0x164: {  	s24 =	sshll.u32 s24, $0x4  }
0x165: {  	s26 =	simm.s32 $0x0;
	s25 =	sadd.s32 s3, s24  }
0x166: {  	[tilespmem:s13], [sflag:$0x1] =	stream.linear.gather [hbm4b:s25+s26], $0x2800, $0x38;
	[tilespmem:$0x1B800] =	vst v63  }
0x167: {  	s24 =	sadd.s32 s24, s6  }
0x168: {  	[tilespmem:s14], [sflag:$0x2] =	stream.linear.gather [hbm4b:s24+s26], $0x2800, $0x38;
	[tilespmem:$0x1B800] =	vst v63  }
0x169: {  	s25 =	sadd.s32 $0x0, s21;
	_ =	swait.ge [sflag:s15], $0x2800  }
0x16a: {  	s24 =	sand.u32 $0x7F80, s25;
	s26 =	sand.u32 $0x70, s26;
	[sflag:s15] =	ssyncset.done $0x0  }
0x16b: {  	s24 =	sor.u32 s26, s24;
	[sflag:s15] =	ssyncadd.s32 $0xFFFFD800  }
0x16c: {  	v3 =	vld [tilespmem:s24+$0x0];
	_ =	sdelay $0x4  }
0x16d: {  	v3 =	vshll.u32 v3, $0x3  }
0x16e: {  	v4 =	vbroadcast v3, $0x0  }
0x16f: {  	s24 =	simm.s32 $0x2900  }
0x170: {  	v5 =	vld [tilespmem:s24+$0xFFFFFF00];
	v4 =	vadd.s32 v2, v4;
	_ =	sdelay $0x3  }
0x171: {  	v6 =	vbroadcast v3, $0x1  }
0x172: {  	[tilespmem:v4+s16+$0x0] =	vst.idx.add.f32.msk vm0, v5  }
0x173: {  	v4 =	vadd.s32 v2, v6;
	v5 =	vld [tilespmem:s24+$0xFFFFFF20];
	_ =	sdelay $0x3  }
0x174: {  	v6 =	vbroadcast v3, $0x2  }
0x175: {  	[tilespmem:v4+s16+$0x0] =	vst.idx.add.f32.msk vm0, v5  }
0x176: {  	v4 =	vadd.s32 v2, v6;
	v5 =	vld [tilespmem:s24+$0xFFFFFF40];
	_ =	sdelay $0x3  }
0x177: {  	v6 =	vbroadcast v3, $0x3  }
0x178: {  	[tilespmem:v4+s16+$0x0] =	vst.idx.add.f32.msk vm0, v5  }
0x179: {  	v4 =	vadd.s32 v2, v6;
	v5 =	vld [tilespmem:s24+$0xFFFFFF60];
	_ =	sdelay $0x3  }
0x17a: {  	v6 =	vbroadcast v3, $0x4  }
0x17b: {  	[tilespmem:v4+s16+$0x0] =	vst.idx.add.f32.msk vm0, v5  }
0x17c: {  	v4 =	vadd.s32 v2, v6;
	v5 =	vld [tilespmem:s24+$0xFFFFFF80];
	_ =	sdelay $0x3  }
0x17d: {  	v6 =	vbroadcast v3, $0x5  }
0x17e: {  	[tilespmem:v4+s16+$0x0] =	vst.idx.add.f32.msk vm0, v5  }
0x17f: {  	v4 =	vadd.s32 v2, v6;
	v5 =	vld [tilespmem:s24+$0xFFFFFFA0];
	_ =	sdelay $0x3  }
0x180: {  	v6 =	vbroadcast v3, $0x6  }
0x181: {  	[tilespmem:v4+s16+$0x0] =	vst.idx.add.f32.msk vm0, v5  }
0x182: {  	v4 =	vadd.s32 v2, v6;
	v5 =	vld [tilespmem:s24+$0xFFFFFFC0];
	_ =	sdelay $0x3  }
0x183: {  	v6 =	vbroadcast v3, $0x7  }
0x184: {  	[tilespmem:v4+s16+$0x0] =	vst.idx.add.f32.msk vm0, v5  }
0x185: {  	v4 =	vadd.s32 v2, v6;
	v5 =	vld [tilespmem:s24+$0xFFFFFFE0];
	_ =	sdelay $0x3  }
0x186: {  	v6 =	vbroadcast v3, $0x8  }
0x187: {  	[tilespmem:v4+s16+$0x0] =	vst.idx.add.f32.msk vm0, v5  }
0x188: {  	v4 =	vadd.s32 v2, v6;
	v5 =	vld [tilespmem:s24+$0x0];
	_ =	sdelay $0x3  }
0x189: {  	v6 =	vbroadcast v3, $0x9  }
0x18a: {  	[tilespmem:v4+s16+$0x0] =	vst.idx.add.f32.msk vm0, v5  }
0x18b: {  	v4 =	vadd.s32 v2, v6;
	v5 =	vld [tilespmem:s24+$0x20];
	_ =	sdelay $0x3  }
0x18c: {  	v6 =	vbroadcast v3, $0xA  }
0x18d: {  	[tilespmem:v4+s16+$0x0] =	vst.idx.add.f32.msk vm0, v5  }
0x18e: {  	v4 =	vadd.s32 v2, v6;
	v5 =	vld [tilespmem:s24+$0x40];
	_ =	sdelay $0x3  }
0x18f: {  	v6 =	vbroadcast v3, $0xB  }
0x190: {  	[tilespmem:v4+s16+$0x0] =	vst.idx.add.f32.msk vm0, v5  }
0x191: {  	v4 =	vadd.s32 v2, v6;
	v5 =	vld [tilespmem:s24+$0x60];
	_ =	sdelay $0x3  }
0x192: {  	v6 =	vbroadcast v3, $0xC  }
0x193: {  	[tilespmem:v4+s16+$0x0] =	vst.idx.add.f32.msk vm0, v5  }
0x194: {  	v4 =	vadd.s32 v2, v6;
	v5 =	vld [tilespmem:s24+$0x80];
	_ =	sdelay $0x1  }
0x195: {  	(v2sf) =	vpush v3, $0xF;
	_ =	sdelay $0x1  }
0x196: {  	v6 =	vbroadcast v3, $0xD  }
0x197: {  	[tilespmem:v4+s16+$0x0] =	vst.idx.add.f32.msk vm0, v5  }
0x198: {  	v4 =	vadd.s32 v2, v6;
	v5 =	vld [tilespmem:s24+$0xA0];
	_ =	sdelay $0x3  }
0x199: {  	v3 =	vbroadcast v3, $0xE  }
0x19a: {  	[tilespmem:v4+s16+$0x0] =	vst.idx.add.f32.msk vm0, v5  }
0x19b: {  	v3 =	vadd.s32 v2, v3;
	v4 =	vld [tilespmem:s24+$0xC0];
	_ =	sdelay $0x4  }
0x19c: {  	s31 =	spop (v2sf);
	[tilespmem:v3+s16+$0x0] =	vst.idx.add.f32.msk vm0, v4  }
0x19d: {  	v3 =	vadd.s32 s31, v2;
	v4 =	vld [tilespmem:s24+$0xE0];
	_ =	sdelay $0x1  }
0x19e: {  	s30 =	simm.s32 $0x10;
	s29 =	sadd.s32 $0x10, s21  }
0x19f: {  	s28 =	simm.s32 $0x20;
	s29 =	sand.u32 $0x7F80, s29;
	s25 =	sand.u32 $0x70, s30  }
.LBB2_13:
0x1a0: {  	s29 =	sor.u32 s25, s29  }
0x1a1: {  	[tilespmem:v3+s16+$0x0] =	vst.idx.add.f32.msk vm0, v4;
	s24 =	sadd.s32 $0x200, s24;
	s25 =	smov.u32 s28;
	s26 =	sadd.s32 $0x10, s28  }
0x1a2: {  	p0 =	sne.s32 s28, $0x130;
	v3 =	vld [tilespmem:s29+$0x0];
	_ =	sdelay $0x4  }
0x1a3: {  	v3 =	vshll.u32 v3, $0x3  }
0x1a4: {  	v4 =	vbroadcast v3, $0x0;
	v5 =	vbroadcast v3, $0x1;
	(v2sf) =	vpush v3, $0xF  }
0x1a5: {  	v6 =	vbroadcast v3, $0x2;
	v7 =	vbroadcast v3, $0x3  }
0x1a6: {  	v9 =	vbroadcast v3, $0x4;
	v10 =	vbroadcast v3, $0x5;
	v4 =	vadd.s32 v2, v4;
	v8 =	vld [tilespmem:s24+$0xFFFFFF00]  }
0x1a7: {  	v11 =	vbroadcast v3, $0x6;
	v12 =	vbroadcast v3, $0x7  }
0x1a8: {  	v13 =	vbroadcast v3, $0x8;
	v14 =	vbroadcast v3, $0x9  }
0x1a9: {  	v15 =	vbroadcast v3, $0xA;
	v16 =	vbroadcast v3, $0xB  }
0x1aa: {  	v17 =	vbroadcast v3, $0xC;
	v18 =	vbroadcast v3, $0xD  }
0x1ab: {  	v3 =	vbroadcast v3, $0xE;
	[tilespmem:v4+s16+$0x0] =	vst.idx.add.f32.msk vm0, v8  }
0x1ac: {  	v4 =	vadd.s32 v2, v5;
	v5 =	vld [tilespmem:s24+$0xFFFFFF20];
	_ =	sdelay $0x4  }
0x1ad: {  	[tilespmem:v4+s16+$0x0] =	vst.idx.add.f32.msk vm0, v5  }
0x1ae: {  	v4 =	vadd.s32 v2, v6;
	v5 =	vld [tilespmem:s24+$0xFFFFFF40]  }
0x1af: {  	s28 =	spop (v2sf);
	_ =	sdelay $0x3  }
0x1b0: {  	[tilespmem:v4+s16+$0x0] =	vst.idx.add.f32.msk vm0, v5  }
0x1b1: {  	v4 =	vadd.s32 v2, v7;
	v5 =	vld [tilespmem:s24+$0xFFFFFF60];
	_ =	sdelay $0x4  }
0x1b2: {  	[tilespmem:v4+s16+$0x0] =	vst.idx.add.f32.msk vm0, v5  }
0x1b3: {  	v4 =	vadd.s32 v2, v9;
	v5 =	vld [tilespmem:s24+$0xFFFFFF80];
	_ =	sdelay $0x4  }
0x1b4: {  	[tilespmem:v4+s16+$0x0] =	vst.idx.add.f32.msk vm0, v5  }
0x1b5: {  	v4 =	vadd.s32 v2, v10;
	v5 =	vld [tilespmem:s24+$0xFFFFFFA0];
	_ =	sdelay $0x4  }
0x1b6: {  	[tilespmem:v4+s16+$0x0] =	vst.idx.add.f32.msk vm0, v5  }
0x1b7: {  	v4 =	vadd.s32 v2, v11;
	v5 =	vld [tilespmem:s24+$0xFFFFFFC0];
	_ =	sdelay $0x4  }
0x1b8: {  	[tilespmem:v4+s16+$0x0] =	vst.idx.add.f32.msk vm0, v5  }
0x1b9: {  	v4 =	vadd.s32 v2, v12;
	v5 =	vld [tilespmem:s24+$0xFFFFFFE0];
	_ =	sdelay $0x4  }
0x1ba: {  	[tilespmem:v4+s16+$0x0] =	vst.idx.add.f32.msk vm0, v5  }
0x1bb: {  	v4 =	vadd.s32 v2, v13;
	v5 =	vld [tilespmem:s24+$0x0];
	_ =	sdelay $0x4  }
0x1bc: {  	[tilespmem:v4+s16+$0x0] =	vst.idx.add.f32.msk vm0, v5  }
0x1bd: {  	v4 =	vadd.s32 v2, v14;
	v5 =	vld [tilespmem:s24+$0x20];
	_ =	sdelay $0x4  }
0x1be: {  	[tilespmem:v4+s16+$0x0] =	vst.idx.add.f32.msk vm0, v5  }
0x1bf: {  	v4 =	vadd.s32 v2, v15;
	v5 =	vld [tilespmem:s24+$0x40];
	_ =	sdelay $0x4  }
0x1c0: {  	[tilespmem:v4+s16+$0x0] =	vst.idx.add.f32.msk vm0, v5  }
0x1c1: {  	v4 =	vadd.s32 v2, v16;
	v5 =	vld [tilespmem:s24+$0x60];
	_ =	sdelay $0x4  }
0x1c2: {  	[tilespmem:v4+s16+$0x0] =	vst.idx.add.f32.msk vm0, v5  }
0x1c3: {  	v4 =	vadd.s32 v2, v17;
	v5 =	vld [tilespmem:s24+$0x80];
	_ =	sdelay $0x4  }
0x1c4: {  	[tilespmem:v4+s16+$0x0] =	vst.idx.add.f32.msk vm0, v5  }
0x1c5: {  	v4 =	vadd.s32 v2, v18;
	v5 =	vld [tilespmem:s24+$0xA0];
	_ =	sdelay $0x4  }
0x1c6: {  	[tilespmem:v4+s16+$0x0] =	vst.idx.add.f32.msk vm0, v5  }
0x1c7: {  	v3 =	vadd.s32 v2, v3;
	v4 =	vld [tilespmem:s24+$0xC0];
	_ =	sdelay $0x4  }
0x1c8: {  	[tilespmem:v3+s16+$0x0] =	vst.idx.add.f32.msk vm0, v4  }
.Ltmp5:
0x1c9: {  	v3 =	vadd.s32 s28, v2;
	v4 =	vld [tilespmem:s24+$0xE0];
	(pc) =	sbr.rel @p0 .LBB2_13-.Ltmp5, $3  }
0x1ca: {  	_ =	sdelay $0x1  }
0x1cb: {  	s28 =	sadd.s32 s25, s21  }
0x1cc: {  	s25 =	sand.u32 $0x70, s25;
	s29 =	sand.u32 $0x7F80, s28;
	s28 =	smov.u32 s26  }
0x1cd: {  	_ =	sdelay $0x4  }
0x1ce: {  	s25 =	sor.u32 s25, s29;
	[tilespmem:v3+s16+$0x0] =	vst.idx.add.f32.msk vm0, v4  }
0x1cf: {  	v3 =	vld [tilespmem:s25+$0x0];
	_ =	sdelay $0x4  }
0x1d0: {  	v3 =	vshll.u32 v3, $0x3  }
0x1d1: {  	v4 =	vbroadcast v3, $0x0  }
0x1d2: {  	s24 =	sadd.s32 $0x200, s24  }
0x1d3: {  	v5 =	vld [tilespmem:s24+$0xFFFFFF00];
	v4 =	vadd.s32 v2, v4;
	_ =	sdelay $0x3  }
0x1d4: {  	v6 =	vbroadcast v3, $0x1  }
0x1d5: {  	[tilespmem:v4+s16+$0x0] =	vst.idx.add.f32.msk vm0, v5  }
0x1d6: {  	v4 =	vadd.s32 v2, v6;
	v5 =	vld [tilespmem:s24+$0xFFFFFF20];
	_ =	sdelay $0x3  }
0x1d7: {  	v6 =	vbroadcast v3, $0x2  }
0x1d8: {  	[tilespmem:v4+s16+$0x0] =	vst.idx.add.f32.msk vm0, v5  }
0x1d9: {  	v4 =	vadd.s32 v2, v6;
	v5 =	vld [tilespmem:s24+$0xFFFFFF40];
	_ =	sdelay $0x3  }
0x1da: {  	v6 =	vbroadcast v3, $0x3  }
0x1db: {  	[tilespmem:v4+s16+$0x0] =	vst.idx.add.f32.msk vm0, v5  }
0x1dc: {  	v4 =	vadd.s32 v2, v6;
	v5 =	vld [tilespmem:s24+$0xFFFFFF60];
	_ =	sdelay $0x3  }
0x1dd: {  	v6 =	vbroadcast v3, $0x4  }
0x1de: {  	[tilespmem:v4+s16+$0x0] =	vst.idx.add.f32.msk vm0, v5  }
0x1df: {  	v4 =	vadd.s32 v2, v6;
	v5 =	vld [tilespmem:s24+$0xFFFFFF80];
	_ =	sdelay $0x3  }
0x1e0: {  	v6 =	vbroadcast v3, $0x5  }
0x1e1: {  	[tilespmem:v4+s16+$0x0] =	vst.idx.add.f32.msk vm0, v5  }
0x1e2: {  	v4 =	vadd.s32 v2, v6;
	v5 =	vld [tilespmem:s24+$0xFFFFFFA0];
	_ =	sdelay $0x3  }
0x1e3: {  	v6 =	vbroadcast v3, $0x6  }
0x1e4: {  	[tilespmem:v4+s16+$0x0] =	vst.idx.add.f32.msk vm0, v5  }
0x1e5: {  	v4 =	vadd.s32 v2, v6;
	v5 =	vld [tilespmem:s24+$0xFFFFFFC0];
	_ =	sdelay $0x3  }
0x1e6: {  	v6 =	vbroadcast v3, $0x7  }
0x1e7: {  	[tilespmem:v4+s16+$0x0] =	vst.idx.add.f32.msk vm0, v5  }
0x1e8: {  	v4 =	vadd.s32 v2, v6;
	v5 =	vld [tilespmem:s24+$0xFFFFFFE0];
	_ =	sdelay $0x3  }
0x1e9: {  	v6 =	vbroadcast v3, $0x8  }
0x1ea: {  	[tilespmem:v4+s16+$0x0] =	vst.idx.add.f32.msk vm0, v5  }
0x1eb: {  	v4 =	vadd.s32 v2, v6;
	v5 =	vld [tilespmem:s24+$0x0];
	_ =	sdelay $0x3  }
0x1ec: {  	v6 =	vbroadcast v3, $0x9  }
0x1ed: {  	[tilespmem:v4+s16+$0x0] =	vst.idx.add.f32.msk vm0, v5  }
0x1ee: {  	v4 =	vadd.s32 v2, v6;
	v5 =	vld [tilespmem:s24+$0x20];
	_ =	sdelay $0x3  }
0x1ef: {  	v6 =	vbroadcast v3, $0xA  }
0x1f0: {  	[tilespmem:v4+s16+$0x0] =	vst.idx.add.f32.msk vm0, v5  }
0x1f1: {  	v4 =	vadd.s32 v2, v6;
	v5 =	vld [tilespmem:s24+$0x40];
	_ =	sdelay $0x3  }
0x1f2: {  	v6 =	vbroadcast v3, $0xB  }
0x1f3: {  	[tilespmem:v4+s16+$0x0] =	vst.idx.add.f32.msk vm0, v5  }
0x1f4: {  	v4 =	vadd.s32 v2, v6;
	v5 =	vld [tilespmem:s24+$0x60];
	_ =	sdelay $0x3  }
0x1f5: {  	v6 =	vbroadcast v3, $0xC  }
0x1f6: {  	[tilespmem:v4+s16+$0x0] =	vst.idx.add.f32.msk vm0, v5  }
0x1f7: {  	v4 =	vadd.s32 v2, v6;
	v5 =	vld [tilespmem:s24+$0x80];
	_ =	sdelay $0x1  }
0x1f8: {  	(v2sf) =	vpush v3, $0xF;
	_ =	sdelay $0x1  }
0x1f9: {  	v6 =	vbroadcast v3, $0xD  }
0x1fa: {  	[tilespmem:v4+s16+$0x0] =	vst.idx.add.f32.msk vm0, v5  }
0x1fb: {  	v4 =	vadd.s32 v2, v6;
	v5 =	vld [tilespmem:s24+$0xA0];
	_ =	sdelay $0x3  }
0x1fc: {  	v3 =	vbroadcast v3, $0xE  }
0x1fd: {  	[tilespmem:v4+s16+$0x0] =	vst.idx.add.f32.msk vm0, v5  }
0x1fe: {  	v3 =	vadd.s32 v2, v3;
	v4 =	vld [tilespmem:s24+$0xC0];
	_ =	sdelay $0x4  }
0x1ff: {  	s30 =	spop (v2sf);
	[tilespmem:v3+s16+$0x0] =	vst.idx.add.f32.msk vm0, v4  }
0x200: {  	v4 =	vadd.s32 s30, v2;
	v5 =	vld [tilespmem:s24+$0xE0];
	_ =	sdelay $0x3  }
0x201: {  	v3 =	vmov s22  }
0x202: {  	[tilespmem:v4+s16+$0x0] =	vst.idx.add.f32.msk vm0, v5  }
0x203: {  	_ =	swait.ge [sflag:s17], $0x2800  }
0x204: {  	[sflag:s17] =	ssyncset.done $0x0  }
0x205: {  	s31 =	simm.s32 $0x0;
	[sflag:s17] =	ssyncadd.s32 $0xFFFFD800  }
0x206: {  	v4 =	vld.idx.msk [tilespmem:v3+s31+$0x0 ss:$0x1], $0xffff;
	_ =	sdelay $0x4  }
0x207: {  	v4 =	vshll.u32 v4, $0x3  }
0x208: {  	v5 =	vbroadcast v4, $0x0  }
0x209: {  	s24 =	simm.s32 $0x5100  }
0x20a: {  	v6 =	vld [tilespmem:s24+$0xFFFFFF00];
	v5 =	vadd.s32 v2, v5;
	_ =	sdelay $0x3  }
0x20b: {  	v7 =	vbroadcast v4, $0x1  }
0x20c: {  	[tilespmem:v5+s16+$0x0] =	vst.idx.add.f32.msk vm0, v6  }
0x20d: {  	v5 =	vadd.s32 v2, v7;
	v6 =	vld [tilespmem:s24+$0xFFFFFF20];
	_ =	sdelay $0x3  }
0x20e: {  	v7 =	vbroadcast v4, $0x2  }
0x20f: {  	[tilespmem:v5+s16+$0x0] =	vst.idx.add.f32.msk vm0, v6  }
0x210: {  	v5 =	vadd.s32 v2, v7;
	v6 =	vld [tilespmem:s24+$0xFFFFFF40];
	_ =	sdelay $0x3  }
0x211: {  	v7 =	vbroadcast v4, $0x3  }
0x212: {  	[tilespmem:v5+s16+$0x0] =	vst.idx.add.f32.msk vm0, v6  }
0x213: {  	v5 =	vadd.s32 v2, v7;
	v6 =	vld [tilespmem:s24+$0xFFFFFF60];
	_ =	sdelay $0x3  }
0x214: {  	v7 =	vbroadcast v4, $0x4  }
0x215: {  	[tilespmem:v5+s16+$0x0] =	vst.idx.add.f32.msk vm0, v6  }
0x216: {  	v5 =	vadd.s32 v2, v7;
	v6 =	vld [tilespmem:s24+$0xFFFFFF80];
	_ =	sdelay $0x3  }
0x217: {  	v7 =	vbroadcast v4, $0x5  }
0x218: {  	[tilespmem:v5+s16+$0x0] =	vst.idx.add.f32.msk vm0, v6  }
0x219: {  	v5 =	vadd.s32 v2, v7;
	v6 =	vld [tilespmem:s24+$0xFFFFFFA0];
	_ =	sdelay $0x3  }
0x21a: {  	v7 =	vbroadcast v4, $0x6  }
0x21b: {  	[tilespmem:v5+s16+$0x0] =	vst.idx.add.f32.msk vm0, v6  }
0x21c: {  	v5 =	vadd.s32 v2, v7;
	v6 =	vld [tilespmem:s24+$0xFFFFFFC0];
	_ =	sdelay $0x3  }
0x21d: {  	v7 =	vbroadcast v4, $0x7  }
0x21e: {  	[tilespmem:v5+s16+$0x0] =	vst.idx.add.f32.msk vm0, v6  }
0x21f: {  	v5 =	vadd.s32 v2, v7;
	v6 =	vld [tilespmem:s24+$0xFFFFFFE0];
	_ =	sdelay $0x3  }
0x220: {  	v7 =	vbroadcast v4, $0x8  }
0x221: {  	[tilespmem:v5+s16+$0x0] =	vst.idx.add.f32.msk vm0, v6  }
0x222: {  	v5 =	vadd.s32 v2, v7;
	v6 =	vld [tilespmem:s24+$0x0];
	_ =	sdelay $0x3  }
0x223: {  	v7 =	vbroadcast v4, $0x9  }
0x224: {  	[tilespmem:v5+s16+$0x0] =	vst.idx.add.f32.msk vm0, v6  }
0x225: {  	v5 =	vadd.s32 v2, v7;
	v6 =	vld [tilespmem:s24+$0x20];
	_ =	sdelay $0x3  }
0x226: {  	v7 =	vbroadcast v4, $0xA  }
0x227: {  	[tilespmem:v5+s16+$0x0] =	vst.idx.add.f32.msk vm0, v6  }
0x228: {  	v5 =	vadd.s32 v2, v7;
	v6 =	vld [tilespmem:s24+$0x40];
	_ =	sdelay $0x3  }
0x229: {  	v7 =	vbroadcast v4, $0xB  }
0x22a: {  	[tilespmem:v5+s16+$0x0] =	vst.idx.add.f32.msk vm0, v6  }
0x22b: {  	v5 =	vadd.s32 v2, v7;
	v6 =	vld [tilespmem:s24+$0x60];
	_ =	sdelay $0x3  }
0x22c: {  	v7 =	vbroadcast v4, $0xC  }
0x22d: {  	[tilespmem:v5+s16+$0x0] =	vst.idx.add.f32.msk vm0, v6  }
0x22e: {  	v5 =	vadd.s32 v2, v7;
	v6 =	vld [tilespmem:s24+$0x80];
	_ =	sdelay $0x1  }
0x22f: {  	(v2sf) =	vpush v4, $0xF;
	_ =	sdelay $0x1  }
0x230: {  	v7 =	vbroadcast v4, $0xD  }
0x231: {  	[tilespmem:v5+s16+$0x0] =	vst.idx.add.f32.msk vm0, v6  }
0x232: {  	v5 =	vadd.s32 v2, v7;
	v6 =	vld [tilespmem:s24+$0xA0];
	_ =	sdelay $0x3  }
0x233: {  	v4 =	vbroadcast v4, $0xE  }
0x234: {  	[tilespmem:v5+s16+$0x0] =	vst.idx.add.f32.msk vm0, v6  }
0x235: {  	v4 =	vadd.s32 v2, v4;
	v5 =	vld [tilespmem:s24+$0xC0];
	_ =	sdelay $0x4  }
0x236: {  	s26 =	spop (v2sf);
	[tilespmem:v4+s16+$0x0] =	vst.idx.add.f32.msk vm0, v5  }
0x237: {  	s28 =	simm.s32 $0x80;
	s25 =	simm.s32 $0x40;
	v4 =	vadd.s32 s26, v2;
	v5 =	vld [tilespmem:s24+$0xE0]  }
.LBB2_15:
0x238: {  	_ =	sdelay $0x2  }
0x239: {  	s29 =	sshra.s32 s25, $0x2  }
0x23a: {  	s24 =	sadd.s32 $0x200, s24;
	s25 =	smov.u32 s28;
	s26 =	sadd.s32 $0x40, s28;
	[tilespmem:v4+s16+$0x0] =	vst.idx.add.f32.msk vm0, v5  }
0x23b: {  	p0 =	sne.s32 s28, $0x4C0;
	v4 =	vld.idx.msk [tilespmem:v3+s29+$0x0 ss:$0x1], $0xffff;
	_ =	sdelay $0x5  }
0x23c: {  	v4 =	vshll.u32 v4, $0x3  }
0x23d: {  	v5 =	vbroadcast v4, $0x0;
	v6 =	vbroadcast v4, $0x1;
	(v2sf) =	vpush v4, $0xF  }
0x23e: {  	v7 =	vbroadcast v4, $0x2;
	v8 =	vbroadcast v4, $0x3  }
0x23f: {  	v10 =	vbroadcast v4, $0x4;
	v11 =	vbroadcast v4, $0x5;
	v5 =	vadd.s32 v2, v5;
	v9 =	vld [tilespmem:s24+$0xFFFFFF00]  }
0x240: {  	v12 =	vbroadcast v4, $0x6;
	v13 =	vbroadcast v4, $0x7  }
0x241: {  	v14 =	vbroadcast v4, $0x8;
	v15 =	vbroadcast v4, $0x9  }
0x242: {  	v16 =	vbroadcast v4, $0xA;
	v17 =	vbroadcast v4, $0xB  }
0x243: {  	v18 =	vbroadcast v4, $0xC;
	v19 =	vbroadcast v4, $0xD  }
0x244: {  	v4 =	vbroadcast v4, $0xE;
	[tilespmem:v5+s16+$0x0] =	vst.idx.add.f32.msk vm0, v9  }
0x245: {  	v5 =	vadd.s32 v2, v6;
	v6 =	vld [tilespmem:s24+$0xFFFFFF20];
	_ =	sdelay $0x4  }
0x246: {  	[tilespmem:v5+s16+$0x0] =	vst.idx.add.f32.msk vm0, v6  }
0x247: {  	v5 =	vadd.s32 v2, v7;
	v6 =	vld [tilespmem:s24+$0xFFFFFF40]  }
0x248: {  	s28 =	spop (v2sf);
	_ =	sdelay $0x3  }
0x249: {  	[tilespmem:v5+s16+$0x0] =	vst.idx.add.f32.msk vm0, v6  }
0x24a: {  	v5 =	vadd.s32 v2, v8;
	v6 =	vld [tilespmem:s24+$0xFFFFFF60];
	_ =	sdelay $0x4  }
0x24b: {  	[tilespmem:v5+s16+$0x0] =	vst.idx.add.f32.msk vm0, v6  }
0x24c: {  	v5 =	vadd.s32 v2, v10;
	v6 =	vld [tilespmem:s24+$0xFFFFFF80];
	_ =	sdelay $0x4  }
0x24d: {  	[tilespmem:v5+s16+$0x0] =	vst.idx.add.f32.msk vm0, v6  }
0x24e: {  	v5 =	vadd.s32 v2, v11;
	v6 =	vld [tilespmem:s24+$0xFFFFFFA0];
	_ =	sdelay $0x4  }
0x24f: {  	[tilespmem:v5+s16+$0x0] =	vst.idx.add.f32.msk vm0, v6  }
0x250: {  	v5 =	vadd.s32 v2, v12;
	v6 =	vld [tilespmem:s24+$0xFFFFFFC0];
	_ =	sdelay $0x4  }
0x251: {  	[tilespmem:v5+s16+$0x0] =	vst.idx.add.f32.msk vm0, v6  }
0x252: {  	v5 =	vadd.s32 v2, v13;
	v6 =	vld [tilespmem:s24+$0xFFFFFFE0];
	_ =	sdelay $0x4  }
0x253: {  	[tilespmem:v5+s16+$0x0] =	vst.idx.add.f32.msk vm0, v6  }
0x254: {  	v5 =	vadd.s32 v2, v14;
	v6 =	vld [tilespmem:s24+$0x0];
	_ =	sdelay $0x4  }
0x255: {  	[tilespmem:v5+s16+$0x0] =	vst.idx.add.f32.msk vm0, v6  }
0x256: {  	v5 =	vadd.s32 v2, v15;
	v6 =	vld [tilespmem:s24+$0x20];
	_ =	sdelay $0x4  }
0x257: {  	[tilespmem:v5+s16+$0x0] =	vst.idx.add.f32.msk vm0, v6  }
0x258: {  	v5 =	vadd.s32 v2, v16;
	v6 =	vld [tilespmem:s24+$0x40];
	_ =	sdelay $0x4  }
0x259: {  	[tilespmem:v5+s16+$0x0] =	vst.idx.add.f32.msk vm0, v6  }
0x25a: {  	v5 =	vadd.s32 v2, v17;
	v6 =	vld [tilespmem:s24+$0x60];
	_ =	sdelay $0x4  }
0x25b: {  	[tilespmem:v5+s16+$0x0] =	vst.idx.add.f32.msk vm0, v6  }
0x25c: {  	v5 =	vadd.s32 v2, v18;
	v6 =	vld [tilespmem:s24+$0x80];
	_ =	sdelay $0x4  }
0x25d: {  	[tilespmem:v5+s16+$0x0] =	vst.idx.add.f32.msk vm0, v6  }
0x25e: {  	v5 =	vadd.s32 v2, v19;
	v6 =	vld [tilespmem:s24+$0xA0];
	_ =	sdelay $0x4  }
0x25f: {  	[tilespmem:v5+s16+$0x0] =	vst.idx.add.f32.msk vm0, v6  }
0x260: {  	v4 =	vadd.s32 v2, v4;
	v5 =	vld [tilespmem:s24+$0xC0];
	_ =	sdelay $0x1  }
.Ltmp6:
0x261: {  	(pc) =	sbr.rel @p0 .LBB2_15-.Ltmp6, $3  }
0x262: {  	_ =	sdelay $0x1  }
0x263: {  	[tilespmem:v4+s16+$0x0] =	vst.idx.add.f32.msk vm0, v5  }
0x264: {  	v4 =	vadd.s32 s28, v2;
	s28 =	smov.u32 s26;
	v5 =	vld [tilespmem:s24+$0xE0]  }
0x265: {  	_ =	sdelay $0x4  }
0x266: {  	s25 =	sshra.s32 s25, $0x2;
	[tilespmem:v4+s16+$0x0] =	vst.idx.add.f32.msk vm0, v5  }
0x267: {  	v3 =	vld.idx.msk [tilespmem:v3+s25+$0x0 ss:$0x1], $0xffff;
	_ =	sdelay $0x4  }
0x268: {  	v3 =	vshll.u32 v3, $0x3  }
0x269: {  	v38 =	vbroadcast v3, $0x0  }
0x26a: {  	s24 =	sadd.s32 $0x200, s24  }
0x26b: {  	v5 =	vld [tilespmem:s24+$0xFFFFFF00];
	v4 =	vadd.s32 v2, v38;
	_ =	sdelay $0x3  }
0x26c: {  	v6 =	vbroadcast v3, $0x1  }
0x26d: {  	[tilespmem:v4+s16+$0x0] =	vst.idx.add.f32.msk vm0, v5  }
0x26e: {  	v39 =	vadd.s32 v2, v6;
	v5 =	vld [tilespmem:s24+$0xFFFFFF20];
	_ =	sdelay $0x3  }
0x26f: {  	v40 =	vbroadcast v3, $0x2  }
0x270: {  	[tilespmem:v39+s16+$0x0] =	vst.idx.add.f32.msk vm0, v5  }
0x271: {  	v41 =	vadd.s32 v2, v40;
	v5 =	vld [tilespmem:s24+$0xFFFFFF40];
	_ =	sdelay $0x3  }
0x272: {  	v42 =	vbroadcast v3, $0x3  }
0x273: {  	[tilespmem:v41+s16+$0x0] =	vst.idx.add.f32.msk vm0, v5  }
0x274: {  	v43 =	vadd.s32 v2, v42;
	v5 =	vld [tilespmem:s24+$0xFFFFFF60];
	_ =	sdelay $0x3  }
0x275: {  	v44 =	vbroadcast v3, $0x4  }
0x276: {  	[tilespmem:v43+s16+$0x0] =	vst.idx.add.f32.msk vm0, v5  }
0x277: {  	v45 =	vadd.s32 v2, v44;
	v5 =	vld [tilespmem:s24+$0xFFFFFF80];
	_ =	sdelay $0x3  }
0x278: {  	v46 =	vbroadcast v3, $0x5  }
0x279: {  	[tilespmem:v45+s16+$0x0] =	vst.idx.add.f32.msk vm0, v5  }
0x27a: {  	v47 =	vadd.s32 v2, v46;
	v5 =	vld [tilespmem:s24+$0xFFFFFFA0];
	_ =	sdelay $0x3  }
0x27b: {  	v48 =	vbroadcast v3, $0x6  }
0x27c: {  	[tilespmem:v47+s16+$0x0] =	vst.idx.add.f32.msk vm0, v5  }
0x27d: {  	v49 =	vadd.s32 v2, v48;
	v5 =	vld [tilespmem:s24+$0xFFFFFFC0];
	_ =	sdelay $0x3  }
0x27e: {  	v50 =	vbroadcast v3, $0x7  }
0x27f: {  	[tilespmem:v49+s16+$0x0] =	vst.idx.add.f32.msk vm0, v5  }
0x280: {  	v51 =	vadd.s32 v2, v50;
	v5 =	vld [tilespmem:s24+$0xFFFFFFE0];
	_ =	sdelay $0x3  }
0x281: {  	v52 =	vbroadcast v3, $0x8  }
0x282: {  	[tilespmem:v51+s16+$0x0] =	vst.idx.add.f32.msk vm0, v5  }
0x283: {  	v53 =	vadd.s32 v2, v52;
	v5 =	vld [tilespmem:s24+$0x0];
	_ =	sdelay $0x3  }
0x284: {  	v54 =	vbroadcast v3, $0x9  }
0x285: {  	[tilespmem:v53+s16+$0x0] =	vst.idx.add.f32.msk vm0, v5  }
0x286: {  	v55 =	vadd.s32 v2, v54;
	v5 =	vld [tilespmem:s24+$0x20];
	_ =	sdelay $0x3  }
0x287: {  	v56 =	vbroadcast v3, $0xA  }
0x288: {  	[tilespmem:v55+s16+$0x0] =	vst.idx.add.f32.msk vm0, v5  }
0x289: {  	v57 =	vadd.s32 v2, v56;
	v5 =	vld [tilespmem:s24+$0x40];
	_ =	sdelay $0x3  }
0x28a: {  	v58 =	vbroadcast v3, $0xB  }
0x28b: {  	[tilespmem:v57+s16+$0x0] =	vst.idx.add.f32.msk vm0, v5  }
0x28c: {  	v59 =	vadd.s32 v2, v58;
	v5 =	vld [tilespmem:s24+$0x60];
	_ =	sdelay $0x3  }
0x28d: {  	v60 =	vbroadcast v3, $0xC  }
0x28e: {  	[tilespmem:v59+s16+$0x0] =	vst.idx.add.f32.msk vm0, v5  }
0x28f: {  	v61 =	vadd.s32 v2, v60;
	v5 =	vld [tilespmem:s24+$0x80];
	_ =	sdelay $0x1  }
0x290: {  	(v2sf) =	vpush v3, $0xF;
	_ =	sdelay $0x1  }
0x291: {  	v62 =	vbroadcast v3, $0xD  }
0x292: {  	[tilespmem:v61+s16+$0x0] =	vst.idx.add.f32.msk vm0, v5  }
0x293: {  	v63 =	vadd.s32 v2, v62;
	v5 =	vld [tilespmem:s24+$0xA0];
	_ =	sdelay $0x3  }
0x294: {  	v3 =	vbroadcast v3, $0xE  }
0x295: {  	[tilespmem:v63+s16+$0x0] =	vst.idx.add.f32.msk vm0, v5  }
0x296: {  	v3 =	vadd.s32 v2, v3;
	v4 =	vld [tilespmem:s24+$0xC0];
	_ =	sdelay $0x4  }
0x297: {  	s23 =	sadd.s32 $0x1, s23;
	s31 =	spop (v2sf);
	[tilespmem:v3+s16+$0x0] =	vst.idx.add.f32.msk vm0, v4  }
0x298: {  	p0 =	sne.s32 s23, $0x10;
	v3 =	vadd.s32 s31, v2;
	v4 =	vld [tilespmem:s24+$0xE0]  }
.Ltmp7:
0x299: {  	_ = 	snop;
	(pc) =	sbr.rel @p0 .LBB2_12-.Ltmp7, $2  }
0x29a: {  	_ =	sdelay $0x2  }
0x29b: {  	s21 =	sadd.s32 $0x280, s21;
	s22 =	sadd.s32 $0x280, s22;
	[tilespmem:v3+s16+$0x0] =	vst.idx.add.f32.msk vm0, v4  }
0x29c: {  	[hbm4b:s8+s18] =	stream.strided.scatter [tilespmem:s16], [sflag:$0x3], $0x14000, s19, s18, $0x38;
	[tilespmem:$0x1B800] =	vst v63  }
0x29d: {  	_ =	swait.ge [sflag:s12], $0x14000  }
0x29e: {  	[sflag:s12] =	ssyncset.done $0x0  }
0x29f: {  	s21 =	simm.s32 $0x0;
	s22 =	simm.s32 $0x0;
	[sflag:s12] =	ssyncadd.s32 $0xFFFEC000  }
.LBB2_18:
0x2a0: {  	p0 =	sne.s32 s22, $0x4FF00  }
.Ltmp8:
0x2a1: {  	s23 =	sshra.s32 s22, $0x2;
	(pc) =	sbr.rel @p0 .LBB2_18-.Ltmp8, $4  }
0x2a2: {  	[tilespmem:s23+$0x7800] =	vst v1  }
0x2a3: {  	[tilespmem:s23+$0x7810] =	vst v1  }
0x2a4: {  	[tilespmem:s23+$0x7820] =	vst v1  }
0x2a5: {  	s22 =	sadd.s32 $0x100, s22;
	[tilespmem:s23+$0x7830] =	vst v1  }
0x2a6: {  	s22 =	simm.s32 $0x140;
	s23 =	simm.s32 $0x0  }
.LBB2_20:
0x2a7: {  	s24 =	smul.u32 $0xA0, s23;
	_ =	sdelay $0x1  }
0x2a8: {  	s24 =	sadd.s32 s5, s24  }
0x2a9: {  	s24 =	sshll.u32 s24, $0x4  }
0x2aa: {  	s26 =	simm.s32 $0x0;
	s25 =	sadd.s32 s3, s24  }
0x2ab: {  	[tilespmem:s13], [sflag:$0x1] =	stream.linear.gather [hbm4b:s25+s26], $0x2800, $0x38;
	[tilespmem:$0x1B800] =	vst v63  }
0x2ac: {  	s24 =	sadd.s32 s24, s6  }
0x2ad: {  	[tilespmem:s14], [sflag:$0x2] =	stream.linear.gather [hbm4b:s24+s26], $0x2800, $0x38;
	[tilespmem:$0x1B800] =	vst v63  }
0x2ae: {  	s25 =	sadd.s32 $0x0, s21;
	_ =	swait.ge [sflag:s15], $0x2800  }
0x2af: {  	s24 =	sand.u32 $0x7F80, s25;
	s26 =	sand.u32 $0x70, s26;
	[sflag:s15] =	ssyncset.done $0x0  }
0x2b0: {  	s24 =	sor.u32 s26, s24;
	[sflag:s15] =	ssyncadd.s32 $0xFFFFD800  }
0x2b1: {  	v3 =	vld [tilespmem:s24+$0x0];
	_ =	sdelay $0x4  }
0x2b2: {  	v3 =	vshll.u32 v3, $0x3  }
0x2b3: {  	v4 =	vbroadcast v3, $0x0  }
0x2b4: {  	s24 =	simm.s32 $0x2910  }
0x2b5: {  	v5 =	vld [tilespmem:s24+$0xFFFFFF00];
	v4 =	vadd.s32 v0, v4;
	_ =	sdelay $0x3  }
0x2b6: {  	v6 =	vbroadcast v3, $0x1  }
0x2b7: {  	[tilespmem:v4+s16+$0x0] =	vst.idx.add.f32.msk $0xff, v5  }
0x2b8: {  	v4 =	vadd.s32 v0, v6;
	v5 =	vld [tilespmem:s24+$0xFFFFFF20];
	_ =	sdelay $0x3  }
0x2b9: {  	v6 =	vbroadcast v3, $0x2  }
0x2ba: {  	[tilespmem:v4+s16+$0x0] =	vst.idx.add.f32.msk $0xff, v5  }
0x2bb: {  	v4 =	vadd.s32 v0, v6;
	v5 =	vld [tilespmem:s24+$0xFFFFFF40];
	_ =	sdelay $0x3  }
0x2bc: {  	v6 =	vbroadcast v3, $0x3  }
0x2bd: {  	[tilespmem:v4+s16+$0x0] =	vst.idx.add.f32.msk $0xff, v5  }
0x2be: {  	v4 =	vadd.s32 v0, v6;
	v5 =	vld [tilespmem:s24+$0xFFFFFF60];
	_ =	sdelay $0x3  }
0x2bf: {  	v6 =	vbroadcast v3, $0x4  }
0x2c0: {  	[tilespmem:v4+s16+$0x0] =	vst.idx.add.f32.msk $0xff, v5  }
0x2c1: {  	v4 =	vadd.s32 v0, v6;
	v5 =	vld [tilespmem:s24+$0xFFFFFF80];
	_ =	sdelay $0x3  }
0x2c2: {  	v6 =	vbroadcast v3, $0x5  }
0x2c3: {  	[tilespmem:v4+s16+$0x0] =	vst.idx.add.f32.msk $0xff, v5  }
0x2c4: {  	v4 =	vadd.s32 v0, v6;
	v5 =	vld [tilespmem:s24+$0xFFFFFFA0];
	_ =	sdelay $0x3  }
0x2c5: {  	v6 =	vbroadcast v3, $0x6  }
0x2c6: {  	[tilespmem:v4+s16+$0x0] =	vst.idx.add.f32.msk $0xff, v5  }
0x2c7: {  	v4 =	vadd.s32 v0, v6;
	v5 =	vld [tilespmem:s24+$0xFFFFFFC0];
	_ =	sdelay $0x3  }
0x2c8: {  	v6 =	vbroadcast v3, $0x7  }
0x2c9: {  	[tilespmem:v4+s16+$0x0] =	vst.idx.add.f32.msk $0xff, v5  }
0x2ca: {  	v4 =	vadd.s32 v0, v6;
	v5 =	vld [tilespmem:s24+$0xFFFFFFE0];
	_ =	sdelay $0x3  }
0x2cb: {  	v6 =	vbroadcast v3, $0x8  }
0x2cc: {  	[tilespmem:v4+s16+$0x0] =	vst.idx.add.f32.msk $0xff, v5  }
0x2cd: {  	v4 =	vadd.s32 v0, v6;
	v5 =	vld [tilespmem:s24+$0x0];
	_ =	sdelay $0x3  }
0x2ce: {  	v6 =	vbroadcast v3, $0x9  }
0x2cf: {  	[tilespmem:v4+s16+$0x0] =	vst.idx.add.f32.msk $0xff, v5  }
0x2d0: {  	v4 =	vadd.s32 v0, v6;
	v5 =	vld [tilespmem:s24+$0x20];
	_ =	sdelay $0x3  }
0x2d1: {  	v6 =	vbroadcast v3, $0xA  }
0x2d2: {  	[tilespmem:v4+s16+$0x0] =	vst.idx.add.f32.msk $0xff, v5  }
0x2d3: {  	v4 =	vadd.s32 v0, v6;
	v5 =	vld [tilespmem:s24+$0x40];
	_ =	sdelay $0x3  }
0x2d4: {  	v6 =	vbroadcast v3, $0xB  }
0x2d5: {  	[tilespmem:v4+s16+$0x0] =	vst.idx.add.f32.msk $0xff, v5  }
0x2d6: {  	v4 =	vadd.s32 v0, v6;
	v5 =	vld [tilespmem:s24+$0x60];
	_ =	sdelay $0x3  }
0x2d7: {  	v6 =	vbroadcast v3, $0xC  }
0x2d8: {  	[tilespmem:v4+s16+$0x0] =	vst.idx.add.f32.msk $0xff, v5  }
0x2d9: {  	v4 =	vadd.s32 v0, v6;
	v5 =	vld [tilespmem:s24+$0x80];
	_ =	sdelay $0x1  }
0x2da: {  	(v2sf) =	vpush v3, $0xF;
	_ =	sdelay $0x1  }
0x2db: {  	v6 =	vbroadcast v3, $0xD  }
0x2dc: {  	[tilespmem:v4+s16+$0x0] =	vst.idx.add.f32.msk $0xff, v5  }
0x2dd: {  	v4 =	vadd.s32 v0, v6;
	v5 =	vld [tilespmem:s24+$0xA0];
	_ =	sdelay $0x3  }
0x2de: {  	v3 =	vbroadcast v3, $0xE  }
0x2df: {  	[tilespmem:v4+s16+$0x0] =	vst.idx.add.f32.msk $0xff, v5  }
0x2e0: {  	v3 =	vadd.s32 v0, v3;
	v4 =	vld [tilespmem:s24+$0xC0];
	_ =	sdelay $0x4  }
0x2e1: {  	s31 =	spop (v2sf);
	[tilespmem:v3+s16+$0x0] =	vst.idx.add.f32.msk $0xff, v4  }
0x2e2: {  	v3 =	vadd.s32 s31, v0;
	v4 =	vld [tilespmem:s24+$0xE0];
	_ =	sdelay $0x1  }
0x2e3: {  	s30 =	simm.s32 $0x10;
	s29 =	sadd.s32 $0x10, s21  }
0x2e4: {  	s28 =	simm.s32 $0x20;
	s29 =	sand.u32 $0x7F80, s29;
	s25 =	sand.u32 $0x70, s30  }
.LBB2_21:
0x2e5: {  	s29 =	sor.u32 s25, s29  }
0x2e6: {  	[tilespmem:v3+s16+$0x0] =	vst.idx.add.f32.msk $0xff, v4;
	s24 =	sadd.s32 $0x200, s24;
	s25 =	smov.u32 s28;
	s26 =	sadd.s32 $0x10, s28  }
0x2e7: {  	p0 =	sne.s32 s28, $0x130;
	v3 =	vld [tilespmem:s29+$0x0];
	_ =	sdelay $0x4  }
0x2e8: {  	v3 =	vshll.u32 v3, $0x3  }
0x2e9: {  	v4 =	vbroadcast v3, $0x0;
	v5 =	vbroadcast v3, $0x1;
	(v2sf) =	vpush v3, $0xF  }
0x2ea: {  	v6 =	vbroadcast v3, $0x2;
	v7 =	vbroadcast v3, $0x3  }
0x2eb: {  	v9 =	vbroadcast v3, $0x4;
	v10 =	vbroadcast v3, $0x5;
	v4 =	vadd.s32 v0, v4;
	v8 =	vld [tilespmem:s24+$0xFFFFFF00]  }
0x2ec: {  	v11 =	vbroadcast v3, $0x6;
	v12 =	vbroadcast v3, $0x7  }
0x2ed: {  	v13 =	vbroadcast v3, $0x8;
	v14 =	vbroadcast v3, $0x9  }
0x2ee: {  	v15 =	vbroadcast v3, $0xA;
	v16 =	vbroadcast v3, $0xB  }
0x2ef: {  	v17 =	vbroadcast v3, $0xC;
	v18 =	vbroadcast v3, $0xD  }
0x2f0: {  	v3 =	vbroadcast v3, $0xE;
	[tilespmem:v4+s16+$0x0] =	vst.idx.add.f32.msk $0xff, v8  }
0x2f1: {  	v4 =	vadd.s32 v0, v5;
	v5 =	vld [tilespmem:s24+$0xFFFFFF20];
	_ =	sdelay $0x4  }
0x2f2: {  	[tilespmem:v4+s16+$0x0] =	vst.idx.add.f32.msk $0xff, v5  }
0x2f3: {  	v4 =	vadd.s32 v0, v6;
	v5 =	vld [tilespmem:s24+$0xFFFFFF40]  }
0x2f4: {  	s28 =	spop (v2sf);
	_ =	sdelay $0x3  }
0x2f5: {  	[tilespmem:v4+s16+$0x0] =	vst.idx.add.f32.msk $0xff, v5  }
0x2f6: {  	v4 =	vadd.s32 v0, v7;
	v5 =	vld [tilespmem:s24+$0xFFFFFF60];
	_ =	sdelay $0x4  }
0x2f7: {  	[tilespmem:v4+s16+$0x0] =	vst.idx.add.f32.msk $0xff, v5  }
0x2f8: {  	v4 =	vadd.s32 v0, v9;
	v5 =	vld [tilespmem:s24+$0xFFFFFF80];
	_ =	sdelay $0x4  }
0x2f9: {  	[tilespmem:v4+s16+$0x0] =	vst.idx.add.f32.msk $0xff, v5  }
0x2fa: {  	v4 =	vadd.s32 v0, v10;
	v5 =	vld [tilespmem:s24+$0xFFFFFFA0];
	_ =	sdelay $0x4  }
0x2fb: {  	[tilespmem:v4+s16+$0x0] =	vst.idx.add.f32.msk $0xff, v5  }
0x2fc: {  	v4 =	vadd.s32 v0, v11;
	v5 =	vld [tilespmem:s24+$0xFFFFFFC0];
	_ =	sdelay $0x4  }
0x2fd: {  	[tilespmem:v4+s16+$0x0] =	vst.idx.add.f32.msk $0xff, v5  }
0x2fe: {  	v4 =	vadd.s32 v0, v12;
	v5 =	vld [tilespmem:s24+$0xFFFFFFE0];
	_ =	sdelay $0x4  }
0x2ff: {  	[tilespmem:v4+s16+$0x0] =	vst.idx.add.f32.msk $0xff, v5  }
0x300: {  	v4 =	vadd.s32 v0, v13;
	v5 =	vld [tilespmem:s24+$0x0];
	_ =	sdelay $0x4  }
0x301: {  	[tilespmem:v4+s16+$0x0] =	vst.idx.add.f32.msk $0xff, v5  }
0x302: {  	v4 =	vadd.s32 v0, v14;
	v5 =	vld [tilespmem:s24+$0x20];
	_ =	sdelay $0x4  }
0x303: {  	[tilespmem:v4+s16+$0x0] =	vst.idx.add.f32.msk $0xff, v5  }
0x304: {  	v4 =	vadd.s32 v0, v15;
	v5 =	vld [tilespmem:s24+$0x40];
	_ =	sdelay $0x4  }
0x305: {  	[tilespmem:v4+s16+$0x0] =	vst.idx.add.f32.msk $0xff, v5  }
0x306: {  	v4 =	vadd.s32 v0, v16;
	v5 =	vld [tilespmem:s24+$0x60];
	_ =	sdelay $0x4  }
0x307: {  	[tilespmem:v4+s16+$0x0] =	vst.idx.add.f32.msk $0xff, v5  }
0x308: {  	v4 =	vadd.s32 v0, v17;
	v5 =	vld [tilespmem:s24+$0x80];
	_ =	sdelay $0x4  }
0x309: {  	[tilespmem:v4+s16+$0x0] =	vst.idx.add.f32.msk $0xff, v5  }
0x30a: {  	v4 =	vadd.s32 v0, v18;
	v5 =	vld [tilespmem:s24+$0xA0];
	_ =	sdelay $0x4  }
0x30b: {  	[tilespmem:v4+s16+$0x0] =	vst.idx.add.f32.msk $0xff, v5  }
0x30c: {  	v3 =	vadd.s32 v0, v3;
	v4 =	vld [tilespmem:s24+$0xC0];
	_ =	sdelay $0x4  }
0x30d: {  	[tilespmem:v3+s16+$0x0] =	vst.idx.add.f32.msk $0xff, v4  }
.Ltmp9:
0x30e: {  	v3 =	vadd.s32 s28, v0;
	v4 =	vld [tilespmem:s24+$0xE0];
	(pc) =	sbr.rel @p0 .LBB2_21-.Ltmp9, $3  }
0x30f: {  	_ =	sdelay $0x1  }
0x310: {  	s28 =	sadd.s32 s25, s21  }
0x311: {  	s25 =	sand.u32 $0x70, s25;
	s29 =	sand.u32 $0x7F80, s28;
	s28 =	smov.u32 s26  }
0x312: {  	_ =	sdelay $0x3  }
0x313: {  	s25 =	sor.u32 s25, s29;
	[tilespmem:v3+s16+$0x0] =	vst.idx.add.f32.msk $0xff, v4  }
0x314: {  	v3 =	vld [tilespmem:s25+$0x0];
	_ =	sdelay $0x4  }
0x315: {  	v3 =	vshll.u32 v3, $0x3  }
0x316: {  	v4 =	vbroadcast v3, $0x0  }
0x317: {  	s24 =	sadd.s32 $0x200, s24  }
0x318: {  	v5 =	vld [tilespmem:s24+$0xFFFFFF00];
	v4 =	vadd.s32 v0, v4;
	_ =	sdelay $0x3  }
0x319: {  	v6 =	vbroadcast v3, $0x1  }
0x31a: {  	[tilespmem:v4+s16+$0x0] =	vst.idx.add.f32.msk $0xff, v5  }
0x31b: {  	v4 =	vadd.s32 v0, v6;
	v5 =	vld [tilespmem:s24+$0xFFFFFF20];
	_ =	sdelay $0x3  }
0x31c: {  	v6 =	vbroadcast v3, $0x2  }
0x31d: {  	[tilespmem:v4+s16+$0x0] =	vst.idx.add.f32.msk $0xff, v5  }
0x31e: {  	v4 =	vadd.s32 v0, v6;
	v5 =	vld [tilespmem:s24+$0xFFFFFF40];
	_ =	sdelay $0x3  }
0x31f: {  	v6 =	vbroadcast v3, $0x3  }
0x320: {  	[tilespmem:v4+s16+$0x0] =	vst.idx.add.f32.msk $0xff, v5  }
0x321: {  	v4 =	vadd.s32 v0, v6;
	v5 =	vld [tilespmem:s24+$0xFFFFFF60];
	_ =	sdelay $0x3  }
0x322: {  	v6 =	vbroadcast v3, $0x4  }
0x323: {  	[tilespmem:v4+s16+$0x0] =	vst.idx.add.f32.msk $0xff, v5  }
0x324: {  	v4 =	vadd.s32 v0, v6;
	v5 =	vld [tilespmem:s24+$0xFFFFFF80];
	_ =	sdelay $0x3  }
0x325: {  	v6 =	vbroadcast v3, $0x5  }
0x326: {  	[tilespmem:v4+s16+$0x0] =	vst.idx.add.f32.msk $0xff, v5  }
0x327: {  	v4 =	vadd.s32 v0, v6;
	v5 =	vld [tilespmem:s24+$0xFFFFFFA0];
	_ =	sdelay $0x3  }
0x328: {  	v6 =	vbroadcast v3, $0x6  }
0x329: {  	[tilespmem:v4+s16+$0x0] =	vst.idx.add.f32.msk $0xff, v5  }
0x32a: {  	v4 =	vadd.s32 v0, v6;
	v5 =	vld [tilespmem:s24+$0xFFFFFFC0];
	_ =	sdelay $0x3  }
0x32b: {  	v6 =	vbroadcast v3, $0x7  }
0x32c: {  	[tilespmem:v4+s16+$0x0] =	vst.idx.add.f32.msk $0xff, v5  }
0x32d: {  	v4 =	vadd.s32 v0, v6;
	v5 =	vld [tilespmem:s24+$0xFFFFFFE0];
	_ =	sdelay $0x3  }
0x32e: {  	v6 =	vbroadcast v3, $0x8  }
0x32f: {  	[tilespmem:v4+s16+$0x0] =	vst.idx.add.f32.msk $0xff, v5  }
0x330: {  	v4 =	vadd.s32 v0, v6;
	v5 =	vld [tilespmem:s24+$0x0];
	_ =	sdelay $0x3  }
0x331: {  	v6 =	vbroadcast v3, $0x9  }
0x332: {  	[tilespmem:v4+s16+$0x0] =	vst.idx.add.f32.msk $0xff, v5  }
0x333: {  	v4 =	vadd.s32 v0, v6;
	v5 =	vld [tilespmem:s24+$0x20];
	_ =	sdelay $0x3  }
0x334: {  	v6 =	vbroadcast v3, $0xA  }
0x335: {  	[tilespmem:v4+s16+$0x0] =	vst.idx.add.f32.msk $0xff, v5  }
0x336: {  	v4 =	vadd.s32 v0, v6;
	v5 =	vld [tilespmem:s24+$0x40];
	_ =	sdelay $0x3  }
0x337: {  	v6 =	vbroadcast v3, $0xB  }
0x338: {  	[tilespmem:v4+s16+$0x0] =	vst.idx.add.f32.msk $0xff, v5  }
0x339: {  	v4 =	vadd.s32 v0, v6;
	v5 =	vld [tilespmem:s24+$0x60];
	_ =	sdelay $0x3  }
0x33a: {  	v6 =	vbroadcast v3, $0xC  }
0x33b: {  	[tilespmem:v4+s16+$0x0] =	vst.idx.add.f32.msk $0xff, v5  }
0x33c: {  	v4 =	vadd.s32 v0, v6;
	v5 =	vld [tilespmem:s24+$0x80];
	_ =	sdelay $0x1  }
0x33d: {  	(v2sf) =	vpush v3, $0xF;
	_ =	sdelay $0x1  }
0x33e: {  	v6 =	vbroadcast v3, $0xD  }
0x33f: {  	[tilespmem:v4+s16+$0x0] =	vst.idx.add.f32.msk $0xff, v5  }
0x340: {  	v4 =	vadd.s32 v0, v6;
	v5 =	vld [tilespmem:s24+$0xA0];
	_ =	sdelay $0x3  }
0x341: {  	v3 =	vbroadcast v3, $0xE  }
0x342: {  	[tilespmem:v4+s16+$0x0] =	vst.idx.add.f32.msk $0xff, v5  }
0x343: {  	v3 =	vadd.s32 v0, v3;
	v4 =	vld [tilespmem:s24+$0xC0];
	_ =	sdelay $0x4  }
0x344: {  	s30 =	spop (v2sf);
	[tilespmem:v3+s16+$0x0] =	vst.idx.add.f32.msk $0xff, v4  }
0x345: {  	v4 =	vadd.s32 s30, v0;
	v5 =	vld [tilespmem:s24+$0xE0];
	_ =	sdelay $0x3  }
0x346: {  	v3 =	vmov s22  }
0x347: {  	[tilespmem:v4+s16+$0x0] =	vst.idx.add.f32.msk $0xff, v5  }
0x348: {  	_ =	swait.ge [sflag:s17], $0x2800  }
0x349: {  	[sflag:s17] =	ssyncset.done $0x0  }
0x34a: {  	s31 =	simm.s32 $0x0;
	[sflag:s17] =	ssyncadd.s32 $0xFFFFD800  }
0x34b: {  	v4 =	vld.idx.msk [tilespmem:v3+s31+$0x0 ss:$0x1], $0xffff;
	_ =	sdelay $0x4  }
0x34c: {  	v4 =	vshll.u32 v4, $0x3  }
0x34d: {  	v5 =	vbroadcast v4, $0x0  }
0x34e: {  	s24 =	simm.s32 $0x5110  }
0x34f: {  	v6 =	vld [tilespmem:s24+$0xFFFFFF00];
	v5 =	vadd.s32 v0, v5;
	_ =	sdelay $0x3  }
0x350: {  	v7 =	vbroadcast v4, $0x1  }
0x351: {  	[tilespmem:v5+s16+$0x0] =	vst.idx.add.f32.msk $0xff, v6  }
0x352: {  	v5 =	vadd.s32 v0, v7;
	v6 =	vld [tilespmem:s24+$0xFFFFFF20];
	_ =	sdelay $0x3  }
0x353: {  	v7 =	vbroadcast v4, $0x2  }
0x354: {  	[tilespmem:v5+s16+$0x0] =	vst.idx.add.f32.msk $0xff, v6  }
0x355: {  	v5 =	vadd.s32 v0, v7;
	v6 =	vld [tilespmem:s24+$0xFFFFFF40];
	_ =	sdelay $0x3  }
0x356: {  	v7 =	vbroadcast v4, $0x3  }
0x357: {  	[tilespmem:v5+s16+$0x0] =	vst.idx.add.f32.msk $0xff, v6  }
0x358: {  	v5 =	vadd.s32 v0, v7;
	v6 =	vld [tilespmem:s24+$0xFFFFFF60];
	_ =	sdelay $0x3  }
0x359: {  	v7 =	vbroadcast v4, $0x4  }
0x35a: {  	[tilespmem:v5+s16+$0x0] =	vst.idx.add.f32.msk $0xff, v6  }
0x35b: {  	v5 =	vadd.s32 v0, v7;
	v6 =	vld [tilespmem:s24+$0xFFFFFF80];
	_ =	sdelay $0x3  }
0x35c: {  	v7 =	vbroadcast v4, $0x5  }
0x35d: {  	[tilespmem:v5+s16+$0x0] =	vst.idx.add.f32.msk $0xff, v6  }
0x35e: {  	v5 =	vadd.s32 v0, v7;
	v6 =	vld [tilespmem:s24+$0xFFFFFFA0];
	_ =	sdelay $0x3  }
0x35f: {  	v7 =	vbroadcast v4, $0x6  }
0x360: {  	[tilespmem:v5+s16+$0x0] =	vst.idx.add.f32.msk $0xff, v6  }
0x361: {  	v5 =	vadd.s32 v0, v7;
	v6 =	vld [tilespmem:s24+$0xFFFFFFC0];
	_ =	sdelay $0x3  }
0x362: {  	v7 =	vbroadcast v4, $0x7  }
0x363: {  	[tilespmem:v5+s16+$0x0] =	vst.idx.add.f32.msk $0xff, v6  }
0x364: {  	v5 =	vadd.s32 v0, v7;
	v6 =	vld [tilespmem:s24+$0xFFFFFFE0];
	_ =	sdelay $0x3  }
0x365: {  	v7 =	vbroadcast v4, $0x8  }
0x366: {  	[tilespmem:v5+s16+$0x0] =	vst.idx.add.f32.msk $0xff, v6  }
0x367: {  	v5 =	vadd.s32 v0, v7;
	v6 =	vld [tilespmem:s24+$0x0];
	_ =	sdelay $0x3  }
0x368: {  	v7 =	vbroadcast v4, $0x9  }
0x369: {  	[tilespmem:v5+s16+$0x0] =	vst.idx.add.f32.msk $0xff, v6  }
0x36a: {  	v5 =	vadd.s32 v0, v7;
	v6 =	vld [tilespmem:s24+$0x20];
	_ =	sdelay $0x3  }
0x36b: {  	v7 =	vbroadcast v4, $0xA  }
0x36c: {  	[tilespmem:v5+s16+$0x0] =	vst.idx.add.f32.msk $0xff, v6  }
0x36d: {  	v5 =	vadd.s32 v0, v7;
	v6 =	vld [tilespmem:s24+$0x40];
	_ =	sdelay $0x3  }
0x36e: {  	v7 =	vbroadcast v4, $0xB  }
0x36f: {  	[tilespmem:v5+s16+$0x0] =	vst.idx.add.f32.msk $0xff, v6  }
0x370: {  	v5 =	vadd.s32 v0, v7;
	v6 =	vld [tilespmem:s24+$0x60];
	_ =	sdelay $0x3  }
0x371: {  	v7 =	vbroadcast v4, $0xC  }
0x372: {  	[tilespmem:v5+s16+$0x0] =	vst.idx.add.f32.msk $0xff, v6  }
0x373: {  	v5 =	vadd.s32 v0, v7;
	v6 =	vld [tilespmem:s24+$0x80];
	_ =	sdelay $0x1  }
0x374: {  	(v2sf) =	vpush v4, $0xF;
	_ =	sdelay $0x1  }
0x375: {  	v7 =	vbroadcast v4, $0xD  }
0x376: {  	[tilespmem:v5+s16+$0x0] =	vst.idx.add.f32.msk $0xff, v6  }
0x377: {  	v5 =	vadd.s32 v0, v7;
	v6 =	vld [tilespmem:s24+$0xA0];
	_ =	sdelay $0x3  }
0x378: {  	v4 =	vbroadcast v4, $0xE  }
0x379: {  	[tilespmem:v5+s16+$0x0] =	vst.idx.add.f32.msk $0xff, v6  }
0x37a: {  	v4 =	vadd.s32 v0, v4;
	v5 =	vld [tilespmem:s24+$0xC0];
	_ =	sdelay $0x4  }
0x37b: {  	s26 =	spop (v2sf);
	[tilespmem:v4+s16+$0x0] =	vst.idx.add.f32.msk $0xff, v5  }
0x37c: {  	s28 =	simm.s32 $0x80;
	s25 =	simm.s32 $0x40;
	v4 =	vadd.s32 s26, v0;
	v5 =	vld [tilespmem:s24+$0xE0]  }
.LBB2_23:
0x37d: {  	_ =	sdelay $0x2  }
0x37e: {  	s29 =	sshra.s32 s25, $0x2  }
0x37f: {  	s24 =	sadd.s32 $0x200, s24;
	s25 =	smov.u32 s28;
	s26 =	sadd.s32 $0x40, s28;
	[tilespmem:v4+s16+$0x0] =	vst.idx.add.f32.msk $0xff, v5  }
0x380: {  	p0 =	sne.s32 s28, $0x4C0;
	v4 =	vld.idx.msk [tilespmem:v3+s29+$0x0 ss:$0x1], $0xffff;
	_ =	sdelay $0x5  }
0x381: {  	v4 =	vshll.u32 v4, $0x3  }
0x382: {  	v5 =	vbroadcast v4, $0x0;
	v6 =	vbroadcast v4, $0x1;
	(v2sf) =	vpush v4, $0xF  }
0x383: {  	v7 =	vbroadcast v4, $0x2;
	v8 =	vbroadcast v4, $0x3  }
0x384: {  	v10 =	vbroadcast v4, $0x4;
	v11 =	vbroadcast v4, $0x5;
	v5 =	vadd.s32 v0, v5;
	v9 =	vld [tilespmem:s24+$0xFFFFFF00]  }
0x385: {  	v12 =	vbroadcast v4, $0x6;
	v13 =	vbroadcast v4, $0x7  }
0x386: {  	v14 =	vbroadcast v4, $0x8;
	v15 =	vbroadcast v4, $0x9  }
0x387: {  	v16 =	vbroadcast v4, $0xA;
	v17 =	vbroadcast v4, $0xB  }
0x388: {  	v18 =	vbroadcast v4, $0xC;
	v19 =	vbroadcast v4, $0xD  }
0x389: {  	v4 =	vbroadcast v4, $0xE;
	[tilespmem:v5+s16+$0x0] =	vst.idx.add.f32.msk $0xff, v9  }
0x38a: {  	v5 =	vadd.s32 v0, v6;
	v6 =	vld [tilespmem:s24+$0xFFFFFF20];
	_ =	sdelay $0x4  }
0x38b: {  	[tilespmem:v5+s16+$0x0] =	vst.idx.add.f32.msk $0xff, v6  }
0x38c: {  	v5 =	vadd.s32 v0, v7;
	v6 =	vld [tilespmem:s24+$0xFFFFFF40]  }
0x38d: {  	s28 =	spop (v2sf);
	_ =	sdelay $0x3  }
0x38e: {  	[tilespmem:v5+s16+$0x0] =	vst.idx.add.f32.msk $0xff, v6  }
0x38f: {  	v5 =	vadd.s32 v0, v8;
	v6 =	vld [tilespmem:s24+$0xFFFFFF60];
	_ =	sdelay $0x4  }
0x390: {  	[tilespmem:v5+s16+$0x0] =	vst.idx.add.f32.msk $0xff, v6  }
0x391: {  	v5 =	vadd.s32 v0, v10;
	v6 =	vld [tilespmem:s24+$0xFFFFFF80];
	_ =	sdelay $0x4  }
0x392: {  	[tilespmem:v5+s16+$0x0] =	vst.idx.add.f32.msk $0xff, v6  }
0x393: {  	v5 =	vadd.s32 v0, v11;
	v6 =	vld [tilespmem:s24+$0xFFFFFFA0];
	_ =	sdelay $0x4  }
0x394: {  	[tilespmem:v5+s16+$0x0] =	vst.idx.add.f32.msk $0xff, v6  }
0x395: {  	v5 =	vadd.s32 v0, v12;
	v6 =	vld [tilespmem:s24+$0xFFFFFFC0];
	_ =	sdelay $0x4  }
0x396: {  	[tilespmem:v5+s16+$0x0] =	vst.idx.add.f32.msk $0xff, v6  }
0x397: {  	v5 =	vadd.s32 v0, v13;
	v6 =	vld [tilespmem:s24+$0xFFFFFFE0];
	_ =	sdelay $0x4  }
0x398: {  	[tilespmem:v5+s16+$0x0] =	vst.idx.add.f32.msk $0xff, v6  }
0x399: {  	v5 =	vadd.s32 v0, v14;
	v6 =	vld [tilespmem:s24+$0x0];
	_ =	sdelay $0x4  }
0x39a: {  	[tilespmem:v5+s16+$0x0] =	vst.idx.add.f32.msk $0xff, v6  }
0x39b: {  	v5 =	vadd.s32 v0, v15;
	v6 =	vld [tilespmem:s24+$0x20];
	_ =	sdelay $0x4  }
0x39c: {  	[tilespmem:v5+s16+$0x0] =	vst.idx.add.f32.msk $0xff, v6  }
0x39d: {  	v5 =	vadd.s32 v0, v16;
	v6 =	vld [tilespmem:s24+$0x40];
	_ =	sdelay $0x4  }
0x39e: {  	[tilespmem:v5+s16+$0x0] =	vst.idx.add.f32.msk $0xff, v6  }
0x39f: {  	v5 =	vadd.s32 v0, v17;
	v6 =	vld [tilespmem:s24+$0x60];
	_ =	sdelay $0x4  }
0x3a0: {  	[tilespmem:v5+s16+$0x0] =	vst.idx.add.f32.msk $0xff, v6  }
0x3a1: {  	v5 =	vadd.s32 v0, v18;
	v6 =	vld [tilespmem:s24+$0x80];
	_ =	sdelay $0x4  }
0x3a2: {  	[tilespmem:v5+s16+$0x0] =	vst.idx.add.f32.msk $0xff, v6  }
0x3a3: {  	v5 =	vadd.s32 v0, v19;
	v6 =	vld [tilespmem:s24+$0xA0];
	_ =	sdelay $0x4  }
0x3a4: {  	[tilespmem:v5+s16+$0x0] =	vst.idx.add.f32.msk $0xff, v6  }
0x3a5: {  	v4 =	vadd.s32 v0, v4;
	v5 =	vld [tilespmem:s24+$0xC0];
	_ =	sdelay $0x1  }
.Ltmp10:
0x3a6: {  	(pc) =	sbr.rel @p0 .LBB2_23-.Ltmp10, $3  }
0x3a7: {  	_ =	sdelay $0x1  }
0x3a8: {  	[tilespmem:v4+s16+$0x0] =	vst.idx.add.f32.msk $0xff, v5  }
0x3a9: {  	v4 =	vadd.s32 s28, v0;
	s28 =	smov.u32 s26;
	v5 =	vld [tilespmem:s24+$0xE0]  }
0x3aa: {  	_ =	sdelay $0x3  }
0x3ab: {  	s25 =	sshra.s32 s25, $0x2;
	[tilespmem:v4+s16+$0x0] =	vst.idx.add.f32.msk $0xff, v5  }
0x3ac: {  	v3 =	vld.idx.msk [tilespmem:v3+s25+$0x0 ss:$0x1], $0xffff;
	_ =	sdelay $0x4  }
0x3ad: {  	v3 =	vshll.u32 v3, $0x3  }
0x3ae: {  	v38 =	vbroadcast v3, $0x0  }
0x3af: {  	s24 =	sadd.s32 $0x200, s24  }
0x3b0: {  	v5 =	vld [tilespmem:s24+$0xFFFFFF00];
	v4 =	vadd.s32 v0, v38;
	_ =	sdelay $0x3  }
0x3b1: {  	v6 =	vbroadcast v3, $0x1  }
0x3b2: {  	[tilespmem:v4+s16+$0x0] =	vst.idx.add.f32.msk $0xff, v5  }
0x3b3: {  	v39 =	vadd.s32 v0, v6;
	v5 =	vld [tilespmem:s24+$0xFFFFFF20];
	_ =	sdelay $0x3  }
0x3b4: {  	v40 =	vbroadcast v3, $0x2  }
0x3b5: {  	[tilespmem:v39+s16+$0x0] =	vst.idx.add.f32.msk $0xff, v5  }
0x3b6: {  	v41 =	vadd.s32 v0, v40;
	v5 =	vld [tilespmem:s24+$0xFFFFFF40];
	_ =	sdelay $0x3  }
0x3b7: {  	v42 =	vbroadcast v3, $0x3  }
0x3b8: {  	[tilespmem:v41+s16+$0x0] =	vst.idx.add.f32.msk $0xff, v5  }
0x3b9: {  	v43 =	vadd.s32 v0, v42;
	v5 =	vld [tilespmem:s24+$0xFFFFFF60];
	_ =	sdelay $0x3  }
0x3ba: {  	v44 =	vbroadcast v3, $0x4  }
0x3bb: {  	[tilespmem:v43+s16+$0x0] =	vst.idx.add.f32.msk $0xff, v5  }
0x3bc: {  	v45 =	vadd.s32 v0, v44;
	v5 =	vld [tilespmem:s24+$0xFFFFFF80];
	_ =	sdelay $0x3  }
0x3bd: {  	v46 =	vbroadcast v3, $0x5  }
0x3be: {  	[tilespmem:v45+s16+$0x0] =	vst.idx.add.f32.msk $0xff, v5  }
0x3bf: {  	v47 =	vadd.s32 v0, v46;
	v5 =	vld [tilespmem:s24+$0xFFFFFFA0];
	_ =	sdelay $0x3  }
0x3c0: {  	v48 =	vbroadcast v3, $0x6  }
0x3c1: {  	[tilespmem:v47+s16+$0x0] =	vst.idx.add.f32.msk $0xff, v5  }
0x3c2: {  	v49 =	vadd.s32 v0, v48;
	v5 =	vld [tilespmem:s24+$0xFFFFFFC0];
	_ =	sdelay $0x3  }
0x3c3: {  	v50 =	vbroadcast v3, $0x7  }
0x3c4: {  	[tilespmem:v49+s16+$0x0] =	vst.idx.add.f32.msk $0xff, v5  }
0x3c5: {  	v51 =	vadd.s32 v0, v50;
	v5 =	vld [tilespmem:s24+$0xFFFFFFE0];
	_ =	sdelay $0x3  }
0x3c6: {  	v52 =	vbroadcast v3, $0x8  }
0x3c7: {  	[tilespmem:v51+s16+$0x0] =	vst.idx.add.f32.msk $0xff, v5  }
0x3c8: {  	v53 =	vadd.s32 v0, v52;
	v5 =	vld [tilespmem:s24+$0x0];
	_ =	sdelay $0x3  }
0x3c9: {  	v54 =	vbroadcast v3, $0x9  }
0x3ca: {  	[tilespmem:v53+s16+$0x0] =	vst.idx.add.f32.msk $0xff, v5  }
0x3cb: {  	v55 =	vadd.s32 v0, v54;
	v5 =	vld [tilespmem:s24+$0x20];
	_ =	sdelay $0x3  }
0x3cc: {  	v56 =	vbroadcast v3, $0xA  }
0x3cd: {  	[tilespmem:v55+s16+$0x0] =	vst.idx.add.f32.msk $0xff, v5  }
0x3ce: {  	v57 =	vadd.s32 v0, v56;
	v5 =	vld [tilespmem:s24+$0x40];
	_ =	sdelay $0x3  }
0x3cf: {  	v58 =	vbroadcast v3, $0xB  }
0x3d0: {  	[tilespmem:v57+s16+$0x0] =	vst.idx.add.f32.msk $0xff, v5  }
0x3d1: {  	v59 =	vadd.s32 v0, v58;
	v5 =	vld [tilespmem:s24+$0x60];
	_ =	sdelay $0x3  }
0x3d2: {  	v60 =	vbroadcast v3, $0xC  }
0x3d3: {  	[tilespmem:v59+s16+$0x0] =	vst.idx.add.f32.msk $0xff, v5  }
0x3d4: {  	v61 =	vadd.s32 v0, v60;
	v5 =	vld [tilespmem:s24+$0x80];
	_ =	sdelay $0x1  }
0x3d5: {  	(v2sf) =	vpush v3, $0xF;
	_ =	sdelay $0x1  }
0x3d6: {  	v62 =	vbroadcast v3, $0xD  }
0x3d7: {  	[tilespmem:v61+s16+$0x0] =	vst.idx.add.f32.msk $0xff, v5  }
0x3d8: {  	v63 =	vadd.s32 v0, v62;
	v5 =	vld [tilespmem:s24+$0xA0];
	_ =	sdelay $0x3  }
0x3d9: {  	v3 =	vbroadcast v3, $0xE  }
0x3da: {  	[tilespmem:v63+s16+$0x0] =	vst.idx.add.f32.msk $0xff, v5  }
0x3db: {  	v3 =	vadd.s32 v0, v3;
	v4 =	vld [tilespmem:s24+$0xC0];
	_ =	sdelay $0x4  }
0x3dc: {  	s23 =	sadd.s32 $0x1, s23;
	s31 =	spop (v2sf);
	[tilespmem:v3+s16+$0x0] =	vst.idx.add.f32.msk $0xff, v4  }
0x3dd: {  	p0 =	sne.s32 s23, $0x10;
	v3 =	vadd.s32 s31, v0;
	v4 =	vld [tilespmem:s24+$0xE0]  }
.Ltmp11:
0x3de: {  	_ = 	snop;
	(pc) =	sbr.rel @p0 .LBB2_20-.Ltmp11, $2  }
0x3df: {  	_ =	sdelay $0x2  }
0x3e0: {  	s21 =	sadd.s32 $0x280, s21;
	s22 =	sadd.s32 $0x280, s22;
	[tilespmem:v3+s16+$0x0] =	vst.idx.add.f32.msk $0xff, v4  }
0x3e1: {  	[hbm4b:s9+s18] =	stream.strided.scatter [tilespmem:s16], [sflag:$0x3], $0x14000, s19, s18, $0x38;
	[tilespmem:$0x1B800] =	vst v63  }
0x3e2: {  	_ =	swait.ge [sflag:s12], $0x14000  }
0x3e3: {  	[sflag:s12] =	ssyncset.done $0x0  }
0x3e4: {  	s21 =	simm.s32 $0x0;
	s22 =	simm.s32 $0x0;
	[sflag:s12] =	ssyncadd.s32 $0xFFFEC000  }
.LBB2_26:
0x3e5: {  	p0 =	sne.s32 s22, $0x4FF00  }
.Ltmp12:
0x3e6: {  	s23 =	sshra.s32 s22, $0x2;
	(pc) =	sbr.rel @p0 .LBB2_26-.Ltmp12, $4  }
0x3e7: {  	[tilespmem:s23+$0x7800] =	vst v1  }
0x3e8: {  	[tilespmem:s23+$0x7810] =	vst v1  }
0x3e9: {  	[tilespmem:s23+$0x7820] =	vst v1  }
0x3ea: {  	s22 =	sadd.s32 $0x100, s22;
	[tilespmem:s23+$0x7830] =	vst v1  }
0x3eb: {  	s22 =	simm.s32 $0x140;
	s23 =	simm.s32 $0x0  }
.LBB2_28:
0x3ec: {  	s24 =	smul.u32 $0xA0, s23;
	_ =	sdelay $0x1  }
0x3ed: {  	s24 =	sadd.s32 s5, s24  }
0x3ee: {  	s24 =	sshll.u32 s24, $0x4  }
0x3ef: {  	s26 =	simm.s32 $0x0;
	s25 =	sadd.s32 s3, s24  }
0x3f0: {  	[tilespmem:s13], [sflag:$0x1] =	stream.linear.gather [hbm4b:s25+s26], $0x2800, $0x38;
	[tilespmem:$0x1B800] =	vst v63  }
0x3f1: {  	s24 =	sadd.s32 s24, s6  }
0x3f2: {  	[tilespmem:s14], [sflag:$0x2] =	stream.linear.gather [hbm4b:s24+s26], $0x2800, $0x38;
	[tilespmem:$0x1B800] =	vst v63  }
0x3f3: {  	s25 =	sadd.s32 $0x0, s21;
	_ =	swait.ge [sflag:s15], $0x2800  }
0x3f4: {  	s24 =	sand.u32 $0x7F80, s25;
	s26 =	sand.u32 $0x70, s26;
	[sflag:s15] =	ssyncset.done $0x0  }
0x3f5: {  	s24 =	sor.u32 s26, s24;
	[sflag:s15] =	ssyncadd.s32 $0xFFFFD800  }
0x3f6: {  	v3 =	vld [tilespmem:s24+$0x0];
	_ =	sdelay $0x4  }
0x3f7: {  	v3 =	vshll.u32 v3, $0x3  }
0x3f8: {  	v4 =	vbroadcast v3, $0x0  }
0x3f9: {  	s24 =	simm.s32 $0x2910  }
0x3fa: {  	v5 =	vld [tilespmem:s24+$0xFFFFFF00];
	v4 =	vadd.s32 v2, v4;
	_ =	sdelay $0x3  }
0x3fb: {  	v6 =	vbroadcast v3, $0x1  }
0x3fc: {  	[tilespmem:v4+s16+$0x0] =	vst.idx.add.f32.msk vm0, v5  }
0x3fd: {  	v4 =	vadd.s32 v2, v6;
	v5 =	vld [tilespmem:s24+$0xFFFFFF20];
	_ =	sdelay $0x3  }
0x3fe: {  	v6 =	vbroadcast v3, $0x2  }
0x3ff: {  	[tilespmem:v4+s16+$0x0] =	vst.idx.add.f32.msk vm0, v5  }
0x400: {  	v4 =	vadd.s32 v2, v6;
	v5 =	vld [tilespmem:s24+$0xFFFFFF40];
	_ =	sdelay $0x3  }
0x401: {  	v6 =	vbroadcast v3, $0x3  }
0x402: {  	[tilespmem:v4+s16+$0x0] =	vst.idx.add.f32.msk vm0, v5  }
0x403: {  	v4 =	vadd.s32 v2, v6;
	v5 =	vld [tilespmem:s24+$0xFFFFFF60];
	_ =	sdelay $0x3  }
0x404: {  	v6 =	vbroadcast v3, $0x4  }
0x405: {  	[tilespmem:v4+s16+$0x0] =	vst.idx.add.f32.msk vm0, v5  }
0x406: {  	v4 =	vadd.s32 v2, v6;
	v5 =	vld [tilespmem:s24+$0xFFFFFF80];
	_ =	sdelay $0x3  }
0x407: {  	v6 =	vbroadcast v3, $0x5  }
0x408: {  	[tilespmem:v4+s16+$0x0] =	vst.idx.add.f32.msk vm0, v5  }
0x409: {  	v4 =	vadd.s32 v2, v6;
	v5 =	vld [tilespmem:s24+$0xFFFFFFA0];
	_ =	sdelay $0x3  }
0x40a: {  	v6 =	vbroadcast v3, $0x6  }
0x40b: {  	[tilespmem:v4+s16+$0x0] =	vst.idx.add.f32.msk vm0, v5  }
0x40c: {  	v4 =	vadd.s32 v2, v6;
	v5 =	vld [tilespmem:s24+$0xFFFFFFC0];
	_ =	sdelay $0x3  }
0x40d: {  	v6 =	vbroadcast v3, $0x7  }
0x40e: {  	[tilespmem:v4+s16+$0x0] =	vst.idx.add.f32.msk vm0, v5  }
0x40f: {  	v4 =	vadd.s32 v2, v6;
	v5 =	vld [tilespmem:s24+$0xFFFFFFE0];
	_ =	sdelay $0x3  }
0x410: {  	v6 =	vbroadcast v3, $0x8  }
0x411: {  	[tilespmem:v4+s16+$0x0] =	vst.idx.add.f32.msk vm0, v5  }
0x412: {  	v4 =	vadd.s32 v2, v6;
	v5 =	vld [tilespmem:s24+$0x0];
	_ =	sdelay $0x3  }
0x413: {  	v6 =	vbroadcast v3, $0x9  }
0x414: {  	[tilespmem:v4+s16+$0x0] =	vst.idx.add.f32.msk vm0, v5  }
0x415: {  	v4 =	vadd.s32 v2, v6;
	v5 =	vld [tilespmem:s24+$0x20];
	_ =	sdelay $0x3  }
0x416: {  	v6 =	vbroadcast v3, $0xA  }
0x417: {  	[tilespmem:v4+s16+$0x0] =	vst.idx.add.f32.msk vm0, v5  }
0x418: {  	v4 =	vadd.s32 v2, v6;
	v5 =	vld [tilespmem:s24+$0x40];
	_ =	sdelay $0x3  }
0x419: {  	v6 =	vbroadcast v3, $0xB  }
0x41a: {  	[tilespmem:v4+s16+$0x0] =	vst.idx.add.f32.msk vm0, v5  }
0x41b: {  	v4 =	vadd.s32 v2, v6;
	v5 =	vld [tilespmem:s24+$0x60];
	_ =	sdelay $0x3  }
0x41c: {  	v6 =	vbroadcast v3, $0xC  }
0x41d: {  	[tilespmem:v4+s16+$0x0] =	vst.idx.add.f32.msk vm0, v5  }
0x41e: {  	v4 =	vadd.s32 v2, v6;
	v5 =	vld [tilespmem:s24+$0x80];
	_ =	sdelay $0x1  }
0x41f: {  	(v2sf) =	vpush v3, $0xF;
	_ =	sdelay $0x1  }
0x420: {  	v6 =	vbroadcast v3, $0xD  }
0x421: {  	[tilespmem:v4+s16+$0x0] =	vst.idx.add.f32.msk vm0, v5  }
0x422: {  	v4 =	vadd.s32 v2, v6;
	v5 =	vld [tilespmem:s24+$0xA0];
	_ =	sdelay $0x3  }
0x423: {  	v3 =	vbroadcast v3, $0xE  }
0x424: {  	[tilespmem:v4+s16+$0x0] =	vst.idx.add.f32.msk vm0, v5  }
0x425: {  	v3 =	vadd.s32 v2, v3;
	v4 =	vld [tilespmem:s24+$0xC0];
	_ =	sdelay $0x4  }
0x426: {  	s31 =	spop (v2sf);
	[tilespmem:v3+s16+$0x0] =	vst.idx.add.f32.msk vm0, v4  }
0x427: {  	v3 =	vadd.s32 s31, v2;
	v4 =	vld [tilespmem:s24+$0xE0];
	_ =	sdelay $0x1  }
0x428: {  	s30 =	simm.s32 $0x10;
	s29 =	sadd.s32 $0x10, s21  }
0x429: {  	s28 =	simm.s32 $0x20;
	s29 =	sand.u32 $0x7F80, s29;
	s25 =	sand.u32 $0x70, s30  }
.LBB2_29:
0x42a: {  	s29 =	sor.u32 s25, s29  }
0x42b: {  	[tilespmem:v3+s16+$0x0] =	vst.idx.add.f32.msk vm0, v4;
	s24 =	sadd.s32 $0x200, s24;
	s25 =	smov.u32 s28;
	s26 =	sadd.s32 $0x10, s28  }
0x42c: {  	p0 =	sne.s32 s28, $0x130;
	v3 =	vld [tilespmem:s29+$0x0];
	_ =	sdelay $0x4  }
0x42d: {  	v3 =	vshll.u32 v3, $0x3  }
0x42e: {  	v4 =	vbroadcast v3, $0x0;
	v5 =	vbroadcast v3, $0x1;
	(v2sf) =	vpush v3, $0xF  }
0x42f: {  	v6 =	vbroadcast v3, $0x2;
	v7 =	vbroadcast v3, $0x3  }
0x430: {  	v9 =	vbroadcast v3, $0x4;
	v10 =	vbroadcast v3, $0x5;
	v4 =	vadd.s32 v2, v4;
	v8 =	vld [tilespmem:s24+$0xFFFFFF00]  }
0x431: {  	v11 =	vbroadcast v3, $0x6;
	v12 =	vbroadcast v3, $0x7  }
0x432: {  	v13 =	vbroadcast v3, $0x8;
	v14 =	vbroadcast v3, $0x9  }
0x433: {  	v15 =	vbroadcast v3, $0xA;
	v16 =	vbroadcast v3, $0xB  }
0x434: {  	v17 =	vbroadcast v3, $0xC;
	v18 =	vbroadcast v3, $0xD  }
0x435: {  	v3 =	vbroadcast v3, $0xE;
	[tilespmem:v4+s16+$0x0] =	vst.idx.add.f32.msk vm0, v8  }
0x436: {  	v4 =	vadd.s32 v2, v5;
	v5 =	vld [tilespmem:s24+$0xFFFFFF20];
	_ =	sdelay $0x4  }
0x437: {  	[tilespmem:v4+s16+$0x0] =	vst.idx.add.f32.msk vm0, v5  }
0x438: {  	v4 =	vadd.s32 v2, v6;
	v5 =	vld [tilespmem:s24+$0xFFFFFF40]  }
0x439: {  	s28 =	spop (v2sf);
	_ =	sdelay $0x3  }
0x43a: {  	[tilespmem:v4+s16+$0x0] =	vst.idx.add.f32.msk vm0, v5  }
0x43b: {  	v4 =	vadd.s32 v2, v7;
	v5 =	vld [tilespmem:s24+$0xFFFFFF60];
	_ =	sdelay $0x4  }
0x43c: {  	[tilespmem:v4+s16+$0x0] =	vst.idx.add.f32.msk vm0, v5  }
0x43d: {  	v4 =	vadd.s32 v2, v9;
	v5 =	vld [tilespmem:s24+$0xFFFFFF80];
	_ =	sdelay $0x4  }
0x43e: {  	[tilespmem:v4+s16+$0x0] =	vst.idx.add.f32.msk vm0, v5  }
0x43f: {  	v4 =	vadd.s32 v2, v10;
	v5 =	vld [tilespmem:s24+$0xFFFFFFA0];
	_ =	sdelay $0x4  }
0x440: {  	[tilespmem:v4+s16+$0x0] =	vst.idx.add.f32.msk vm0, v5  }
0x441: {  	v4 =	vadd.s32 v2, v11;
	v5 =	vld [tilespmem:s24+$0xFFFFFFC0];
	_ =	sdelay $0x4  }
0x442: {  	[tilespmem:v4+s16+$0x0] =	vst.idx.add.f32.msk vm0, v5  }
0x443: {  	v4 =	vadd.s32 v2, v12;
	v5 =	vld [tilespmem:s24+$0xFFFFFFE0];
	_ =	sdelay $0x4  }
0x444: {  	[tilespmem:v4+s16+$0x0] =	vst.idx.add.f32.msk vm0, v5  }
0x445: {  	v4 =	vadd.s32 v2, v13;
	v5 =	vld [tilespmem:s24+$0x0];
	_ =	sdelay $0x4  }
0x446: {  	[tilespmem:v4+s16+$0x0] =	vst.idx.add.f32.msk vm0, v5  }
0x447: {  	v4 =	vadd.s32 v2, v14;
	v5 =	vld [tilespmem:s24+$0x20];
	_ =	sdelay $0x4  }
0x448: {  	[tilespmem:v4+s16+$0x0] =	vst.idx.add.f32.msk vm0, v5  }
0x449: {  	v4 =	vadd.s32 v2, v15;
	v5 =	vld [tilespmem:s24+$0x40];
	_ =	sdelay $0x4  }
0x44a: {  	[tilespmem:v4+s16+$0x0] =	vst.idx.add.f32.msk vm0, v5  }
0x44b: {  	v4 =	vadd.s32 v2, v16;
	v5 =	vld [tilespmem:s24+$0x60];
	_ =	sdelay $0x4  }
0x44c: {  	[tilespmem:v4+s16+$0x0] =	vst.idx.add.f32.msk vm0, v5  }
0x44d: {  	v4 =	vadd.s32 v2, v17;
	v5 =	vld [tilespmem:s24+$0x80];
	_ =	sdelay $0x4  }
0x44e: {  	[tilespmem:v4+s16+$0x0] =	vst.idx.add.f32.msk vm0, v5  }
0x44f: {  	v4 =	vadd.s32 v2, v18;
	v5 =	vld [tilespmem:s24+$0xA0];
	_ =	sdelay $0x4  }
0x450: {  	[tilespmem:v4+s16+$0x0] =	vst.idx.add.f32.msk vm0, v5  }
0x451: {  	v3 =	vadd.s32 v2, v3;
	v4 =	vld [tilespmem:s24+$0xC0];
	_ =	sdelay $0x4  }
0x452: {  	[tilespmem:v3+s16+$0x0] =	vst.idx.add.f32.msk vm0, v4  }
.Ltmp13:
0x453: {  	v3 =	vadd.s32 s28, v2;
	v4 =	vld [tilespmem:s24+$0xE0];
	(pc) =	sbr.rel @p0 .LBB2_29-.Ltmp13, $3  }
0x454: {  	_ =	sdelay $0x1  }
0x455: {  	s28 =	sadd.s32 s25, s21  }
0x456: {  	s25 =	sand.u32 $0x70, s25;
	s29 =	sand.u32 $0x7F80, s28;
	s28 =	smov.u32 s26  }
0x457: {  	_ =	sdelay $0x4  }
0x458: {  	s25 =	sor.u32 s25, s29;
	[tilespmem:v3+s16+$0x0] =	vst.idx.add.f32.msk vm0, v4  }
0x459: {  	v3 =	vld [tilespmem:s25+$0x0];
	_ =	sdelay $0x4  }
0x45a: {  	v3 =	vshll.u32 v3, $0x3  }
0x45b: {  	v4 =	vbroadcast v3, $0x0  }
0x45c: {  	s24 =	sadd.s32 $0x200, s24  }
0x45d: {  	v5 =	vld [tilespmem:s24+$0xFFFFFF00];
	v4 =	vadd.s32 v2, v4;
	_ =	sdelay $0x3  }
0x45e: {  	v6 =	vbroadcast v3, $0x1  }
0x45f: {  	[tilespmem:v4+s16+$0x0] =	vst.idx.add.f32.msk vm0, v5  }
0x460: {  	v4 =	vadd.s32 v2, v6;
	v5 =	vld [tilespmem:s24+$0xFFFFFF20];
	_ =	sdelay $0x3  }
0x461: {  	v6 =	vbroadcast v3, $0x2  }
0x462: {  	[tilespmem:v4+s16+$0x0] =	vst.idx.add.f32.msk vm0, v5  }
0x463: {  	v4 =	vadd.s32 v2, v6;
	v5 =	vld [tilespmem:s24+$0xFFFFFF40];
	_ =	sdelay $0x3  }
0x464: {  	v6 =	vbroadcast v3, $0x3  }
0x465: {  	[tilespmem:v4+s16+$0x0] =	vst.idx.add.f32.msk vm0, v5  }
0x466: {  	v4 =	vadd.s32 v2, v6;
	v5 =	vld [tilespmem:s24+$0xFFFFFF60];
	_ =	sdelay $0x3  }
0x467: {  	v6 =	vbroadcast v3, $0x4  }
0x468: {  	[tilespmem:v4+s16+$0x0] =	vst.idx.add.f32.msk vm0, v5  }
0x469: {  	v4 =	vadd.s32 v2, v6;
	v5 =	vld [tilespmem:s24+$0xFFFFFF80];
	_ =	sdelay $0x3  }
0x46a: {  	v6 =	vbroadcast v3, $0x5  }
0x46b: {  	[tilespmem:v4+s16+$0x0] =	vst.idx.add.f32.msk vm0, v5  }
0x46c: {  	v4 =	vadd.s32 v2, v6;
	v5 =	vld [tilespmem:s24+$0xFFFFFFA0];
	_ =	sdelay $0x3  }
0x46d: {  	v6 =	vbroadcast v3, $0x6  }
0x46e: {  	[tilespmem:v4+s16+$0x0] =	vst.idx.add.f32.msk vm0, v5  }
0x46f: {  	v4 =	vadd.s32 v2, v6;
	v5 =	vld [tilespmem:s24+$0xFFFFFFC0];
	_ =	sdelay $0x3  }
0x470: {  	v6 =	vbroadcast v3, $0x7  }
0x471: {  	[tilespmem:v4+s16+$0x0] =	vst.idx.add.f32.msk vm0, v5  }
0x472: {  	v4 =	vadd.s32 v2, v6;
	v5 =	vld [tilespmem:s24+$0xFFFFFFE0];
	_ =	sdelay $0x3  }
0x473: {  	v6 =	vbroadcast v3, $0x8  }
0x474: {  	[tilespmem:v4+s16+$0x0] =	vst.idx.add.f32.msk vm0, v5  }
0x475: {  	v4 =	vadd.s32 v2, v6;
	v5 =	vld [tilespmem:s24+$0x0];
	_ =	sdelay $0x3  }
0x476: {  	v6 =	vbroadcast v3, $0x9  }
0x477: {  	[tilespmem:v4+s16+$0x0] =	vst.idx.add.f32.msk vm0, v5  }
0x478: {  	v4 =	vadd.s32 v2, v6;
	v5 =	vld [tilespmem:s24+$0x20];
	_ =	sdelay $0x3  }
0x479: {  	v6 =	vbroadcast v3, $0xA  }
0x47a: {  	[tilespmem:v4+s16+$0x0] =	vst.idx.add.f32.msk vm0, v5  }
0x47b: {  	v4 =	vadd.s32 v2, v6;
	v5 =	vld [tilespmem:s24+$0x40];
	_ =	sdelay $0x3  }
0x47c: {  	v6 =	vbroadcast v3, $0xB  }
0x47d: {  	[tilespmem:v4+s16+$0x0] =	vst.idx.add.f32.msk vm0, v5  }
0x47e: {  	v4 =	vadd.s32 v2, v6;
	v5 =	vld [tilespmem:s24+$0x60];
	_ =	sdelay $0x3  }
0x47f: {  	v6 =	vbroadcast v3, $0xC  }
0x480: {  	[tilespmem:v4+s16+$0x0] =	vst.idx.add.f32.msk vm0, v5  }
0x481: {  	v4 =	vadd.s32 v2, v6;
	v5 =	vld [tilespmem:s24+$0x80];
	_ =	sdelay $0x1  }
0x482: {  	(v2sf) =	vpush v3, $0xF;
	_ =	sdelay $0x1  }
0x483: {  	v6 =	vbroadcast v3, $0xD  }
0x484: {  	[tilespmem:v4+s16+$0x0] =	vst.idx.add.f32.msk vm0, v5  }
0x485: {  	v4 =	vadd.s32 v2, v6;
	v5 =	vld [tilespmem:s24+$0xA0];
	_ =	sdelay $0x3  }
0x486: {  	v3 =	vbroadcast v3, $0xE  }
0x487: {  	[tilespmem:v4+s16+$0x0] =	vst.idx.add.f32.msk vm0, v5  }
0x488: {  	v3 =	vadd.s32 v2, v3;
	v4 =	vld [tilespmem:s24+$0xC0];
	_ =	sdelay $0x4  }
0x489: {  	s30 =	spop (v2sf);
	[tilespmem:v3+s16+$0x0] =	vst.idx.add.f32.msk vm0, v4  }
0x48a: {  	v4 =	vadd.s32 s30, v2;
	v5 =	vld [tilespmem:s24+$0xE0];
	_ =	sdelay $0x3  }
0x48b: {  	v3 =	vmov s22  }
0x48c: {  	[tilespmem:v4+s16+$0x0] =	vst.idx.add.f32.msk vm0, v5  }
0x48d: {  	_ =	swait.ge [sflag:s17], $0x2800  }
0x48e: {  	[sflag:s17] =	ssyncset.done $0x0  }
0x48f: {  	s31 =	simm.s32 $0x0;
	[sflag:s17] =	ssyncadd.s32 $0xFFFFD800  }
0x490: {  	v4 =	vld.idx.msk [tilespmem:v3+s31+$0x0 ss:$0x1], $0xffff;
	_ =	sdelay $0x4  }
0x491: {  	v4 =	vshll.u32 v4, $0x3  }
0x492: {  	v5 =	vbroadcast v4, $0x0  }
0x493: {  	s24 =	simm.s32 $0x5110  }
0x494: {  	v6 =	vld [tilespmem:s24+$0xFFFFFF00];
	v5 =	vadd.s32 v2, v5;
	_ =	sdelay $0x3  }
0x495: {  	v7 =	vbroadcast v4, $0x1  }
0x496: {  	[tilespmem:v5+s16+$0x0] =	vst.idx.add.f32.msk vm0, v6  }
0x497: {  	v5 =	vadd.s32 v2, v7;
	v6 =	vld [tilespmem:s24+$0xFFFFFF20];
	_ =	sdelay $0x3  }
0x498: {  	v7 =	vbroadcast v4, $0x2  }
0x499: {  	[tilespmem:v5+s16+$0x0] =	vst.idx.add.f32.msk vm0, v6  }
0x49a: {  	v5 =	vadd.s32 v2, v7;
	v6 =	vld [tilespmem:s24+$0xFFFFFF40];
	_ =	sdelay $0x3  }
0x49b: {  	v7 =	vbroadcast v4, $0x3  }
0x49c: {  	[tilespmem:v5+s16+$0x0] =	vst.idx.add.f32.msk vm0, v6  }
0x49d: {  	v5 =	vadd.s32 v2, v7;
	v6 =	vld [tilespmem:s24+$0xFFFFFF60];
	_ =	sdelay $0x3  }
0x49e: {  	v7 =	vbroadcast v4, $0x4  }
0x49f: {  	[tilespmem:v5+s16+$0x0] =	vst.idx.add.f32.msk vm0, v6  }
0x4a0: {  	v5 =	vadd.s32 v2, v7;
	v6 =	vld [tilespmem:s24+$0xFFFFFF80];
	_ =	sdelay $0x3  }
0x4a1: {  	v7 =	vbroadcast v4, $0x5  }
0x4a2: {  	[tilespmem:v5+s16+$0x0] =	vst.idx.add.f32.msk vm0, v6  }
0x4a3: {  	v5 =	vadd.s32 v2, v7;
	v6 =	vld [tilespmem:s24+$0xFFFFFFA0];
	_ =	sdelay $0x3  }
0x4a4: {  	v7 =	vbroadcast v4, $0x6  }
0x4a5: {  	[tilespmem:v5+s16+$0x0] =	vst.idx.add.f32.msk vm0, v6  }
0x4a6: {  	v5 =	vadd.s32 v2, v7;
	v6 =	vld [tilespmem:s24+$0xFFFFFFC0];
	_ =	sdelay $0x3  }
0x4a7: {  	v7 =	vbroadcast v4, $0x7  }
0x4a8: {  	[tilespmem:v5+s16+$0x0] =	vst.idx.add.f32.msk vm0, v6  }
0x4a9: {  	v5 =	vadd.s32 v2, v7;
	v6 =	vld [tilespmem:s24+$0xFFFFFFE0];
	_ =	sdelay $0x3  }
0x4aa: {  	v7 =	vbroadcast v4, $0x8  }
0x4ab: {  	[tilespmem:v5+s16+$0x0] =	vst.idx.add.f32.msk vm0, v6  }
0x4ac: {  	v5 =	vadd.s32 v2, v7;
	v6 =	vld [tilespmem:s24+$0x0];
	_ =	sdelay $0x3  }
0x4ad: {  	v7 =	vbroadcast v4, $0x9  }
0x4ae: {  	[tilespmem:v5+s16+$0x0] =	vst.idx.add.f32.msk vm0, v6  }
0x4af: {  	v5 =	vadd.s32 v2, v7;
	v6 =	vld [tilespmem:s24+$0x20];
	_ =	sdelay $0x3  }
0x4b0: {  	v7 =	vbroadcast v4, $0xA  }
0x4b1: {  	[tilespmem:v5+s16+$0x0] =	vst.idx.add.f32.msk vm0, v6  }
0x4b2: {  	v5 =	vadd.s32 v2, v7;
	v6 =	vld [tilespmem:s24+$0x40];
	_ =	sdelay $0x3  }
0x4b3: {  	v7 =	vbroadcast v4, $0xB  }
0x4b4: {  	[tilespmem:v5+s16+$0x0] =	vst.idx.add.f32.msk vm0, v6  }
0x4b5: {  	v5 =	vadd.s32 v2, v7;
	v6 =	vld [tilespmem:s24+$0x60];
	_ =	sdelay $0x3  }
0x4b6: {  	v7 =	vbroadcast v4, $0xC  }
0x4b7: {  	[tilespmem:v5+s16+$0x0] =	vst.idx.add.f32.msk vm0, v6  }
0x4b8: {  	v5 =	vadd.s32 v2, v7;
	v6 =	vld [tilespmem:s24+$0x80];
	_ =	sdelay $0x1  }
0x4b9: {  	(v2sf) =	vpush v4, $0xF;
	_ =	sdelay $0x1  }
0x4ba: {  	v7 =	vbroadcast v4, $0xD  }
0x4bb: {  	[tilespmem:v5+s16+$0x0] =	vst.idx.add.f32.msk vm0, v6  }
0x4bc: {  	v5 =	vadd.s32 v2, v7;
	v6 =	vld [tilespmem:s24+$0xA0];
	_ =	sdelay $0x3  }
0x4bd: {  	v4 =	vbroadcast v4, $0xE  }
0x4be: {  	[tilespmem:v5+s16+$0x0] =	vst.idx.add.f32.msk vm0, v6  }
0x4bf: {  	v4 =	vadd.s32 v2, v4;
	v5 =	vld [tilespmem:s24+$0xC0];
	_ =	sdelay $0x4  }
0x4c0: {  	s26 =	spop (v2sf);
	[tilespmem:v4+s16+$0x0] =	vst.idx.add.f32.msk vm0, v5  }
0x4c1: {  	s28 =	simm.s32 $0x80;
	s25 =	simm.s32 $0x40;
	v4 =	vadd.s32 s26, v2;
	v5 =	vld [tilespmem:s24+$0xE0]  }
.LBB2_31:
0x4c2: {  	_ =	sdelay $0x2  }
0x4c3: {  	s29 =	sshra.s32 s25, $0x2  }
0x4c4: {  	s24 =	sadd.s32 $0x200, s24;
	s25 =	smov.u32 s28;
	s26 =	sadd.s32 $0x40, s28;
	[tilespmem:v4+s16+$0x0] =	vst.idx.add.f32.msk vm0, v5  }
0x4c5: {  	p0 =	sne.s32 s28, $0x4C0;
	v4 =	vld.idx.msk [tilespmem:v3+s29+$0x0 ss:$0x1], $0xffff;
	_ =	sdelay $0x5  }
0x4c6: {  	v4 =	vshll.u32 v4, $0x3  }
0x4c7: {  	v5 =	vbroadcast v4, $0x0;
	v6 =	vbroadcast v4, $0x1;
	(v2sf) =	vpush v4, $0xF  }
0x4c8: {  	v7 =	vbroadcast v4, $0x2;
	v8 =	vbroadcast v4, $0x3  }
0x4c9: {  	v10 =	vbroadcast v4, $0x4;
	v11 =	vbroadcast v4, $0x5;
	v5 =	vadd.s32 v2, v5;
	v9 =	vld [tilespmem:s24+$0xFFFFFF00]  }
0x4ca: {  	v12 =	vbroadcast v4, $0x6;
	v13 =	vbroadcast v4, $0x7  }
0x4cb: {  	v14 =	vbroadcast v4, $0x8;
	v15 =	vbroadcast v4, $0x9  }
0x4cc: {  	v16 =	vbroadcast v4, $0xA;
	v17 =	vbroadcast v4, $0xB  }
0x4cd: {  	v18 =	vbroadcast v4, $0xC;
	v19 =	vbroadcast v4, $0xD  }
0x4ce: {  	v4 =	vbroadcast v4, $0xE;
	[tilespmem:v5+s16+$0x0] =	vst.idx.add.f32.msk vm0, v9  }
0x4cf: {  	v5 =	vadd.s32 v2, v6;
	v6 =	vld [tilespmem:s24+$0xFFFFFF20];
	_ =	sdelay $0x4  }
0x4d0: {  	[tilespmem:v5+s16+$0x0] =	vst.idx.add.f32.msk vm0, v6  }
0x4d1: {  	v5 =	vadd.s32 v2, v7;
	v6 =	vld [tilespmem:s24+$0xFFFFFF40]  }
0x4d2: {  	s28 =	spop (v2sf);
	_ =	sdelay $0x3  }
0x4d3: {  	[tilespmem:v5+s16+$0x0] =	vst.idx.add.f32.msk vm0, v6  }
0x4d4: {  	v5 =	vadd.s32 v2, v8;
	v6 =	vld [tilespmem:s24+$0xFFFFFF60];
	_ =	sdelay $0x4  }
0x4d5: {  	[tilespmem:v5+s16+$0x0] =	vst.idx.add.f32.msk vm0, v6  }
0x4d6: {  	v5 =	vadd.s32 v2, v10;
	v6 =	vld [tilespmem:s24+$0xFFFFFF80];
	_ =	sdelay $0x4  }
0x4d7: {  	[tilespmem:v5+s16+$0x0] =	vst.idx.add.f32.msk vm0, v6  }
0x4d8: {  	v5 =	vadd.s32 v2, v11;
	v6 =	vld [tilespmem:s24+$0xFFFFFFA0];
	_ =	sdelay $0x4  }
0x4d9: {  	[tilespmem:v5+s16+$0x0] =	vst.idx.add.f32.msk vm0, v6  }
0x4da: {  	v5 =	vadd.s32 v2, v12;
	v6 =	vld [tilespmem:s24+$0xFFFFFFC0];
	_ =	sdelay $0x4  }
0x4db: {  	[tilespmem:v5+s16+$0x0] =	vst.idx.add.f32.msk vm0, v6  }
0x4dc: {  	v5 =	vadd.s32 v2, v13;
	v6 =	vld [tilespmem:s24+$0xFFFFFFE0];
	_ =	sdelay $0x4  }
0x4dd: {  	[tilespmem:v5+s16+$0x0] =	vst.idx.add.f32.msk vm0, v6  }
0x4de: {  	v5 =	vadd.s32 v2, v14;
	v6 =	vld [tilespmem:s24+$0x0];
	_ =	sdelay $0x4  }
0x4df: {  	[tilespmem:v5+s16+$0x0] =	vst.idx.add.f32.msk vm0, v6  }
0x4e0: {  	v5 =	vadd.s32 v2, v15;
	v6 =	vld [tilespmem:s24+$0x20];
	_ =	sdelay $0x4  }
0x4e1: {  	[tilespmem:v5+s16+$0x0] =	vst.idx.add.f32.msk vm0, v6  }
0x4e2: {  	v5 =	vadd.s32 v2, v16;
	v6 =	vld [tilespmem:s24+$0x40];
	_ =	sdelay $0x4  }
0x4e3: {  	[tilespmem:v5+s16+$0x0] =	vst.idx.add.f32.msk vm0, v6  }
0x4e4: {  	v5 =	vadd.s32 v2, v17;
	v6 =	vld [tilespmem:s24+$0x60];
	_ =	sdelay $0x4  }
0x4e5: {  	[tilespmem:v5+s16+$0x0] =	vst.idx.add.f32.msk vm0, v6  }
0x4e6: {  	v5 =	vadd.s32 v2, v18;
	v6 =	vld [tilespmem:s24+$0x80];
	_ =	sdelay $0x4  }
0x4e7: {  	[tilespmem:v5+s16+$0x0] =	vst.idx.add.f32.msk vm0, v6  }
0x4e8: {  	v5 =	vadd.s32 v2, v19;
	v6 =	vld [tilespmem:s24+$0xA0];
	_ =	sdelay $0x4  }
0x4e9: {  	[tilespmem:v5+s16+$0x0] =	vst.idx.add.f32.msk vm0, v6  }
0x4ea: {  	v4 =	vadd.s32 v2, v4;
	v5 =	vld [tilespmem:s24+$0xC0];
	_ =	sdelay $0x1  }
.Ltmp14:
0x4eb: {  	(pc) =	sbr.rel @p0 .LBB2_31-.Ltmp14, $3  }
0x4ec: {  	_ =	sdelay $0x1  }
0x4ed: {  	[tilespmem:v4+s16+$0x0] =	vst.idx.add.f32.msk vm0, v5  }
0x4ee: {  	v4 =	vadd.s32 s28, v2;
	s28 =	smov.u32 s26;
	v5 =	vld [tilespmem:s24+$0xE0]  }
0x4ef: {  	_ =	sdelay $0x4  }
0x4f0: {  	s25 =	sshra.s32 s25, $0x2;
	[tilespmem:v4+s16+$0x0] =	vst.idx.add.f32.msk vm0, v5  }
0x4f1: {  	v3 =	vld.idx.msk [tilespmem:v3+s25+$0x0 ss:$0x1], $0xffff;
	_ =	sdelay $0x4  }
0x4f2: {  	v3 =	vshll.u32 v3, $0x3  }
0x4f3: {  	v38 =	vbroadcast v3, $0x0  }
0x4f4: {  	s24 =	sadd.s32 $0x200, s24  }
0x4f5: {  	v5 =	vld [tilespmem:s24+$0xFFFFFF00];
	v4 =	vadd.s32 v2, v38;
	_ =	sdelay $0x3  }
0x4f6: {  	v6 =	vbroadcast v3, $0x1  }
0x4f7: {  	[tilespmem:v4+s16+$0x0] =	vst.idx.add.f32.msk vm0, v5  }
0x4f8: {  	v39 =	vadd.s32 v2, v6;
	v5 =	vld [tilespmem:s24+$0xFFFFFF20];
	_ =	sdelay $0x3  }
0x4f9: {  	v40 =	vbroadcast v3, $0x2  }
0x4fa: {  	[tilespmem:v39+s16+$0x0] =	vst.idx.add.f32.msk vm0, v5  }
0x4fb: {  	v41 =	vadd.s32 v2, v40;
	v5 =	vld [tilespmem:s24+$0xFFFFFF40];
	_ =	sdelay $0x3  }
0x4fc: {  	v42 =	vbroadcast v3, $0x3  }
0x4fd: {  	[tilespmem:v41+s16+$0x0] =	vst.idx.add.f32.msk vm0, v5  }
0x4fe: {  	v43 =	vadd.s32 v2, v42;
	v5 =	vld [tilespmem:s24+$0xFFFFFF60];
	_ =	sdelay $0x3  }
0x4ff: {  	v44 =	vbroadcast v3, $0x4  }
0x500: {  	[tilespmem:v43+s16+$0x0] =	vst.idx.add.f32.msk vm0, v5  }
0x501: {  	v45 =	vadd.s32 v2, v44;
	v5 =	vld [tilespmem:s24+$0xFFFFFF80];
	_ =	sdelay $0x3  }
0x502: {  	v46 =	vbroadcast v3, $0x5  }
0x503: {  	[tilespmem:v45+s16+$0x0] =	vst.idx.add.f32.msk vm0, v5  }
0x504: {  	v47 =	vadd.s32 v2, v46;
	v5 =	vld [tilespmem:s24+$0xFFFFFFA0];
	_ =	sdelay $0x3  }
0x505: {  	v48 =	vbroadcast v3, $0x6  }
0x506: {  	[tilespmem:v47+s16+$0x0] =	vst.idx.add.f32.msk vm0, v5  }
0x507: {  	v49 =	vadd.s32 v2, v48;
	v5 =	vld [tilespmem:s24+$0xFFFFFFC0];
	_ =	sdelay $0x3  }
0x508: {  	v50 =	vbroadcast v3, $0x7  }
0x509: {  	[tilespmem:v49+s16+$0x0] =	vst.idx.add.f32.msk vm0, v5  }
0x50a: {  	v51 =	vadd.s32 v2, v50;
	v5 =	vld [tilespmem:s24+$0xFFFFFFE0];
	_ =	sdelay $0x3  }
0x50b: {  	v52 =	vbroadcast v3, $0x8  }
0x50c: {  	[tilespmem:v51+s16+$0x0] =	vst.idx.add.f32.msk vm0, v5  }
0x50d: {  	v53 =	vadd.s32 v2, v52;
	v5 =	vld [tilespmem:s24+$0x0];
	_ =	sdelay $0x3  }
0x50e: {  	v54 =	vbroadcast v3, $0x9  }
0x50f: {  	[tilespmem:v53+s16+$0x0] =	vst.idx.add.f32.msk vm0, v5  }
0x510: {  	v55 =	vadd.s32 v2, v54;
	v5 =	vld [tilespmem:s24+$0x20];
	_ =	sdelay $0x3  }
0x511: {  	v56 =	vbroadcast v3, $0xA  }
0x512: {  	[tilespmem:v55+s16+$0x0] =	vst.idx.add.f32.msk vm0, v5  }
0x513: {  	v57 =	vadd.s32 v2, v56;
	v5 =	vld [tilespmem:s24+$0x40];
	_ =	sdelay $0x3  }
0x514: {  	v58 =	vbroadcast v3, $0xB  }
0x515: {  	[tilespmem:v57+s16+$0x0] =	vst.idx.add.f32.msk vm0, v5  }
0x516: {  	v59 =	vadd.s32 v2, v58;
	v5 =	vld [tilespmem:s24+$0x60];
	_ =	sdelay $0x3  }
0x517: {  	v60 =	vbroadcast v3, $0xC  }
0x518: {  	[tilespmem:v59+s16+$0x0] =	vst.idx.add.f32.msk vm0, v5  }
0x519: {  	v61 =	vadd.s32 v2, v60;
	v5 =	vld [tilespmem:s24+$0x80];
	_ =	sdelay $0x1  }
0x51a: {  	(v2sf) =	vpush v3, $0xF;
	_ =	sdelay $0x1  }
0x51b: {  	v62 =	vbroadcast v3, $0xD  }
0x51c: {  	[tilespmem:v61+s16+$0x0] =	vst.idx.add.f32.msk vm0, v5  }
0x51d: {  	v63 =	vadd.s32 v2, v62;
	v5 =	vld [tilespmem:s24+$0xA0];
	_ =	sdelay $0x3  }
0x51e: {  	v3 =	vbroadcast v3, $0xE  }
0x51f: {  	[tilespmem:v63+s16+$0x0] =	vst.idx.add.f32.msk vm0, v5  }
0x520: {  	v3 =	vadd.s32 v2, v3;
	v4 =	vld [tilespmem:s24+$0xC0];
	_ =	sdelay $0x4  }
0x521: {  	s23 =	sadd.s32 $0x1, s23;
	s31 =	spop (v2sf);
	[tilespmem:v3+s16+$0x0] =	vst.idx.add.f32.msk vm0, v4  }
0x522: {  	p0 =	sne.s32 s23, $0x10;
	v3 =	vadd.s32 s31, v2;
	v4 =	vld [tilespmem:s24+$0xE0]  }
.Ltmp15:
0x523: {  	_ = 	snop;
	(pc) =	sbr.rel @p0 .LBB2_28-.Ltmp15, $2  }
0x524: {  	_ =	sdelay $0x2  }
0x525: {  	s21 =	sadd.s32 $0x280, s21;
	s22 =	sadd.s32 $0x280, s22;
	[tilespmem:v3+s16+$0x0] =	vst.idx.add.f32.msk vm0, v4  }
0x526: {  	s20 =	sadd.s32 $0x1, s20  }
0x527: {  	p0 =	sne.s32 s20, s11  }
.Ltmp16:
0x528: {  	_ = 	snop;
	(pc) =	sbr.rel @p0 .LBB2_1-.Ltmp16, $4  }
0x529: {  	[hbm4b:s10+s18] =	stream.strided.scatter [tilespmem:s16], [sflag:$0x3], $0x14000, s19, s18, $0x38;
	[tilespmem:$0x1B800] =	vst v63  }
0x52a: {  	_ =	swait.ge [sflag:s12], $0x14000  }
0x52b: {  	[sflag:s12] =	ssyncset.done $0x0  }
0x52c: {  	[sflag:s12] =	ssyncadd.s32 $0xFFFEC000  }
0x52d: {  	_ =	sfence.sel $0x180000  }
0x52e: {  	[bflag:$0x0] =	sbarrier.arrive $0xFFFF  }
0x52f: {  	p0 =	sne.s32 s0, $0x0;
	_ =	strace $0x9000004A  }
0x530: {  	s0 =	sadd.s32 @!p0 $0x100000, s1;
	[bflag:$0x2] =	sbarrier.arrive $0xFFFF  }
0x531: {  	[sflag:s0] =	ssyncadd.tile.s32 @!p0 $0x1;
	_ =	shalt  }
.Lfunc_end2:
_tile_overlayer_lowered:
.L_overlay_start_2:
0x532: {  	(tag) =	ssettag $0x2  }
0x533: {  	s0 =	rddreg [dreg:$0x0];
	s2 =	stileid.u32  }
0x534: {  	s1 =	rddreg [dreg:$0x1];
	p0 =	sne.s32 s2, $0x0  }
0x535: {  	s3 =	rddreg [dreg:$0x2];
	[bflag:$0x3] =	sbarrier.arrive $0xFFFF;
	s2 =	simm.s32 @!p0 $0x1C03  }
0x536: {  	[timem:s3], [sflag:s2] =	dma.local @!p0 [hbm:s0], s1  }
0x537: {  	s0 =	simm.s32 @!p0 $0x3  }
0x538: {  	_ =	swait.ge @!p0 [sflag:s0], s1  }
0x539: {  	s1 =	ssub.s32 @!p0 $0x0, s1;
	[sflag:s0] =	ssyncset.done @!p0 $0x0  }
0x53a: {  	[sflag:s0] =	ssyncadd.s32 @!p0 s1  }
0x53b: {  	[bflag:$0x3] =	sbarrier.arrive $0xFFFF  }
0x53c: {  	_ =	shalt  }

// kernel: kernel.8.cloned.1.call-start
scs
__scs_entry_jumppad:
0x0: {  	(pc) =	sbr.rel $0x88, $3  }
0x1: {  	(tag) =	ssettag $0x0;
	lr =	simm.s32 $0x1  }
0x2: {  	[smem:$0x3F96] =	sst lr;
	_ =	strace $0xD0000000  }
0x3: {  	_ = 	snop  }
0x4: {  	_ = 	snop  }
0x5: {  	_ = 	snop  }
0x6: {  	_ = 	snop  }
0x7: {  	_ = 	snop  }
__scs_overlays_trampoline_lowered:
0x8: {  	[smem:$0x3FA5] =	sst s0  }
0x9: {  	[smem:$0x3FA6] =	sst s1  }
0xa: {  	[smem:$0x3FA7] =	sst s2  }
0xb: {  	[smem:$0x3FA8] =	sst s3  }
0xc: {  	[smem:$0x3FA9] =	sst s4  }
0xd: {  	[smem:$0x3FAA] =	sst s5  }
0xe: {  	[smem:$0x3FAB] =	sst s6  }
0xf: {  	[smem:$0x3FAC] =	sst s7  }
0x10: {  	[smem:$0x3FAD] =	sst s8  }
0x11: {  	[smem:$0x3FAE] =	sst s9;
	s0 =	simm.s32 @!p0 $0x0  }
0x12: {  	s1 =	sld [smem:$0x3F94];
	s0 =	simm.s32 @p0 $0x1  }
0x13: {  	[smem:$0x3FAF] =	sst s0;
	s0 =	simm.s32 @!p1 $0x0  }
0x14: {  	s2 =	sld [smem:$0x3F93];
	s0 =	simm.s32 @p1 $0x1  }
0x15: {  	[smem:$0x3FB0] =	sst s0;
	s0 =	simm.s32 @!p2 $0x0  }
0x16: {  	s3 =	sld [smem:$0x3FDB];
	s0 =	simm.s32 @p2 $0x1  }
0x17: {  	s4 =	simm.s32 $0x1BF5;
	[smem:$0x3FB2] =	sst s0  }
0x18: {  	s0 =	sld [smem:$0x3F95];
	_ =	swait.ge [sflag:s4], $0x0  }
0x19: {  	s7 =	sld [smem:$0x3F96]  }
0x1a: {  	s8 =	sadd.s32 $0xFFFFE003, lr  }
0x1b: {  	s9 =	sadd.s32 $0xFFFFFEF7, lr;
	s5 =	simm.s32 $0xFFFFFFFF;
	p2 =	slt.u32 s8, $0xFFFFF086  }
0x1c: {  	p1 =	slt.u32 s9, $0xF7A;
	s5 =	simm.s32 @!p2 $0x0  }
0x1d: {  	s5 =	simm.s32 @p1 $0x1;
	p0 =	seq.s32 s7, s2  }
0x1e: {  	s7 =	smul.u32 @!p0 $0xF7A, s2;
	p2 =	seq.s32 @!p0 s5, $0x0  }
0x1f: {  	s9 =	smul.u32 $0xF7A, s1;
	s8 =	simm.s32 @!p0 $0x1BF5;
	p2 =	por !p2, p0  }
0x20: {  	[sflag:s8] =	ssyncset.s32 @!p0 $0xFFFFF086;
	s6 =	sadd.s32 @!p0 s3, s7;
	s7 =	simm.s32 @!p0 $0x108  }
0x21: {  	s3 =	sadd.s32 s3, s9;
	s6 =	sadd.s32 @!p0 $0x88, s6;
	s7 =	simm.s32 @p2 $0x1082  }
0x22: {  	[simem:s7], [sflag:s8] =	dma.local @!p0 [hbm:s6], $0xF7A  }
0x23: {  	s9 =	sor.u32 $0xD0000000, s2;
	s6 =	simm.s32 $0x108;
	_ =	swait.ge @!p0 [sflag:s8], $0x0  }
0x24: {  	s3 =	sadd.s32 $0x88, s3;
	s6 =	simm.s32 @!p1 $0x1082;
	[sflag:s4] =	ssyncset.s32 $0xFFFFF086  }
0x25: {  	[simem:s6], [sflag:s4] =	dma.local [hbm:s3], $0xF7A  }
0x26: {  	[smem:$0x3F96] =	sst s1;
	(tag) =	ssettag s2;
	_ =	strace s9  }
0x27: {  	s1 =	sld [smem:$0x3FA6]  }
0x28: {  	s2 =	sld [smem:$0x3FA7]  }
0x29: {  	s4 =	sld [smem:$0x3FA9]  }
0x2a: {  	p0 =	seq.s32 s5, $0x0;
	s5 =	sld [smem:$0x3FAA]  }
0x2b: {  	s6 =	sld [smem:$0x3FAB]  }
0x2c: {  	s7 =	sld [smem:$0x3FAC]  }
0x2d: {  	s3 =	simm.s32 $0x108;
	s8 =	sld [smem:$0x3FAD]  }
0x2e: {  	s3 =	simm.s32 @!p0 $0x1082;
	s9 =	sld [smem:$0x3FAE]  }
0x2f: {  	lr =	sadd.s32 s0, s3;
	s0 =	sld [smem:$0x3FA5]  }
0x30: {  	s3 =	sld [smem:$0x3FA8]  }
0x31: {  	[smem:$0x3FB1] =	sst s10  }
0x32: {  	s10 =	sld [smem:$0x3FAF];
	_ =	sdelay $0x3  }
0x33: {  	p0 =	seq.s32 s10, $0x1;
	s10 =	sld [smem:$0x3FB1];
	_ =	sdelay $0x3  }
0x34: {  	[smem:$0x3FB1] =	sst s10  }
0x35: {  	s10 =	sld [smem:$0x3FB0];
	_ =	sdelay $0x3  }
0x36: {  	p1 =	seq.s32 s10, $0x1;
	s10 =	sld [smem:$0x3FB1];
	_ =	sdelay $0x3  }
0x37: {  	[smem:$0x3FB1] =	sst s10  }
0x38: {  	s10 =	sld [smem:$0x3FB2]  }
0x39: {  	_ = 	snop;
	(pc) =	sbr.ind lr, $3  }
0x3a: {  	_ = 	snop  }
0x3b: {  	_ = 	snop  }
0x3c: {  	p2 =	seq.s32 s10, $0x1;
	s10 =	sld [smem:$0x3FB1]  }
0x3d: {  	_ =	shalt  }
0x3e: {  	_ =	shalt  }
0x3f: {  	_ =	shalt  }
0x40: {  	_ =	shalt  }
0x41: {  	_ =	shalt  }
0x42: {  	_ =	shalt  }
0x43: {  	_ =	shalt  }
0x44: {  	_ =	shalt  }
0x45: {  	_ =	shalt  }
0x46: {  	_ =	shalt  }
0x47: {  	_ =	shalt  }
0x48: {  	_ =	shalt  }
0x49: {  	_ =	shalt  }
0x4a: {  	_ =	shalt  }
0x4b: {  	_ =	shalt  }
0x4c: {  	_ =	shalt  }
0x4d: {  	_ =	shalt  }
0x4e: {  	_ =	shalt  }
0x4f: {  	_ =	shalt  }
0x50: {  	_ =	shalt  }
0x51: {  	_ =	shalt  }
0x52: {  	_ =	shalt  }
0x53: {  	_ =	shalt  }
0x54: {  	_ =	shalt  }
0x55: {  	_ =	shalt  }
0x56: {  	_ =	shalt  }
0x57: {  	_ =	shalt  }
0x58: {  	_ =	shalt  }
0x59: {  	_ =	shalt  }
0x5a: {  	_ =	shalt  }
0x5b: {  	_ =	shalt  }
0x5c: {  	_ =	shalt  }
0x5d: {  	_ =	shalt  }
0x5e: {  	_ =	shalt  }
0x5f: {  	_ =	shalt  }
0x60: {  	_ =	shalt  }
0x61: {  	_ =	shalt  }
0x62: {  	_ =	shalt  }
0x63: {  	_ =	shalt  }
0x64: {  	_ =	shalt  }
0x65: {  	_ =	shalt  }
0x66: {  	_ =	shalt  }
0x67: {  	_ =	shalt  }
0x68: {  	_ =	shalt  }
0x69: {  	_ =	shalt  }
0x6a: {  	_ =	shalt  }
0x6b: {  	_ =	shalt  }
0x6c: {  	_ =	shalt  }
0x6d: {  	_ =	shalt  }
0x6e: {  	_ =	shalt  }
0x6f: {  	_ =	shalt  }
0x70: {  	_ =	shalt  }
0x71: {  	_ =	shalt  }
0x72: {  	_ =	shalt  }
0x73: {  	_ =	shalt  }
0x74: {  	_ =	shalt  }
0x75: {  	_ =	shalt  }
0x76: {  	_ =	shalt  }
0x77: {  	_ =	shalt  }
0x78: {  	_ =	shalt  }
0x79: {  	_ =	shalt  }
0x7a: {  	_ =	shalt  }
0x7b: {  	_ =	shalt  }
0x7c: {  	_ =	shalt  }
0x7d: {  	_ =	shalt  }
0x7e: {  	_ =	shalt  }
0x7f: {  	_ =	shalt  }
0x80: {  	_ =	shalt  }
0x81: {  	_ =	shalt  }
0x82: {  	_ =	shalt  }
0x83: {  	_ =	shalt  }
0x84: {  	_ =	shalt  }
0x85: {  	_ =	shalt  }
0x86: {  	_ =	shalt  }
0x87: {  	_ =	shalt  }
.Lfunc_end0:
.L_simem_size_0:
called_computation.1_lowered:
.L_overlay_start_0:
0x88: {  	s2 =	sld [smem:$0x3FD9]  }
0x89: {  	s3 =	sld [smem:$0x3FFE];
	_ =	sdelay $0x1  }
0x8a: {  	s1 =	srdreg.scid  }
0x8b: {  	s0 =	sand.u32 $0x1, s1  }
0x8c: {  	s14 =	sshll.u32 s0, $0xA;
	s2 =	sadd.s32 s3, s2  }
0x8d: {  	s2 =	sadd.s32 s2, s14  }
0x8e: {  	[smem:$0x3FBD] =	sst s2  }
0x8f: {  	_ = 	snop  }
0x90: {  	s2 =	sld [smem:$0x3FD0];
	_ =	sdelay $0x2  }
0x91: {  	s15 =	simm.s32 $0xA;
	s4 =	simm.s32 $0x10  }
0x92: {  	[smem:s4], [sflag:s15] =	dma.local [hbm:s2], $0x1  }
0x93: {  	_ =	swait.eq [sflag:s15], $0x1  }
0x94: {  	s16 =	sld [smem:$0x10]  }
0x95: {  	s17 =	sld [smem:$0x11];
	[sflag:s15] =	ssyncset.done $0x0  }
0x96: {  	s5 =	sld [smem:$0x12];
	[sflag:s15] =	ssyncadd.s32 $0xFFFFFFFF  }
0x97: {  	s18 =	sld [smem:$0x14];
	(tm) =	ssettm $0x1  }
0x98: {  	s6 =	sld [smem:$0x3FFB];
	_ =	sdelay $0x3  }
0x99: {  	_ =	strace s6  }
0x9a: {  	s6 =	sld [smem:$0x3FFC];
	_ =	sdelay $0x3  }
0x9b: {  	_ =	strace s6  }
0x9c: {  	s6 =	sld [smem:$0x3FFD];
	_ =	sdelay $0x3  }
0x9d: {  	_ =	strace s6  }
0x9e: {  	_ =	strace $0x8FFFFFFF  }
0x9f: {  	s19 =	sld [smem:$0x3FDB];
	_ =	sdelay $0x1  }
0xa0: {  	s7 =	simm.s32 $_scs_section_size  }
0xa1: {  	s8 =	simm.s32 $_size__tile_overlayer_lowered;
	s9 =	simm.s32 $_tile_overlayer_lowered  }
0xa2: {  	s22 =	simm.s32 $0x1BFF;
	s21 =	sshll.u32 s9, $0x1;
	s6 =	sadd.s32 s7, s19  }
0xa3: {  	s10 =	simm.s32 $0x0;
	s20 =	sshll.u32 s8, $0x1;
	s8 =	sadd.s32 s21, s6  }
0xa4: {  	[timem:s10], [sflag:s22] =	dma.local [hbm:s8], s20  }
0xa5: {  	_ =	swait.ge [sflag:s22], s20  }
0xa6: {  	s7 =	ssub.s32 $0x0, s20;
	[sflag:s22] =	ssyncset.done $0x0  }
0xa7: {  	[sflag:s22] =	ssyncadd.s32 s7;
	_ =	sdelay $0x1  }
0xa8: {  	s23 =	simm.s32 $0x1B8B  }
0xa9: {  	_ =	swait.ge [sflag:s23], $0x1  }
0xaa: {  	[sflag:s23] =	ssyncset.done $0x0  }
0xab: {  	s25 =	simm.s32 $0x1B8E;
	s24 =	sld [smem:$0x3FFE];
	[sflag:s23] =	ssyncadd.s32 $0xFFFFFFFF  }
0xac: {  	s26 =	simm.s32 $execute0_lowered;
	[smem:$0x3FD2] =	sst s25  }
0xad: {  	s8 =	sshll.u32 s26, $0x1;
	_ =	strace $0x80000046;
	[dreg:$0x1] =	wrdreg $0xFFFFFFFF  }
0xae: {  	s28 =	simm.s32 $_size_execute0_lowered;
	s6 =	sadd.s32 s6, s8;
	[dreg:$0x0] =	wrdreg $0x0  }
0xaf: {  	s8 =	sshll.u32 s28, $0x1;
	[dreg:$0x2] =	wrdreg s6  }
0xb0: {  	[dreg:$0x3] =	wrdreg s8  }
0xb1: {  	[dreg:$0x4] =	wrdreg $0xC0  }
0xb2: {  	_ =	task [dreg:s10], $0x5FFFF  }
0xb3: {  	[dreg:$0x1] =	wrdreg $0xFFFFFFFF  }
0xb4: {  	[dreg:$0x0] =	wrdreg $0x60  }
0xb5: {  	[dreg:$0x2] =	wrdreg s24  }
0xb6: {  	[dreg:$0x3] =	wrdreg s18  }
0xb7: {  	[dreg:$0x4] =	wrdreg s16  }
0xb8: {  	[dreg:$0x5] =	wrdreg s17  }
0xb9: {  	[dreg:$0x6] =	wrdreg s5  }
0xba: {  	[dreg:$0x7] =	wrdreg $0x9  }
0xbb: {  	_ =	task.clear_ibuf [dreg:s10], $0x8FFFF;
	_ =	strace $0x90000046  }
0xbc: {  	s29 =	simm.s32 $0x9;
	_ =	strace $0x80000048  }
0xbd: {  	_ =	swait.ge [sflag:s29], $0x1  }
0xbe: {  	[sflag:s29] =	ssyncadd.s32 $0xFFFFFFFF  }
0xbf: {  	_ =	strace $0x90000048  }
0xc0: {  	_ =	sfence  }
0xc1: {  	s30 =	sld [smem:$0x0];
	_ =	sdelay $0x2  }
0xc2: {  	s31 =	sshll.u32 s1, $0xD;
	s1 =	sshrl.u32 s1, $0x2  }
0xc3: {  	s3 =	sand.u32 $0x4000, s31;
	s1 =	sadd.s32 s1, s30  }
0xc4: {  	s0 =	sor.u32 s3, s0;
	s1 =	sshll.u32 s1, $0x11  }
0xc5: {  	s0 =	sor.u32 s1, s0  }
0xc6: {  	s0 =	sadd.s32 $0x8F2B, s0  }
0xc7: {  	[sflag:s0] =	ssyncadd.remote.s32 $0x1  }
0xc8: {  	_ =	sfence.sel $0xFFFF  }
0xc9: {  	[dreg:$0x0] =	wrdreg $0xFFFFFFFF;
	(pc) =	sbr.abs _section_cstart, $3  }
0xca: {  	[dreg:$0x1] =	wrdreg $0xFFFFFFFF  }
0xcb: {  	_ =	task.clear_ibuf [dreg:s10], $0x2FFFF;
	_ =	strace $0x9FFFFFFF  }
0xcc: {  	(tm) =	ssettm $0x7FFFFFFF  }
0xcd: {  	_ =	shalt  }
tec
execute0_lowered:
.L_overlay_start_1:
0x0: {  	(tag) =	ssettag $0x1  }
0x1: {  	s0 =	rddreg [dreg:$0x0]  }
0x2: {  	s1 =	rddreg [dreg:$0x1];
	s2 =	srdreg.scid  }
0x3: {  	s3 =	stileid.u32;
	s5 =	simm.s32 $0x0;
	s16 =	simm.s32 $0x4  }
0x4: {  	s17 =	simm.s32 $0x14080;
	s18 =	simm.s32 $0x16880;
	s19 =	simm.s32 $0x19080  }
0x5: {  	s20 =	simm.s32 $0x2800;
	s21 =	simm.s32 $0x50;
	s24 =	simm.s32 $0xA000  }
0x6: {  	s25 =	simm.s32 $0x2850;
	s28 =	simm.s32 $0x1;
	s29 =	simm.s32 $0x11800  }
0x7: {  	v0 =	vlaneseq.u32;
	s30 =	simm.s32 $0xF000;
	s31 =	simm.s32 $0x2;
	s2 =	sand.u32 $0x1, s2  }
0x8: {  	s3 =	sshll.u32 s3, $0x1;
	[smem:$0x7FF] =	sst s5;
	s7 =	sadd.s32 $0x3FC00, s0;
	v0 =	vmul.u32 $0x80, v0  }
0x9: {  	s8 =	sadd.s32 $0x67C00, s0;
	s10 =	sadd.s32 $0x107C00, s0;
	s3 =	sor.u32 s2, s3  }
0xa: {  	v1 =	vimm.f32 $0.0e+00;
	s11 =	sadd.s32 $0x607C00, s0;
	s2 =	ssub.s32 $0x2, s2;
	s6 =	smul.u32 $0x2800, s3;
	v2 =	vor.u32 $0x1, v0;
	v3 =	vor.u32 $0x2, v0  }
0xb: {  	s9 =	sadd.s32 $0x3A00, s0;
	_ =	strace $0x80000047;
	s12 =	sshrl.u32 s2, $0x1;
	v4 =	vor.u32 $0x800, v0;
	v5 =	vor.u32 $0x801, v0;
	v6 =	vor.u32 $0x802, v0  }
0xc: {  	v7 =	vor.u32 $0x1000, v0;
	v8 =	vor.u32 $0x1001, v0;
	v9 =	vor.u32 $0x1002, v0;
	s26 =	ssub.s32 s2, s12;
	s2 =	simm.s32 $0x3;
	s3 =	sshrl.u32 s6, $0x3  }
0xd: {  	v10 =	vor.u32 $0x1800, v0;
	v11 =	vor.u32 $0x1801, v0;
	v12 =	vor.u32 $0x1802, v0;
	s14 =	smax.u32 s26, $0x1;
	s26 =	simm.s32 $0xC800;
	s4 =	sadd.s32 s3, s0  }
0xe: {  	v13 =	vor.u32 $0x2000, v0;
	v14 =	vor.u32 $0x2001, v0;
	v15 =	vor.u32 $0x2002, v0;
	s12 =	sadd.s32 s1, s3;
	s0 =	simm.s32 $0x0;
	s13 =	sadd.s32 $0xDC00, s4  }
.LBB2_1:
0xf: {  	s1 =	simm.s32 $0x14000  }
0x10: {  	[tilespmem:s1], [sflag:$0x4] =	stream.linear.gather [hbm4b:s9+s5], $0x80, $0x38;
	[tilespmem:$0x1B880] =	vst v63  }
0x11: {  	_ =	swait.ge [sflag:s16], $0x80  }
0x12: {  	[sflag:s16] =	ssyncset.done $0x0  }
0x13: {  	[sflag:s16] =	ssyncadd.s32 $0xFFFFFF80  }
0x14: {  	s15 =	rddreg [dreg:$0x2]  }
0x15: {  	[tilespmem:s17], [sflag:$0x4] =	stream.linear.gather [hbm4b:s15+s5], $0x2800, $0x38;
	[tilespmem:$0x1B880] =	vst v63  }
0x16: {  	_ =	swait.ge [sflag:s16], $0x2800  }
0x17: {  	[sflag:s16] =	ssyncset.done $0x0  }
0x18: {  	[sflag:s16] =	ssyncadd.s32 $0xFFFFD800  }
0x19: {  	s22 =	rddreg [dreg:$0x3]  }
0x1a: {  	[tilespmem:s18], [sflag:$0x4] =	stream.linear.gather [hbm4b:s22+s5], $0x2800, $0x38;
	[tilespmem:$0x1B880] =	vst v63  }
0x1b: {  	_ =	swait.ge [sflag:s16], $0x2800  }
0x1c: {  	[sflag:s16] =	ssyncset.done $0x0  }
0x1d: {  	[sflag:s16] =	ssyncadd.s32 $0xFFFFD800  }
0x1e: {  	s23 =	rddreg [dreg:$0x4]  }
0x1f: {  	[tilespmem:s19], [sflag:$0x4] =	stream.linear.gather [hbm4b:s23+s5], $0x2800, $0x38;
	[tilespmem:$0x1B880] =	vst v63  }
0x20: {  	_ =	swait.ge [sflag:s16], $0x2800  }
0x21: {  	[sflag:s16] =	ssyncset.done $0x0  }
0x22: {  	[sflag:s16] =	ssyncadd.s32 $0xFFFFD800  }
0x23: {  	v16 =	vld [tilespmem:$0x14000]  }
0x24: {  	v17 =	vld [tilespmem:$0x14010]  }
0x25: {  	v18 =	vld [tilespmem:$0x14020]  }
0x26: {  	v19 =	vld [tilespmem:$0x14030]  }
0x27: {  	v20 =	vld [tilespmem:$0x14040]  }
0x28: {  	v21 =	vld [tilespmem:$0x14050]  }
0x29: {  	v23 =	vld [tilespmem:$0x14070]  }
0x2a: {  	s3 =	simm.s32 $0x0;
	s1 =	simm.s32 $0x200;
	v22 =	vld [tilespmem:$0x14060]  }
.LBB2_2:
0x2b: {  	p0 =	sne.s32 s1, $0x9E00;
	[tilespmem:s3+$0x11800] =	vst v1;
	s3 =	smov.u32 s1;
	s1 =	sadd.s32 $0x200, s1  }
.Ltmp0:
0x2c: {  	(pc) =	sbr.rel @p0 .LBB2_2-.Ltmp0, $2  }
0x2d: {  	_ =	sdelay $0x2  }
0x2e: {  	s3 =	sshra.s32 s3, $0x2  }
0x2f: {  	[tilespmem:s3+$0x11800] =	vst v1;
	s1 =	simm.s32 $0x0  }
0x30: {  	[tilespmem:s1], [sflag:$0x4] =	stream.linear.gather [hbm4b:s12+s1], $0x2800, $0x38;
	[tilespmem:$0x1B880] =	vst v63  }
0x31: {  	_ =	swait.ge [sflag:s16], $0x2800  }
0x32: {  	[sflag:s16] =	ssyncset.done $0x0  }
0x33: {  	[sflag:s16] =	ssyncadd.s32 $0xFFFFD800  }
0x34: {  	[tilespmem:s20], [sflag:$0x4] =	stream.linear.gather [hbm4b:s13+s1], $0x2800, $0x38;
	[tilespmem:$0x1B880] =	vst v63  }
0x35: {  	_ =	swait.ge [sflag:s16], $0x2800  }
0x36: {  	[sflag:s16] =	ssyncset.done $0x0  }
0x37: {  	s22 =	simm.s32 $0x5000;
	[sflag:s16] =	ssyncadd.s32 $0xFFFFD800  }
0x38: {  	[tilespmem:s22], [sflag:$0x1] =	stream.indirect.gather [hbm4b:s7+s21], $0x80, s1, s21, $0xb8;
	[tilespmem:$0x1B880] =	vst v63  }
0x39: {  	s23 =	simm.s32 $0x7800  }
0x3a: {  	[tilespmem:s23], [sflag:$0x1] =	stream.indirect.gather [hbm4b:s8+s21], $0x80, s20, s21, $0xb8;
	[tilespmem:$0x1B880] =	vst v63  }
0x3b: {  	_ = 	snop  }
0x3c: {  	[tilespmem:s24], [sflag:$0x2] =	stream.indirect.gather [hbm4b:s7+s21], $0x80, s21, s21, $0xb8;
	[tilespmem:$0x1B880] =	vst v63  }
0x3d: {  	_ = 	snop  }
0x3e: {  	[tilespmem:s26], [sflag:$0x2] =	stream.indirect.gather [hbm4b:s8+s21], $0x80, s25, s21, $0xb8;
	[tilespmem:$0x1B880] =	vst v63  }
.LBB2_4:
0x3f: {  	_ =	swait.ge [sflag:s28], $0x2800  }
0x40: {  	[sflag:s28] =	ssyncset.done $0x0  }
0x41: {  	[sflag:s28] =	ssyncadd.s32 $0xFFFFD800  }
0x42: {  	_ =	swait.ge [sflag:s28], $0x2800  }
0x43: {  	s3 =	smul.u32 $0xA0, s1;
	[sflag:s28] =	ssyncset.done $0x0  }
0x44: {  	[sflag:s28] =	ssyncadd.s32 $0xFFFFD800  }
0x45: {  	v24 =	vld [tilespmem:s3+$0x0]  }
0x46: {  	v25 =	vld [tilespmem:s3+$0x2800];
	_ =	sdelay $0x6  }
0x47: {  	v26 =	vld.idx.msk [tilespmem:v24+s17+$0x0], $0xffff  }
0x48: {  	v27 =	vld.idx.msk [tilespmem:v25+s17+$0x0], $0xffff  }
0x49: {  	v28 =	vld.idx.msk [tilespmem:v24+s18+$0x0], $0xffff  }
0x4a: {  	v29 =	vld.idx.msk [tilespmem:v25+s18+$0x0], $0xffff  }
0x4b: {  	v24 =	vld.idx.msk [tilespmem:v24+s19+$0x0], $0xffff  }
0x4c: {  	v25 =	vld.idx.msk [tilespmem:v25+s19+$0x0], $0xffff;
	_ =	sdelay $0x2  }
0x4d: {  	v26 =	vsub.f32 v26, v27  }
0x4e: {  	v27 =	vsub.f32 v28, v29  }
0x4f: {  	v24 =	vsub.f32 v24, v25;
	[tilespmem:v0+s29+$0x0] =	vst.idx.msk $0xffff, v26  }
0x50: {  	[tilespmem:v2+s29+$0x0] =	vst.idx.msk $0xffff, v27  }
0x51: {  	[tilespmem:v3+s29+$0x0] =	vst.idx.msk $0xffff, v24  }
0x52: {  	v24 =	vld [tilespmem:s3+$0x10]  }
0x53: {  	v25 =	vld [tilespmem:s3+$0x2810];
	_ =	sdelay $0x6  }
0x54: {  	v26 =	vld.idx.msk [tilespmem:v24+s17+$0x0], $0xffff  }
0x55: {  	v27 =	vld.idx.msk [tilespmem:v25+s17+$0x0], $0xffff  }
0x56: {  	v28 =	vld.idx.msk [tilespmem:v24+s18+$0x0], $0xffff  }
0x57: {  	v29 =	vld.idx.msk [tilespmem:v25+s18+$0x0], $0xffff  }
0x58: {  	v24 =	vld.idx.msk [tilespmem:v24+s19+$0x0], $0xffff  }
0x59: {  	v25 =	vld.idx.msk [tilespmem:v25+s19+$0x0], $0xffff;
	_ =	sdelay $0x2  }
0x5a: {  	v26 =	vsub.f32 v26, v27  }
0x5b: {  	v27 =	vsub.f32 v28, v29  }
0x5c: {  	v24 =	vsub.f32 v24, v25;
	[tilespmem:v4+s29+$0x0] =	vst.idx.msk $0xffff, v26  }
0x5d: {  	[tilespmem:v5+s29+$0x0] =	vst.idx.msk $0xffff, v27  }
0x5e: {  	[tilespmem:v6+s29+$0x0] =	vst.idx.msk $0xffff, v24  }
0x5f: {  	v24 =	vld [tilespmem:s3+$0x20]  }
0x60: {  	v25 =	vld [tilespmem:s3+$0x2820];
	_ =	sdelay $0x6  }
0x61: {  	v26 =	vld.idx.msk [tilespmem:v24+s17+$0x0], $0xffff  }
0x62: {  	v27 =	vld.idx.msk [tilespmem:v25+s17+$0x0], $0xffff  }
0x63: {  	v28 =	vld.idx.msk [tilespmem:v24+s18+$0x0], $0xffff  }
0x64: {  	v29 =	vld.idx.msk [tilespmem:v25+s18+$0x0], $0xffff  }
0x65: {  	v24 =	vld.idx.msk [tilespmem:v24+s19+$0x0], $0xffff  }
0x66: {  	v25 =	vld.idx.msk [tilespmem:v25+s19+$0x0], $0xffff;
	_ =	sdelay $0x2  }
0x67: {  	v26 =	vsub.f32 v26, v27  }
0x68: {  	v27 =	vsub.f32 v28, v29  }
0x69: {  	v24 =	vsub.f32 v24, v25;
	[tilespmem:v7+s29+$0x0] =	vst.idx.msk $0xffff, v26  }
0x6a: {  	[tilespmem:v8+s29+$0x0] =	vst.idx.msk $0xffff, v27  }
0x6b: {  	[tilespmem:v9+s29+$0x0] =	vst.idx.msk $0xffff, v24  }
0x6c: {  	v24 =	vld [tilespmem:s3+$0x30]  }
0x6d: {  	v25 =	vld [tilespmem:s3+$0x2830];
	_ =	sdelay $0x6  }
0x6e: {  	v26 =	vld.idx.msk [tilespmem:v24+s17+$0x0], $0xffff  }
0x6f: {  	v27 =	vld.idx.msk [tilespmem:v25+s17+$0x0], $0xffff  }
0x70: {  	v28 =	vld.idx.msk [tilespmem:v24+s18+$0x0], $0xffff  }
0x71: {  	v29 =	vld.idx.msk [tilespmem:v25+s18+$0x0], $0xffff  }
0x72: {  	v24 =	vld.idx.msk [tilespmem:v24+s19+$0x0], $0xffff  }
0x73: {  	v25 =	vld.idx.msk [tilespmem:v25+s19+$0x0], $0xffff;
	_ =	sdelay $0x2  }
0x74: {  	v26 =	vsub.f32 v26, v27  }
0x75: {  	v27 =	vsub.f32 v28, v29  }
0x76: {  	v24 =	vsub.f32 v24, v25;
	[tilespmem:v10+s29+$0x0] =	vst.idx.msk $0xffff, v26  }
0x77: {  	[tilespmem:v11+s29+$0x0] =	vst.idx.msk $0xffff, v27  }
0x78: {  	[tilespmem:v12+s29+$0x0] =	vst.idx.msk $0xffff, v24  }
0x79: {  	v24 =	vld [tilespmem:s3+$0x40]  }
0x7a: {  	v25 =	vld [tilespmem:s3+$0x2840];
	_ =	sdelay $0x6  }
0x7b: {  	v26 =	vld.idx.msk [tilespmem:v24+s17+$0x0], $0xffff  }
0x7c: {  	v27 =	vld.idx.msk [tilespmem:v25+s17+$0x0], $0xffff  }
0x7d: {  	v28 =	vld.idx.msk [tilespmem:v24+s18+$0x0], $0xffff  }
0x7e: {  	v29 =	vld.idx.msk [tilespmem:v25+s18+$0x0], $0xffff  }
0x7f: {  	v24 =	vld.idx.msk [tilespmem:v24+s19+$0x0], $0xffff  }
0x80: {  	v25 =	vld.idx.msk [tilespmem:v25+s19+$0x0], $0xffff;
	_ =	sdelay $0x2  }
0x81: {  	v26 =	vsub.f32 v26, v27  }
0x82: {  	v27 =	vsub.f32 v28, v29  }
0x83: {  	v24 =	vsub.f32 v24, v25;
	[tilespmem:v13+s29+$0x0] =	vst.idx.msk $0xffff, v26  }
0x84: {  	[tilespmem:v14+s29+$0x0] =	vst.idx.msk $0xffff, v27  }
0x85: {  	s15 =	simm.s32 $0x0;
	[tilespmem:v15+s29+$0x0] =	vst.idx.msk $0xffff, v24  }
0x86: {  	v24 =	vld [tilespmem:s15+$0x11800]  }
0x87: {  	v25 =	vld [tilespmem:s15+$0x5000]  }
0x88: {  	v26 =	vld [tilespmem:s15+$0x7800]  }
0x89: {  	v27 =	vld [tilespmem:s15+$0x5010]  }
0x8a: {  	v28 =	vld [tilespmem:s15+$0x7810]  }
0x8b: {  	v32 =	vld [tilespmem:s15+$0x5020];
	v39 =	vmul.f32 v24, v24  }
0x8c: {  	v34 =	vld [tilespmem:s15+$0x7820]  }
0x8d: {  	v35 =	vld [tilespmem:s15+$0x5030];
	(xrf2) =	vadd.scan.msk.f32 $0xffff, v39  }
0x8e: {  	v36 =	vld [tilespmem:s15+$0x7830]  }
0x8f: {  	v37 =	vld [tilespmem:s15+$0x5040]  }
0x90: {  	v38 =	vld [tilespmem:s15+$0x7840]  }
0x91: {  	v30 =	vld [tilespmem:s15+$0x5050]  }
0x92: {  	v31 =	vld [tilespmem:s15+$0x7850]  }
0x93: {  	v29 =	vld [tilespmem:s15+$0x5060]  }
0x94: {  	v33 =	vld [tilespmem:s15+$0x5070];
	v25 =	vadd.f32 v26, v25  }
0x95: {  	v24 =	vadd.f32 v28, v27;
	v26 =	vadd.f32 v34, v32;
	v34 =	vld [tilespmem:s15+$0x7870]  }
0x96: {  	s4 =	simm.s32 $0x80;
	s22 =	simm.s32 $0x400;
	v28 =	vadd.f32 v36, v35;
	v27 =	vadd.f32 v38, v37;
	v32 =	vld [tilespmem:s15+$0x7860]  }
.LBB2_5:
0x97: {  	p0 =	sne.s32 s22, $0x9E00;
	v35 =	vld [tilespmem:s4+$0x11800];
	v30 =	vadd.f32 v31, v30;
	v31, _, _ =	vpop (xrf2)  }
0x98: {  	v36 =	vld [tilespmem:s4+$0x5000];
	v31 =	vbroadcast v31, $0xF  }
0x99: {  	v37 =	vld [tilespmem:s4+$0x7800]  }
0x9a: {  	v38 =	vld [tilespmem:s4+$0x5010];
	v39 =	vmul.f32 v31, v16;
	v33 =	vadd.f32 v34, v33;
	v34 =	vmul.f32 v31, v23  }
0x9b: {  	v41 =	vmul.f32 v31, v17;
	v42 =	vmul.f32 v31, v18;
	v40 =	vld [tilespmem:s4+$0x7810];
	v29 =	vadd.f32 v32, v29  }
0x9c: {  	v43 =	vmul.f32 v31, v19;
	v32 =	vmul.f32 v35, v35;
	v35 =	vld [tilespmem:s4+$0x5020];
	v33 =	vadd.f32 v33, v34  }
0x9d: {  	v44 =	vmul.f32 v31, v20;
	v45 =	vmul.f32 v31, v21;
	v39 =	vadd.f32 v39, v25;
	v34 =	vld [tilespmem:s4+$0x7820]  }
0x9e: {  	v31 =	vmul.f32 v31, v22;
	v25 =	vadd.f32 v37, v36;
	v36 =	vld [tilespmem:s4+$0x5030];
	(xrf2) =	vadd.scan.msk.f32 $0xffff, v32;
	[tilespmem:s15+$0xF070] =	vst v33  }
0x9f: {  	v33 =	vadd.f32 v24, v41;
	v37 =	vadd.f32 v26, v42;
	v32 =	vld [tilespmem:s4+$0x7830];
	[tilespmem:s15+$0xF000] =	vst v39  }
0xa0: {  	v28 =	vadd.f32 v28, v43;
	v24 =	vadd.f32 v40, v38;
	v38 =	vld [tilespmem:s4+$0x5040]  }
0xa1: {  	v27 =	vadd.f32 v27, v44;
	v40 =	vadd.f32 v30, v45;
	v39 =	vld [tilespmem:s4+$0x7840];
	[tilespmem:s15+$0xF010] =	vst v33  }
0xa2: {  	v26 =	vadd.f32 v34, v35;
	v30 =	vld [tilespmem:s4+$0x5050];
	[tilespmem:s15+$0xF020] =	vst v37;
	v35 =	vadd.f32 v29, v31  }
.Ltmp1:
0xa3: {  	v31 =	vld [tilespmem:s4+$0x7850];
	[tilespmem:s15+$0xF030] =	vst v28;
	(pc) =	sbr.rel @p0 .LBB2_5-.Ltmp1, $4  }
0xa4: {  	v28 =	vadd.f32 v32, v36;
	v29 =	vld [tilespmem:s4+$0x5060];
	[tilespmem:s15+$0xF040] =	vst v27  }
0xa5: {  	v33 =	vld [tilespmem:s4+$0x5070];
	[tilespmem:s15+$0xF050] =	vst v40  }
0xa6: {  	v27 =	vadd.f32 v39, v38;
	v34 =	vld [tilespmem:s4+$0x7870];
	[tilespmem:s15+$0xF060] =	vst v35;
	s15 =	smov.u32 s4  }
0xa7: {  	s4 =	sshra.s32 s22, $0x2;
	s22 =	sadd.s32 $0x200, s22;
	v32 =	vld [tilespmem:s15+$0x7860]  }
0xa8: {  	v35 =	vld [tilespmem:s4+$0x11800];
	v36, _, _ =	vpop (xrf2)  }
0xa9: {  	v37 =	vld [tilespmem:s4+$0x5000];
	v36 =	vbroadcast v36, $0xF  }
0xaa: {  	v38 =	vld [tilespmem:s4+$0x7800]  }
0xab: {  	v39 =	vld [tilespmem:s4+$0x5010];
	v33 =	vadd.f32 v34, v33;
	v60 =	vmul.f32 v36, v23  }
0xac: {  	v40 =	vld [tilespmem:s4+$0x7810];
	v42 =	vmul.f32 v36, v16  }
0xad: {  	v41 =	vld [tilespmem:s4+$0x5020];
	v33 =	vadd.f32 v33, v60  }
0xae: {  	v61 =	vld [tilespmem:s4+$0x7820];
	v25 =	vadd.f32 v42, v25;
	v35 =	vmul.f32 v35, v35  }
0xaf: {  	v43 =	vld [tilespmem:s4+$0x5030];
	[tilespmem:s15+$0xF070] =	vst v33  }
0xb0: {  	v62 =	vmul.f32 v36, v17;
	(xrf2) =	vadd.scan.msk.f32 $0xffff, v35;
	v63 =	vld [tilespmem:s4+$0x7830];
	[tilespmem:s15+$0xF000] =	vst v25;
	v25 =	vmul.f32 v36, v18;
	_ =	sdelay $0x1  }
0xb1: {  	v24 =	vadd.f32 v24, v62;
	v25 =	vadd.f32 v26, v25;
	v26 =	vmul.f32 v36, v19  }
0xb2: {  	v49 =	vmul.f32 v36, v20;
	v48 =	vld [tilespmem:s4+$0x5040]  }
0xb3: {  	v44 =	vld [tilespmem:s4+$0x7840];
	[tilespmem:s15+$0xF010] =	vst v24;
	v26 =	vadd.f32 v28, v26;
	v28 =	vadd.f32 v31, v30;
	v30 =	vmul.f32 v36, v21  }
0xb4: {  	v27 =	vadd.f32 v27, v49;
	v24 =	vld [tilespmem:s4+$0x5050];
	[tilespmem:s15+$0xF020] =	vst v25  }
0xb5: {  	v25 =	vld [tilespmem:s4+$0x7850];
	[tilespmem:s15+$0xF030] =	vst v26;
	v28 =	vadd.f32 v28, v30  }
0xb6: {  	v26 =	vld [tilespmem:s4+$0x5060];
	[tilespmem:s15+$0xF040] =	vst v27  }
0xb7: {  	v27 =	vld [tilespmem:s4+$0x5070];
	[tilespmem:s15+$0xF050] =	vst v28  }
0xb8: {  	v29 =	vadd.f32 v32, v29;
	v30 =	vmul.f32 v36, v22;
	v28 =	vld [tilespmem:s4+$0x7870]  }
0xb9: {  	v31, _, _ =	vpop (xrf2)  }
0xba: {  	v29 =	vadd.f32 v29, v30;
	v31 =	vbroadcast v31, $0xF;
	_ =	sdelay $0x1  }
0xbb: {  	v30 =	vadd.f32 v38, v37;
	[tilespmem:s15+$0xF060] =	vst v29;
	v29 =	vmul.f32 v31, v16  }
0xbc: {  	v27 =	vadd.f32 v28, v27;
	v28 =	vmul.f32 v31, v23  }
0xbd: {  	v24 =	vadd.f32 v25, v24;
	v51 =	vld [tilespmem:s4+$0x7860];
	v25 =	vmul.f32 v31, v21;
	v29 =	vadd.f32 v29, v30  }
0xbe: {  	v50 =	vadd.f32 v40, v39;
	v52 =	vmul.f32 v31, v17;
	v27 =	vadd.f32 v27, v28  }
0xbf: {  	v54 =	vmul.f32 v31, v19;
	v30 =	vadd.f32 v63, v43;
	v24 =	vadd.f32 v24, v25;
	[tilespmem:s4+$0xF000] =	vst v29  }
0xc0: {  	v55 =	vadd.f32 v44, v48;
	v56 =	vmul.f32 v31, v20;
	[tilespmem:s4+$0xF070] =	vst v27;
	v27 =	vadd.f32 v50, v52  }
0xc1: {  	v53 =	vmul.f32 v31, v18;
	v28 =	vadd.f32 v61, v41;
	v29 =	vadd.f32 v30, v54;
	[tilespmem:s4+$0xF050] =	vst v24  }
0xc2: {  	v26 =	vadd.f32 v51, v26;
	v30 =	vadd.f32 v55, v56;
	[tilespmem:s4+$0xF010] =	vst v27;
	v27 =	vmul.f32 v31, v22  }
0xc3: {  	v28 =	vadd.f32 v28, v53;
	[tilespmem:s4+$0xF030] =	vst v29  }
0xc4: {  	[tilespmem:s4+$0xF040] =	vst v30;
	v25 =	vadd.f32 v26, v27  }
0xc5: {  	p0 =	seq.s32 s1, $0x3F;
	[tilespmem:s4+$0xF020] =	vst v28  }
0xc6: {  	s22 =	simm.s32 @!p0 $0x5000;
	s15 =	simm.s32 @!p0 $0x50;
	[tilespmem:s4+$0xF060] =	vst v25;
	s4 =	sadd.s32 @!p0 $0xA0, s3  }
0xc7: {  	[tilespmem:s22], [sflag:$0x1] =	stream.indirect.gather @!p0 [hbm4b:s7+s15], $0x80, s4, s15, $0xb8;
	[tilespmem:$0x1B880] =	vst v63  }
0xc8: {  	s4 =	sadd.s32 s6, s3  }
0xc9: {  	s23 =	simm.s32 @!p0 $0x7800;
	s22 =	sadd.s32 @!p0 $0x28A0, s3;
	s4 =	sshll.u32 s4, $0x4  }
0xca: {  	[tilespmem:s23], [sflag:$0x1] =	stream.indirect.gather @!p0 [hbm4b:s8+s15], $0x80, s22, s15, $0xb8;
	[tilespmem:$0x1B880] =	vst v63  }
0xcb: {  	s23 =	sadd.s32 s10, s4;
	s22 =	simm.s32 $0x0  }
0xcc: {  	[hbm4b:s23+s22] =	stream.linear.scatter [tilespmem:s30], [sflag:$0x3], $0x2800, $0x38;
	[tilespmem:$0x1B880] =	vst v63  }
0xcd: {  	s23 =	sadd.s32 s11, s4  }
0xce: {  	[hbm4b:s23+s22] =	stream.linear.scatter [tilespmem:s29], [sflag:$0x3], $0x2800, $0x38;
	[tilespmem:$0x1B880] =	vst v63  }
0xcf: {  	_ =	swait.ge [sflag:s31], $0x2800  }
0xd0: {  	[sflag:s31] =	ssyncset.done $0x0  }
0xd1: {  	[sflag:s31] =	ssyncadd.s32 $0xFFFFD800  }
0xd2: {  	_ =	swait.ge [sflag:s31], $0x2800  }
0xd3: {  	[sflag:s31] =	ssyncset.done $0x0  }
0xd4: {  	[sflag:s31] =	ssyncadd.s32 $0xFFFFD800  }
0xd5: {  	_ =	swait.ge [sflag:s2], $0x2800  }
0xd6: {  	[sflag:s2] =	ssyncset.done $0x0  }
0xd7: {  	[sflag:s2] =	ssyncadd.s32 $0xFFFFD800  }
0xd8: {  	_ =	swait.ge [sflag:s2], $0x2800  }
0xd9: {  	[sflag:s2] =	ssyncset.done $0x0  }
0xda: {  	[sflag:s2] =	ssyncadd.s32 $0xFFFFD800  }
0xdb: {  	v24 =	vld [tilespmem:s3+$0x50]  }
0xdc: {  	v25 =	vld [tilespmem:s3+$0x2850];
	_ =	sdelay $0x6  }
0xdd: {  	v26 =	vld.idx.msk [tilespmem:v24+s17+$0x0], $0xffff  }
0xde: {  	v27 =	vld.idx.msk [tilespmem:v25+s17+$0x0], $0xffff  }
0xdf: {  	v28 =	vld.idx.msk [tilespmem:v24+s18+$0x0], $0xffff  }
0xe0: {  	v29 =	vld.idx.msk [tilespmem:v25+s18+$0x0], $0xffff  }
0xe1: {  	v24 =	vld.idx.msk [tilespmem:v24+s19+$0x0], $0xffff  }
0xe2: {  	v25 =	vld.idx.msk [tilespmem:v25+s19+$0x0], $0xffff;
	_ =	sdelay $0x2  }
0xe3: {  	v26 =	vsub.f32 v26, v27  }
0xe4: {  	v27 =	vsub.f32 v28, v29  }
0xe5: {  	v24 =	vsub.f32 v24, v25;
	[tilespmem:v0+s29+$0x0] =	vst.idx.msk $0xffff, v26  }
0xe6: {  	[tilespmem:v2+s29+$0x0] =	vst.idx.msk $0xffff, v27  }
0xe7: {  	[tilespmem:v3+s29+$0x0] =	vst.idx.msk $0xffff, v24  }
0xe8: {  	v24 =	vld [tilespmem:s3+$0x60]  }
0xe9: {  	v25 =	vld [tilespmem:s3+$0x2860];
	_ =	sdelay $0x6  }
0xea: {  	v26 =	vld.idx.msk [tilespmem:v24+s17+$0x0], $0xffff  }
0xeb: {  	v27 =	vld.idx.msk [tilespmem:v25+s17+$0x0], $0xffff  }
0xec: {  	v28 =	vld.idx.msk [tilespmem:v24+s18+$0x0], $0xffff  }
0xed: {  	v29 =	vld.idx.msk [tilespmem:v25+s18+$0x0], $0xffff  }
0xee: {  	v24 =	vld.idx.msk [tilespmem:v24+s19+$0x0], $0xffff  }
0xef: {  	v25 =	vld.idx.msk [tilespmem:v25+s19+$0x0], $0xffff;
	_ =	sdelay $0x2  }
0xf0: {  	v26 =	vsub.f32 v26, v27  }
0xf1: {  	v27 =	vsub.f32 v28, v29  }
0xf2: {  	v24 =	vsub.f32 v24, v25;
	[tilespmem:v4+s29+$0x0] =	vst.idx.msk $0xffff, v26  }
0xf3: {  	[tilespmem:v5+s29+$0x0] =	vst.idx.msk $0xffff, v27  }
0xf4: {  	[tilespmem:v6+s29+$0x0] =	vst.idx.msk $0xffff, v24  }
0xf5: {  	v24 =	vld [tilespmem:s3+$0x70]  }
0xf6: {  	v25 =	vld [tilespmem:s3+$0x2870];
	_ =	sdelay $0x6  }
0xf7: {  	v26 =	vld.idx.msk [tilespmem:v24+s17+$0x0], $0xffff  }
0xf8: {  	v27 =	vld.idx.msk [tilespmem:v25+s17+$0x0], $0xffff  }
0xf9: {  	v28 =	vld.idx.msk [tilespmem:v24+s18+$0x0], $0xffff  }
0xfa: {  	v29 =	vld.idx.msk [tilespmem:v25+s18+$0x0], $0xffff  }
0xfb: {  	v24 =	vld.idx.msk [tilespmem:v24+s19+$0x0], $0xffff  }
0xfc: {  	v25 =	vld.idx.msk [tilespmem:v25+s19+$0x0], $0xffff;
	_ =	sdelay $0x2  }
0xfd: {  	v26 =	vsub.f32 v26, v27  }
0xfe: {  	v27 =	vsub.f32 v28, v29  }
0xff: {  	v24 =	vsub.f32 v24, v25;
	[tilespmem:v7+s29+$0x0] =	vst.idx.msk $0xffff, v26  }
0x100: {  	[tilespmem:v8+s29+$0x0] =	vst.idx.msk $0xffff, v27  }
0x101: {  	s23 =	sand.u32 $0x3FE0, s3;
	[tilespmem:v9+s29+$0x0] =	vst.idx.msk $0xffff, v24  }
0x102: {  	v24 =	vld [tilespmem:s23+$0x80]  }
0x103: {  	v25 =	vld [tilespmem:s23+$0x2880];
	_ =	sdelay $0x6  }
0x104: {  	v26 =	vld.idx.msk [tilespmem:v24+s17+$0x0], $0xffff  }
0x105: {  	v27 =	vld.idx.msk [tilespmem:v25+s17+$0x0], $0xffff  }
0x106: {  	v28 =	vld.idx.msk [tilespmem:v24+s18+$0x0], $0xffff  }
0x107: {  	v29 =	vld.idx.msk [tilespmem:v25+s18+$0x0], $0xffff  }
0x108: {  	v24 =	vld.idx.msk [tilespmem:v24+s19+$0x0], $0xffff  }
0x109: {  	v25 =	vld.idx.msk [tilespmem:v25+s19+$0x0], $0xffff;
	_ =	sdelay $0x2  }
0x10a: {  	v26 =	vsub.f32 v26, v27  }
0x10b: {  	v27 =	vsub.f32 v28, v29  }
0x10c: {  	v24 =	vsub.f32 v24, v25;
	[tilespmem:v10+s29+$0x0] =	vst.idx.msk $0xffff, v26  }
0x10d: {  	[tilespmem:v11+s29+$0x0] =	vst.idx.msk $0xffff, v27  }
0x10e: {  	[tilespmem:v12+s29+$0x0] =	vst.idx.msk $0xffff, v24  }
0x10f: {  	v24 =	vld [tilespmem:s3+$0x90]  }
0x110: {  	v25 =	vld [tilespmem:s3+$0x2890];
	_ =	sdelay $0x6  }
0x111: {  	v26 =	vld.idx.msk [tilespmem:v24+s17+$0x0], $0xffff  }
0x112: {  	v27 =	vld.idx.msk [tilespmem:v25+s17+$0x0], $0xffff  }
0x113: {  	v28 =	vld.idx.msk [tilespmem:v24+s18+$0x0], $0xffff  }
0x114: {  	v29 =	vld.idx.msk [tilespmem:v25+s18+$0x0], $0xffff  }
0x115: {  	v24 =	vld.idx.msk [tilespmem:v24+s19+$0x0], $0xffff  }
0x116: {  	v25 =	vld.idx.msk [tilespmem:v25+s19+$0x0], $0xffff;
	_ =	sdelay $0x2  }
0x117: {  	v26 =	vsub.f32 v26, v27  }
0x118: {  	v27 =	vsub.f32 v28, v29  }
0x119: {  	v24 =	vsub.f32 v24, v25;
	[tilespmem:v13+s29+$0x0] =	vst.idx.msk $0xffff, v26  }
0x11a: {  	[tilespmem:v14+s29+$0x0] =	vst.idx.msk $0xffff, v27  }
0x11b: {  	s22 =	simm.s32 $0x0;
	[tilespmem:v15+s29+$0x0] =	vst.idx.msk $0xffff, v24  }
0x11c: {  	v24 =	vld [tilespmem:s22+$0x11800]  }
0x11d: {  	v25 =	vld [tilespmem:s22+$0xA000]  }
0x11e: {  	v26 =	vld [tilespmem:s22+$0xC800]  }
0x11f: {  	v27 =	vld [tilespmem:s22+$0xA010]  }
0x120: {  	v28 =	vld [tilespmem:s22+$0xC810]  }
0x121: {  	v57 =	vld [tilespmem:s22+$0xA020];
	v63 =	vmul.f32 v24, v24  }
0x122: {  	v58 =	vld [tilespmem:s22+$0xC820]  }
0x123: {  	v59 =	vld [tilespmem:s22+$0xA030];
	(xrf2) =	vadd.scan.msk.f32 $0xffff, v63  }
0x124: {  	v60 =	vld [tilespmem:s22+$0xC830]  }
0x125: {  	v61 =	vld [tilespmem:s22+$0xA040]  }
0x126: {  	v62 =	vld [tilespmem:s22+$0xC840]  }
0x127: {  	v30 =	vld [tilespmem:s22+$0xA050]  }
0x128: {  	v31 =	vld [tilespmem:s22+$0xC850]  }
0x129: {  	v29 =	vld [tilespmem:s22+$0xA060]  }
0x12a: {  	v33 =	vld [tilespmem:s22+$0xA070];
	v25 =	vadd.f32 v26, v25  }
0x12b: {  	v34 =	vld [tilespmem:s22+$0xC870];
	v24 =	vadd.f32 v28, v27;
	v26 =	vadd.f32 v58, v57  }
0x12c: {  	s15 =	simm.s32 $0x80;
	s23 =	simm.s32 $0x400;
	v32 =	vld [tilespmem:s22+$0xC860];
	v28 =	vadd.f32 v60, v59;
	v27 =	vadd.f32 v62, v61  }
.LBB2_7:
0x12d: {  	p1 =	sne.s32 s23, $0x9E00;
	v35 =	vld [tilespmem:s15+$0x11800];
	v30 =	vadd.f32 v31, v30;
	v31, _, _ =	vpop (xrf2)  }
0x12e: {  	v36 =	vld [tilespmem:s15+$0xA000];
	v31 =	vbroadcast v31, $0xF  }
0x12f: {  	v37 =	vld [tilespmem:s15+$0xC800]  }
0x130: {  	v38 =	vld [tilespmem:s15+$0xA010];
	v39 =	vmul.f32 v31, v16;
	v33 =	vadd.f32 v34, v33;
	v34 =	vmul.f32 v31, v23  }
0x131: {  	v41 =	vmul.f32 v31, v17;
	v42 =	vmul.f32 v31, v18;
	v40 =	vld [tilespmem:s15+$0xC810];
	v29 =	vadd.f32 v32, v29  }
0x132: {  	v43 =	vmul.f32 v31, v19;
	v32 =	vmul.f32 v35, v35;
	v35 =	vld [tilespmem:s15+$0xA020];
	v33 =	vadd.f32 v33, v34  }
0x133: {  	v44 =	vmul.f32 v31, v20;
	v45 =	vmul.f32 v31, v21;
	v39 =	vadd.f32 v39, v25;
	v34 =	vld [tilespmem:s15+$0xC820]  }
0x134: {  	v31 =	vmul.f32 v31, v22;
	v25 =	vadd.f32 v37, v36;
	v36 =	vld [tilespmem:s15+$0xA030];
	(xrf2) =	vadd.scan.msk.f32 $0xffff, v32;
	[tilespmem:s22+$0xF070] =	vst v33  }
0x135: {  	v33 =	vadd.f32 v24, v41;
	v37 =	vadd.f32 v26, v42;
	v32 =	vld [tilespmem:s15+$0xC830];
	[tilespmem:s22+$0xF000] =	vst v39  }
0x136: {  	v28 =	vadd.f32 v28, v43;
	v24 =	vadd.f32 v40, v38;
	v38 =	vld [tilespmem:s15+$0xA040]  }
0x137: {  	v27 =	vadd.f32 v27, v44;
	v40 =	vadd.f32 v30, v45;
	v39 =	vld [tilespmem:s15+$0xC840];
	[tilespmem:s22+$0xF010] =	vst v33  }
0x138: {  	v26 =	vadd.f32 v34, v35;
	v30 =	vld [tilespmem:s15+$0xA050];
	[tilespmem:s22+$0xF020] =	vst v37;
	v35 =	vadd.f32 v29, v31  }
.Ltmp2:
0x139: {  	v31 =	vld [tilespmem:s15+$0xC850];
	[tilespmem:s22+$0xF030] =	vst v28;
	(pc) =	sbr.rel @p1 .LBB2_7-.Ltmp2, $4  }
0x13a: {  	v28 =	vadd.f32 v32, v36;
	v29 =	vld [tilespmem:s15+$0xA060];
	[tilespmem:s22+$0xF040] =	vst v27  }
0x13b: {  	v33 =	vld [tilespmem:s15+$0xA070];
	[tilespmem:s22+$0xF050] =	vst v40  }
0x13c: {  	v27 =	vadd.f32 v39, v38;
	v34 =	vld [tilespmem:s15+$0xC870];
	[tilespmem:s22+$0xF060] =	vst v35;
	s22 =	smov.u32 s15  }
0x13d: {  	s15 =	sshra.s32 s23, $0x2;
	s23 =	sadd.s32 $0x200, s23;
	v32 =	vld [tilespmem:s22+$0xC860]  }
0x13e: {  	v35 =	vld [tilespmem:s15+$0x11800];
	v36, _, _ =	vpop (xrf2)  }
0x13f: {  	v37 =	vld [tilespmem:s15+$0xA000];
	v36 =	vbroadcast v36, $0xF  }
0x140: {  	v38 =	vld [tilespmem:s15+$0xC800]  }
0x141: {  	v39 =	vld [tilespmem:s15+$0xA010];
	v33 =	vadd.f32 v34, v33;
	v54 =	vmul.f32 v36, v23  }
0x142: {  	v40 =	vld [tilespmem:s15+$0xC810];
	v42 =	vmul.f32 v36, v16  }
0x143: {  	v41 =	vld [tilespmem:s15+$0xA020];
	v33 =	vadd.f32 v33, v54;
	v35 =	vmul.f32 v35, v35  }
0x144: {  	v55 =	vld [tilespmem:s15+$0xC820];
	v56 =	vmul.f32 v36, v17;
	v25 =	vadd.f32 v42, v25  }
0x145: {  	v43 =	vld [tilespmem:s15+$0xA030];
	v58 =	vmul.f32 v36, v18;
	[tilespmem:s22+$0xF070] =	vst v33;
	(xrf2) =	vadd.scan.msk.f32 $0xffff, v35  }
0x146: {  	v60 =	vmul.f32 v36, v19;
	v24 =	vadd.f32 v24, v56;
	v57 =	vld [tilespmem:s15+$0xC830];
	[tilespmem:s22+$0xF000] =	vst v25  }
0x147: {  	v61 =	vmul.f32 v36, v20;
	v25 =	vadd.f32 v26, v58;
	v59 =	vld [tilespmem:s15+$0xA040]  }
0x148: {  	v62 =	vadd.f32 v31, v30;
	v63 =	vmul.f32 v36, v21;
	v26 =	vadd.f32 v28, v60;
	v44 =	vld [tilespmem:s15+$0xC840];
	[tilespmem:s22+$0xF010] =	vst v24  }
0x149: {  	v27 =	vadd.f32 v27, v61;
	v24 =	vld [tilespmem:s15+$0xA050];
	[tilespmem:s22+$0xF020] =	vst v25  }
0x14a: {  	v28 =	vadd.f32 v62, v63;
	v25 =	vld [tilespmem:s15+$0xC850];
	[tilespmem:s22+$0xF030] =	vst v26  }
0x14b: {  	v26 =	vld [tilespmem:s15+$0xA060];
	[tilespmem:s22+$0xF040] =	vst v27  }
0x14c: {  	v27 =	vld [tilespmem:s15+$0xA070];
	[tilespmem:s22+$0xF050] =	vst v28  }
0x14d: {  	v28 =	vld [tilespmem:s15+$0xC870];
	_ =	sdelay $0x1  }
0x14e: {  	v36 =	vmul.f32 v36, v22;
	v29 =	vadd.f32 v32, v29;
	v45, _, _ =	vpop (xrf2)  }
0x14f: {  	v31 =	vbroadcast v45, $0xF  }
0x150: {  	v29 =	vadd.f32 v29, v36  }
0x151: {  	v27 =	vadd.f32 v28, v27;
	v46 =	vmul.f32 v31, v23  }
0x152: {  	v47 =	vadd.f32 v38, v37;
	[tilespmem:s22+$0xF060] =	vst v29;
	v48 =	vmul.f32 v31, v16  }
0x153: {  	v49 =	vadd.f32 v40, v39;
	v50 =	vld [tilespmem:s15+$0xC860];
	v51 =	vmul.f32 v31, v17;
	v27 =	vadd.f32 v27, v46  }
0x154: {  	v52 =	vadd.f32 v55, v41;
	v53 =	vmul.f32 v31, v18;
	v29 =	vadd.f32 v48, v47  }
0x155: {  	v54 =	vadd.f32 v57, v43;
	v55 =	vmul.f32 v31, v19;
	v56 =	vadd.f32 v49, v51;
	[tilespmem:s15+$0xF070] =	vst v27  }
0x156: {  	v57 =	vadd.f32 v44, v59;
	v58 =	vmul.f32 v31, v20;
	v28 =	vadd.f32 v52, v53;
	[tilespmem:s15+$0xF000] =	vst v29  }
0x157: {  	v24 =	vadd.f32 v25, v24;
	v59 =	vmul.f32 v31, v21;
	v60 =	vadd.f32 v54, v55;
	[tilespmem:s15+$0xF010] =	vst v56  }
0x158: {  	v26 =	vadd.f32 v50, v26;
	v61 =	vmul.f32 v31, v22;
	v62 =	vadd.f32 v57, v58;
	[tilespmem:s15+$0xF020] =	vst v28  }
0x159: {  	v24 =	vadd.f32 v24, v59;
	[tilespmem:s15+$0xF030] =	vst v60  }
0x15a: {  	v63 =	vadd.f32 v26, v61;
	[tilespmem:s15+$0xF040] =	vst v62  }
0x15b: {  	[tilespmem:s15+$0xF050] =	vst v24  }
0x15c: {  	s23 =	simm.s32 @!p0 $0xA000;
	s22 =	simm.s32 @!p0 $0x50;
	[tilespmem:s15+$0xF060] =	vst v63;
	s15 =	sadd.s32 @!p0 $0xF0, s3  }
0x15d: {  	[tilespmem:s23], [sflag:$0x2] =	stream.indirect.gather @!p0 [hbm4b:s7+s22], $0x80, s15, s22, $0xb8;
	[tilespmem:$0x1B880] =	vst v63  }
0x15e: {  	s3 =	sadd.s32 @!p0 $0x28F0, s3;
	s15 =	simm.s32 @!p0 $0xC800;
	s23 =	sadd.s32 $0x500, s4  }
0x15f: {  	[tilespmem:s15], [sflag:$0x2] =	stream.indirect.gather @!p0 [hbm4b:s8+s22], $0x80, s3, s22, $0xb8;
	[tilespmem:$0x1B880] =	vst v63  }
0x160: {  	s4 =	sadd.s32 s10, s23  }
0x161: {  	[hbm4b:s4+s5] =	stream.linear.scatter [tilespmem:s30], [sflag:$0x3], $0x2800, $0x38;
	[tilespmem:$0x1B880] =	vst v63  }
0x162: {  	s1 =	sadd.s32 $0x1, s1;
	s3 =	sadd.s32 s11, s23  }
0x163: {  	[hbm4b:s3+s5] =	stream.linear.scatter [tilespmem:s29], [sflag:$0x3], $0x2800, $0x38;
	[tilespmem:$0x1B880] =	vst v63  }
0x164: {  	p0 =	sne.s32 s1, $0x40;
	_ =	swait.ge [sflag:s2], $0x2800  }
.Ltmp3:
0x165: {  	[sflag:s2] =	ssyncset.done $0x0;
	(pc) =	sbr.rel @p0 .LBB2_4-.Ltmp3, $4  }
0x166: {  	[sflag:s2] =	ssyncadd.s32 $0xFFFFD800  }
0x167: {  	_ =	swait.ge [sflag:s2], $0x2800  }
0x168: {  	[sflag:s2] =	ssyncset.done $0x0  }
0x169: {  	[sflag:s2] =	ssyncadd.s32 $0xFFFFD800  }
0x16a: {  	s0 =	sadd.s32 $0x1, s0  }
0x16b: {  	p0 =	sne.s32 s0, s14  }
.Ltmp4:
0x16c: {  	_ = 	snop;
	(pc) =	sbr.rel @p0 .LBB2_1-.Ltmp4, $1  }
0x16d: {  	_ =	sdelay $0x3  }
0x16e: {  	_ =	sfence.sel $0x180000  }
0x16f: {  	[bflag:$0x0] =	sbarrier.arrive $0xFFFF  }
0x170: {  	_ =	strace $0x90000047  }
0x171: {  	s0 =	stileid.u32;
	[bflag:$0x2] =	sbarrier.arrive $0xFFFF  }
0x172: {  	p0 =	sne.s32 s0, $0x0;
	s0 =	rddreg [dreg:$0x5]  }
0x173: {  	s0 =	sadd.s32 @!p0 $0x100000, s0  }
0x174: {  	[sflag:s0] =	ssyncadd.tile.s32 @!p0 $0x1;
	_ =	shalt  }
.Lfunc_end2:
_tile_overlayer_lowered:
.L_overlay_start_2:
0x175: {  	(tag) =	ssettag $0x2  }
0x176: {  	s0 =	rddreg [dreg:$0x0];
	s2 =	stileid.u32  }
0x177: {  	s1 =	rddreg [dreg:$0x1];
	p0 =	sne.s32 s2, $0x0  }
0x178: {  	s3 =	rddreg [dreg:$0x2];
	[bflag:$0x3] =	sbarrier.arrive $0xFFFF;
	s2 =	simm.s32 @!p0 $0x1C04  }
0x179: {  	[timem:s3], [sflag:s2] =	dma.local @!p0 [hbm:s0], s1  }
0x17a: {  	s0 =	simm.s32 @!p0 $0x4  }
0x17b: {  	_ =	swait.ge @!p0 [sflag:s0], s1  }
0x17c: {  	s1 =	ssub.s32 @!p0 $0x0, s1;
	[sflag:s0] =	ssyncset.done @!p0 $0x0  }
0x17d: {  	[sflag:s0] =	ssyncadd.s32 @!p0 s1  }
0x17e: {  	[bflag:$0x3] =	sbarrier.arrive $0xFFFF  }
0x17f: {  	_ =	shalt  }

// kernel: sparse-core-data-format-call.cloned.1.call-start
scs
called_computation_lowered:
.L_overlay_start_0:
0x0: {  	s1 =	sld [smem:$0x3FD9]  }
0x1: {  	s2 =	sld [smem:$0x3FFE];
	_ =	sdelay $0x1  }
0x2: {  	s3 =	srdreg.scid  }
0x3: {  	s0 =	sand.u32 $0x1, s3  }
0x4: {  	s17 =	sshll.u32 s0, $0xA;
	s1 =	sadd.s32 s2, s1  }
0x5: {  	s1 =	sadd.s32 s1, s17  }
0x6: {  	[smem:$0x3FBD] =	sst s1  }
0x7: {  	_ = 	snop  }
0x8: {  	(tm) =	ssettm $0x1  }
0x9: {  	s18 =	sld [smem:$0x3FFB];
	_ =	sdelay $0x3  }
0xa: {  	_ =	strace s18  }
0xb: {  	s1 =	sld [smem:$0x3FFC];
	_ =	sdelay $0x3  }
0xc: {  	_ =	strace s1  }
0xd: {  	s1 =	sld [smem:$0x3FFD];
	_ =	sdelay $0x3  }
0xe: {  	_ =	strace s1  }
0xf: {  	_ =	strace $0x8FFFFFFF  }
0x10: {  	s19 =	sld [smem:$0x3FDB];
	_ =	sdelay $0x1  }
0x11: {  	s20 =	simm.s32 $_scs_section_size  }
0x12: {  	s4 =	simm.s32 $_size__tile_overlayer_lowered;
	s5 =	simm.s32 $_tile_overlayer_lowered  }
0x13: {  	s23 =	simm.s32 $0x1BFF;
	s22 =	sshll.u32 s5, $0x1;
	s1 =	sadd.s32 s20, s19  }
0x14: {  	s6 =	simm.s32 $0x0;
	s21 =	sshll.u32 s4, $0x1;
	s4 =	sadd.s32 s22, s1  }
0x15: {  	[timem:s6], [sflag:s23] =	dma.local [hbm:s4], s21  }
0x16: {  	_ =	swait.ge [sflag:s23], s21  }
0x17: {  	s2 =	ssub.s32 $0x0, s21;
	[sflag:s23] =	ssyncset.done $0x0  }
0x18: {  	[sflag:s23] =	ssyncadd.s32 s2;
	_ =	sdelay $0x1  }
0x19: {  	s24 =	simm.s32 $0x1B8B  }
0x1a: {  	_ =	swait.ge [sflag:s24], $0x1  }
0x1b: {  	[sflag:s24] =	ssyncset.done $0x0  }
0x1c: {  	s26 =	simm.s32 $0x1B8E;
	s25 =	sld [smem:$0x3FFE];
	[sflag:s24] =	ssyncadd.s32 $0xFFFFFFFF  }
0x1d: {  	s27 =	simm.s32 $execute0_lowered;
	[smem:$0x3FD2] =	sst s26  }
0x1e: {  	s4 =	sshll.u32 s27, $0x1;
	_ =	strace $0x8000004C;
	[dreg:$0x1] =	wrdreg $0xFFFFFFFF  }
0x1f: {  	s28 =	simm.s32 $_size_execute0_lowered;
	s1 =	sadd.s32 s1, s4;
	[dreg:$0x0] =	wrdreg $0x0  }
0x20: {  	s4 =	sshll.u32 s28, $0x1;
	[dreg:$0x2] =	wrdreg s1  }
0x21: {  	[dreg:$0x3] =	wrdreg s4  }
0x22: {  	[dreg:$0x4] =	wrdreg $0xC0  }
0x23: {  	_ =	task [dreg:s6], $0x5FFFF  }
0x24: {  	[dreg:$0x1] =	wrdreg $0xFFFFFFFF  }
0x25: {  	[dreg:$0x0] =	wrdreg $0x60  }
0x26: {  	[dreg:$0x2] =	wrdreg s25  }
0x27: {  	[dreg:$0x3] =	wrdreg $0x9  }
0x28: {  	_ =	task.clear_ibuf [dreg:s6], $0x4FFFF;
	_ =	strace $0x9000004C  }
0x29: {  	s29 =	simm.s32 $0x9;
	_ =	strace $0x8000004E  }
0x2a: {  	_ =	swait.ge [sflag:s29], $0x1  }
0x2b: {  	[sflag:s29] =	ssyncadd.s32 $0xFFFFFFFF  }
0x2c: {  	_ =	strace $0x9000004E  }
0x2d: {  	_ =	sfence  }
0x2e: {  	s30 =	sld [smem:$0x0];
	_ =	sdelay $0x2  }
0x2f: {  	s31 =	sshll.u32 s3, $0xD;
	s3 =	sshrl.u32 s3, $0x2  }
0x30: {  	s2 =	sand.u32 $0x4000, s31;
	s1 =	sadd.s32 s3, s30  }
0x31: {  	s0 =	sor.u32 s2, s0;
	s1 =	sshll.u32 s1, $0x11  }
0x32: {  	s0 =	sor.u32 s1, s0  }
0x33: {  	s0 =	sadd.s32 $0x8F2B, s0  }
0x34: {  	[sflag:s0] =	ssyncadd.remote.s32 $0x1  }
0x35: {  	_ =	sfence.sel $0xFFFF  }
0x36: {  	[dreg:$0x0] =	wrdreg $0xFFFFFFFF;
	(pc) =	sbr.abs _section_cstart, $3  }
0x37: {  	[dreg:$0x1] =	wrdreg $0xFFFFFFFF  }
0x38: {  	_ =	task.clear_ibuf [dreg:s6], $0x2FFFF;
	_ =	strace $0x9FFFFFFF  }
0x39: {  	(tm) =	ssettm $0x7FFFFFFF  }
tec
execute0_lowered:
.L_overlay_start_1:
0x0: {  	(tag) =	ssettag $0x1  }
0x1: {  	s1 =	rddreg [dreg:$0x0]  }
0x2: {  	s2 =	srdreg.scid;
	s0 =	rddreg [dreg:$0x1];
	_ =	strace $0x8000004D  }
0x3: {  	s5 =	simm.s32 $0x1;
	s8 =	simm.s32 $0x2;
	s14 =	simm.s32 $0x0  }
0x4: {  	s9 =	simm.s32 $0x14000;
	s10 =	simm.s32 $0x0;
	s2 =	sshll.u32 s2, $0x4  }
0x5: {  	s15 =	simm.s32 $0x0;
	s12 =	stileid.u32;
	s2 =	sand.u32 $0x10, s2  }
.Ltmp0:
0x6: {  	s13 =	simm.s32 $0x0;
	s6 =	ssub.s32 $0x280, s2;
	(pc) =	sbr.rel .LBB1_1-.Ltmp0, $4  }
0x7: {  	s3 =	sadd.s32 $0x247C00, s1;
	s4 =	sadd.s32 $0x107C00, s1;
	s7 =	sshrl.u32 s6, $0x4  }
0x8: {  	[sflag:s5] =	ssyncpa.u1 $0x0;
	s6 =	sshrl.u32 s6, $0x5;
	s7 =	sand.u32 $0x1, s7  }
0x9: {  	s1 =	stileid.u32;
	[sflag:s8] =	ssyncpa.u1 $0x0;
	s6 =	sadd.s32 s6, s7  }
0xa: {  	s8 =	simm.s32 $0x800;
	s11 =	smov.u32 s2;
	s7 =	sadd.s32 $0x1, s6  }
.LBB1_7:
0xb: {  	s16 =	sadd.s32 $0x20, s11  }
0xc: {  	s14 =	sadd.s32 $0x10, s12;
	s18 =	smov.u32 s12;
	p1 =	sgt.s32 s16, $0x27F  }
0xd: {  	s18 =	smov.u32 @p1 s14  }
0xe: {  	s16 =	smov.u32 @p1 s2;
	p1 =	sgt.s32 s18, $0xF  }
0xf: {  	s18 =	smov.u32 @p1 s1;
	p1 =	sne.s32 s13, s7  }
.Ltmp1:
0x10: {  	p0 =	slt.u32 s13, $0x2;
	(pc) =	sbr.rel @!p1 .LBB1_8-.Ltmp1, $4  }
0x11: {  	s17 =	simm.s32 @!p0 $0x2  }
0x12: {  	s15 =	smov.u32 s12;
	s10 =	sadd.s32 $0x4000, s10;
	_ =	swait.ge @!p0 [sflag:s17], $0x4000  }
0x13: {  	s14 =	smov.u32 s11;
	[sflag:s17] =	ssyncset.done @!p0 $0x0;
	s11 =	smov.u32 s16  }
0x14: {  	s13 =	sadd.s32 $0x1, s13;
	[sflag:s17] =	ssyncadd.s32 @!p0 $0xFFFFC000;
	s12 =	smov.u32 s18  }
.LBB1_1:
0x15: {  	p0 =	sge.u32 s13, s6  }
0x16: {  	s16 =	smul.u32 @!p0 $0x14000, s12  }
0x17: {  	s31 =	sadd.s32 $0xFFFFFFFF, s13;
	s17 =	sxor.u32 @!p0 $0xFFFFFFFF, s13  }
0x18: {  	s18 =	sshll.u32 @!p0 s11, $0x7;
	s17 =	sshll.u32 @!p0 s17, $0xE;
	s16 =	sadd.s32 @!p0 s3, s16  }
0x19: {  	s17 =	sand.u32 @!p0 $0x4000, s17;
	s16 =	sadd.s32 @!p0 s18, s16;
	s18 =	simm.s32 @!p0 $0x0  }
0x1a: {  	[tilespmem:s17], [sflag:$0x1] =	stream.linear.gather @!p0 [hbm4b:s16+s18], $0x4000, $0x38;
	[tilespmem:$0x10000] =	vst v63  }
0x1b: {  	p0 =	sge.u32 s31, s6  }
.Ltmp2:
0x1c: {  	_ = 	snop;
	(pc) =	sbr.rel @p0 .LBB1_7-.Ltmp2, $1  }
0x1d: {  	_ =	sdelay $0x3  }
0x1e: {  	s16 =	sand.u32 $0x4000, s10  }
0x1f: {  	_ =	swait.ge [sflag:s5], $0x4000;
	s19 =	sshll.u32 s13, $0xE;
	s17 =	sor.u32 $0x8040, s16  }
0x20: {  	s18 =	sor.u32 $0x40, s16;
	[sflag:s5] =	ssyncset.done $0x0;
	s31 =	sand.u32 $0x4000, s19  }
0x21: {  	s19 =	simm.s32 $0x0;
	[sflag:s5] =	ssyncadd.s32 $0xFFFFC000;
	s16 =	sor.u32 $0x8000, s31  }
.LBB1_3:
0x22: {  	v0 =	vmov s18;
	_ =	sdelay $0x3  }
0x23: {  	s21 =	simm.s32 $0x0  }
0x24: {  	v6 =	vld.idx.msk [tilespmem:v0+s21+$0x30 ss:$0x1], $0xffff  }
0x25: {  	v7 =	vld.idx.msk [tilespmem:v0+s21+$0xFFFFFFC0 ss:$0x1], $0xffff  }
0x26: {  	v5 =	vld.idx.msk [tilespmem:v0+s21+$0xFFFFFFD0 ss:$0x1], $0xffff  }
0x27: {  	v4 =	vld.idx.msk [tilespmem:v0+s21+$0xFFFFFFE0 ss:$0x1], $0xffff  }
0x28: {  	v3 =	vld.idx.msk [tilespmem:v0+s21+$0xFFFFFFF0 ss:$0x1], $0xffff  }
0x29: {  	v1 =	vld.idx.msk [tilespmem:v0+s21+$0x0 ss:$0x1], $0xffff  }
0x2a: {  	v2 =	vld.idx.msk [tilespmem:v0+s21+$0x10 ss:$0x1], $0xffff;
	[tilespmem:s17+$0x30] =	vst v6  }
0x2b: {  	s20 =	simm.s32 $0x80;
	s22 =	simm.s32 $0x400;
	[tilespmem:s17+$0xFFFFFFC0] =	vst v7;
	v6 =	vld.idx.msk [tilespmem:v0+s21+$0x20 ss:$0x1], $0xffff;
	s21 =	smov.u32 s17  }
.LBB1_4:
0x2c: {  	p0 =	sne.s32 s22, $0xE00;
	v7 =	vld.idx.msk [tilespmem:v0+s20+$0x30 ss:$0x1], $0xffff;
	[tilespmem:s21+$0xFFFFFFD0] =	vst v5  }
0x2d: {  	v8 =	vld.idx.msk [tilespmem:v0+s20+$0xFFFFFFC0 ss:$0x1], $0xffff;
	[tilespmem:s21+$0xFFFFFFE0] =	vst v4  }
0x2e: {  	v5 =	vld.idx.msk [tilespmem:v0+s20+$0xFFFFFFD0 ss:$0x1], $0xffff;
	[tilespmem:s21+$0xFFFFFFF0] =	vst v3  }
.Ltmp3:
0x2f: {  	v4 =	vld.idx.msk [tilespmem:v0+s20+$0xFFFFFFE0 ss:$0x1], $0xffff;
	[tilespmem:s21+$0x0] =	vst v1;
	(pc) =	sbr.rel @p0 .LBB1_4-.Ltmp3, $4  }
0x30: {  	v3 =	vld.idx.msk [tilespmem:v0+s20+$0xFFFFFFF0 ss:$0x1], $0xffff;
	[tilespmem:s21+$0x10] =	vst v2  }
0x31: {  	v1 =	vld.idx.msk [tilespmem:v0+s20+$0x0 ss:$0x1], $0xffff;
	[tilespmem:s21+$0x20] =	vst v6;
	s21 =	sadd.s32 $0x800, s21  }
0x32: {  	v2 =	vld.idx.msk [tilespmem:v0+s20+$0x10 ss:$0x1], $0xffff;
	[tilespmem:s21+$0x30] =	vst v7  }
0x33: {  	[tilespmem:s21+$0xFFFFFFC0] =	vst v8;
	v6 =	vld.idx.msk [tilespmem:v0+s20+$0x20 ss:$0x1], $0xffff;
	s20 =	sshra.s32 s22, $0x2;
	s22 =	sadd.s32 $0x200, s22  }
0x34: {  	_ =	sdelay $0x2  }
0x35: {  	[tilespmem:s21+$0xFFFFFFD0] =	vst v5  }
0x36: {  	v56 =	vld.idx.msk [tilespmem:v0+s20+$0x30 ss:$0x1], $0xffff;
	[tilespmem:s21+$0xFFFFFFE0] =	vst v4  }
0x37: {  	v57 =	vld.idx.msk [tilespmem:v0+s20+$0xFFFFFFC0 ss:$0x1], $0xffff;
	[tilespmem:s21+$0xFFFFFFF0] =	vst v3  }
0x38: {  	v58 =	vld.idx.msk [tilespmem:v0+s20+$0xFFFFFFD0 ss:$0x1], $0xffff;
	[tilespmem:s21+$0x0] =	vst v1  }
0x39: {  	v59 =	vld.idx.msk [tilespmem:v0+s20+$0xFFFFFFE0 ss:$0x1], $0xffff;
	[tilespmem:s21+$0x10] =	vst v2  }
0x3a: {  	v60 =	vld.idx.msk [tilespmem:v0+s20+$0xFFFFFFF0 ss:$0x1], $0xffff;
	s31 =	sadd.s32 $0x800, s21;
	[tilespmem:s21+$0x20] =	vst v6  }
0x3b: {  	v61 =	vld.idx.msk [tilespmem:v0+s20+$0x0 ss:$0x1], $0xffff;
	[tilespmem:s31+$0x30] =	vst v56  }
0x3c: {  	v62 =	vld.idx.msk [tilespmem:v0+s20+$0x10 ss:$0x1], $0xffff;
	s19 =	sadd.s32 $0x1, s19;
	[tilespmem:s31+$0xFFFFFFC0] =	vst v57  }
0x3d: {  	v63 =	vld.idx.msk [tilespmem:v0+s20+$0x20 ss:$0x1], $0xffff;
	p0 =	sne.s32 s19, $0x10;
	[tilespmem:s31+$0xFFFFFFD0] =	vst v58  }
.Ltmp4:
0x3e: {  	[tilespmem:s31+$0xFFFFFFE0] =	vst v59;
	(pc) =	sbr.rel @p0 .LBB1_3-.Ltmp4, $4  }
0x3f: {  	[tilespmem:s31+$0xFFFFFFF0] =	vst v60  }
0x40: {  	[tilespmem:s31+$0x0] =	vst v61  }
0x41: {  	[tilespmem:s31+$0x10] =	vst v62  }
0x42: {  	s17 =	sadd.s32 $0x80, s17;
	s18 =	sadd.s32 $0x400, s18;
	[tilespmem:s31+$0x20] =	vst v63  }
0x43: {  	s14 =	sand.u32 $0x1FFFFFF, s14  }
0x44: {  	s17 =	smulhi.u32 $0xCCCCCD, s14;
	_ =	sdelay $0x1  }
0x45: {  	s15 =	smul.u32 $0x14000, s15;
	s17 =	sshrl.u32 s17, $0x1  }
0x46: {  	s17 =	smul.u32 $0x280, s17  }
.Ltmp5:
0x47: {  	_ = 	snop;
	(pc) =	sbr.rel .LBB1_7-.Ltmp5, $4  }
0x48: {  	s14 =	ssub.s32 s14, s17  }
0x49: {  	s15 =	sadd.s32 s4, s15;
	s14 =	sshll.u32 s14, $0x4  }
0x4a: {  	s14 =	sadd.s32 s14, s15  }
0x4b: {  	[hbm4b:s14+s8] =	stream.strided.scatter [tilespmem:s16], [sflag:$0x2], $0x4000, s9, s8, $0x38;
	[tilespmem:$0x10000] =	vst v63  }
.LBB1_8:
0x4c: {  	_ =	sfence.sel $0x180000  }
0x4d: {  	s2 =	simm.s32 $0x1;
	[bflag:$0x0] =	sbarrier.arrive $0xFFFF  }
0x4e: {  	s31 =	simm.s32 $0x2;
	[sflag:s2] =	ssyncpa.u1 $0x1  }
0x4f: {  	[sflag:s31] =	ssyncpa.u1 $0x1  }
0x50: {  	p0 =	sne.s32 s1, $0x0;
	_ =	strace $0x9000004D  }
0x51: {  	s0 =	sadd.s32 @!p0 $0x100000, s0;
	[bflag:$0x2] =	sbarrier.arrive $0xFFFF  }
0x52: {  	[sflag:s0] =	ssyncadd.tile.s32 @!p0 $0x1;
	_ =	shalt  }
.Lfunc_end1:
_tile_overlayer_lowered:
.L_overlay_start_2:
0x53: {  	(tag) =	ssettag $0x2  }
0x54: {  	s0 =	rddreg [dreg:$0x0];
	s2 =	stileid.u32  }
0x55: {  	s1 =	rddreg [dreg:$0x1];
	p0 =	sne.s32 s2, $0x0  }
0x56: {  	s3 =	rddreg [dreg:$0x2];
	[bflag:$0x3] =	sbarrier.arrive $0xFFFF;
	s2 =	simm.s32 @!p0 $0x1C01  }
0x57: {  	[timem:s3], [sflag:s2] =	dma.local @!p0 [hbm:s0], s1  }
0x58: {  	s0 =	simm.s32 @!p0 $0x1  }
0x59: {  	_ =	swait.ge @!p0 [sflag:s0], s1  }
0x5a: {  	s1 =	ssub.s32 @!p0 $0x0, s1;
	[sflag:s0] =	ssyncset.done @!p0 $0x0  }
0x5b: {  	[sflag:s0] =	ssyncadd.s32 @!p0 s1  }
0x5c: {  	[bflag:$0x3] =	sbarrier.arrive $0xFFFF  }
0x5d: {  	_ =	shalt  }

</sc_bundles>
